<compile_context>
chip_gen: v7x
topology: tpu7x:2x2x1
jax: 0.10.2.dev20260603
libtpu: 0.0.44.dev20260713+nightly
codegen_flags: <defaults>
</compile_context>

<pallas_src>
import functools
import math

import jax
import jax.numpy as jnp
from jax import lax
from jax.experimental import pallas as pl
from jax.experimental.pallas import tpu as pltpu
from jax.experimental.pallas import tpu_sc as plsc

D_MODEL = 128
SCALE = math.sqrt(float(D_MODEL))
NUM_CORES = 2
NUM_SUBCORES = 16
NW = NUM_CORES * NUM_SUBCORES
COLS = 128
SPLIT = 2
CHUNK = COLS // SPLIT
LANES = 16
NBUF = 10
PRE = 8


@functools.partial(jax.jit, static_argnames=())
def _emb_call(idx2, lut):
    seq, n_rows = idx2.shape
    n_chunks = seq * SPLIT
    B = seq * n_rows
    assert n_chunks % NBUF == 0 and NBUF % SPLIT == 0 and PRE % SPLIT == 0

    mesh = plsc.VectorSubcoreMesh(core_axis_name="c", subcore_axis_name="s")

    @functools.partial(
        pl.kernel,
        out_type=jax.ShapeDtypeStruct((B, D_MODEL), jnp.float32),
        mesh=mesh,
        scratch_types=[
            pltpu.VMEM((seq, COLS), jnp.int32),
            pltpu.VMEM((NBUF, CHUNK, D_MODEL), jnp.float32),
            pltpu.SemaphoreType.DMA((NBUF,)),
            pltpu.SemaphoreType.DMA((NBUF,)),
        ],
    )
    def emb(idx_hbm, lut_hbm, out_hbm, idx_v, bufs, gsem, ssem):
        wid = lax.axis_index("s") * NUM_CORES + lax.axis_index("c")
        col0 = wid * COLS
        pltpu.sync_copy(idx_hbm.at[:, pl.ds(col0, COLS)], idx_v)

        def gather_copy(plane, half, b):
            return pltpu.make_async_copy(
                lut_hbm.at[idx_v.at[plane, pl.ds(half * CHUNK, CHUNK)]],
                bufs.at[b],
                gsem.at[b],
            )

        def scatter_copy(plane, half, b):
            return pltpu.make_async_copy(
                bufs.at[b],
                out_hbm.at[pl.ds(plane * n_rows + col0 + half * CHUNK, CHUNK)],
                ssem.at[b],
            )

        for b in range(PRE):
            gather_copy(b // SPLIT, b % SPLIT, b).start()

        def group_body(g, carry):
            p0 = g * (NBUF // SPLIT)
            for bs in range(NBUF):
                plane, half = p0 + bs // SPLIT, bs % SPLIT
                gather_copy(plane, half, bs).wait()

                def row_body(r, c2):
                    for k in range(D_MODEL // LANES):
                        sl = pl.ds(k * LANES, LANES)
                        bufs[bs, r, sl] = bufs[bs, r, sl] * SCALE
                    return c2

                lax.fori_loop(0, CHUNK, row_body, 0, unroll=2)

                bn = (bs + PRE) % NBUF
                pn, hn = p0 + (bs + PRE) // SPLIT, bs % SPLIT
                jn = (plane * SPLIT + half) + PRE

                @pl.when(jn < n_chunks)
                def _():
                    @pl.when(jn >= NBUF)
                    def _():
                        scatter_copy(pn - NBUF // SPLIT, hn, bn).wait()

                    gather_copy(pn, hn, bn).start()

                scatter_copy(plane, half, bs).start()
            return carry

        lax.fori_loop(0, n_chunks // NBUF, group_body, 0)

        for bs in range(NBUF):
            j = n_chunks - NBUF + bs
            scatter_copy(j // SPLIT, j % SPLIT, bs).wait()

    return emb(idx2, lut)


def kernel(x, lut):
    n_rows, seq = x.shape
    out = _emb_call(jnp.transpose(x).astype(jnp.int32), lut)
    return jnp.transpose(out.reshape(seq, n_rows, D_MODEL), (1, 0, 2))

# --- scband reference (transcript-rebuilt; emitter-appended) ---
"""Pipeline reference for scband-embeddings-62388694942002 (READ-ONLY COPY).

The authoritative reference and input builder live on the scoring server;
editing this copy changes nothing except your own understanding.
"""

import jax, jax.numpy as jnp
import numpy as np
import math

D_MODEL = 128
VOCAB = 100000

def setup_inputs(seed: int = 0) -> dict:
    key = jax.random.key(seed)
    k1, k2 = jax.random.split(key)
    x = jax.random.randint(k1, (4096, 50), 0, VOCAB, dtype=jnp.int64 if jax.config.jax_enable_x64 else jnp.int32)
    lut = jax.random.normal(k2, (VOCAB, D_MODEL), dtype=jnp.float32)
    return {"x": x, "lut": lut}

def reference(x, lut):
    # Embeddings.forward: self.lut(x) * math.sqrt(self.d_model)
    emb = jnp.take(lut, x, axis=0)
    return emb * math.sqrt(D_MODEL)

if __name__ == "__main__":
    import jax
    _d = setup_inputs()
    print(jax.jit(kernel)(*tuple(_d.values())))

</pallas_src>

<mosaic_0001>
#map = affine_map<(d0, d1) -> (0, 0)>
module attributes {stable_mosaic.version = 14 : i64} {
  func.func @emb(%arg0: i32, %arg1: i32, %arg2: memref<50x4096xi32, #tpu.memory_space<hbm>>, %arg3: memref<100000x128xf32, #tpu.memory_space<hbm>>, %arg4: memref<204800x128xf32, #tpu.memory_space<hbm>>, %arg5: memref<50x128xi32, #tpu.memory_space<vmem>>, %arg6: memref<10x64x128xf32, #tpu.memory_space<vmem>>, %arg7: memref<10x!tpu.dma_semaphore, #tpu.memory_space<semaphore_mem>>, %arg8: memref<10x!tpu.dma_semaphore, #tpu.memory_space<semaphore_mem>>) attributes {dimension_semantics = [#tpu.dimension_semantics<core_parallel>, #tpu.dimension_semantics<subcore_parallel>], iteration_bounds = array<i64: 2, 16>, scalar_prefetch = 0 : i64, scratch_operands = 4 : i64, tpu.core_type = #tpu.core_type<sc_vector_subcore>, window_params = [{transform_indices = #map}, {transform_indices = #map}, {transform_indices = #map}]} {
    %mul3A = arith.constant 2 : i32
    %mul3A_0 = arith.muli %arg1, %mul3A : i32
    %add3A = arith.addi %mul3A_0, %arg0 : i32
    %mul3A_1 = arith.constant 128 : i32
    %mul3A_2 = arith.muli %add3A, %mul3A_1 : i32
    "tpu.region"() ({
      %run_scoped3A = tpu.sem_alloc : memref<!tpu.dma_semaphore, #tpu.memory_space<semaphore_mem>>
      %dma_start3A_326 = arith.constant 0 : i32
      %dma_start3A_327 = tpu.memref_slice %arg2[%dma_start3A_326, %mul3A_2] : memref<50x4096xi32, #tpu.memory_space<hbm>> -> memref<50x128xi32, #tpu.memory_space<hbm>>
      %dma_start3A_328 = arith.constant 0 : i32
      %dma_start3A_329 = tpu.memref_slice %arg2[%dma_start3A_328, %mul3A_2] : memref<50x4096xi32, #tpu.memory_space<hbm>> -> memref<50x128xi32, #tpu.memory_space<hbm>>
      tpu.enqueue_dma source(%dma_start3A_329 : memref<50x128xi32, #tpu.memory_space<hbm>>) target(%arg5 : memref<50x128xi32, #tpu.memory_space<vmem>>) target_semaphore(%run_scoped3A : memref<!tpu.dma_semaphore, #tpu.memory_space<semaphore_mem>>)
      %dma_wait3A_330 = arith.constant 0 : i32
      %dma_wait3A_331 = tpu.memref_slice %arg2[%dma_wait3A_330, %mul3A_2] : memref<50x4096xi32, #tpu.memory_space<hbm>> -> memref<50x128xi32, #tpu.memory_space<hbm>>
      %dma_wait3A_332 = arith.constant 0 : i32
      %dma_wait3A_333 = tpu.memref_slice %arg2[%dma_wait3A_332, %mul3A_2] : memref<50x4096xi32, #tpu.memory_space<hbm>> -> memref<50x128xi32, #tpu.memory_space<hbm>>
      tpu.wait_dma2 semaphore(%run_scoped3A : memref<!tpu.dma_semaphore, #tpu.memory_space<semaphore_mem>>) src(%dma_wait3A_333 : memref<50x128xi32, #tpu.memory_space<hbm>>) dst(%arg5 : memref<50x128xi32, #tpu.memory_space<vmem>>)
      tpu.yield
    }) : () -> ()
    %dma_start3A = arith.constant 0 : i32
    %dma_start3A_3 = arith.constant 0 : i32
    %dma_start3A_4 = arith.constant 0 : i32
    %dma_start3A_5 = arith.constant 0 : i32
    %dma_start3A_6 = arith.constant 0 : i32
    %dma_start3A_7 = tpu.memref_slice %arg6[%dma_start3A_3, %dma_start3A_5, %dma_start3A_6] : memref<10x64x128xf32, #tpu.memory_space<vmem>> -> memref<1x64x128xf32, #tpu.memory_space<vmem>>
    %dma_start3A_8 = tpu.memref_squeeze %dma_start3A_7 : memref<1x64x128xf32, #tpu.memory_space<vmem>> -> memref<64x128xf32, #tpu.memory_space<vmem>>
    %dma_start3A_9 = arith.constant 0 : i32
    %dma_start3A_10 = tpu.memref_slice %arg5[%dma_start3A, %dma_start3A_9] : memref<50x128xi32, #tpu.memory_space<vmem>> -> memref<1x64xi32, #tpu.memory_space<vmem>>
    %dma_start3A_11 = tpu.memref_squeeze %dma_start3A_10 : memref<1x64xi32, #tpu.memory_space<vmem>> -> memref<64xi32, #tpu.memory_space<vmem>>
    %dma_start3A_12 = arith.constant 0 : i32
    %dma_start3A_13 = arith.constant 0 : i32
    %dma_start3A_14 = tpu.memref_slice %arg3[%dma_start3A_12, %dma_start3A_13] : memref<100000x128xf32, #tpu.memory_space<hbm>> -> memref<100000x128xf32, #tpu.memory_space<hbm>>
    %dma_start3A_15 = tpu.memref_slice %arg7[%dma_start3A_4] : memref<10x!tpu.dma_semaphore, #tpu.memory_space<semaphore_mem>> -> memref<1x!tpu.dma_semaphore, #tpu.memory_space<semaphore_mem>>
    %dma_start3A_16 = tpu.memref_squeeze %dma_start3A_15 : memref<1x!tpu.dma_semaphore, #tpu.memory_space<semaphore_mem>> -> memref<!tpu.dma_semaphore, #tpu.memory_space<semaphore_mem>>
    tpu.enqueue_indirect_dma source(%dma_start3A_14 : memref<100000x128xf32, #tpu.memory_space<hbm>>) target(%dma_start3A_8 : memref<64x128xf32, #tpu.memory_space<vmem>>) offsets(%dma_start3A_11 : memref<64xi32, #tpu.memory_space<vmem>>) semaphore(%dma_start3A_16 : memref<!tpu.dma_semaphore, #tpu.memory_space<semaphore_mem>>)
    %dma_start3A_17 = arith.constant 0 : i32
    %dma_start3A_18 = arith.constant 1 : i32
    %dma_start3A_19 = arith.constant 1 : i32
    %dma_start3A_20 = arith.constant 0 : i32
    %dma_start3A_21 = arith.constant 0 : i32
    %dma_start3A_22 = tpu.memref_slice %arg6[%dma_start3A_18, %dma_start3A_20, %dma_start3A_21] : memref<10x64x128xf32, #tpu.memory_space<vmem>> -> memref<1x64x128xf32, #tpu.memory_space<vmem>>
    %dma_start3A_23 = tpu.memref_squeeze %dma_start3A_22 : memref<1x64x128xf32, #tpu.memory_space<vmem>> -> memref<64x128xf32, #tpu.memory_space<vmem>>
    %dma_start3A_24 = arith.constant 64 : i32
    %dma_start3A_25 = tpu.memref_slice %arg5[%dma_start3A_17, %dma_start3A_24] : memref<50x128xi32, #tpu.memory_space<vmem>> -> memref<1x64xi32, #tpu.memory_space<vmem>>
    %dma_start3A_26 = tpu.memref_squeeze %dma_start3A_25 : memref<1x64xi32, #tpu.memory_space<vmem>> -> memref<64xi32, #tpu.memory_space<vmem>>
    %dma_start3A_27 = arith.constant 0 : i32
    %dma_start3A_28 = arith.constant 0 : i32
    %dma_start3A_29 = tpu.memref_slice %arg3[%dma_start3A_27, %dma_start3A_28] : memref<100000x128xf32, #tpu.memory_space<hbm>> -> memref<100000x128xf32, #tpu.memory_space<hbm>>
    %dma_start3A_30 = tpu.memref_slice %arg7[%dma_start3A_19] : memref<10x!tpu.dma_semaphore, #tpu.memory_space<semaphore_mem>> -> memref<1x!tpu.dma_semaphore, #tpu.memory_space<semaphore_mem>>
    %dma_start3A_31 = tpu.memref_squeeze %dma_start3A_30 : memref<1x!tpu.dma_semaphore, #tpu.memory_space<semaphore_mem>> -> memref<!tpu.dma_semaphore, #tpu.memory_space<semaphore_mem>>
    tpu.enqueue_indirect_dma source(%dma_start3A_29 : memref<100000x128xf32, #tpu.memory_space<hbm>>) target(%dma_start3A_23 : memref<64x128xf32, #tpu.memory_space<vmem>>) offsets(%dma_start3A_26 : memref<64xi32, #tpu.memory_space<vmem>>) semaphore(%dma_start3A_31 : memref<!tpu.dma_semaphore, #tpu.memory_space<semaphore_mem>>)
    %dma_start3A_32 = arith.constant 1 : i32
    %dma_start3A_33 = arith.constant 2 : i32
    %dma_start3A_34 = arith.constant 2 : i32
    %dma_start3A_35 = arith.constant 0 : i32
    %dma_start3A_36 = arith.constant 0 : i32
    %dma_start3A_37 = tpu.memref_slice %arg6[%dma_start3A_33, %dma_start3A_35, %dma_start3A_36] : memref<10x64x128xf32, #tpu.memory_space<vmem>> -> memref<1x64x128xf32, #tpu.memory_space<vmem>>
    %dma_start3A_38 = tpu.memref_squeeze %dma_start3A_37 : memref<1x64x128xf32, #tpu.memory_space<vmem>> -> memref<64x128xf32, #tpu.memory_space<vmem>>
    %dma_start3A_39 = arith.constant 0 : i32
    %dma_start3A_40 = tpu.memref_slice %arg5[%dma_start3A_32, %dma_start3A_39] : memref<50x128xi32, #tpu.memory_space<vmem>> -> memref<1x64xi32, #tpu.memory_space<vmem>>
    %dma_start3A_41 = tpu.memref_squeeze %dma_start3A_40 : memref<1x64xi32, #tpu.memory_space<vmem>> -> memref<64xi32, #tpu.memory_space<vmem>>
    %dma_start3A_42 = arith.constant 0 : i32
    %dma_start3A_43 = arith.constant 0 : i32
    %dma_start3A_44 = tpu.memref_slice %arg3[%dma_start3A_42, %dma_start3A_43] : memref<100000x128xf32, #tpu.memory_space<hbm>> -> memref<100000x128xf32, #tpu.memory_space<hbm>>
    %dma_start3A_45 = tpu.memref_slice %arg7[%dma_start3A_34] : memref<10x!tpu.dma_semaphore, #tpu.memory_space<semaphore_mem>> -> memref<1x!tpu.dma_semaphore, #tpu.memory_space<semaphore_mem>>
    %dma_start3A_46 = tpu.memref_squeeze %dma_start3A_45 : memref<1x!tpu.dma_semaphore, #tpu.memory_space<semaphore_mem>> -> memref<!tpu.dma_semaphore, #tpu.memory_space<semaphore_mem>>
    tpu.enqueue_indirect_dma source(%dma_start3A_44 : memref<100000x128xf32, #tpu.memory_space<hbm>>) target(%dma_start3A_38 : memref<64x128xf32, #tpu.memory_space<vmem>>) offsets(%dma_start3A_41 : memref<64xi32, #tpu.memory_space<vmem>>) semaphore(%dma_start3A_46 : memref<!tpu.dma_semaphore, #tpu.memory_space<semaphore_mem>>)
    %dma_start3A_47 = arith.constant 1 : i32
    %dma_start3A_48 = arith.constant 3 : i32
    %dma_start3A_49 = arith.constant 3 : i32
    %dma_start3A_50 = arith.constant 0 : i32
    %dma_start3A_51 = arith.constant 0 : i32
    %dma_start3A_52 = tpu.memref_slice %arg6[%dma_start3A_48, %dma_start3A_50, %dma_start3A_51] : memref<10x64x128xf32, #tpu.memory_space<vmem>> -> memref<1x64x128xf32, #tpu.memory_space<vmem>>
    %dma_start3A_53 = tpu.memref_squeeze %dma_start3A_52 : memref<1x64x128xf32, #tpu.memory_space<vmem>> -> memref<64x128xf32, #tpu.memory_space<vmem>>
    %dma_start3A_54 = arith.constant 64 : i32
    %dma_start3A_55 = tpu.memref_slice %arg5[%dma_start3A_47, %dma_start3A_54] : memref<50x128xi32, #tpu.memory_space<vmem>> -> memref<1x64xi32, #tpu.memory_space<vmem>>
    %dma_start3A_56 = tpu.memref_squeeze %dma_start3A_55 : memref<1x64xi32, #tpu.memory_space<vmem>> -> memref<64xi32, #tpu.memory_space<vmem>>
    %dma_start3A_57 = arith.constant 0 : i32
    %dma_start3A_58 = arith.constant 0 : i32
    %dma_start3A_59 = tpu.memref_slice %arg3[%dma_start3A_57, %dma_start3A_58] : memref<100000x128xf32, #tpu.memory_space<hbm>> -> memref<100000x128xf32, #tpu.memory_space<hbm>>
    %dma_start3A_60 = tpu.memref_slice %arg7[%dma_start3A_49] : memref<10x!tpu.dma_semaphore, #tpu.memory_space<semaphore_mem>> -> memref<1x!tpu.dma_semaphore, #tpu.memory_space<semaphore_mem>>
    %dma_start3A_61 = tpu.memref_squeeze %dma_start3A_60 : memref<1x!tpu.dma_semaphore, #tpu.memory_space<semaphore_mem>> -> memref<!tpu.dma_semaphore, #tpu.memory_space<semaphore_mem>>
    tpu.enqueue_indirect_dma source(%dma_start3A_59 : memref<100000x128xf32, #tpu.memory_space<hbm>>) target(%dma_start3A_53 : memref<64x128xf32, #tpu.memory_space<vmem>>) offsets(%dma_start3A_56 : memref<64xi32, #tpu.memory_space<vmem>>) semaphore(%dma_start3A_61 : memref<!tpu.dma_semaphore, #tpu.memory_space<semaphore_mem>>)
    %dma_start3A_62 = arith.constant 2 : i32
    %dma_start3A_63 = arith.constant 4 : i32
    %dma_start3A_64 = arith.constant 4 : i32
    %dma_start3A_65 = arith.constant 0 : i32
    %dma_start3A_66 = arith.constant 0 : i32
    %dma_start3A_67 = tpu.memref_slice %arg6[%dma_start3A_63, %dma_start3A_65, %dma_start3A_66] : memref<10x64x128xf32, #tpu.memory_space<vmem>> -> memref<1x64x128xf32, #tpu.memory_space<vmem>>
    %dma_start3A_68 = tpu.memref_squeeze %dma_start3A_67 : memref<1x64x128xf32, #tpu.memory_space<vmem>> -> memref<64x128xf32, #tpu.memory_space<vmem>>
    %dma_start3A_69 = arith.constant 0 : i32
    %dma_start3A_70 = tpu.memref_slice %arg5[%dma_start3A_62, %dma_start3A_69] : memref<50x128xi32, #tpu.memory_space<vmem>> -> memref<1x64xi32, #tpu.memory_space<vmem>>
    %dma_start3A_71 = tpu.memref_squeeze %dma_start3A_70 : memref<1x64xi32, #tpu.memory_space<vmem>> -> memref<64xi32, #tpu.memory_space<vmem>>
    %dma_start3A_72 = arith.constant 0 : i32
    %dma_start3A_73 = arith.constant 0 : i32
    %dma_start3A_74 = tpu.memref_slice %arg3[%dma_start3A_72, %dma_start3A_73] : memref<100000x128xf32, #tpu.memory_space<hbm>> -> memref<100000x128xf32, #tpu.memory_space<hbm>>
    %dma_start3A_75 = tpu.memref_slice %arg7[%dma_start3A_64] : memref<10x!tpu.dma_semaphore, #tpu.memory_space<semaphore_mem>> -> memref<1x!tpu.dma_semaphore, #tpu.memory_space<semaphore_mem>>
    %dma_start3A_76 = tpu.memref_squeeze %dma_start3A_75 : memref<1x!tpu.dma_semaphore, #tpu.memory_space<semaphore_mem>> -> memref<!tpu.dma_semaphore, #tpu.memory_space<semaphore_mem>>
    tpu.enqueue_indirect_dma source(%dma_start3A_74 : memref<100000x128xf32, #tpu.memory_space<hbm>>) target(%dma_start3A_68 : memref<64x128xf32, #tpu.memory_space<vmem>>) offsets(%dma_start3A_71 : memref<64xi32, #tpu.memory_space<vmem>>) semaphore(%dma_start3A_76 : memref<!tpu.dma_semaphore, #tpu.memory_space<semaphore_mem>>)
    %dma_start3A_77 = arith.constant 2 : i32
    %dma_start3A_78 = arith.constant 5 : i32
    %dma_start3A_79 = arith.constant 5 : i32
    %dma_start3A_80 = arith.constant 0 : i32
    %dma_start3A_81 = arith.constant 0 : i32
    %dma_start3A_82 = tpu.memref_slice %arg6[%dma_start3A_78, %dma_start3A_80, %dma_start3A_81] : memref<10x64x128xf32, #tpu.memory_space<vmem>> -> memref<1x64x128xf32, #tpu.memory_space<vmem>>
    %dma_start3A_83 = tpu.memref_squeeze %dma_start3A_82 : memref<1x64x128xf32, #tpu.memory_space<vmem>> -> memref<64x128xf32, #tpu.memory_space<vmem>>
    %dma_start3A_84 = arith.constant 64 : i32
    %dma_start3A_85 = tpu.memref_slice %arg5[%dma_start3A_77, %dma_start3A_84] : memref<50x128xi32, #tpu.memory_space<vmem>> -> memref<1x64xi32, #tpu.memory_space<vmem>>
    %dma_start3A_86 = tpu.memref_squeeze %dma_start3A_85 : memref<1x64xi32, #tpu.memory_space<vmem>> -> memref<64xi32, #tpu.memory_space<vmem>>
    %dma_start3A_87 = arith.constant 0 : i32
    %dma_start3A_88 = arith.constant 0 : i32
    %dma_start3A_89 = tpu.memref_slice %arg3[%dma_start3A_87, %dma_start3A_88] : memref<100000x128xf32, #tpu.memory_space<hbm>> -> memref<100000x128xf32, #tpu.memory_space<hbm>>
    %dma_start3A_90 = tpu.memref_slice %arg7[%dma_start3A_79] : memref<10x!tpu.dma_semaphore, #tpu.memory_space<semaphore_mem>> -> memref<1x!tpu.dma_semaphore, #tpu.memory_space<semaphore_mem>>
    %dma_start3A_91 = tpu.memref_squeeze %dma_start3A_90 : memref<1x!tpu.dma_semaphore, #tpu.memory_space<semaphore_mem>> -> memref<!tpu.dma_semaphore, #tpu.memory_space<semaphore_mem>>
    tpu.enqueue_indirect_dma source(%dma_start3A_89 : memref<100000x128xf32, #tpu.memory_space<hbm>>) target(%dma_start3A_83 : memref<64x128xf32, #tpu.memory_space<vmem>>) offsets(%dma_start3A_86 : memref<64xi32, #tpu.memory_space<vmem>>) semaphore(%dma_start3A_91 : memref<!tpu.dma_semaphore, #tpu.memory_space<semaphore_mem>>)
    %dma_start3A_92 = arith.constant 3 : i32
    %dma_start3A_93 = arith.constant 6 : i32
    %dma_start3A_94 = arith.constant 6 : i32
    %dma_start3A_95 = arith.constant 0 : i32
    %dma_start3A_96 = arith.constant 0 : i32
    %dma_start3A_97 = tpu.memref_slice %arg6[%dma_start3A_93, %dma_start3A_95, %dma_start3A_96] : memref<10x64x128xf32, #tpu.memory_space<vmem>> -> memref<1x64x128xf32, #tpu.memory_space<vmem>>
    %dma_start3A_98 = tpu.memref_squeeze %dma_start3A_97 : memref<1x64x128xf32, #tpu.memory_space<vmem>> -> memref<64x128xf32, #tpu.memory_space<vmem>>
    %dma_start3A_99 = arith.constant 0 : i32
    %dma_start3A_100 = tpu.memref_slice %arg5[%dma_start3A_92, %dma_start3A_99] : memref<50x128xi32, #tpu.memory_space<vmem>> -> memref<1x64xi32, #tpu.memory_space<vmem>>
    %dma_start3A_101 = tpu.memref_squeeze %dma_start3A_100 : memref<1x64xi32, #tpu.memory_space<vmem>> -> memref<64xi32, #tpu.memory_space<vmem>>
    %dma_start3A_102 = arith.constant 0 : i32
    %dma_start3A_103 = arith.constant 0 : i32
    %dma_start3A_104 = tpu.memref_slice %arg3[%dma_start3A_102, %dma_start3A_103] : memref<100000x128xf32, #tpu.memory_space<hbm>> -> memref<100000x128xf32, #tpu.memory_space<hbm>>
    %dma_start3A_105 = tpu.memref_slice %arg7[%dma_start3A_94] : memref<10x!tpu.dma_semaphore, #tpu.memory_space<semaphore_mem>> -> memref<1x!tpu.dma_semaphore, #tpu.memory_space<semaphore_mem>>
    %dma_start3A_106 = tpu.memref_squeeze %dma_start3A_105 : memref<1x!tpu.dma_semaphore, #tpu.memory_space<semaphore_mem>> -> memref<!tpu.dma_semaphore, #tpu.memory_space<semaphore_mem>>
    tpu.enqueue_indirect_dma source(%dma_start3A_104 : memref<100000x128xf32, #tpu.memory_space<hbm>>) target(%dma_start3A_98 : memref<64x128xf32, #tpu.memory_space<vmem>>) offsets(%dma_start3A_101 : memref<64xi32, #tpu.memory_space<vmem>>) semaphore(%dma_start3A_106 : memref<!tpu.dma_semaphore, #tpu.memory_space<semaphore_mem>>)
    %dma_start3A_107 = arith.constant 3 : i32
    %dma_start3A_108 = arith.constant 7 : i32
    %dma_start3A_109 = arith.constant 7 : i32
    %dma_start3A_110 = arith.constant 0 : i32
    %dma_start3A_111 = arith.constant 0 : i32
    %dma_start3A_112 = tpu.memref_slice %arg6[%dma_start3A_108, %dma_start3A_110, %dma_start3A_111] : memref<10x64x128xf32, #tpu.memory_space<vmem>> -> memref<1x64x128xf32, #tpu.memory_space<vmem>>
    %dma_start3A_113 = tpu.memref_squeeze %dma_start3A_112 : memref<1x64x128xf32, #tpu.memory_space<vmem>> -> memref<64x128xf32, #tpu.memory_space<vmem>>
    %dma_start3A_114 = arith.constant 64 : i32
    %dma_start3A_115 = tpu.memref_slice %arg5[%dma_start3A_107, %dma_start3A_114] : memref<50x128xi32, #tpu.memory_space<vmem>> -> memref<1x64xi32, #tpu.memory_space<vmem>>
    %dma_start3A_116 = tpu.memref_squeeze %dma_start3A_115 : memref<1x64xi32, #tpu.memory_space<vmem>> -> memref<64xi32, #tpu.memory_space<vmem>>
    %dma_start3A_117 = arith.constant 0 : i32
    %dma_start3A_118 = arith.constant 0 : i32
    %dma_start3A_119 = tpu.memref_slice %arg3[%dma_start3A_117, %dma_start3A_118] : memref<100000x128xf32, #tpu.memory_space<hbm>> -> memref<100000x128xf32, #tpu.memory_space<hbm>>
    %dma_start3A_120 = tpu.memref_slice %arg7[%dma_start3A_109] : memref<10x!tpu.dma_semaphore, #tpu.memory_space<semaphore_mem>> -> memref<1x!tpu.dma_semaphore, #tpu.memory_space<semaphore_mem>>
    %dma_start3A_121 = tpu.memref_squeeze %dma_start3A_120 : memref<1x!tpu.dma_semaphore, #tpu.memory_space<semaphore_mem>> -> memref<!tpu.dma_semaphore, #tpu.memory_space<semaphore_mem>>
    tpu.enqueue_indirect_dma source(%dma_start3A_119 : memref<100000x128xf32, #tpu.memory_space<hbm>>) target(%dma_start3A_113 : memref<64x128xf32, #tpu.memory_space<vmem>>) offsets(%dma_start3A_116 : memref<64xi32, #tpu.memory_space<vmem>>) semaphore(%dma_start3A_121 : memref<!tpu.dma_semaphore, #tpu.memory_space<semaphore_mem>>)
    %scan3A = arith.constant 0 : i32
    %scan3A_122 = arith.constant 0 : i32
    %scan3A_123 = arith.constant 10 : i32
    %scan3A_124 = arith.addi %scan3A_122, %scan3A_123 : i32
    %scan3A_125 = arith.constant 1 : i32
    scf.for %scan3A_326 = %scan3A_122 to %scan3A_124 step %scan3A_125  : i32 {
      %mul3A_327 = arith.constant 5 : i32
      %mul3A_328 = arith.muli %scan3A_326, %mul3A_327 : i32
      %add3A_329 = arith.constant 0 : i32
      %add3A_330 = arith.addi %mul3A_328, %add3A_329 : i32
      %dma_wait3A_331 = arith.constant 0 : i32
      %dma_wait3A_332 = arith.constant 0 : i32
      %dma_wait3A_333 = arith.constant 0 : i32
      %dma_wait3A_334 = arith.constant 0 : i32
      %dma_wait3A_335 = tpu.memref_slice %arg6[%dma_wait3A_331, %dma_wait3A_333, %dma_wait3A_334] : memref<10x64x128xf32, #tpu.memory_space<vmem>> -> memref<1x64x128xf32, #tpu.memory_space<vmem>>
      %dma_wait3A_336 = tpu.memref_squeeze %dma_wait3A_335 : memref<1x64x128xf32, #tpu.memory_space<vmem>> -> memref<64x128xf32, #tpu.memory_space<vmem>>
      %dma_wait3A_337 = arith.constant 0 : i32
      %dma_wait3A_338 = tpu.memref_slice %arg5[%add3A_330, %dma_wait3A_337] : memref<50x128xi32, #tpu.memory_space<vmem>> -> memref<1x64xi32, #tpu.memory_space<vmem>>
      %dma_wait3A_339 = tpu.memref_squeeze %dma_wait3A_338 : memref<1x64xi32, #tpu.memory_space<vmem>> -> memref<64xi32, #tpu.memory_space<vmem>>
      %dma_wait3A_340 = arith.constant 0 : i32
      %dma_wait3A_341 = arith.constant 0 : i32
      %dma_wait3A_342 = tpu.memref_slice %arg3[%dma_wait3A_340, %dma_wait3A_341] : memref<100000x128xf32, #tpu.memory_space<hbm>> -> memref<100000x128xf32, #tpu.memory_space<hbm>>
      %dma_wait3A_343 = tpu.memref_slice %arg7[%dma_wait3A_332] : memref<10x!tpu.dma_semaphore, #tpu.memory_space<semaphore_mem>> -> memref<1x!tpu.dma_semaphore, #tpu.memory_space<semaphore_mem>>
      %dma_wait3A_344 = tpu.memref_squeeze %dma_wait3A_343 : memref<1x!tpu.dma_semaphore, #tpu.memory_space<semaphore_mem>> -> memref<!tpu.dma_semaphore, #tpu.memory_space<semaphore_mem>>
      tpu.wait_indirect_dma semaphore(%dma_wait3A_344 : memref<!tpu.dma_semaphore, #tpu.memory_space<semaphore_mem>>) src(%dma_wait3A_342 : memref<100000x128xf32, #tpu.memory_space<hbm>>) dst(%dma_wait3A_336 : memref<64x128xf32, #tpu.memory_space<vmem>>)
      %scan3A_345 = arith.constant 0 : i32
      %scan3A_346 = arith.constant 0 : i32
      %scan3A_347 = arith.constant 64 : i32
      %scan3A_348 = arith.addi %scan3A_346, %scan3A_347 : i32
      %scan3A_349 = arith.constant 2 : i32
      scf.for %scan3A_886 = %scan3A_346 to %scan3A_348 step %scan3A_349  : i32 {
        %get3A = arith.constant 0 : i32
        %get3A_887 = arith.index_cast %get3A : i32 to index
        %get3A_888 = arith.index_cast %scan3A_886 : i32 to index
        %get3A_889 = arith.constant 0 : index
        %get3A_890 = tpu.vector_load %arg6[%get3A_887, %get3A_888, %get3A_889] {strides = array<i32>} : memref<10x64x128xf32, #tpu.memory_space<vmem>>, vector<1x1x16xf32>,
        %get3A_891 = vector.shape_cast %get3A_890 : vector<1x1x16xf32> to vector<16xf32>
        %mul3A_892 = arith.constant 11.3137083 : f32
        %mul3A_893 = vector.broadcast %mul3A_892 : f32 to vector<16xf32>
        %mul3A_894 = arith.mulf %get3A_891, %mul3A_893 : vector<16xf32>
        %swap3A = arith.constant 0 : i32
        %swap3A_895 = arith.index_cast %swap3A : i32 to index
        %swap3A_896 = arith.index_cast %scan3A_886 : i32 to index
        %swap3A_897 = arith.constant 0 : index
        %swap3A_898 = tpu.vector_load %arg6[%swap3A_895, %swap3A_896, %swap3A_897] {strides = array<i32>} : memref<10x64x128xf32, #tpu.memory_space<vmem>>, vector<1x1x16xf32>,
        %swap3A_899 = vector.shape_cast %swap3A_898 : vector<1x1x16xf32> to vector<16xf32>
        %swap3A_900 = vector.shape_cast %mul3A_894 : vector<16xf32> to vector<1x1x16xf32>
        tpu.vector_store %arg6[%swap3A_895, %swap3A_896, %swap3A_897], %swap3A_900 {strides = array<i32>} : memref<10x64x128xf32, #tpu.memory_space<vmem>>, vector<1x1x16xf32>,
        %get3A_901 = arith.constant 0 : i32
        %get3A_902 = arith.index_cast %get3A_901 : i32 to index
        %get3A_903 = arith.index_cast %scan3A_886 : i32 to index
        %get3A_904 = arith.constant 16 : index
        %get3A_905 = tpu.vector_load %arg6[%get3A_902, %get3A_903, %get3A_904] {strides = array<i32>} : memref<10x64x128xf32, #tpu.memory_space<vmem>>, vector<1x1x16xf32>,
        %get3A_906 = vector.shape_cast %get3A_905 : vector<1x1x16xf32> to vector<16xf32>
        %mul3A_907 = arith.constant 11.3137083 : f32
        %mul3A_908 = vector.broadcast %mul3A_907 : f32 to vector<16xf32>
        %mul3A_909 = arith.mulf %get3A_906, %mul3A_908 : vector<16xf32>
        %swap3A_910 = arith.constant 0 : i32
        %swap3A_911 = arith.index_cast %swap3A_910 : i32 to index
        %swap3A_912 = arith.index_cast %scan3A_886 : i32 to index
        %swap3A_913 = arith.constant 16 : index
        %swap3A_914 = tpu.vector_load %arg6[%swap3A_911, %swap3A_912, %swap3A_913] {strides = array<i32>} : memref<10x64x128xf32, #tpu.memory_space<vmem>>, vector<1x1x16xf32>,
        %swap3A_915 = vector.shape_cast %swap3A_914 : vector<1x1x16xf32> to vector<16xf32>
        %swap3A_916 = vector.shape_cast %mul3A_909 : vector<16xf32> to vector<1x1x16xf32>
        tpu.vector_store %arg6[%swap3A_911, %swap3A_912, %swap3A_913], %swap3A_916 {strides = array<i32>} : memref<10x64x128xf32, #tpu.memory_space<vmem>>, vector<1x1x16xf32>,
        %get3A_917 = arith.constant 0 : i32
        %get3A_918 = arith.index_cast %get3A_917 : i32 to index
        %get3A_919 = arith.index_cast %scan3A_886 : i32 to index
        %get3A_920 = arith.constant 32 : index
        %get3A_921 = tpu.vector_load %arg6[%get3A_918, %get3A_919, %get3A_920] {strides = array<i32>} : memref<10x64x128xf32, #tpu.memory_space<vmem>>, vector<1x1x16xf32>,
        %get3A_922 = vector.shape_cast %get3A_921 : vector<1x1x16xf32> to vector<16xf32>
        %mul3A_923 = arith.constant 11.3137083 : f32
        %mul3A_924 = vector.broadcast %mul3A_923 : f32 to vector<16xf32>
        %mul3A_925 = arith.mulf %get3A_922, %mul3A_924 : vector<16xf32>
        %swap3A_926 = arith.constant 0 : i32
        %swap3A_927 = arith.index_cast %swap3A_926 : i32 to index
        %swap3A_928 = arith.index_cast %scan3A_886 : i32 to index
        %swap3A_929 = arith.constant 32 : index
        %swap3A_930 = tpu.vector_load %arg6[%swap3A_927, %swap3A_928, %swap3A_929] {strides = array<i32>} : memref<10x64x128xf32, #tpu.memory_space<vmem>>, vector<1x1x16xf32>,
        %swap3A_931 = vector.shape_cast %swap3A_930 : vector<1x1x16xf32> to vector<16xf32>
        %swap3A_932 = vector.shape_cast %mul3A_925 : vector<16xf32> to vector<1x1x16xf32>
        tpu.vector_store %arg6[%swap3A_927, %swap3A_928, %swap3A_929], %swap3A_932 {strides = array<i32>} : memref<10x64x128xf32, #tpu.memory_space<vmem>>, vector<1x1x16xf32>,
        %get3A_933 = arith.constant 0 : i32
        %get3A_934 = arith.index_cast %get3A_933 : i32 to index
        %get3A_935 = arith.index_cast %scan3A_886 : i32 to index
        %get3A_936 = arith.constant 48 : index
        %get3A_937 = tpu.vector_load %arg6[%get3A_934, %get3A_935, %get3A_936] {strides = array<i32>} : memref<10x64x128xf32, #tpu.memory_space<vmem>>, vector<1x1x16xf32>,
        %get3A_938 = vector.shape_cast %get3A_937 : vector<1x1x16xf32> to vector<16xf32>
        %mul3A_939 = arith.constant 11.3137083 : f32
        %mul3A_940 = vector.broadcast %mul3A_939 : f32 to vector<16xf32>
        %mul3A_941 = arith.mulf %get3A_938, %mul3A_940 : vector<16xf32>
        %swap3A_942 = arith.constant 0 : i32
        %swap3A_943 = arith.index_cast %swap3A_942 : i32 to index
        %swap3A_944 = arith.index_cast %scan3A_886 : i32 to index
        %swap3A_945 = arith.constant 48 : index
        %swap3A_946 = tpu.vector_load %arg6[%swap3A_943, %swap3A_944, %swap3A_945] {strides = array<i32>} : memref<10x64x128xf32, #tpu.memory_space<vmem>>, vector<1x1x16xf32>,
        %swap3A_947 = vector.shape_cast %swap3A_946 : vector<1x1x16xf32> to vector<16xf32>
        %swap3A_948 = vector.shape_cast %mul3A_941 : vector<16xf32> to vector<1x1x16xf32>
        tpu.vector_store %arg6[%swap3A_943, %swap3A_944, %swap3A_945], %swap3A_948 {strides = array<i32>} : memref<10x64x128xf32, #tpu.memory_space<vmem>>, vector<1x1x16xf32>,
        %get3A_949 = arith.constant 0 : i32
        %get3A_950 = arith.index_cast %get3A_949 : i32 to index
        %get3A_951 = arith.index_cast %scan3A_886 : i32 to index
        %get3A_952 = arith.constant 64 : index
        %get3A_953 = tpu.vector_load %arg6[%get3A_950, %get3A_951, %get3A_952] {strides = array<i32>} : memref<10x64x128xf32, #tpu.memory_space<vmem>>, vector<1x1x16xf32>,
        %get3A_954 = vector.shape_cast %get3A_953 : vector<1x1x16xf32> to vector<16xf32>
        %mul3A_955 = arith.constant 11.3137083 : f32
        %mul3A_956 = vector.broadcast %mul3A_955 : f32 to vector<16xf32>
        %mul3A_957 = arith.mulf %get3A_954, %mul3A_956 : vector<16xf32>
        %swap3A_958 = arith.constant 0 : i32
        %swap3A_959 = arith.index_cast %swap3A_958 : i32 to index
        %swap3A_960 = arith.index_cast %scan3A_886 : i32 to index
        %swap3A_961 = arith.constant 64 : index
        %swap3A_962 = tpu.vector_load %arg6[%swap3A_959, %swap3A_960, %swap3A_961] {strides = array<i32>} : memref<10x64x128xf32, #tpu.memory_space<vmem>>, vector<1x1x16xf32>,
        %swap3A_963 = vector.shape_cast %swap3A_962 : vector<1x1x16xf32> to vector<16xf32>
        %swap3A_964 = vector.shape_cast %mul3A_957 : vector<16xf32> to vector<1x1x16xf32>
        tpu.vector_store %arg6[%swap3A_959, %swap3A_960, %swap3A_961], %swap3A_964 {strides = array<i32>} : memref<10x64x128xf32, #tpu.memory_space<vmem>>, vector<1x1x16xf32>,
        %get3A_965 = arith.constant 0 : i32
        %get3A_966 = arith.index_cast %get3A_965 : i32 to index
        %get3A_967 = arith.index_cast %scan3A_886 : i32 to index
        %get3A_968 = arith.constant 80 : index
        %get3A_969 = tpu.vector_load %arg6[%get3A_966, %get3A_967, %get3A_968] {strides = array<i32>} : memref<10x64x128xf32, #tpu.memory_space<vmem>>, vector<1x1x16xf32>,
        %get3A_970 = vector.shape_cast %get3A_969 : vector<1x1x16xf32> to vector<16xf32>
        %mul3A_971 = arith.constant 11.3137083 : f32
        %mul3A_972 = vector.broadcast %mul3A_971 : f32 to vector<16xf32>
        %mul3A_973 = arith.mulf %get3A_970, %mul3A_972 : vector<16xf32>
        %swap3A_974 = arith.constant 0 : i32
        %swap3A_975 = arith.index_cast %swap3A_974 : i32 to index
        %swap3A_976 = arith.index_cast %scan3A_886 : i32 to index
        %swap3A_977 = arith.constant 80 : index
        %swap3A_978 = tpu.vector_load %arg6[%swap3A_975, %swap3A_976, %swap3A_977] {strides = array<i32>} : memref<10x64x128xf32, #tpu.memory_space<vmem>>, vector<1x1x16xf32>,
        %swap3A_979 = vector.shape_cast %swap3A_978 : vector<1x1x16xf32> to vector<16xf32>
        %swap3A_980 = vector.shape_cast %mul3A_973 : vector<16xf32> to vector<1x1x16xf32>
        tpu.vector_store %arg6[%swap3A_975, %swap3A_976, %swap3A_977], %swap3A_980 {strides = array<i32>} : memref<10x64x128xf32, #tpu.memory_space<vmem>>, vector<1x1x16xf32>,
        %get3A_981 = arith.constant 0 : i32
        %get3A_982 = arith.index_cast %get3A_981 : i32 to index
        %get3A_983 = arith.index_cast %scan3A_886 : i32 to index
        %get3A_984 = arith.constant 96 : index
        %get3A_985 = tpu.vector_load %arg6[%get3A_982, %get3A_983, %get3A_984] {strides = array<i32>} : memref<10x64x128xf32, #tpu.memory_space<vmem>>, vector<1x1x16xf32>,
        %get3A_986 = vector.shape_cast %get3A_985 : vector<1x1x16xf32> to vector<16xf32>
        %mul3A_987 = arith.constant 11.3137083 : f32
        %mul3A_988 = vector.broadcast %mul3A_987 : f32 to vector<16xf32>
        %mul3A_989 = arith.mulf %get3A_986, %mul3A_988 : vector<16xf32>
        %swap3A_990 = arith.constant 0 : i32
        %swap3A_991 = arith.index_cast %swap3A_990 : i32 to index
        %swap3A_992 = arith.index_cast %scan3A_886 : i32 to index
        %swap3A_993 = arith.constant 96 : index
        %swap3A_994 = tpu.vector_load %arg6[%swap3A_991, %swap3A_992, %swap3A_993] {strides = array<i32>} : memref<10x64x128xf32, #tpu.memory_space<vmem>>, vector<1x1x16xf32>,
        %swap3A_995 = vector.shape_cast %swap3A_994 : vector<1x1x16xf32> to vector<16xf32>
        %swap3A_996 = vector.shape_cast %mul3A_989 : vector<16xf32> to vector<1x1x16xf32>
        tpu.vector_store %arg6[%swap3A_991, %swap3A_992, %swap3A_993], %swap3A_996 {strides = array<i32>} : memref<10x64x128xf32, #tpu.memory_space<vmem>>, vector<1x1x16xf32>,
        %get3A_997 = arith.constant 0 : i32
        %get3A_998 = arith.index_cast %get3A_997 : i32 to index
        %get3A_999 = arith.index_cast %scan3A_886 : i32 to index
        %get3A_1000 = arith.constant 112 : index
        %get3A_1001 = tpu.vector_load %arg6[%get3A_998, %get3A_999, %get3A_1000] {strides = array<i32>} : memref<10x64x128xf32, #tpu.memory_space<vmem>>, vector<1x1x16xf32>,
        %get3A_1002 = vector.shape_cast %get3A_1001 : vector<1x1x16xf32> to vector<16xf32>
        %mul3A_1003 = arith.constant 11.3137083 : f32
        %mul3A_1004 = vector.broadcast %mul3A_1003 : f32 to vector<16xf32>
        %mul3A_1005 = arith.mulf %get3A_1002, %mul3A_1004 : vector<16xf32>
        %swap3A_1006 = arith.constant 0 : i32
        %swap3A_1007 = arith.index_cast %swap3A_1006 : i32 to index
        %swap3A_1008 = arith.index_cast %scan3A_886 : i32 to index
        %swap3A_1009 = arith.constant 112 : index
        %swap3A_1010 = tpu.vector_load %arg6[%swap3A_1007, %swap3A_1008, %swap3A_1009] {strides = array<i32>} : memref<10x64x128xf32, #tpu.memory_space<vmem>>, vector<1x1x16xf32>,
        %swap3A_1011 = vector.shape_cast %swap3A_1010 : vector<1x1x16xf32> to vector<16xf32>
        %swap3A_1012 = vector.shape_cast %mul3A_1005 : vector<16xf32> to vector<1x1x16xf32>
        tpu.vector_store %arg6[%swap3A_1007, %swap3A_1008, %swap3A_1009], %swap3A_1012 {strides = array<i32>} : memref<10x64x128xf32, #tpu.memory_space<vmem>>, vector<1x1x16xf32>,
        %scan3A_1013 = arith.constant 1 : i32
        %scan3A_1014 = arith.addi %scan3A_886, %scan3A_1013 : i32
        %get3A_1015 = arith.constant 0 : i32
        %get3A_1016 = arith.index_cast %get3A_1015 : i32 to index
        %get3A_1017 = arith.index_cast %scan3A_1014 : i32 to index
        %get3A_1018 = arith.constant 0 : index
        %get3A_1019 = tpu.vector_load %arg6[%get3A_1016, %get3A_1017, %get3A_1018] {strides = array<i32>} : memref<10x64x128xf32, #tpu.memory_space<vmem>>, vector<1x1x16xf32>,
        %get3A_1020 = vector.shape_cast %get3A_1019 : vector<1x1x16xf32> to vector<16xf32>
        %mul3A_1021 = arith.constant 11.3137083 : f32
        %mul3A_1022 = vector.broadcast %mul3A_1021 : f32 to vector<16xf32>
        %mul3A_1023 = arith.mulf %get3A_1020, %mul3A_1022 : vector<16xf32>
        %swap3A_1024 = arith.constant 0 : i32
        %swap3A_1025 = arith.index_cast %swap3A_1024 : i32 to index
        %swap3A_1026 = arith.index_cast %scan3A_1014 : i32 to index
        %swap3A_1027 = arith.constant 0 : index
        %swap3A_1028 = tpu.vector_load %arg6[%swap3A_1025, %swap3A_1026, %swap3A_1027] {strides = array<i32>} : memref<10x64x128xf32, #tpu.memory_space<vmem>>, vector<1x1x16xf32>,
        %swap3A_1029 = vector.shape_cast %swap3A_1028 : vector<1x1x16xf32> to vector<16xf32>
        %swap3A_1030 = vector.shape_cast %mul3A_1023 : vector<16xf32> to vector<1x1x16xf32>
        tpu.vector_store %arg6[%swap3A_1025, %swap3A_1026, %swap3A_1027], %swap3A_1030 {strides = array<i32>} : memref<10x64x128xf32, #tpu.memory_space<vmem>>, vector<1x1x16xf32>,
        %get3A_1031 = arith.constant 0 : i32
        %get3A_1032 = arith.index_cast %get3A_1031 : i32 to index
        %get3A_1033 = arith.index_cast %scan3A_1014 : i32 to index
        %get3A_1034 = arith.constant 16 : index
        %get3A_1035 = tpu.vector_load %arg6[%get3A_1032, %get3A_1033, %get3A_1034] {strides = array<i32>} : memref<10x64x128xf32, #tpu.memory_space<vmem>>, vector<1x1x16xf32>,
        %get3A_1036 = vector.shape_cast %get3A_1035 : vector<1x1x16xf32> to vector<16xf32>
        %mul3A_1037 = arith.constant 11.3137083 : f32
        %mul3A_1038 = vector.broadcast %mul3A_1037 : f32 to vector<16xf32>
        %mul3A_1039 = arith.mulf %get3A_1036, %mul3A_1038 : vector<16xf32>
        %swap3A_1040 = arith.constant 0 : i32
        %swap3A_1041 = arith.index_cast %swap3A_1040 : i32 to index
        %swap3A_1042 = arith.index_cast %scan3A_1014 : i32 to index
        %swap3A_1043 = arith.constant 16 : index
        %swap3A_1044 = tpu.vector_load %arg6[%swap3A_1041, %swap3A_1042, %swap3A_1043] {strides = array<i32>} : memref<10x64x128xf32, #tpu.memory_space<vmem>>, vector<1x1x16xf32>,
        %swap3A_1045 = vector.shape_cast %swap3A_1044 : vector<1x1x16xf32> to vector<16xf32>
        %swap3A_1046 = vector.shape_cast %mul3A_1039 : vector<16xf32> to vector<1x1x16xf32>
        tpu.vector_store %arg6[%swap3A_1041, %swap3A_1042, %swap3A_1043], %swap3A_1046 {strides = array<i32>} : memref<10x64x128xf32, #tpu.memory_space<vmem>>, vector<1x1x16xf32>,
        %get3A_1047 = arith.constant 0 : i32
        %get3A_1048 = arith.index_cast %get3A_1047 : i32 to index
        %get3A_1049 = arith.index_cast %scan3A_1014 : i32 to index
        %get3A_1050 = arith.constant 32 : index
        %get3A_1051 = tpu.vector_load %arg6[%get3A_1048, %get3A_1049, %get3A_1050] {strides = array<i32>} : memref<10x64x128xf32, #tpu.memory_space<vmem>>, vector<1x1x16xf32>,
        %get3A_1052 = vector.shape_cast %get3A_1051 : vector<1x1x16xf32> to vector<16xf32>
        %mul3A_1053 = arith.constant 11.3137083 : f32
        %mul3A_1054 = vector.broadcast %mul3A_1053 : f32 to vector<16xf32>
        %mul3A_1055 = arith.mulf %get3A_1052, %mul3A_1054 : vector<16xf32>
        %swap3A_1056 = arith.constant 0 : i32
        %swap3A_1057 = arith.index_cast %swap3A_1056 : i32 to index
        %swap3A_1058 = arith.index_cast %scan3A_1014 : i32 to index
        %swap3A_1059 = arith.constant 32 : index
        %swap3A_1060 = tpu.vector_load %arg6[%swap3A_1057, %swap3A_1058, %swap3A_1059] {strides = array<i32>} : memref<10x64x128xf32, #tpu.memory_space<vmem>>, vector<1x1x16xf32>,
        %swap3A_1061 = vector.shape_cast %swap3A_1060 : vector<1x1x16xf32> to vector<16xf32>
        %swap3A_1062 = vector.shape_cast %mul3A_1055 : vector<16xf32> to vector<1x1x16xf32>
        tpu.vector_store %arg6[%swap3A_1057, %swap3A_1058, %swap3A_1059], %swap3A_1062 {strides = array<i32>} : memref<10x64x128xf32, #tpu.memory_space<vmem>>, vector<1x1x16xf32>,
        %get3A_1063 = arith.constant 0 : i32
        %get3A_1064 = arith.index_cast %get3A_1063 : i32 to index
        %get3A_1065 = arith.index_cast %scan3A_1014 : i32 to index
        %get3A_1066 = arith.constant 48 : index
        %get3A_1067 = tpu.vector_load %arg6[%get3A_1064, %get3A_1065, %get3A_1066] {strides = array<i32>} : memref<10x64x128xf32, #tpu.memory_space<vmem>>, vector<1x1x16xf32>,
        %get3A_1068 = vector.shape_cast %get3A_1067 : vector<1x1x16xf32> to vector<16xf32>
        %mul3A_1069 = arith.constant 11.3137083 : f32
        %mul3A_1070 = vector.broadcast %mul3A_1069 : f32 to vector<16xf32>
        %mul3A_1071 = arith.mulf %get3A_1068, %mul3A_1070 : vector<16xf32>
        %swap3A_1072 = arith.constant 0 : i32
        %swap3A_1073 = arith.index_cast %swap3A_1072 : i32 to index
        %swap3A_1074 = arith.index_cast %scan3A_1014 : i32 to index
        %swap3A_1075 = arith.constant 48 : index
        %swap3A_1076 = tpu.vector_load %arg6[%swap3A_1073, %swap3A_1074, %swap3A_1075] {strides = array<i32>} : memref<10x64x128xf32, #tpu.memory_space<vmem>>, vector<1x1x16xf32>,
        %swap3A_1077 = vector.shape_cast %swap3A_1076 : vector<1x1x16xf32> to vector<16xf32>
        %swap3A_1078 = vector.shape_cast %mul3A_1071 : vector<16xf32> to vector<1x1x16xf32>
        tpu.vector_store %arg6[%swap3A_1073, %swap3A_1074, %swap3A_1075], %swap3A_1078 {strides = array<i32>} : memref<10x64x128xf32, #tpu.memory_space<vmem>>, vector<1x1x16xf32>,
        %get3A_1079 = arith.constant 0 : i32
        %get3A_1080 = arith.index_cast %get3A_1079 : i32 to index
        %get3A_1081 = arith.index_cast %scan3A_1014 : i32 to index
        %get3A_1082 = arith.constant 64 : index
        %get3A_1083 = tpu.vector_load %arg6[%get3A_1080, %get3A_1081, %get3A_1082] {strides = array<i32>} : memref<10x64x128xf32, #tpu.memory_space<vmem>>, vector<1x1x16xf32>,
        %get3A_1084 = vector.shape_cast %get3A_1083 : vector<1x1x16xf32> to vector<16xf32>
        %mul3A_1085 = arith.constant 11.3137083 : f32
        %mul3A_1086 = vector.broadcast %mul3A_1085 : f32 to vector<16xf32>
        %mul3A_1087 = arith.mulf %get3A_1084, %mul3A_1086 : vector<16xf32>
        %swap3A_1088 = arith.constant 0 : i32
        %swap3A_1089 = arith.index_cast %swap3A_1088 : i32 to index
        %swap3A_1090 = arith.index_cast %scan3A_1014 : i32 to index
        %swap3A_1091 = arith.constant 64 : index
        %swap3A_1092 = tpu.vector_load %arg6[%swap3A_1089, %swap3A_1090, %swap3A_1091] {strides = array<i32>} : memref<10x64x128xf32, #tpu.memory_space<vmem>>, vector<1x1x16xf32>,
        %swap3A_1093 = vector.shape_cast %swap3A_1092 : vector<1x1x16xf32> to vector<16xf32>
        %swap3A_1094 = vector.shape_cast %mul3A_1087 : vector<16xf32> to vector<1x1x16xf32>
        tpu.vector_store %arg6[%swap3A_1089, %swap3A_1090, %swap3A_1091], %swap3A_1094 {strides = array<i32>} : memref<10x64x128xf32, #tpu.memory_space<vmem>>, vector<1x1x16xf32>,
        %get3A_1095 = arith.constant 0 : i32
        %get3A_1096 = arith.index_cast %get3A_1095 : i32 to index
        %get3A_1097 = arith.index_cast %scan3A_1014 : i32 to index
        %get3A_1098 = arith.constant 80 : index
        %get3A_1099 = tpu.vector_load %arg6[%get3A_1096, %get3A_1097, %get3A_1098] {strides = array<i32>} : memref<10x64x128xf32, #tpu.memory_space<vmem>>, vector<1x1x16xf32>,
        %get3A_1100 = vector.shape_cast %get3A_1099 : vector<1x1x16xf32> to vector<16xf32>
        %mul3A_1101 = arith.constant 11.3137083 : f32
        %mul3A_1102 = vector.broadcast %mul3A_1101 : f32 to vector<16xf32>
        %mul3A_1103 = arith.mulf %get3A_1100, %mul3A_1102 : vector<16xf32>
        %swap3A_1104 = arith.constant 0 : i32
        %swap3A_1105 = arith.index_cast %swap3A_1104 : i32 to index
        %swap3A_1106 = arith.index_cast %scan3A_1014 : i32 to index
        %swap3A_1107 = arith.constant 80 : index
        %swap3A_1108 = tpu.vector_load %arg6[%swap3A_1105, %swap3A_1106, %swap3A_1107] {strides = array<i32>} : memref<10x64x128xf32, #tpu.memory_space<vmem>>, vector<1x1x16xf32>,
        %swap3A_1109 = vector.shape_cast %swap3A_1108 : vector<1x1x16xf32> to vector<16xf32>
        %swap3A_1110 = vector.shape_cast %mul3A_1103 : vector<16xf32> to vector<1x1x16xf32>
        tpu.vector_store %arg6[%swap3A_1105, %swap3A_1106, %swap3A_1107], %swap3A_1110 {strides = array<i32>} : memref<10x64x128xf32, #tpu.memory_space<vmem>>, vector<1x1x16xf32>,
        %get3A_1111 = arith.constant 0 : i32
        %get3A_1112 = arith.index_cast %get3A_1111 : i32 to index
        %get3A_1113 = arith.index_cast %scan3A_1014 : i32 to index
        %get3A_1114 = arith.constant 96 : index
        %get3A_1115 = tpu.vector_load %arg6[%get3A_1112, %get3A_1113, %get3A_1114] {strides = array<i32>} : memref<10x64x128xf32, #tpu.memory_space<vmem>>, vector<1x1x16xf32>,
        %get3A_1116 = vector.shape_cast %get3A_1115 : vector<1x1x16xf32> to vector<16xf32>
        %mul3A_1117 = arith.constant 11.3137083 : f32
        %mul3A_1118 = vector.broadcast %mul3A_1117 : f32 to vector<16xf32>
        %mul3A_1119 = arith.mulf %get3A_1116, %mul3A_1118 : vector<16xf32>
        %swap3A_1120 = arith.constant 0 : i32
        %swap3A_1121 = arith.index_cast %swap3A_1120 : i32 to index
        %swap3A_1122 = arith.index_cast %scan3A_1014 : i32 to index
        %swap3A_1123 = arith.constant 96 : index
        %swap3A_1124 = tpu.vector_load %arg6[%swap3A_1121, %swap3A_1122, %swap3A_1123] {strides = array<i32>} : memref<10x64x128xf32, #tpu.memory_space<vmem>>, vector<1x1x16xf32>,
        %swap3A_1125 = vector.shape_cast %swap3A_1124 : vector<1x1x16xf32> to vector<16xf32>
        %swap3A_1126 = vector.shape_cast %mul3A_1119 : vector<16xf32> to vector<1x1x16xf32>
        tpu.vector_store %arg6[%swap3A_1121, %swap3A_1122, %swap3A_1123], %swap3A_1126 {strides = array<i32>} : memref<10x64x128xf32, #tpu.memory_space<vmem>>, vector<1x1x16xf32>,
        %get3A_1127 = arith.constant 0 : i32
        %get3A_1128 = arith.index_cast %get3A_1127 : i32 to index
        %get3A_1129 = arith.index_cast %scan3A_1014 : i32 to index
        %get3A_1130 = arith.constant 112 : index
        %get3A_1131 = tpu.vector_load %arg6[%get3A_1128, %get3A_1129, %get3A_1130] {strides = array<i32>} : memref<10x64x128xf32, #tpu.memory_space<vmem>>, vector<1x1x16xf32>,
        %get3A_1132 = vector.shape_cast %get3A_1131 : vector<1x1x16xf32> to vector<16xf32>
        %mul3A_1133 = arith.constant 11.3137083 : f32
        %mul3A_1134 = vector.broadcast %mul3A_1133 : f32 to vector<16xf32>
        %mul3A_1135 = arith.mulf %get3A_1132, %mul3A_1134 : vector<16xf32>
        %swap3A_1136 = arith.constant 0 : i32
        %swap3A_1137 = arith.index_cast %swap3A_1136 : i32 to index
        %swap3A_1138 = arith.index_cast %scan3A_1014 : i32 to index
        %swap3A_1139 = arith.constant 112 : index
        %swap3A_1140 = tpu.vector_load %arg6[%swap3A_1137, %swap3A_1138, %swap3A_1139] {strides = array<i32>} : memref<10x64x128xf32, #tpu.memory_space<vmem>>, vector<1x1x16xf32>,
        %swap3A_1141 = vector.shape_cast %swap3A_1140 : vector<1x1x16xf32> to vector<16xf32>
        %swap3A_1142 = vector.shape_cast %mul3A_1135 : vector<16xf32> to vector<1x1x16xf32>
        tpu.vector_store %arg6[%swap3A_1137, %swap3A_1138, %swap3A_1139], %swap3A_1142 {strides = array<i32>} : memref<10x64x128xf32, #tpu.memory_space<vmem>>, vector<1x1x16xf32>,
      }
      %scan3A_350 = arith.constant 64 : i32
      %add3A_351 = arith.constant 4 : i32
      %add3A_352 = arith.addi %mul3A_328, %add3A_351 : i32
      %mul3A_353 = arith.constant 2 : i32
      %mul3A_354 = arith.muli %add3A_330, %mul3A_353 : i32
      %add3A_355 = arith.constant 0 : i32
      %add3A_356 = arith.addi %mul3A_354, %add3A_355 : i32
      %add3A_357 = arith.constant 8 : i32
      %add3A_358 = arith.addi %add3A_356, %add3A_357 : i32
      %lt3A = arith.constant 100 : i32
      %lt3A_359 = arith.cmpi slt, %add3A_358, %lt3A : i32
      %convert_element_type3A = arith.extui %lt3A_359 : i1 to i32
      %cond3A = arith.constant 0 : i32
      %cond3A_360 = arith.cmpi ne, %convert_element_type3A, %cond3A : i32
      scf.if %cond3A_360 {
        %ge3A = arith.constant 10 : i32
        %ge3A_886 = arith.cmpi sge, %add3A_358, %ge3A : i32
        %convert_element_type3A_887 = arith.extui %ge3A_886 : i1 to i32
        %cond3A_888 = arith.constant 0 : i32
        %cond3A_889 = arith.cmpi ne, %convert_element_type3A_887, %cond3A_888 : i32
        scf.if %cond3A_889 {
          %sub3A = arith.constant 5 : i32
          %sub3A_904 = arith.subi %add3A_352, %sub3A : i32
          %mul3A_905 = arith.constant 4096 : i32
          %mul3A_906 = arith.muli %sub3A_904, %mul3A_905 : i32
          %add3A_907 = arith.addi %mul3A_906, %mul3A_2 : i32
          %add3A_908 = arith.constant 0 : i32
          %add3A_909 = arith.addi %add3A_907, %add3A_908 : i32
          %dma_wait3A_910 = arith.constant 8 : i32
          %dma_wait3A_911 = arith.constant 8 : i32
          %dma_wait3A_912 = arith.constant 0 : i32
          %dma_wait3A_913 = arith.constant 0 : i32
          %dma_wait3A_914 = tpu.memref_slice %arg6[%dma_wait3A_910, %dma_wait3A_912, %dma_wait3A_913] : memref<10x64x128xf32, #tpu.memory_space<vmem>> -> memref<1x64x128xf32, #tpu.memory_space<vmem>>
          %dma_wait3A_915 = tpu.memref_squeeze %dma_wait3A_914 : memref<1x64x128xf32, #tpu.memory_space<vmem>> -> memref<64x128xf32, #tpu.memory_space<vmem>>
          %dma_wait3A_916 = arith.constant 0 : i32
          %dma_wait3A_917 = tpu.memref_slice %arg4[%add3A_909, %dma_wait3A_916] : memref<204800x128xf32, #tpu.memory_space<hbm>> -> memref<64x128xf32, #tpu.memory_space<hbm>>
          %dma_wait3A_918 = tpu.memref_slice %arg8[%dma_wait3A_911] : memref<10x!tpu.dma_semaphore, #tpu.memory_space<semaphore_mem>> -> memref<1x!tpu.dma_semaphore, #tpu.memory_space<semaphore_mem>>
          %dma_wait3A_919 = tpu.memref_squeeze %dma_wait3A_918 : memref<1x!tpu.dma_semaphore, #tpu.memory_space<semaphore_mem>> -> memref<!tpu.dma_semaphore, #tpu.memory_space<semaphore_mem>>
          %dma_wait3A_920 = arith.constant 0 : i32
          %dma_wait3A_921 = tpu.memref_slice %arg4[%add3A_909, %dma_wait3A_920] : memref<204800x128xf32, #tpu.memory_space<hbm>> -> memref<64x128xf32, #tpu.memory_space<hbm>>
          %dma_wait3A_922 = arith.constant 0 : i32
          %dma_wait3A_923 = arith.constant 0 : i32
          %dma_wait3A_924 = tpu.memref_slice %arg6[%dma_wait3A_910, %dma_wait3A_922, %dma_wait3A_923] : memref<10x64x128xf32, #tpu.memory_space<vmem>> -> memref<1x64x128xf32, #tpu.memory_space<vmem>>
          %dma_wait3A_925 = tpu.memref_squeeze %dma_wait3A_924 : memref<1x64x128xf32, #tpu.memory_space<vmem>> -> memref<64x128xf32, #tpu.memory_space<vmem>>
          tpu.wait_dma2 semaphore(%dma_wait3A_919 : memref<!tpu.dma_semaphore, #tpu.memory_space<semaphore_mem>>) src(%dma_wait3A_925 : memref<64x128xf32, #tpu.memory_space<vmem>>) dst(%dma_wait3A_921 : memref<64x128xf32, #tpu.memory_space<hbm>>)
        } else {
        }
        %dma_start3A_890 = arith.constant 8 : i32
        %dma_start3A_891 = arith.constant 8 : i32
        %dma_start3A_892 = arith.constant 0 : i32
        %dma_start3A_893 = arith.constant 0 : i32
        %dma_start3A_894 = tpu.memref_slice %arg6[%dma_start3A_890, %dma_start3A_892, %dma_start3A_893] : memref<10x64x128xf32, #tpu.memory_space<vmem>> -> memref<1x64x128xf32, #tpu.memory_space<vmem>>
        %dma_start3A_895 = tpu.memref_squeeze %dma_start3A_894 : memref<1x64x128xf32, #tpu.memory_space<vmem>> -> memref<64x128xf32, #tpu.memory_space<vmem>>
        %dma_start3A_896 = arith.constant 0 : i32
        %dma_start3A_897 = tpu.memref_slice %arg5[%add3A_352, %dma_start3A_896] : memref<50x128xi32, #tpu.memory_space<vmem>> -> memref<1x64xi32, #tpu.memory_space<vmem>>
        %dma_start3A_898 = tpu.memref_squeeze %dma_start3A_897 : memref<1x64xi32, #tpu.memory_space<vmem>> -> memref<64xi32, #tpu.memory_space<vmem>>
        %dma_start3A_899 = arith.constant 0 : i32
        %dma_start3A_900 = arith.constant 0 : i32
        %dma_start3A_901 = tpu.memref_slice %arg3[%dma_start3A_899, %dma_start3A_900] : memref<100000x128xf32, #tpu.memory_space<hbm>> -> memref<100000x128xf32, #tpu.memory_space<hbm>>
        %dma_start3A_902 = tpu.memref_slice %arg7[%dma_start3A_891] : memref<10x!tpu.dma_semaphore, #tpu.memory_space<semaphore_mem>> -> memref<1x!tpu.dma_semaphore, #tpu.memory_space<semaphore_mem>>
        %dma_start3A_903 = tpu.memref_squeeze %dma_start3A_902 : memref<1x!tpu.dma_semaphore, #tpu.memory_space<semaphore_mem>> -> memref<!tpu.dma_semaphore, #tpu.memory_space<semaphore_mem>>
        tpu.enqueue_indirect_dma source(%dma_start3A_901 : memref<100000x128xf32, #tpu.memory_space<hbm>>) target(%dma_start3A_895 : memref<64x128xf32, #tpu.memory_space<vmem>>) offsets(%dma_start3A_898 : memref<64xi32, #tpu.memory_space<vmem>>) semaphore(%dma_start3A_903 : memref<!tpu.dma_semaphore, #tpu.memory_space<semaphore_mem>>)
      } else {
      }
      %mul3A_361 = arith.constant 4096 : i32
      %mul3A_362 = arith.muli %add3A_330, %mul3A_361 : i32
      %add3A_363 = arith.addi %mul3A_362, %mul3A_2 : i32
      %add3A_364 = arith.constant 0 : i32
      %add3A_365 = arith.addi %add3A_363, %add3A_364 : i32
      %dma_start3A_366 = arith.constant 0 : i32
      %dma_start3A_367 = arith.constant 0 : i32
      %dma_start3A_368 = arith.constant 0 : i32
      %dma_start3A_369 = arith.constant 0 : i32
      %dma_start3A_370 = tpu.memref_slice %arg6[%dma_start3A_366, %dma_start3A_368, %dma_start3A_369] : memref<10x64x128xf32, #tpu.memory_space<vmem>> -> memref<1x64x128xf32, #tpu.memory_space<vmem>>
      %dma_start3A_371 = tpu.memref_squeeze %dma_start3A_370 : memref<1x64x128xf32, #tpu.memory_space<vmem>> -> memref<64x128xf32, #tpu.memory_space<vmem>>
      %dma_start3A_372 = arith.constant 0 : i32
      %dma_start3A_373 = tpu.memref_slice %arg4[%add3A_365, %dma_start3A_372] : memref<204800x128xf32, #tpu.memory_space<hbm>> -> memref<64x128xf32, #tpu.memory_space<hbm>>
      %dma_start3A_374 = tpu.memref_slice %arg8[%dma_start3A_367] : memref<10x!tpu.dma_semaphore, #tpu.memory_space<semaphore_mem>> -> memref<1x!tpu.dma_semaphore, #tpu.memory_space<semaphore_mem>>
      %dma_start3A_375 = tpu.memref_squeeze %dma_start3A_374 : memref<1x!tpu.dma_semaphore, #tpu.memory_space<semaphore_mem>> -> memref<!tpu.dma_semaphore, #tpu.memory_space<semaphore_mem>>
      %dma_start3A_376 = arith.constant 0 : i32
      %dma_start3A_377 = tpu.memref_slice %arg4[%add3A_365, %dma_start3A_376] : memref<204800x128xf32, #tpu.memory_space<hbm>> -> memref<64x128xf32, #tpu.memory_space<hbm>>
      %dma_start3A_378 = arith.constant 0 : i32
      %dma_start3A_379 = arith.constant 0 : i32
      %dma_start3A_380 = tpu.memref_slice %arg6[%dma_start3A_366, %dma_start3A_378, %dma_start3A_379] : memref<10x64x128xf32, #tpu.memory_space<vmem>> -> memref<1x64x128xf32, #tpu.memory_space<vmem>>
      %dma_start3A_381 = tpu.memref_squeeze %dma_start3A_380 : memref<1x64x128xf32, #tpu.memory_space<vmem>> -> memref<64x128xf32, #tpu.memory_space<vmem>>
      tpu.enqueue_dma source(%dma_start3A_381 : memref<64x128xf32, #tpu.memory_space<vmem>>) target(%dma_start3A_377 : memref<64x128xf32, #tpu.memory_space<hbm>>) target_semaphore(%dma_start3A_375 : memref<!tpu.dma_semaphore, #tpu.memory_space<semaphore_mem>>)
      %add3A_382 = arith.constant 0 : i32
      %add3A_383 = arith.addi %mul3A_328, %add3A_382 : i32
      %dma_wait3A_384 = arith.constant 1 : i32
      %dma_wait3A_385 = arith.constant 1 : i32
      %dma_wait3A_386 = arith.constant 0 : i32
      %dma_wait3A_387 = arith.constant 0 : i32
      %dma_wait3A_388 = tpu.memref_slice %arg6[%dma_wait3A_384, %dma_wait3A_386, %dma_wait3A_387] : memref<10x64x128xf32, #tpu.memory_space<vmem>> -> memref<1x64x128xf32, #tpu.memory_space<vmem>>
      %dma_wait3A_389 = tpu.memref_squeeze %dma_wait3A_388 : memref<1x64x128xf32, #tpu.memory_space<vmem>> -> memref<64x128xf32, #tpu.memory_space<vmem>>
      %dma_wait3A_390 = arith.constant 64 : i32
      %dma_wait3A_391 = tpu.memref_slice %arg5[%add3A_383, %dma_wait3A_390] : memref<50x128xi32, #tpu.memory_space<vmem>> -> memref<1x64xi32, #tpu.memory_space<vmem>>
      %dma_wait3A_392 = tpu.memref_squeeze %dma_wait3A_391 : memref<1x64xi32, #tpu.memory_space<vmem>> -> memref<64xi32, #tpu.memory_space<vmem>>
      %dma_wait3A_393 = arith.constant 0 : i32
      %dma_wait3A_394 = arith.constant 0 : i32
      %dma_wait3A_395 = tpu.memref_slice %arg3[%dma_wait3A_393, %dma_wait3A_394] : memref<100000x128xf32, #tpu.memory_space<hbm>> -> memref<100000x128xf32, #tpu.memory_space<hbm>>
      %dma_wait3A_396 = tpu.memref_slice %arg7[%dma_wait3A_385] : memref<10x!tpu.dma_semaphore, #tpu.memory_space<semaphore_mem>> -> memref<1x!tpu.dma_semaphore, #tpu.memory_space<semaphore_mem>>
      %dma_wait3A_397 = tpu.memref_squeeze %dma_wait3A_396 : memref<1x!tpu.dma_semaphore, #tpu.memory_space<semaphore_mem>> -> memref<!tpu.dma_semaphore, #tpu.memory_space<semaphore_mem>>
      tpu.wait_indirect_dma semaphore(%dma_wait3A_397 : memref<!tpu.dma_semaphore, #tpu.memory_space<semaphore_mem>>) src(%dma_wait3A_395 : memref<100000x128xf32, #tpu.memory_space<hbm>>) dst(%dma_wait3A_389 : memref<64x128xf32, #tpu.memory_space<vmem>>)
      %scan3A_398 = arith.constant 0 : i32
      %scan3A_399 = arith.constant 0 : i32
      %scan3A_400 = arith.constant 64 : i32
      %scan3A_401 = arith.addi %scan3A_399, %scan3A_400 : i32
      %scan3A_402 = arith.constant 2 : i32
      scf.for %scan3A_886 = %scan3A_399 to %scan3A_401 step %scan3A_402  : i32 {
        %get3A = arith.constant 1 : i32
        %get3A_887 = arith.index_cast %get3A : i32 to index
        %get3A_888 = arith.index_cast %scan3A_886 : i32 to index
        %get3A_889 = arith.constant 0 : index
        %get3A_890 = tpu.vector_load %arg6[%get3A_887, %get3A_888, %get3A_889] {strides = array<i32>} : memref<10x64x128xf32, #tpu.memory_space<vmem>>, vector<1x1x16xf32>,
        %get3A_891 = vector.shape_cast %get3A_890 : vector<1x1x16xf32> to vector<16xf32>
        %mul3A_892 = arith.constant 11.3137083 : f32
        %mul3A_893 = vector.broadcast %mul3A_892 : f32 to vector<16xf32>
        %mul3A_894 = arith.mulf %get3A_891, %mul3A_893 : vector<16xf32>
        %swap3A = arith.constant 1 : i32
        %swap3A_895 = arith.index_cast %swap3A : i32 to index
        %swap3A_896 = arith.index_cast %scan3A_886 : i32 to index
        %swap3A_897 = arith.constant 0 : index
        %swap3A_898 = tpu.vector_load %arg6[%swap3A_895, %swap3A_896, %swap3A_897] {strides = array<i32>} : memref<10x64x128xf32, #tpu.memory_space<vmem>>, vector<1x1x16xf32>,
        %swap3A_899 = vector.shape_cast %swap3A_898 : vector<1x1x16xf32> to vector<16xf32>
        %swap3A_900 = vector.shape_cast %mul3A_894 : vector<16xf32> to vector<1x1x16xf32>
        tpu.vector_store %arg6[%swap3A_895, %swap3A_896, %swap3A_897], %swap3A_900 {strides = array<i32>} : memref<10x64x128xf32, #tpu.memory_space<vmem>>, vector<1x1x16xf32>,
        %get3A_901 = arith.constant 1 : i32
        %get3A_902 = arith.index_cast %get3A_901 : i32 to index
        %get3A_903 = arith.index_cast %scan3A_886 : i32 to index
        %get3A_904 = arith.constant 16 : index
        %get3A_905 = tpu.vector_load %arg6[%get3A_902, %get3A_903, %get3A_904] {strides = array<i32>} : memref<10x64x128xf32, #tpu.memory_space<vmem>>, vector<1x1x16xf32>,
        %get3A_906 = vector.shape_cast %get3A_905 : vector<1x1x16xf32> to vector<16xf32>
        %mul3A_907 = arith.constant 11.3137083 : f32
        %mul3A_908 = vector.broadcast %mul3A_907 : f32 to vector<16xf32>
        %mul3A_909 = arith.mulf %get3A_906, %mul3A_908 : vector<16xf32>
        %swap3A_910 = arith.constant 1 : i32
        %swap3A_911 = arith.index_cast %swap3A_910 : i32 to index
        %swap3A_912 = arith.index_cast %scan3A_886 : i32 to index
        %swap3A_913 = arith.constant 16 : index
        %swap3A_914 = tpu.vector_load %arg6[%swap3A_911, %swap3A_912, %swap3A_913] {strides = array<i32>} : memref<10x64x128xf32, #tpu.memory_space<vmem>>, vector<1x1x16xf32>,
        %swap3A_915 = vector.shape_cast %swap3A_914 : vector<1x1x16xf32> to vector<16xf32>
        %swap3A_916 = vector.shape_cast %mul3A_909 : vector<16xf32> to vector<1x1x16xf32>
        tpu.vector_store %arg6[%swap3A_911, %swap3A_912, %swap3A_913], %swap3A_916 {strides = array<i32>} : memref<10x64x128xf32, #tpu.memory_space<vmem>>, vector<1x1x16xf32>,
        %get3A_917 = arith.constant 1 : i32
        %get3A_918 = arith.index_cast %get3A_917 : i32 to index
        %get3A_919 = arith.index_cast %scan3A_886 : i32 to index
        %get3A_920 = arith.constant 32 : index
        %get3A_921 = tpu.vector_load %arg6[%get3A_918, %get3A_919, %get3A_920] {strides = array<i32>} : memref<10x64x128xf32, #tpu.memory_space<vmem>>, vector<1x1x16xf32>,
        %get3A_922 = vector.shape_cast %get3A_921 : vector<1x1x16xf32> to vector<16xf32>
        %mul3A_923 = arith.constant 11.3137083 : f32
        %mul3A_924 = vector.broadcast %mul3A_923 : f32 to vector<16xf32>
        %mul3A_925 = arith.mulf %get3A_922, %mul3A_924 : vector<16xf32>
        %swap3A_926 = arith.constant 1 : i32
        %swap3A_927 = arith.index_cast %swap3A_926 : i32 to index
        %swap3A_928 = arith.index_cast %scan3A_886 : i32 to index
        %swap3A_929 = arith.constant 32 : index
        %swap3A_930 = tpu.vector_load %arg6[%swap3A_927, %swap3A_928, %swap3A_929] {strides = array<i32>} : memref<10x64x128xf32, #tpu.memory_space<vmem>>, vector<1x1x16xf32>,
        %swap3A_931 = vector.shape_cast %swap3A_930 : vector<1x1x16xf32> to vector<16xf32>
        %swap3A_932 = vector.shape_cast %mul3A_925 : vector<16xf32> to vector<1x1x16xf32>
        tpu.vector_store %arg6[%swap3A_927, %swap3A_928, %swap3A_929], %swap3A_932 {strides = array<i32>} : memref<10x64x128xf32, #tpu.memory_space<vmem>>, vector<1x1x16xf32>,
        %get3A_933 = arith.constant 1 : i32
        %get3A_934 = arith.index_cast %get3A_933 : i32 to index
        %get3A_935 = arith.index_cast %scan3A_886 : i32 to index
        %get3A_936 = arith.constant 48 : index
        %get3A_937 = tpu.vector_load %arg6[%get3A_934, %get3A_935, %get3A_936] {strides = array<i32>} : memref<10x64x128xf32, #tpu.memory_space<vmem>>, vector<1x1x16xf32>,
        %get3A_938 = vector.shape_cast %get3A_937 : vector<1x1x16xf32> to vector<16xf32>
        %mul3A_939 = arith.constant 11.3137083 : f32
        %mul3A_940 = vector.broadcast %mul3A_939 : f32 to vector<16xf32>
        %mul3A_941 = arith.mulf %get3A_938, %mul3A_940 : vector<16xf32>
        %swap3A_942 = arith.constant 1 : i32
        %swap3A_943 = arith.index_cast %swap3A_942 : i32 to index
        %swap3A_944 = arith.index_cast %scan3A_886 : i32 to index
        %swap3A_945 = arith.constant 48 : index
        %swap3A_946 = tpu.vector_load %arg6[%swap3A_943, %swap3A_944, %swap3A_945] {strides = array<i32>} : memref<10x64x128xf32, #tpu.memory_space<vmem>>, vector<1x1x16xf32>,
        %swap3A_947 = vector.shape_cast %swap3A_946 : vector<1x1x16xf32> to vector<16xf32>
        %swap3A_948 = vector.shape_cast %mul3A_941 : vector<16xf32> to vector<1x1x16xf32>
        tpu.vector_store %arg6[%swap3A_943, %swap3A_944, %swap3A_945], %swap3A_948 {strides = array<i32>} : memref<10x64x128xf32, #tpu.memory_space<vmem>>, vector<1x1x16xf32>,
        %get3A_949 = arith.constant 1 : i32
        %get3A_950 = arith.index_cast %get3A_949 : i32 to index
        %get3A_951 = arith.index_cast %scan3A_886 : i32 to index
        %get3A_952 = arith.constant 64 : index
        %get3A_953 = tpu.vector_load %arg6[%get3A_950, %get3A_951, %get3A_952] {strides = array<i32>} : memref<10x64x128xf32, #tpu.memory_space<vmem>>, vector<1x1x16xf32>,
        %get3A_954 = vector.shape_cast %get3A_953 : vector<1x1x16xf32> to vector<16xf32>
        %mul3A_955 = arith.constant 11.3137083 : f32
        %mul3A_956 = vector.broadcast %mul3A_955 : f32 to vector<16xf32>
        %mul3A_957 = arith.mulf %get3A_954, %mul3A_956 : vector<16xf32>
        %swap3A_958 = arith.constant 1 : i32
        %swap3A_959 = arith.index_cast %swap3A_958 : i32 to index
        %swap3A_960 = arith.index_cast %scan3A_886 : i32 to index
        %swap3A_961 = arith.constant 64 : index
        %swap3A_962 = tpu.vector_load %arg6[%swap3A_959, %swap3A_960, %swap3A_961] {strides = array<i32>} : memref<10x64x128xf32, #tpu.memory_space<vmem>>, vector<1x1x16xf32>,
        %swap3A_963 = vector.shape_cast %swap3A_962 : vector<1x1x16xf32> to vector<16xf32>
        %swap3A_964 = vector.shape_cast %mul3A_957 : vector<16xf32> to vector<1x1x16xf32>
        tpu.vector_store %arg6[%swap3A_959, %swap3A_960, %swap3A_961], %swap3A_964 {strides = array<i32>} : memref<10x64x128xf32, #tpu.memory_space<vmem>>, vector<1x1x16xf32>,
        %get3A_965 = arith.constant 1 : i32
        %get3A_966 = arith.index_cast %get3A_965 : i32 to index
        %get3A_967 = arith.index_cast %scan3A_886 : i32 to index
        %get3A_968 = arith.constant 80 : index
        %get3A_969 = tpu.vector_load %arg6[%get3A_966, %get3A_967, %get3A_968] {strides = array<i32>} : memref<10x64x128xf32, #tpu.memory_space<vmem>>, vector<1x1x16xf32>,
        %get3A_970 = vector.shape_cast %get3A_969 : vector<1x1x16xf32> to vector<16xf32>
        %mul3A_971 = arith.constant 11.3137083 : f32
        %mul3A_972 = vector.broadcast %mul3A_971 : f32 to vector<16xf32>
        %mul3A_973 = arith.mulf %get3A_970, %mul3A_972 : vector<16xf32>
        %swap3A_974 = arith.constant 1 : i32
        %swap3A_975 = arith.index_cast %swap3A_974 : i32 to index
        %swap3A_976 = arith.index_cast %scan3A_886 : i32 to index
        %swap3A_977 = arith.constant 80 : index
        %swap3A_978 = tpu.vector_load %arg6[%swap3A_975, %swap3A_976, %swap3A_977] {strides = array<i32>} : memref<10x64x128xf32, #tpu.memory_space<vmem>>, vector<1x1x16xf32>,
        %swap3A_979 = vector.shape_cast %swap3A_978 : vector<1x1x16xf32> to vector<16xf32>
        %swap3A_980 = vector.shape_cast %mul3A_973 : vector<16xf32> to vector<1x1x16xf32>
        tpu.vector_store %arg6[%swap3A_975, %swap3A_976, %swap3A_977], %swap3A_980 {strides = array<i32>} : memref<10x64x128xf32, #tpu.memory_space<vmem>>, vector<1x1x16xf32>,
        %get3A_981 = arith.constant 1 : i32
        %get3A_982 = arith.index_cast %get3A_981 : i32 to index
        %get3A_983 = arith.index_cast %scan3A_886 : i32 to index
        %get3A_984 = arith.constant 96 : index
        %get3A_985 = tpu.vector_load %arg6[%get3A_982, %get3A_983, %get3A_984] {strides = array<i32>} : memref<10x64x128xf32, #tpu.memory_space<vmem>>, vector<1x1x16xf32>,
        %get3A_986 = vector.shape_cast %get3A_985 : vector<1x1x16xf32> to vector<16xf32>
        %mul3A_987 = arith.constant 11.3137083 : f32
        %mul3A_988 = vector.broadcast %mul3A_987 : f32 to vector<16xf32>
        %mul3A_989 = arith.mulf %get3A_986, %mul3A_988 : vector<16xf32>
        %swap3A_990 = arith.constant 1 : i32
        %swap3A_991 = arith.index_cast %swap3A_990 : i32 to index
        %swap3A_992 = arith.index_cast %scan3A_886 : i32 to index
        %swap3A_993 = arith.constant 96 : index
        %swap3A_994 = tpu.vector_load %arg6[%swap3A_991, %swap3A_992, %swap3A_993] {strides = array<i32>} : memref<10x64x128xf32, #tpu.memory_space<vmem>>, vector<1x1x16xf32>,
        %swap3A_995 = vector.shape_cast %swap3A_994 : vector<1x1x16xf32> to vector<16xf32>
        %swap3A_996 = vector.shape_cast %mul3A_989 : vector<16xf32> to vector<1x1x16xf32>
        tpu.vector_store %arg6[%swap3A_991, %swap3A_992, %swap3A_993], %swap3A_996 {strides = array<i32>} : memref<10x64x128xf32, #tpu.memory_space<vmem>>, vector<1x1x16xf32>,
        %get3A_997 = arith.constant 1 : i32
        %get3A_998 = arith.index_cast %get3A_997 : i32 to index
        %get3A_999 = arith.index_cast %scan3A_886 : i32 to index
        %get3A_1000 = arith.constant 112 : index
        %get3A_1001 = tpu.vector_load %arg6[%get3A_998, %get3A_999, %get3A_1000] {strides = array<i32>} : memref<10x64x128xf32, #tpu.memory_space<vmem>>, vector<1x1x16xf32>,
        %get3A_1002 = vector.shape_cast %get3A_1001 : vector<1x1x16xf32> to vector<16xf32>
        %mul3A_1003 = arith.constant 11.3137083 : f32
        %mul3A_1004 = vector.broadcast %mul3A_1003 : f32 to vector<16xf32>
        %mul3A_1005 = arith.mulf %get3A_1002, %mul3A_1004 : vector<16xf32>
        %swap3A_1006 = arith.constant 1 : i32
        %swap3A_1007 = arith.index_cast %swap3A_1006 : i32 to index
        %swap3A_1008 = arith.index_cast %scan3A_886 : i32 to index
        %swap3A_1009 = arith.constant 112 : index
        %swap3A_1010 = tpu.vector_load %arg6[%swap3A_1007, %swap3A_1008, %swap3A_1009] {strides = array<i32>} : memref<10x64x128xf32, #tpu.memory_space<vmem>>, vector<1x1x16xf32>,
        %swap3A_1011 = vector.shape_cast %swap3A_1010 : vector<1x1x16xf32> to vector<16xf32>
        %swap3A_1012 = vector.shape_cast %mul3A_1005 : vector<16xf32> to vector<1x1x16xf32>
        tpu.vector_store %arg6[%swap3A_1007, %swap3A_1008, %swap3A_1009], %swap3A_1012 {strides = array<i32>} : memref<10x64x128xf32, #tpu.memory_space<vmem>>, vector<1x1x16xf32>,
        %scan3A_1013 = arith.constant 1 : i32
        %scan3A_1014 = arith.addi %scan3A_886, %scan3A_1013 : i32
        %get3A_1015 = arith.constant 1 : i32
        %get3A_1016 = arith.index_cast %get3A_1015 : i32 to index
        %get3A_1017 = arith.index_cast %scan3A_1014 : i32 to index
        %get3A_1018 = arith.constant 0 : index
        %get3A_1019 = tpu.vector_load %arg6[%get3A_1016, %get3A_1017, %get3A_1018] {strides = array<i32>} : memref<10x64x128xf32, #tpu.memory_space<vmem>>, vector<1x1x16xf32>,
        %get3A_1020 = vector.shape_cast %get3A_1019 : vector<1x1x16xf32> to vector<16xf32>
        %mul3A_1021 = arith.constant 11.3137083 : f32
        %mul3A_1022 = vector.broadcast %mul3A_1021 : f32 to vector<16xf32>
        %mul3A_1023 = arith.mulf %get3A_1020, %mul3A_1022 : vector<16xf32>
        %swap3A_1024 = arith.constant 1 : i32
        %swap3A_1025 = arith.index_cast %swap3A_1024 : i32 to index
        %swap3A_1026 = arith.index_cast %scan3A_1014 : i32 to index
        %swap3A_1027 = arith.constant 0 : index
        %swap3A_1028 = tpu.vector_load %arg6[%swap3A_1025, %swap3A_1026, %swap3A_1027] {strides = array<i32>} : memref<10x64x128xf32, #tpu.memory_space<vmem>>, vector<1x1x16xf32>,
        %swap3A_1029 = vector.shape_cast %swap3A_1028 : vector<1x1x16xf32> to vector<16xf32>
        %swap3A_1030 = vector.shape_cast %mul3A_1023 : vector<16xf32> to vector<1x1x16xf32>
        tpu.vector_store %arg6[%swap3A_1025, %swap3A_1026, %swap3A_1027], %swap3A_1030 {strides = array<i32>} : memref<10x64x128xf32, #tpu.memory_space<vmem>>, vector<1x1x16xf32>,
        %get3A_1031 = arith.constant 1 : i32
        %get3A_1032 = arith.index_cast %get3A_1031 : i32 to index
        %get3A_1033 = arith.index_cast %scan3A_1014 : i32 to index
        %get3A_1034 = arith.constant 16 : index
        %get3A_1035 = tpu.vector_load %arg6[%get3A_1032, %get3A_1033, %get3A_1034] {strides = array<i32>} : memref<10x64x128xf32, #tpu.memory_space<vmem>>, vector<1x1x16xf32>,
        %get3A_1036 = vector.shape_cast %get3A_1035 : vector<1x1x16xf32> to vector<16xf32>
        %mul3A_1037 = arith.constant 11.3137083 : f32
        %mul3A_1038 = vector.broadcast %mul3A_1037 : f32 to vector<16xf32>
        %mul3A_1039 = arith.mulf %get3A_1036, %mul3A_1038 : vector<16xf32>
        %swap3A_1040 = arith.constant 1 : i32
        %swap3A_1041 = arith.index_cast %swap3A_1040 : i32 to index
        %swap3A_1042 = arith.index_cast %scan3A_1014 : i32 to index
        %swap3A_1043 = arith.constant 16 : index
        %swap3A_1044 = tpu.vector_load %arg6[%swap3A_1041, %swap3A_1042, %swap3A_1043] {strides = array<i32>} : memref<10x64x128xf32, #tpu.memory_space<vmem>>, vector<1x1x16xf32>,
        %swap3A_1045 = vector.shape_cast %swap3A_1044 : vector<1x1x16xf32> to vector<16xf32>
        %swap3A_1046 = vector.shape_cast %mul3A_1039 : vector<16xf32> to vector<1x1x16xf32>
        tpu.vector_store %arg6[%swap3A_1041, %swap3A_1042, %swap3A_1043], %swap3A_1046 {strides = array<i32>} : memref<10x64x128xf32, #tpu.memory_space<vmem>>, vector<1x1x16xf32>,
        %get3A_1047 = arith.constant 1 : i32
        %get3A_1048 = arith.index_cast %get3A_1047 : i32 to index
        %get3A_1049 = arith.index_cast %scan3A_1014 : i32 to index
        %get3A_1050 = arith.constant 32 : index
        %get3A_1051 = tpu.vector_load %arg6[%get3A_1048, %get3A_1049, %get3A_1050] {strides = array<i32>} : memref<10x64x128xf32, #tpu.memory_space<vmem>>, vector<1x1x16xf32>,
        %get3A_1052 = vector.shape_cast %get3A_1051 : vector<1x1x16xf32> to vector<16xf32>
        %mul3A_1053 = arith.constant 11.3137083 : f32
        %mul3A_1054 = vector.broadcast %mul3A_1053 : f32 to vector<16xf32>
        %mul3A_1055 = arith.mulf %get3A_1052, %mul3A_1054 : vector<16xf32>
        %swap3A_1056 = arith.constant 1 : i32
        %swap3A_1057 = arith.index_cast %swap3A_1056 : i32 to index
        %swap3A_1058 = arith.index_cast %scan3A_1014 : i32 to index
        %swap3A_1059 = arith.constant 32 : index
        %swap3A_1060 = tpu.vector_load %arg6[%swap3A_1057, %swap3A_1058, %swap3A_1059] {strides = array<i32>} : memref<10x64x128xf32, #tpu.memory_space<vmem>>, vector<1x1x16xf32>,
        %swap3A_1061 = vector.shape_cast %swap3A_1060 : vector<1x1x16xf32> to vector<16xf32>
        %swap3A_1062 = vector.shape_cast %mul3A_1055 : vector<16xf32> to vector<1x1x16xf32>
        tpu.vector_store %arg6[%swap3A_1057, %swap3A_1058, %swap3A_1059], %swap3A_1062 {strides = array<i32>} : memref<10x64x128xf32, #tpu.memory_space<vmem>>, vector<1x1x16xf32>,
        %get3A_1063 = arith.constant 1 : i32
        %get3A_1064 = arith.index_cast %get3A_1063 : i32 to index
        %get3A_1065 = arith.index_cast %scan3A_1014 : i32 to index
        %get3A_1066 = arith.constant 48 : index
        %get3A_1067 = tpu.vector_load %arg6[%get3A_1064, %get3A_1065, %get3A_1066] {strides = array<i32>} : memref<10x64x128xf32, #tpu.memory_space<vmem>>, vector<1x1x16xf32>,
        %get3A_1068 = vector.shape_cast %get3A_1067 : vector<1x1x16xf32> to vector<16xf32>
        %mul3A_1069 = arith.constant 11.3137083 : f32
        %mul3A_1070 = vector.broadcast %mul3A_1069 : f32 to vector<16xf32>
        %mul3A_1071 = arith.mulf %get3A_1068, %mul3A_1070 : vector<16xf32>
        %swap3A_1072 = arith.constant 1 : i32
        %swap3A_1073 = arith.index_cast %swap3A_1072 : i32 to index
        %swap3A_1074 = arith.index_cast %scan3A_1014 : i32 to index
        %swap3A_1075 = arith.constant 48 : index
        %swap3A_1076 = tpu.vector_load %arg6[%swap3A_1073, %swap3A_1074, %swap3A_1075] {strides = array<i32>} : memref<10x64x128xf32, #tpu.memory_space<vmem>>, vector<1x1x16xf32>,
        %swap3A_1077 = vector.shape_cast %swap3A_1076 : vector<1x1x16xf32> to vector<16xf32>
        %swap3A_1078 = vector.shape_cast %mul3A_1071 : vector<16xf32> to vector<1x1x16xf32>
        tpu.vector_store %arg6[%swap3A_1073, %swap3A_1074, %swap3A_1075], %swap3A_1078 {strides = array<i32>} : memref<10x64x128xf32, #tpu.memory_space<vmem>>, vector<1x1x16xf32>,
        %get3A_1079 = arith.constant 1 : i32
        %get3A_1080 = arith.index_cast %get3A_1079 : i32 to index
        %get3A_1081 = arith.index_cast %scan3A_1014 : i32 to index
        %get3A_1082 = arith.constant 64 : index
        %get3A_1083 = tpu.vector_load %arg6[%get3A_1080, %get3A_1081, %get3A_1082] {strides = array<i32>} : memref<10x64x128xf32, #tpu.memory_space<vmem>>, vector<1x1x16xf32>,
        %get3A_1084 = vector.shape_cast %get3A_1083 : vector<1x1x16xf32> to vector<16xf32>
        %mul3A_1085 = arith.constant 11.3137083 : f32
        %mul3A_1086 = vector.broadcast %mul3A_1085 : f32 to vector<16xf32>
        %mul3A_1087 = arith.mulf %get3A_1084, %mul3A_1086 : vector<16xf32>
        %swap3A_1088 = arith.constant 1 : i32
        %swap3A_1089 = arith.index_cast %swap3A_1088 : i32 to index
        %swap3A_1090 = arith.index_cast %scan3A_1014 : i32 to index
        %swap3A_1091 = arith.constant 64 : index
        %swap3A_1092 = tpu.vector_load %arg6[%swap3A_1089, %swap3A_1090, %swap3A_1091] {strides = array<i32>} : memref<10x64x128xf32, #tpu.memory_space<vmem>>, vector<1x1x16xf32>,
        %swap3A_1093 = vector.shape_cast %swap3A_1092 : vector<1x1x16xf32> to vector<16xf32>
        %swap3A_1094 = vector.shape_cast %mul3A_1087 : vector<16xf32> to vector<1x1x16xf32>
        tpu.vector_store %arg6[%swap3A_1089, %swap3A_1090, %swap3A_1091], %swap3A_1094 {strides = array<i32>} : memref<10x64x128xf32, #tpu.memory_space<vmem>>, vector<1x1x16xf32>,
        %get3A_1095 = arith.constant 1 : i32
        %get3A_1096 = arith.index_cast %get3A_1095 : i32 to index
        %get3A_1097 = arith.index_cast %scan3A_1014 : i32 to index
        %get3A_1098 = arith.constant 80 : index
        %get3A_1099 = tpu.vector_load %arg6[%get3A_1096, %get3A_1097, %get3A_1098] {strides = array<i32>} : memref<10x64x128xf32, #tpu.memory_space<vmem>>, vector<1x1x16xf32>,
        %get3A_1100 = vector.shape_cast %get3A_1099 : vector<1x1x16xf32> to vector<16xf32>
        %mul3A_1101 = arith.constant 11.3137083 : f32
        %mul3A_1102 = vector.broadcast %mul3A_1101 : f32 to vector<16xf32>
        %mul3A_1103 = arith.mulf %get3A_1100, %mul3A_1102 : vector<16xf32>
        %swap3A_1104 = arith.constant 1 : i32
        %swap3A_1105 = arith.index_cast %swap3A_1104 : i32 to index
        %swap3A_1106 = arith.index_cast %scan3A_1014 : i32 to index
        %swap3A_1107 = arith.constant 80 : index
        %swap3A_1108 = tpu.vector_load %arg6[%swap3A_1105, %swap3A_1106, %swap3A_1107] {strides = array<i32>} : memref<10x64x128xf32, #tpu.memory_space<vmem>>, vector<1x1x16xf32>,
        %swap3A_1109 = vector.shape_cast %swap3A_1108 : vector<1x1x16xf32> to vector<16xf32>
        %swap3A_1110 = vector.shape_cast %mul3A_1103 : vector<16xf32> to vector<1x1x16xf32>
        tpu.vector_store %arg6[%swap3A_1105, %swap3A_1106, %swap3A_1107], %swap3A_1110 {strides = array<i32>} : memref<10x64x128xf32, #tpu.memory_space<vmem>>, vector<1x1x16xf32>,
        %get3A_1111 = arith.constant 1 : i32
        %get3A_1112 = arith.index_cast %get3A_1111 : i32 to index
        %get3A_1113 = arith.index_cast %scan3A_1014 : i32 to index
        %get3A_1114 = arith.constant 96 : index
        %get3A_1115 = tpu.vector_load %arg6[%get3A_1112, %get3A_1113, %get3A_1114] {strides = array<i32>} : memref<10x64x128xf32, #tpu.memory_space<vmem>>, vector<1x1x16xf32>,
        %get3A_1116 = vector.shape_cast %get3A_1115 : vector<1x1x16xf32> to vector<16xf32>
        %mul3A_1117 = arith.constant 11.3137083 : f32
        %mul3A_1118 = vector.broadcast %mul3A_1117 : f32 to vector<16xf32>
        %mul3A_1119 = arith.mulf %get3A_1116, %mul3A_1118 : vector<16xf32>
        %swap3A_1120 = arith.constant 1 : i32
        %swap3A_1121 = arith.index_cast %swap3A_1120 : i32 to index
        %swap3A_1122 = arith.index_cast %scan3A_1014 : i32 to index
        %swap3A_1123 = arith.constant 96 : index
        %swap3A_1124 = tpu.vector_load %arg6[%swap3A_1121, %swap3A_1122, %swap3A_1123] {strides = array<i32>} : memref<10x64x128xf32, #tpu.memory_space<vmem>>, vector<1x1x16xf32>,
        %swap3A_1125 = vector.shape_cast %swap3A_1124 : vector<1x1x16xf32> to vector<16xf32>
        %swap3A_1126 = vector.shape_cast %mul3A_1119 : vector<16xf32> to vector<1x1x16xf32>
        tpu.vector_store %arg6[%swap3A_1121, %swap3A_1122, %swap3A_1123], %swap3A_1126 {strides = array<i32>} : memref<10x64x128xf32, #tpu.memory_space<vmem>>, vector<1x1x16xf32>,
        %get3A_1127 = arith.constant 1 : i32
        %get3A_1128 = arith.index_cast %get3A_1127 : i32 to index
        %get3A_1129 = arith.index_cast %scan3A_1014 : i32 to index
        %get3A_1130 = arith.constant 112 : index
        %get3A_1131 = tpu.vector_load %arg6[%get3A_1128, %get3A_1129, %get3A_1130] {strides = array<i32>} : memref<10x64x128xf32, #tpu.memory_space<vmem>>, vector<1x1x16xf32>,
        %get3A_1132 = vector.shape_cast %get3A_1131 : vector<1x1x16xf32> to vector<16xf32>
        %mul3A_1133 = arith.constant 11.3137083 : f32
        %mul3A_1134 = vector.broadcast %mul3A_1133 : f32 to vector<16xf32>
        %mul3A_1135 = arith.mulf %get3A_1132, %mul3A_1134 : vector<16xf32>
        %swap3A_1136 = arith.constant 1 : i32
        %swap3A_1137 = arith.index_cast %swap3A_1136 : i32 to index
        %swap3A_1138 = arith.index_cast %scan3A_1014 : i32 to index
        %swap3A_1139 = arith.constant 112 : index
        %swap3A_1140 = tpu.vector_load %arg6[%swap3A_1137, %swap3A_1138, %swap3A_1139] {strides = array<i32>} : memref<10x64x128xf32, #tpu.memory_space<vmem>>, vector<1x1x16xf32>,
        %swap3A_1141 = vector.shape_cast %swap3A_1140 : vector<1x1x16xf32> to vector<16xf32>
        %swap3A_1142 = vector.shape_cast %mul3A_1135 : vector<16xf32> to vector<1x1x16xf32>
        tpu.vector_store %arg6[%swap3A_1137, %swap3A_1138, %swap3A_1139], %swap3A_1142 {strides = array<i32>} : memref<10x64x128xf32, #tpu.memory_space<vmem>>, vector<1x1x16xf32>,
      }
      %scan3A_403 = arith.constant 64 : i32
      %add3A_404 = arith.constant 4 : i32
      %add3A_405 = arith.addi %mul3A_328, %add3A_404 : i32
      %mul3A_406 = arith.constant 2 : i32
      %mul3A_407 = arith.muli %add3A_383, %mul3A_406 : i32
      %add3A_408 = arith.constant 1 : i32
      %add3A_409 = arith.addi %mul3A_407, %add3A_408 : i32
      %add3A_410 = arith.constant 8 : i32
      %add3A_411 = arith.addi %add3A_409, %add3A_410 : i32
      %lt3A_412 = arith.constant 100 : i32
      %lt3A_413 = arith.cmpi slt, %add3A_411, %lt3A_412 : i32
      %convert_element_type3A_414 = arith.extui %lt3A_413 : i1 to i32
      %cond3A_415 = arith.constant 0 : i32
      %cond3A_416 = arith.cmpi ne, %convert_element_type3A_414, %cond3A_415 : i32
      scf.if %cond3A_416 {
        %ge3A = arith.constant 10 : i32
        %ge3A_886 = arith.cmpi sge, %add3A_411, %ge3A : i32
        %convert_element_type3A_887 = arith.extui %ge3A_886 : i1 to i32
        %cond3A_888 = arith.constant 0 : i32
        %cond3A_889 = arith.cmpi ne, %convert_element_type3A_887, %cond3A_888 : i32
        scf.if %cond3A_889 {
          %sub3A = arith.constant 5 : i32
          %sub3A_904 = arith.subi %add3A_405, %sub3A : i32
          %mul3A_905 = arith.constant 4096 : i32
          %mul3A_906 = arith.muli %sub3A_904, %mul3A_905 : i32
          %add3A_907 = arith.addi %mul3A_906, %mul3A_2 : i32
          %add3A_908 = arith.constant 64 : i32
          %add3A_909 = arith.addi %add3A_907, %add3A_908 : i32
          %dma_wait3A_910 = arith.constant 9 : i32
          %dma_wait3A_911 = arith.constant 9 : i32
          %dma_wait3A_912 = arith.constant 0 : i32
          %dma_wait3A_913 = arith.constant 0 : i32
          %dma_wait3A_914 = tpu.memref_slice %arg6[%dma_wait3A_910, %dma_wait3A_912, %dma_wait3A_913] : memref<10x64x128xf32, #tpu.memory_space<vmem>> -> memref<1x64x128xf32, #tpu.memory_space<vmem>>
          %dma_wait3A_915 = tpu.memref_squeeze %dma_wait3A_914 : memref<1x64x128xf32, #tpu.memory_space<vmem>> -> memref<64x128xf32, #tpu.memory_space<vmem>>
          %dma_wait3A_916 = arith.constant 0 : i32
          %dma_wait3A_917 = tpu.memref_slice %arg4[%add3A_909, %dma_wait3A_916] : memref<204800x128xf32, #tpu.memory_space<hbm>> -> memref<64x128xf32, #tpu.memory_space<hbm>>
          %dma_wait3A_918 = tpu.memref_slice %arg8[%dma_wait3A_911] : memref<10x!tpu.dma_semaphore, #tpu.memory_space<semaphore_mem>> -> memref<1x!tpu.dma_semaphore, #tpu.memory_space<semaphore_mem>>
          %dma_wait3A_919 = tpu.memref_squeeze %dma_wait3A_918 : memref<1x!tpu.dma_semaphore, #tpu.memory_space<semaphore_mem>> -> memref<!tpu.dma_semaphore, #tpu.memory_space<semaphore_mem>>
          %dma_wait3A_920 = arith.constant 0 : i32
          %dma_wait3A_921 = tpu.memref_slice %arg4[%add3A_909, %dma_wait3A_920] : memref<204800x128xf32, #tpu.memory_space<hbm>> -> memref<64x128xf32, #tpu.memory_space<hbm>>
          %dma_wait3A_922 = arith.constant 0 : i32
          %dma_wait3A_923 = arith.constant 0 : i32
          %dma_wait3A_924 = tpu.memref_slice %arg6[%dma_wait3A_910, %dma_wait3A_922, %dma_wait3A_923] : memref<10x64x128xf32, #tpu.memory_space<vmem>> -> memref<1x64x128xf32, #tpu.memory_space<vmem>>
          %dma_wait3A_925 = tpu.memref_squeeze %dma_wait3A_924 : memref<1x64x128xf32, #tpu.memory_space<vmem>> -> memref<64x128xf32, #tpu.memory_space<vmem>>
          tpu.wait_dma2 semaphore(%dma_wait3A_919 : memref<!tpu.dma_semaphore, #tpu.memory_space<semaphore_mem>>) src(%dma_wait3A_925 : memref<64x128xf32, #tpu.memory_space<vmem>>) dst(%dma_wait3A_921 : memref<64x128xf32, #tpu.memory_space<hbm>>)
        } else {
        }
        %dma_start3A_890 = arith.constant 9 : i32
        %dma_start3A_891 = arith.constant 9 : i32
        %dma_start3A_892 = arith.constant 0 : i32
        %dma_start3A_893 = arith.constant 0 : i32
        %dma_start3A_894 = tpu.memref_slice %arg6[%dma_start3A_890, %dma_start3A_892, %dma_start3A_893] : memref<10x64x128xf32, #tpu.memory_space<vmem>> -> memref<1x64x128xf32, #tpu.memory_space<vmem>>
        %dma_start3A_895 = tpu.memref_squeeze %dma_start3A_894 : memref<1x64x128xf32, #tpu.memory_space<vmem>> -> memref<64x128xf32, #tpu.memory_space<vmem>>
        %dma_start3A_896 = arith.constant 64 : i32
        %dma_start3A_897 = tpu.memref_slice %arg5[%add3A_405, %dma_start3A_896] : memref<50x128xi32, #tpu.memory_space<vmem>> -> memref<1x64xi32, #tpu.memory_space<vmem>>
        %dma_start3A_898 = tpu.memref_squeeze %dma_start3A_897 : memref<1x64xi32, #tpu.memory_space<vmem>> -> memref<64xi32, #tpu.memory_space<vmem>>
        %dma_start3A_899 = arith.constant 0 : i32
        %dma_start3A_900 = arith.constant 0 : i32
        %dma_start3A_901 = tpu.memref_slice %arg3[%dma_start3A_899, %dma_start3A_900] : memref<100000x128xf32, #tpu.memory_space<hbm>> -> memref<100000x128xf32, #tpu.memory_space<hbm>>
        %dma_start3A_902 = tpu.memref_slice %arg7[%dma_start3A_891] : memref<10x!tpu.dma_semaphore, #tpu.memory_space<semaphore_mem>> -> memref<1x!tpu.dma_semaphore, #tpu.memory_space<semaphore_mem>>
        %dma_start3A_903 = tpu.memref_squeeze %dma_start3A_902 : memref<1x!tpu.dma_semaphore, #tpu.memory_space<semaphore_mem>> -> memref<!tpu.dma_semaphore, #tpu.memory_space<semaphore_mem>>
        tpu.enqueue_indirect_dma source(%dma_start3A_901 : memref<100000x128xf32, #tpu.memory_space<hbm>>) target(%dma_start3A_895 : memref<64x128xf32, #tpu.memory_space<vmem>>) offsets(%dma_start3A_898 : memref<64xi32, #tpu.memory_space<vmem>>) semaphore(%dma_start3A_903 : memref<!tpu.dma_semaphore, #tpu.memory_space<semaphore_mem>>)
      } else {
      }
      %mul3A_417 = arith.constant 4096 : i32
      %mul3A_418 = arith.muli %add3A_383, %mul3A_417 : i32
      %add3A_419 = arith.addi %mul3A_418, %mul3A_2 : i32
      %add3A_420 = arith.constant 64 : i32
      %add3A_421 = arith.addi %add3A_419, %add3A_420 : i32
      %dma_start3A_422 = arith.constant 1 : i32
      %dma_start3A_423 = arith.constant 1 : i32
      %dma_start3A_424 = arith.constant 0 : i32
      %dma_start3A_425 = arith.constant 0 : i32
      %dma_start3A_426 = tpu.memref_slice %arg6[%dma_start3A_422, %dma_start3A_424, %dma_start3A_425] : memref<10x64x128xf32, #tpu.memory_space<vmem>> -> memref<1x64x128xf32, #tpu.memory_space<vmem>>
      %dma_start3A_427 = tpu.memref_squeeze %dma_start3A_426 : memref<1x64x128xf32, #tpu.memory_space<vmem>> -> memref<64x128xf32, #tpu.memory_space<vmem>>
      %dma_start3A_428 = arith.constant 0 : i32
      %dma_start3A_429 = tpu.memref_slice %arg4[%add3A_421, %dma_start3A_428] : memref<204800x128xf32, #tpu.memory_space<hbm>> -> memref<64x128xf32, #tpu.memory_space<hbm>>
      %dma_start3A_430 = tpu.memref_slice %arg8[%dma_start3A_423] : memref<10x!tpu.dma_semaphore, #tpu.memory_space<semaphore_mem>> -> memref<1x!tpu.dma_semaphore, #tpu.memory_space<semaphore_mem>>
      %dma_start3A_431 = tpu.memref_squeeze %dma_start3A_430 : memref<1x!tpu.dma_semaphore, #tpu.memory_space<semaphore_mem>> -> memref<!tpu.dma_semaphore, #tpu.memory_space<semaphore_mem>>
      %dma_start3A_432 = arith.constant 0 : i32
      %dma_start3A_433 = tpu.memref_slice %arg4[%add3A_421, %dma_start3A_432] : memref<204800x128xf32, #tpu.memory_space<hbm>> -> memref<64x128xf32, #tpu.memory_space<hbm>>
      %dma_start3A_434 = arith.constant 0 : i32
      %dma_start3A_435 = arith.constant 0 : i32
      %dma_start3A_436 = tpu.memref_slice %arg6[%dma_start3A_422, %dma_start3A_434, %dma_start3A_435] : memref<10x64x128xf32, #tpu.memory_space<vmem>> -> memref<1x64x128xf32, #tpu.memory_space<vmem>>
      %dma_start3A_437 = tpu.memref_squeeze %dma_start3A_436 : memref<1x64x128xf32, #tpu.memory_space<vmem>> -> memref<64x128xf32, #tpu.memory_space<vmem>>
      tpu.enqueue_dma source(%dma_start3A_437 : memref<64x128xf32, #tpu.memory_space<vmem>>) target(%dma_start3A_433 : memref<64x128xf32, #tpu.memory_space<hbm>>) target_semaphore(%dma_start3A_431 : memref<!tpu.dma_semaphore, #tpu.memory_space<semaphore_mem>>)
      %add3A_438 = arith.constant 1 : i32
      %add3A_439 = arith.addi %mul3A_328, %add3A_438 : i32
      %dma_wait3A_440 = arith.constant 2 : i32
      %dma_wait3A_441 = arith.constant 2 : i32
      %dma_wait3A_442 = arith.constant 0 : i32
      %dma_wait3A_443 = arith.constant 0 : i32
      %dma_wait3A_444 = tpu.memref_slice %arg6[%dma_wait3A_440, %dma_wait3A_442, %dma_wait3A_443] : memref<10x64x128xf32, #tpu.memory_space<vmem>> -> memref<1x64x128xf32, #tpu.memory_space<vmem>>
      %dma_wait3A_445 = tpu.memref_squeeze %dma_wait3A_444 : memref<1x64x128xf32, #tpu.memory_space<vmem>> -> memref<64x128xf32, #tpu.memory_space<vmem>>
      %dma_wait3A_446 = arith.constant 0 : i32
      %dma_wait3A_447 = tpu.memref_slice %arg5[%add3A_439, %dma_wait3A_446] : memref<50x128xi32, #tpu.memory_space<vmem>> -> memref<1x64xi32, #tpu.memory_space<vmem>>
      %dma_wait3A_448 = tpu.memref_squeeze %dma_wait3A_447 : memref<1x64xi32, #tpu.memory_space<vmem>> -> memref<64xi32, #tpu.memory_space<vmem>>
      %dma_wait3A_449 = arith.constant 0 : i32
      %dma_wait3A_450 = arith.constant 0 : i32
      %dma_wait3A_451 = tpu.memref_slice %arg3[%dma_wait3A_449, %dma_wait3A_450] : memref<100000x128xf32, #tpu.memory_space<hbm>> -> memref<100000x128xf32, #tpu.memory_space<hbm>>
      %dma_wait3A_452 = tpu.memref_slice %arg7[%dma_wait3A_441] : memref<10x!tpu.dma_semaphore, #tpu.memory_space<semaphore_mem>> -> memref<1x!tpu.dma_semaphore, #tpu.memory_space<semaphore_mem>>
      %dma_wait3A_453 = tpu.memref_squeeze %dma_wait3A_452 : memref<1x!tpu.dma_semaphore, #tpu.memory_space<semaphore_mem>> -> memref<!tpu.dma_semaphore, #tpu.memory_space<semaphore_mem>>
      tpu.wait_indirect_dma semaphore(%dma_wait3A_453 : memref<!tpu.dma_semaphore, #tpu.memory_space<semaphore_mem>>) src(%dma_wait3A_451 : memref<100000x128xf32, #tpu.memory_space<hbm>>) dst(%dma_wait3A_445 : memref<64x128xf32, #tpu.memory_space<vmem>>)
      %scan3A_454 = arith.constant 0 : i32
      %scan3A_455 = arith.constant 0 : i32
      %scan3A_456 = arith.constant 64 : i32
      %scan3A_457 = arith.addi %scan3A_455, %scan3A_456 : i32
      %scan3A_458 = arith.constant 2 : i32
      scf.for %scan3A_886 = %scan3A_455 to %scan3A_457 step %scan3A_458  : i32 {
        %get3A = arith.constant 2 : i32
        %get3A_887 = arith.index_cast %get3A : i32 to index
        %get3A_888 = arith.index_cast %scan3A_886 : i32 to index
        %get3A_889 = arith.constant 0 : index
        %get3A_890 = tpu.vector_load %arg6[%get3A_887, %get3A_888, %get3A_889] {strides = array<i32>} : memref<10x64x128xf32, #tpu.memory_space<vmem>>, vector<1x1x16xf32>,
        %get3A_891 = vector.shape_cast %get3A_890 : vector<1x1x16xf32> to vector<16xf32>
        %mul3A_892 = arith.constant 11.3137083 : f32
        %mul3A_893 = vector.broadcast %mul3A_892 : f32 to vector<16xf32>
        %mul3A_894 = arith.mulf %get3A_891, %mul3A_893 : vector<16xf32>
        %swap3A = arith.constant 2 : i32
        %swap3A_895 = arith.index_cast %swap3A : i32 to index
        %swap3A_896 = arith.index_cast %scan3A_886 : i32 to index
        %swap3A_897 = arith.constant 0 : index
        %swap3A_898 = tpu.vector_load %arg6[%swap3A_895, %swap3A_896, %swap3A_897] {strides = array<i32>} : memref<10x64x128xf32, #tpu.memory_space<vmem>>, vector<1x1x16xf32>,
        %swap3A_899 = vector.shape_cast %swap3A_898 : vector<1x1x16xf32> to vector<16xf32>
        %swap3A_900 = vector.shape_cast %mul3A_894 : vector<16xf32> to vector<1x1x16xf32>
        tpu.vector_store %arg6[%swap3A_895, %swap3A_896, %swap3A_897], %swap3A_900 {strides = array<i32>} : memref<10x64x128xf32, #tpu.memory_space<vmem>>, vector<1x1x16xf32>,
        %get3A_901 = arith.constant 2 : i32
        %get3A_902 = arith.index_cast %get3A_901 : i32 to index
        %get3A_903 = arith.index_cast %scan3A_886 : i32 to index
        %get3A_904 = arith.constant 16 : index
        %get3A_905 = tpu.vector_load %arg6[%get3A_902, %get3A_903, %get3A_904] {strides = array<i32>} : memref<10x64x128xf32, #tpu.memory_space<vmem>>, vector<1x1x16xf32>,
        %get3A_906 = vector.shape_cast %get3A_905 : vector<1x1x16xf32> to vector<16xf32>
        %mul3A_907 = arith.constant 11.3137083 : f32
        %mul3A_908 = vector.broadcast %mul3A_907 : f32 to vector<16xf32>
        %mul3A_909 = arith.mulf %get3A_906, %mul3A_908 : vector<16xf32>
        %swap3A_910 = arith.constant 2 : i32
        %swap3A_911 = arith.index_cast %swap3A_910 : i32 to index
        %swap3A_912 = arith.index_cast %scan3A_886 : i32 to index
        %swap3A_913 = arith.constant 16 : index
        %swap3A_914 = tpu.vector_load %arg6[%swap3A_911, %swap3A_912, %swap3A_913] {strides = array<i32>} : memref<10x64x128xf32, #tpu.memory_space<vmem>>, vector<1x1x16xf32>,
        %swap3A_915 = vector.shape_cast %swap3A_914 : vector<1x1x16xf32> to vector<16xf32>
        %swap3A_916 = vector.shape_cast %mul3A_909 : vector<16xf32> to vector<1x1x16xf32>
        tpu.vector_store %arg6[%swap3A_911, %swap3A_912, %swap3A_913], %swap3A_916 {strides = array<i32>} : memref<10x64x128xf32, #tpu.memory_space<vmem>>, vector<1x1x16xf32>,
        %get3A_917 = arith.constant 2 : i32
        %get3A_918 = arith.index_cast %get3A_917 : i32 to index
        %get3A_919 = arith.index_cast %scan3A_886 : i32 to index
        %get3A_920 = arith.constant 32 : index
        %get3A_921 = tpu.vector_load %arg6[%get3A_918, %get3A_919, %get3A_920] {strides = array<i32>} : memref<10x64x128xf32, #tpu.memory_space<vmem>>, vector<1x1x16xf32>,
        %get3A_922 = vector.shape_cast %get3A_921 : vector<1x1x16xf32> to vector<16xf32>
        %mul3A_923 = arith.constant 11.3137083 : f32
        %mul3A_924 = vector.broadcast %mul3A_923 : f32 to vector<16xf32>
        %mul3A_925 = arith.mulf %get3A_922, %mul3A_924 : vector<16xf32>
        %swap3A_926 = arith.constant 2 : i32
        %swap3A_927 = arith.index_cast %swap3A_926 : i32 to index
        %swap3A_928 = arith.index_cast %scan3A_886 : i32 to index
        %swap3A_929 = arith.constant 32 : index
        %swap3A_930 = tpu.vector_load %arg6[%swap3A_927, %swap3A_928, %swap3A_929] {strides = array<i32>} : memref<10x64x128xf32, #tpu.memory_space<vmem>>, vector<1x1x16xf32>,
        %swap3A_931 = vector.shape_cast %swap3A_930 : vector<1x1x16xf32> to vector<16xf32>
        %swap3A_932 = vector.shape_cast %mul3A_925 : vector<16xf32> to vector<1x1x16xf32>
        tpu.vector_store %arg6[%swap3A_927, %swap3A_928, %swap3A_929], %swap3A_932 {strides = array<i32>} : memref<10x64x128xf32, #tpu.memory_space<vmem>>, vector<1x1x16xf32>,
        %get3A_933 = arith.constant 2 : i32
        %get3A_934 = arith.index_cast %get3A_933 : i32 to index
        %get3A_935 = arith.index_cast %scan3A_886 : i32 to index
        %get3A_936 = arith.constant 48 : index
        %get3A_937 = tpu.vector_load %arg6[%get3A_934, %get3A_935, %get3A_936] {strides = array<i32>} : memref<10x64x128xf32, #tpu.memory_space<vmem>>, vector<1x1x16xf32>,
        %get3A_938 = vector.shape_cast %get3A_937 : vector<1x1x16xf32> to vector<16xf32>
        %mul3A_939 = arith.constant 11.3137083 : f32
        %mul3A_940 = vector.broadcast %mul3A_939 : f32 to vector<16xf32>
        %mul3A_941 = arith.mulf %get3A_938, %mul3A_940 : vector<16xf32>
        %swap3A_942 = arith.constant 2 : i32
        %swap3A_943 = arith.index_cast %swap3A_942 : i32 to index
        %swap3A_944 = arith.index_cast %scan3A_886 : i32 to index
        %swap3A_945 = arith.constant 48 : index
        %swap3A_946 = tpu.vector_load %arg6[%swap3A_943, %swap3A_944, %swap3A_945] {strides = array<i32>} : memref<10x64x128xf32, #tpu.memory_space<vmem>>, vector<1x1x16xf32>,
        %swap3A_947 = vector.shape_cast %swap3A_946 : vector<1x1x16xf32> to vector<16xf32>
        %swap3A_948 = vector.shape_cast %mul3A_941 : vector<16xf32> to vector<1x1x16xf32>
        tpu.vector_store %arg6[%swap3A_943, %swap3A_944, %swap3A_945], %swap3A_948 {strides = array<i32>} : memref<10x64x128xf32, #tpu.memory_space<vmem>>, vector<1x1x16xf32>,
        %get3A_949 = arith.constant 2 : i32
        %get3A_950 = arith.index_cast %get3A_949 : i32 to index
        %get3A_951 = arith.index_cast %scan3A_886 : i32 to index
        %get3A_952 = arith.constant 64 : index
        %get3A_953 = tpu.vector_load %arg6[%get3A_950, %get3A_951, %get3A_952] {strides = array<i32>} : memref<10x64x128xf32, #tpu.memory_space<vmem>>, vector<1x1x16xf32>,
        %get3A_954 = vector.shape_cast %get3A_953 : vector<1x1x16xf32> to vector<16xf32>
        %mul3A_955 = arith.constant 11.3137083 : f32
        %mul3A_956 = vector.broadcast %mul3A_955 : f32 to vector<16xf32>
        %mul3A_957 = arith.mulf %get3A_954, %mul3A_956 : vector<16xf32>
        %swap3A_958 = arith.constant 2 : i32
        %swap3A_959 = arith.index_cast %swap3A_958 : i32 to index
        %swap3A_960 = arith.index_cast %scan3A_886 : i32 to index
        %swap3A_961 = arith.constant 64 : index
        %swap3A_962 = tpu.vector_load %arg6[%swap3A_959, %swap3A_960, %swap3A_961] {strides = array<i32>} : memref<10x64x128xf32, #tpu.memory_space<vmem>>, vector<1x1x16xf32>,
        %swap3A_963 = vector.shape_cast %swap3A_962 : vector<1x1x16xf32> to vector<16xf32>
        %swap3A_964 = vector.shape_cast %mul3A_957 : vector<16xf32> to vector<1x1x16xf32>
        tpu.vector_store %arg6[%swap3A_959, %swap3A_960, %swap3A_961], %swap3A_964 {strides = array<i32>} : memref<10x64x128xf32, #tpu.memory_space<vmem>>, vector<1x1x16xf32>,
        %get3A_965 = arith.constant 2 : i32
        %get3A_966 = arith.index_cast %get3A_965 : i32 to index
        %get3A_967 = arith.index_cast %scan3A_886 : i32 to index
        %get3A_968 = arith.constant 80 : index
        %get3A_969 = tpu.vector_load %arg6[%get3A_966, %get3A_967, %get3A_968] {strides = array<i32>} : memref<10x64x128xf32, #tpu.memory_space<vmem>>, vector<1x1x16xf32>,
        %get3A_970 = vector.shape_cast %get3A_969 : vector<1x1x16xf32> to vector<16xf32>
        %mul3A_971 = arith.constant 11.3137083 : f32
        %mul3A_972 = vector.broadcast %mul3A_971 : f32 to vector<16xf32>
        %mul3A_973 = arith.mulf %get3A_970, %mul3A_972 : vector<16xf32>
        %swap3A_974 = arith.constant 2 : i32
        %swap3A_975 = arith.index_cast %swap3A_974 : i32 to index
        %swap3A_976 = arith.index_cast %scan3A_886 : i32 to index
        %swap3A_977 = arith.constant 80 : index
        %swap3A_978 = tpu.vector_load %arg6[%swap3A_975, %swap3A_976, %swap3A_977] {strides = array<i32>} : memref<10x64x128xf32, #tpu.memory_space<vmem>>, vector<1x1x16xf32>,
        %swap3A_979 = vector.shape_cast %swap3A_978 : vector<1x1x16xf32> to vector<16xf32>
        %swap3A_980 = vector.shape_cast %mul3A_973 : vector<16xf32> to vector<1x1x16xf32>
        tpu.vector_store %arg6[%swap3A_975, %swap3A_976, %swap3A_977], %swap3A_980 {strides = array<i32>} : memref<10x64x128xf32, #tpu.memory_space<vmem>>, vector<1x1x16xf32>,
        %get3A_981 = arith.constant 2 : i32
        %get3A_982 = arith.index_cast %get3A_981 : i32 to index
        %get3A_983 = arith.index_cast %scan3A_886 : i32 to index
        %get3A_984 = arith.constant 96 : index
        %get3A_985 = tpu.vector_load %arg6[%get3A_982, %get3A_983, %get3A_984] {strides = array<i32>} : memref<10x64x128xf32, #tpu.memory_space<vmem>>, vector<1x1x16xf32>,
        %get3A_986 = vector.shape_cast %get3A_985 : vector<1x1x16xf32> to vector<16xf32>
        %mul3A_987 = arith.constant 11.3137083 : f32
        %mul3A_988 = vector.broadcast %mul3A_987 : f32 to vector<16xf32>
        %mul3A_989 = arith.mulf %get3A_986, %mul3A_988 : vector<16xf32>
        %swap3A_990 = arith.constant 2 : i32
        %swap3A_991 = arith.index_cast %swap3A_990 : i32 to index
        %swap3A_992 = arith.index_cast %scan3A_886 : i32 to index
        %swap3A_993 = arith.constant 96 : index
        %swap3A_994 = tpu.vector_load %arg6[%swap3A_991, %swap3A_992, %swap3A_993] {strides = array<i32>} : memref<10x64x128xf32, #tpu.memory_space<vmem>>, vector<1x1x16xf32>,
        %swap3A_995 = vector.shape_cast %swap3A_994 : vector<1x1x16xf32> to vector<16xf32>
        %swap3A_996 = vector.shape_cast %mul3A_989 : vector<16xf32> to vector<1x1x16xf32>
        tpu.vector_store %arg6[%swap3A_991, %swap3A_992, %swap3A_993], %swap3A_996 {strides = array<i32>} : memref<10x64x128xf32, #tpu.memory_space<vmem>>, vector<1x1x16xf32>,
        %get3A_997 = arith.constant 2 : i32
        %get3A_998 = arith.index_cast %get3A_997 : i32 to index
        %get3A_999 = arith.index_cast %scan3A_886 : i32 to index
        %get3A_1000 = arith.constant 112 : index
        %get3A_1001 = tpu.vector_load %arg6[%get3A_998, %get3A_999, %get3A_1000] {strides = array<i32>} : memref<10x64x128xf32, #tpu.memory_space<vmem>>, vector<1x1x16xf32>,
        %get3A_1002 = vector.shape_cast %get3A_1001 : vector<1x1x16xf32> to vector<16xf32>
        %mul3A_1003 = arith.constant 11.3137083 : f32
        %mul3A_1004 = vector.broadcast %mul3A_1003 : f32 to vector<16xf32>
        %mul3A_1005 = arith.mulf %get3A_1002, %mul3A_1004 : vector<16xf32>
        %swap3A_1006 = arith.constant 2 : i32
        %swap3A_1007 = arith.index_cast %swap3A_1006 : i32 to index
        %swap3A_1008 = arith.index_cast %scan3A_886 : i32 to index
        %swap3A_1009 = arith.constant 112 : index
        %swap3A_1010 = tpu.vector_load %arg6[%swap3A_1007, %swap3A_1008, %swap3A_1009] {strides = array<i32>} : memref<10x64x128xf32, #tpu.memory_space<vmem>>, vector<1x1x16xf32>,
        %swap3A_1011 = vector.shape_cast %swap3A_1010 : vector<1x1x16xf32> to vector<16xf32>
        %swap3A_1012 = vector.shape_cast %mul3A_1005 : vector<16xf32> to vector<1x1x16xf32>
        tpu.vector_store %arg6[%swap3A_1007, %swap3A_1008, %swap3A_1009], %swap3A_1012 {strides = array<i32>} : memref<10x64x128xf32, #tpu.memory_space<vmem>>, vector<1x1x16xf32>,
        %scan3A_1013 = arith.constant 1 : i32
        %scan3A_1014 = arith.addi %scan3A_886, %scan3A_1013 : i32
        %get3A_1015 = arith.constant 2 : i32
        %get3A_1016 = arith.index_cast %get3A_1015 : i32 to index
        %get3A_1017 = arith.index_cast %scan3A_1014 : i32 to index
        %get3A_1018 = arith.constant 0 : index
        %get3A_1019 = tpu.vector_load %arg6[%get3A_1016, %get3A_1017, %get3A_1018] {strides = array<i32>} : memref<10x64x128xf32, #tpu.memory_space<vmem>>, vector<1x1x16xf32>,
        %get3A_1020 = vector.shape_cast %get3A_1019 : vector<1x1x16xf32> to vector<16xf32>
        %mul3A_1021 = arith.constant 11.3137083 : f32
        %mul3A_1022 = vector.broadcast %mul3A_1021 : f32 to vector<16xf32>
        %mul3A_1023 = arith.mulf %get3A_1020, %mul3A_1022 : vector<16xf32>
        %swap3A_1024 = arith.constant 2 : i32
        %swap3A_1025 = arith.index_cast %swap3A_1024 : i32 to index
        %swap3A_1026 = arith.index_cast %scan3A_1014 : i32 to index
        %swap3A_1027 = arith.constant 0 : index
        %swap3A_1028 = tpu.vector_load %arg6[%swap3A_1025, %swap3A_1026, %swap3A_1027] {strides = array<i32>} : memref<10x64x128xf32, #tpu.memory_space<vmem>>, vector<1x1x16xf32>,
        %swap3A_1029 = vector.shape_cast %swap3A_1028 : vector<1x1x16xf32> to vector<16xf32>
        %swap3A_1030 = vector.shape_cast %mul3A_1023 : vector<16xf32> to vector<1x1x16xf32>
        tpu.vector_store %arg6[%swap3A_1025, %swap3A_1026, %swap3A_1027], %swap3A_1030 {strides = array<i32>} : memref<10x64x128xf32, #tpu.memory_space<vmem>>, vector<1x1x16xf32>,
        %get3A_1031 = arith.constant 2 : i32
        %get3A_1032 = arith.index_cast %get3A_1031 : i32 to index
        %get3A_1033 = arith.index_cast %scan3A_1014 : i32 to index
        %get3A_1034 = arith.constant 16 : index
        %get3A_1035 = tpu.vector_load %arg6[%get3A_1032, %get3A_1033, %get3A_1034] {strides = array<i32>} : memref<10x64x128xf32, #tpu.memory_space<vmem>>, vector<1x1x16xf32>,
        %get3A_1036 = vector.shape_cast %get3A_1035 : vector<1x1x16xf32> to vector<16xf32>
        %mul3A_1037 = arith.constant 11.3137083 : f32
        %mul3A_1038 = vector.broadcast %mul3A_1037 : f32 to vector<16xf32>
        %mul3A_1039 = arith.mulf %get3A_1036, %mul3A_1038 : vector<16xf32>
        %swap3A_1040 = arith.constant 2 : i32
        %swap3A_1041 = arith.index_cast %swap3A_1040 : i32 to index
        %swap3A_1042 = arith.index_cast %scan3A_1014 : i32 to index
        %swap3A_1043 = arith.constant 16 : index
        %swap3A_1044 = tpu.vector_load %arg6[%swap3A_1041, %swap3A_1042, %swap3A_1043] {strides = array<i32>} : memref<10x64x128xf32, #tpu.memory_space<vmem>>, vector<1x1x16xf32>,
        %swap3A_1045 = vector.shape_cast %swap3A_1044 : vector<1x1x16xf32> to vector<16xf32>
        %swap3A_1046 = vector.shape_cast %mul3A_1039 : vector<16xf32> to vector<1x1x16xf32>
        tpu.vector_store %arg6[%swap3A_1041, %swap3A_1042, %swap3A_1043], %swap3A_1046 {strides = array<i32>} : memref<10x64x128xf32, #tpu.memory_space<vmem>>, vector<1x1x16xf32>,
        %get3A_1047 = arith.constant 2 : i32
        %get3A_1048 = arith.index_cast %get3A_1047 : i32 to index
        %get3A_1049 = arith.index_cast %scan3A_1014 : i32 to index
        %get3A_1050 = arith.constant 32 : index
        %get3A_1051 = tpu.vector_load %arg6[%get3A_1048, %get3A_1049, %get3A_1050] {strides = array<i32>} : memref<10x64x128xf32, #tpu.memory_space<vmem>>, vector<1x1x16xf32>,
        %get3A_1052 = vector.shape_cast %get3A_1051 : vector<1x1x16xf32> to vector<16xf32>
        %mul3A_1053 = arith.constant 11.3137083 : f32
        %mul3A_1054 = vector.broadcast %mul3A_1053 : f32 to vector<16xf32>
        %mul3A_1055 = arith.mulf %get3A_1052, %mul3A_1054 : vector<16xf32>
        %swap3A_1056 = arith.constant 2 : i32
        %swap3A_1057 = arith.index_cast %swap3A_1056 : i32 to index
        %swap3A_1058 = arith.index_cast %scan3A_1014 : i32 to index
        %swap3A_1059 = arith.constant 32 : index
        %swap3A_1060 = tpu.vector_load %arg6[%swap3A_1057, %swap3A_1058, %swap3A_1059] {strides = array<i32>} : memref<10x64x128xf32, #tpu.memory_space<vmem>>, vector<1x1x16xf32>,
        %swap3A_1061 = vector.shape_cast %swap3A_1060 : vector<1x1x16xf32> to vector<16xf32>
        %swap3A_1062 = vector.shape_cast %mul3A_1055 : vector<16xf32> to vector<1x1x16xf32>
        tpu.vector_store %arg6[%swap3A_1057, %swap3A_1058, %swap3A_1059], %swap3A_1062 {strides = array<i32>} : memref<10x64x128xf32, #tpu.memory_space<vmem>>, vector<1x1x16xf32>,
        %get3A_1063 = arith.constant 2 : i32
        %get3A_1064 = arith.index_cast %get3A_1063 : i32 to index
        %get3A_1065 = arith.index_cast %scan3A_1014 : i32 to index
        %get3A_1066 = arith.constant 48 : index
        %get3A_1067 = tpu.vector_load %arg6[%get3A_1064, %get3A_1065, %get3A_1066] {strides = array<i32>} : memref<10x64x128xf32, #tpu.memory_space<vmem>>, vector<1x1x16xf32>,
        %get3A_1068 = vector.shape_cast %get3A_1067 : vector<1x1x16xf32> to vector<16xf32>
        %mul3A_1069 = arith.constant 11.3137083 : f32
        %mul3A_1070 = vector.broadcast %mul3A_1069 : f32 to vector<16xf32>
        %mul3A_1071 = arith.mulf %get3A_1068, %mul3A_1070 : vector<16xf32>
        %swap3A_1072 = arith.constant 2 : i32
        %swap3A_1073 = arith.index_cast %swap3A_1072 : i32 to index
        %swap3A_1074 = arith.index_cast %scan3A_1014 : i32 to index
        %swap3A_1075 = arith.constant 48 : index
        %swap3A_1076 = tpu.vector_load %arg6[%swap3A_1073, %swap3A_1074, %swap3A_1075] {strides = array<i32>} : memref<10x64x128xf32, #tpu.memory_space<vmem>>, vector<1x1x16xf32>,
        %swap3A_1077 = vector.shape_cast %swap3A_1076 : vector<1x1x16xf32> to vector<16xf32>
        %swap3A_1078 = vector.shape_cast %mul3A_1071 : vector<16xf32> to vector<1x1x16xf32>
        tpu.vector_store %arg6[%swap3A_1073, %swap3A_1074, %swap3A_1075], %swap3A_1078 {strides = array<i32>} : memref<10x64x128xf32, #tpu.memory_space<vmem>>, vector<1x1x16xf32>,
        %get3A_1079 = arith.constant 2 : i32
        %get3A_1080 = arith.index_cast %get3A_1079 : i32 to index
        %get3A_1081 = arith.index_cast %scan3A_1014 : i32 to index
        %get3A_1082 = arith.constant 64 : index
        %get3A_1083 = tpu.vector_load %arg6[%get3A_1080, %get3A_1081, %get3A_1082] {strides = array<i32>} : memref<10x64x128xf32, #tpu.memory_space<vmem>>, vector<1x1x16xf32>,
        %get3A_1084 = vector.shape_cast %get3A_1083 : vector<1x1x16xf32> to vector<16xf32>
        %mul3A_1085 = arith.constant 11.3137083 : f32
        %mul3A_1086 = vector.broadcast %mul3A_1085 : f32 to vector<16xf32>
        %mul3A_1087 = arith.mulf %get3A_1084, %mul3A_1086 : vector<16xf32>
        %swap3A_1088 = arith.constant 2 : i32
        %swap3A_1089 = arith.index_cast %swap3A_1088 : i32 to index
        %swap3A_1090 = arith.index_cast %scan3A_1014 : i32 to index
        %swap3A_1091 = arith.constant 64 : index
        %swap3A_1092 = tpu.vector_load %arg6[%swap3A_1089, %swap3A_1090, %swap3A_1091] {strides = array<i32>} : memref<10x64x128xf32, #tpu.memory_space<vmem>>, vector<1x1x16xf32>,
        %swap3A_1093 = vector.shape_cast %swap3A_1092 : vector<1x1x16xf32> to vector<16xf32>
        %swap3A_1094 = vector.shape_cast %mul3A_1087 : vector<16xf32> to vector<1x1x16xf32>
        tpu.vector_store %arg6[%swap3A_1089, %swap3A_1090, %swap3A_1091], %swap3A_1094 {strides = array<i32>} : memref<10x64x128xf32, #tpu.memory_space<vmem>>, vector<1x1x16xf32>,
        %get3A_1095 = arith.constant 2 : i32
        %get3A_1096 = arith.index_cast %get3A_1095 : i32 to index
        %get3A_1097 = arith.index_cast %scan3A_1014 : i32 to index
        %get3A_1098 = arith.constant 80 : index
        %get3A_1099 = tpu.vector_load %arg6[%get3A_1096, %get3A_1097, %get3A_1098] {strides = array<i32>} : memref<10x64x128xf32, #tpu.memory_space<vmem>>, vector<1x1x16xf32>,
        %get3A_1100 = vector.shape_cast %get3A_1099 : vector<1x1x16xf32> to vector<16xf32>
        %mul3A_1101 = arith.constant 11.3137083 : f32
        %mul3A_1102 = vector.broadcast %mul3A_1101 : f32 to vector<16xf32>
        %mul3A_1103 = arith.mulf %get3A_1100, %mul3A_1102 : vector<16xf32>
        %swap3A_1104 = arith.constant 2 : i32
        %swap3A_1105 = arith.index_cast %swap3A_1104 : i32 to index
        %swap3A_1106 = arith.index_cast %scan3A_1014 : i32 to index
        %swap3A_1107 = arith.constant 80 : index
        %swap3A_1108 = tpu.vector_load %arg6[%swap3A_1105, %swap3A_1106, %swap3A_1107] {strides = array<i32>} : memref<10x64x128xf32, #tpu.memory_space<vmem>>, vector<1x1x16xf32>,
        %swap3A_1109 = vector.shape_cast %swap3A_1108 : vector<1x1x16xf32> to vector<16xf32>
        %swap3A_1110 = vector.shape_cast %mul3A_1103 : vector<16xf32> to vector<1x1x16xf32>
        tpu.vector_store %arg6[%swap3A_1105, %swap3A_1106, %swap3A_1107], %swap3A_1110 {strides = array<i32>} : memref<10x64x128xf32, #tpu.memory_space<vmem>>, vector<1x1x16xf32>,
        %get3A_1111 = arith.constant 2 : i32
        %get3A_1112 = arith.index_cast %get3A_1111 : i32 to index
        %get3A_1113 = arith.index_cast %scan3A_1014 : i32 to index
        %get3A_1114 = arith.constant 96 : index
        %get3A_1115 = tpu.vector_load %arg6[%get3A_1112, %get3A_1113, %get3A_1114] {strides = array<i32>} : memref<10x64x128xf32, #tpu.memory_space<vmem>>, vector<1x1x16xf32>,
        %get3A_1116 = vector.shape_cast %get3A_1115 : vector<1x1x16xf32> to vector<16xf32>
        %mul3A_1117 = arith.constant 11.3137083 : f32
        %mul3A_1118 = vector.broadcast %mul3A_1117 : f32 to vector<16xf32>
        %mul3A_1119 = arith.mulf %get3A_1116, %mul3A_1118 : vector<16xf32>
        %swap3A_1120 = arith.constant 2 : i32
        %swap3A_1121 = arith.index_cast %swap3A_1120 : i32 to index
        %swap3A_1122 = arith.index_cast %scan3A_1014 : i32 to index
        %swap3A_1123 = arith.constant 96 : index
        %swap3A_1124 = tpu.vector_load %arg6[%swap3A_1121, %swap3A_1122, %swap3A_1123] {strides = array<i32>} : memref<10x64x128xf32, #tpu.memory_space<vmem>>, vector<1x1x16xf32>,
        %swap3A_1125 = vector.shape_cast %swap3A_1124 : vector<1x1x16xf32> to vector<16xf32>
        %swap3A_1126 = vector.shape_cast %mul3A_1119 : vector<16xf32> to vector<1x1x16xf32>
        tpu.vector_store %arg6[%swap3A_1121, %swap3A_1122, %swap3A_1123], %swap3A_1126 {strides = array<i32>} : memref<10x64x128xf32, #tpu.memory_space<vmem>>, vector<1x1x16xf32>,
        %get3A_1127 = arith.constant 2 : i32
        %get3A_1128 = arith.index_cast %get3A_1127 : i32 to index
        %get3A_1129 = arith.index_cast %scan3A_1014 : i32 to index
        %get3A_1130 = arith.constant 112 : index
        %get3A_1131 = tpu.vector_load %arg6[%get3A_1128, %get3A_1129, %get3A_1130] {strides = array<i32>} : memref<10x64x128xf32, #tpu.memory_space<vmem>>, vector<1x1x16xf32>,
        %get3A_1132 = vector.shape_cast %get3A_1131 : vector<1x1x16xf32> to vector<16xf32>
        %mul3A_1133 = arith.constant 11.3137083 : f32
        %mul3A_1134 = vector.broadcast %mul3A_1133 : f32 to vector<16xf32>
        %mul3A_1135 = arith.mulf %get3A_1132, %mul3A_1134 : vector<16xf32>
        %swap3A_1136 = arith.constant 2 : i32
        %swap3A_1137 = arith.index_cast %swap3A_1136 : i32 to index
        %swap3A_1138 = arith.index_cast %scan3A_1014 : i32 to index
        %swap3A_1139 = arith.constant 112 : index
        %swap3A_1140 = tpu.vector_load %arg6[%swap3A_1137, %swap3A_1138, %swap3A_1139] {strides = array<i32>} : memref<10x64x128xf32, #tpu.memory_space<vmem>>, vector<1x1x16xf32>,
        %swap3A_1141 = vector.shape_cast %swap3A_1140 : vector<1x1x16xf32> to vector<16xf32>
        %swap3A_1142 = vector.shape_cast %mul3A_1135 : vector<16xf32> to vector<1x1x16xf32>
        tpu.vector_store %arg6[%swap3A_1137, %swap3A_1138, %swap3A_1139], %swap3A_1142 {strides = array<i32>} : memref<10x64x128xf32, #tpu.memory_space<vmem>>, vector<1x1x16xf32>,
      }
      %scan3A_459 = arith.constant 64 : i32
      %add3A_460 = arith.constant 5 : i32
      %add3A_461 = arith.addi %mul3A_328, %add3A_460 : i32
      %mul3A_462 = arith.constant 2 : i32
      %mul3A_463 = arith.muli %add3A_439, %mul3A_462 : i32
      %add3A_464 = arith.constant 0 : i32
      %add3A_465 = arith.addi %mul3A_463, %add3A_464 : i32
      %add3A_466 = arith.constant 8 : i32
      %add3A_467 = arith.addi %add3A_465, %add3A_466 : i32
      %lt3A_468 = arith.constant 100 : i32
      %lt3A_469 = arith.cmpi slt, %add3A_467, %lt3A_468 : i32
      %convert_element_type3A_470 = arith.extui %lt3A_469 : i1 to i32
      %cond3A_471 = arith.constant 0 : i32
      %cond3A_472 = arith.cmpi ne, %convert_element_type3A_470, %cond3A_471 : i32
      scf.if %cond3A_472 {
        %ge3A = arith.constant 10 : i32
        %ge3A_886 = arith.cmpi sge, %add3A_467, %ge3A : i32
        %convert_element_type3A_887 = arith.extui %ge3A_886 : i1 to i32
        %cond3A_888 = arith.constant 0 : i32
        %cond3A_889 = arith.cmpi ne, %convert_element_type3A_887, %cond3A_888 : i32
        scf.if %cond3A_889 {
          %sub3A = arith.constant 5 : i32
          %sub3A_904 = arith.subi %add3A_461, %sub3A : i32
          %mul3A_905 = arith.constant 4096 : i32
          %mul3A_906 = arith.muli %sub3A_904, %mul3A_905 : i32
          %add3A_907 = arith.addi %mul3A_906, %mul3A_2 : i32
          %add3A_908 = arith.constant 0 : i32
          %add3A_909 = arith.addi %add3A_907, %add3A_908 : i32
          %dma_wait3A_910 = arith.constant 0 : i32
          %dma_wait3A_911 = arith.constant 0 : i32
          %dma_wait3A_912 = arith.constant 0 : i32
          %dma_wait3A_913 = arith.constant 0 : i32
          %dma_wait3A_914 = tpu.memref_slice %arg6[%dma_wait3A_910, %dma_wait3A_912, %dma_wait3A_913] : memref<10x64x128xf32, #tpu.memory_space<vmem>> -> memref<1x64x128xf32, #tpu.memory_space<vmem>>
          %dma_wait3A_915 = tpu.memref_squeeze %dma_wait3A_914 : memref<1x64x128xf32, #tpu.memory_space<vmem>> -> memref<64x128xf32, #tpu.memory_space<vmem>>
          %dma_wait3A_916 = arith.constant 0 : i32
          %dma_wait3A_917 = tpu.memref_slice %arg4[%add3A_909, %dma_wait3A_916] : memref<204800x128xf32, #tpu.memory_space<hbm>> -> memref<64x128xf32, #tpu.memory_space<hbm>>
          %dma_wait3A_918 = tpu.memref_slice %arg8[%dma_wait3A_911] : memref<10x!tpu.dma_semaphore, #tpu.memory_space<semaphore_mem>> -> memref<1x!tpu.dma_semaphore, #tpu.memory_space<semaphore_mem>>
          %dma_wait3A_919 = tpu.memref_squeeze %dma_wait3A_918 : memref<1x!tpu.dma_semaphore, #tpu.memory_space<semaphore_mem>> -> memref<!tpu.dma_semaphore, #tpu.memory_space<semaphore_mem>>
          %dma_wait3A_920 = arith.constant 0 : i32
          %dma_wait3A_921 = tpu.memref_slice %arg4[%add3A_909, %dma_wait3A_920] : memref<204800x128xf32, #tpu.memory_space<hbm>> -> memref<64x128xf32, #tpu.memory_space<hbm>>
          %dma_wait3A_922 = arith.constant 0 : i32
          %dma_wait3A_923 = arith.constant 0 : i32
          %dma_wait3A_924 = tpu.memref_slice %arg6[%dma_wait3A_910, %dma_wait3A_922, %dma_wait3A_923] : memref<10x64x128xf32, #tpu.memory_space<vmem>> -> memref<1x64x128xf32, #tpu.memory_space<vmem>>
          %dma_wait3A_925 = tpu.memref_squeeze %dma_wait3A_924 : memref<1x64x128xf32, #tpu.memory_space<vmem>> -> memref<64x128xf32, #tpu.memory_space<vmem>>
          tpu.wait_dma2 semaphore(%dma_wait3A_919 : memref<!tpu.dma_semaphore, #tpu.memory_space<semaphore_mem>>) src(%dma_wait3A_925 : memref<64x128xf32, #tpu.memory_space<vmem>>) dst(%dma_wait3A_921 : memref<64x128xf32, #tpu.memory_space<hbm>>)
        } else {
        }
        %dma_start3A_890 = arith.constant 0 : i32
        %dma_start3A_891 = arith.constant 0 : i32
        %dma_start3A_892 = arith.constant 0 : i32
        %dma_start3A_893 = arith.constant 0 : i32
        %dma_start3A_894 = tpu.memref_slice %arg6[%dma_start3A_890, %dma_start3A_892, %dma_start3A_893] : memref<10x64x128xf32, #tpu.memory_space<vmem>> -> memref<1x64x128xf32, #tpu.memory_space<vmem>>
        %dma_start3A_895 = tpu.memref_squeeze %dma_start3A_894 : memref<1x64x128xf32, #tpu.memory_space<vmem>> -> memref<64x128xf32, #tpu.memory_space<vmem>>
        %dma_start3A_896 = arith.constant 0 : i32
        %dma_start3A_897 = tpu.memref_slice %arg5[%add3A_461, %dma_start3A_896] : memref<50x128xi32, #tpu.memory_space<vmem>> -> memref<1x64xi32, #tpu.memory_space<vmem>>
        %dma_start3A_898 = tpu.memref_squeeze %dma_start3A_897 : memref<1x64xi32, #tpu.memory_space<vmem>> -> memref<64xi32, #tpu.memory_space<vmem>>
        %dma_start3A_899 = arith.constant 0 : i32
        %dma_start3A_900 = arith.constant 0 : i32
        %dma_start3A_901 = tpu.memref_slice %arg3[%dma_start3A_899, %dma_start3A_900] : memref<100000x128xf32, #tpu.memory_space<hbm>> -> memref<100000x128xf32, #tpu.memory_space<hbm>>
        %dma_start3A_902 = tpu.memref_slice %arg7[%dma_start3A_891] : memref<10x!tpu.dma_semaphore, #tpu.memory_space<semaphore_mem>> -> memref<1x!tpu.dma_semaphore, #tpu.memory_space<semaphore_mem>>
        %dma_start3A_903 = tpu.memref_squeeze %dma_start3A_902 : memref<1x!tpu.dma_semaphore, #tpu.memory_space<semaphore_mem>> -> memref<!tpu.dma_semaphore, #tpu.memory_space<semaphore_mem>>
        tpu.enqueue_indirect_dma source(%dma_start3A_901 : memref<100000x128xf32, #tpu.memory_space<hbm>>) target(%dma_start3A_895 : memref<64x128xf32, #tpu.memory_space<vmem>>) offsets(%dma_start3A_898 : memref<64xi32, #tpu.memory_space<vmem>>) semaphore(%dma_start3A_903 : memref<!tpu.dma_semaphore, #tpu.memory_space<semaphore_mem>>)
      } else {
      }
      %mul3A_473 = arith.constant 4096 : i32
      %mul3A_474 = arith.muli %add3A_439, %mul3A_473 : i32
      %add3A_475 = arith.addi %mul3A_474, %mul3A_2 : i32
      %add3A_476 = arith.constant 0 : i32
      %add3A_477 = arith.addi %add3A_475, %add3A_476 : i32
      %dma_start3A_478 = arith.constant 2 : i32
      %dma_start3A_479 = arith.constant 2 : i32
      %dma_start3A_480 = arith.constant 0 : i32
      %dma_start3A_481 = arith.constant 0 : i32
      %dma_start3A_482 = tpu.memref_slice %arg6[%dma_start3A_478, %dma_start3A_480, %dma_start3A_481] : memref<10x64x128xf32, #tpu.memory_space<vmem>> -> memref<1x64x128xf32, #tpu.memory_space<vmem>>
      %dma_start3A_483 = tpu.memref_squeeze %dma_start3A_482 : memref<1x64x128xf32, #tpu.memory_space<vmem>> -> memref<64x128xf32, #tpu.memory_space<vmem>>
      %dma_start3A_484 = arith.constant 0 : i32
      %dma_start3A_485 = tpu.memref_slice %arg4[%add3A_477, %dma_start3A_484] : memref<204800x128xf32, #tpu.memory_space<hbm>> -> memref<64x128xf32, #tpu.memory_space<hbm>>
      %dma_start3A_486 = tpu.memref_slice %arg8[%dma_start3A_479] : memref<10x!tpu.dma_semaphore, #tpu.memory_space<semaphore_mem>> -> memref<1x!tpu.dma_semaphore, #tpu.memory_space<semaphore_mem>>
      %dma_start3A_487 = tpu.memref_squeeze %dma_start3A_486 : memref<1x!tpu.dma_semaphore, #tpu.memory_space<semaphore_mem>> -> memref<!tpu.dma_semaphore, #tpu.memory_space<semaphore_mem>>
      %dma_start3A_488 = arith.constant 0 : i32
      %dma_start3A_489 = tpu.memref_slice %arg4[%add3A_477, %dma_start3A_488] : memref<204800x128xf32, #tpu.memory_space<hbm>> -> memref<64x128xf32, #tpu.memory_space<hbm>>
      %dma_start3A_490 = arith.constant 0 : i32
      %dma_start3A_491 = arith.constant 0 : i32
      %dma_start3A_492 = tpu.memref_slice %arg6[%dma_start3A_478, %dma_start3A_490, %dma_start3A_491] : memref<10x64x128xf32, #tpu.memory_space<vmem>> -> memref<1x64x128xf32, #tpu.memory_space<vmem>>
      %dma_start3A_493 = tpu.memref_squeeze %dma_start3A_492 : memref<1x64x128xf32, #tpu.memory_space<vmem>> -> memref<64x128xf32, #tpu.memory_space<vmem>>
      tpu.enqueue_dma source(%dma_start3A_493 : memref<64x128xf32, #tpu.memory_space<vmem>>) target(%dma_start3A_489 : memref<64x128xf32, #tpu.memory_space<hbm>>) target_semaphore(%dma_start3A_487 : memref<!tpu.dma_semaphore, #tpu.memory_space<semaphore_mem>>)
      %add3A_494 = arith.constant 1 : i32
      %add3A_495 = arith.addi %mul3A_328, %add3A_494 : i32
      %dma_wait3A_496 = arith.constant 3 : i32
      %dma_wait3A_497 = arith.constant 3 : i32
      %dma_wait3A_498 = arith.constant 0 : i32
      %dma_wait3A_499 = arith.constant 0 : i32
      %dma_wait3A_500 = tpu.memref_slice %arg6[%dma_wait3A_496, %dma_wait3A_498, %dma_wait3A_499] : memref<10x64x128xf32, #tpu.memory_space<vmem>> -> memref<1x64x128xf32, #tpu.memory_space<vmem>>
      %dma_wait3A_501 = tpu.memref_squeeze %dma_wait3A_500 : memref<1x64x128xf32, #tpu.memory_space<vmem>> -> memref<64x128xf32, #tpu.memory_space<vmem>>
      %dma_wait3A_502 = arith.constant 64 : i32
      %dma_wait3A_503 = tpu.memref_slice %arg5[%add3A_495, %dma_wait3A_502] : memref<50x128xi32, #tpu.memory_space<vmem>> -> memref<1x64xi32, #tpu.memory_space<vmem>>
      %dma_wait3A_504 = tpu.memref_squeeze %dma_wait3A_503 : memref<1x64xi32, #tpu.memory_space<vmem>> -> memref<64xi32, #tpu.memory_space<vmem>>
      %dma_wait3A_505 = arith.constant 0 : i32
      %dma_wait3A_506 = arith.constant 0 : i32
      %dma_wait3A_507 = tpu.memref_slice %arg3[%dma_wait3A_505, %dma_wait3A_506] : memref<100000x128xf32, #tpu.memory_space<hbm>> -> memref<100000x128xf32, #tpu.memory_space<hbm>>
      %dma_wait3A_508 = tpu.memref_slice %arg7[%dma_wait3A_497] : memref<10x!tpu.dma_semaphore, #tpu.memory_space<semaphore_mem>> -> memref<1x!tpu.dma_semaphore, #tpu.memory_space<semaphore_mem>>
      %dma_wait3A_509 = tpu.memref_squeeze %dma_wait3A_508 : memref<1x!tpu.dma_semaphore, #tpu.memory_space<semaphore_mem>> -> memref<!tpu.dma_semaphore, #tpu.memory_space<semaphore_mem>>
      tpu.wait_indirect_dma semaphore(%dma_wait3A_509 : memref<!tpu.dma_semaphore, #tpu.memory_space<semaphore_mem>>) src(%dma_wait3A_507 : memref<100000x128xf32, #tpu.memory_space<hbm>>) dst(%dma_wait3A_501 : memref<64x128xf32, #tpu.memory_space<vmem>>)
      %scan3A_510 = arith.constant 0 : i32
      %scan3A_511 = arith.constant 0 : i32
      %scan3A_512 = arith.constant 64 : i32
      %scan3A_513 = arith.addi %scan3A_511, %scan3A_512 : i32
      %scan3A_514 = arith.constant 2 : i32
      scf.for %scan3A_886 = %scan3A_511 to %scan3A_513 step %scan3A_514  : i32 {
        %get3A = arith.constant 3 : i32
        %get3A_887 = arith.index_cast %get3A : i32 to index
        %get3A_888 = arith.index_cast %scan3A_886 : i32 to index
        %get3A_889 = arith.constant 0 : index
        %get3A_890 = tpu.vector_load %arg6[%get3A_887, %get3A_888, %get3A_889] {strides = array<i32>} : memref<10x64x128xf32, #tpu.memory_space<vmem>>, vector<1x1x16xf32>,
        %get3A_891 = vector.shape_cast %get3A_890 : vector<1x1x16xf32> to vector<16xf32>
        %mul3A_892 = arith.constant 11.3137083 : f32
        %mul3A_893 = vector.broadcast %mul3A_892 : f32 to vector<16xf32>
        %mul3A_894 = arith.mulf %get3A_891, %mul3A_893 : vector<16xf32>
        %swap3A = arith.constant 3 : i32
        %swap3A_895 = arith.index_cast %swap3A : i32 to index
        %swap3A_896 = arith.index_cast %scan3A_886 : i32 to index
        %swap3A_897 = arith.constant 0 : index
        %swap3A_898 = tpu.vector_load %arg6[%swap3A_895, %swap3A_896, %swap3A_897] {strides = array<i32>} : memref<10x64x128xf32, #tpu.memory_space<vmem>>, vector<1x1x16xf32>,
        %swap3A_899 = vector.shape_cast %swap3A_898 : vector<1x1x16xf32> to vector<16xf32>
        %swap3A_900 = vector.shape_cast %mul3A_894 : vector<16xf32> to vector<1x1x16xf32>
        tpu.vector_store %arg6[%swap3A_895, %swap3A_896, %swap3A_897], %swap3A_900 {strides = array<i32>} : memref<10x64x128xf32, #tpu.memory_space<vmem>>, vector<1x1x16xf32>,
        %get3A_901 = arith.constant 3 : i32
        %get3A_902 = arith.index_cast %get3A_901 : i32 to index
        %get3A_903 = arith.index_cast %scan3A_886 : i32 to index
        %get3A_904 = arith.constant 16 : index
        %get3A_905 = tpu.vector_load %arg6[%get3A_902, %get3A_903, %get3A_904] {strides = array<i32>} : memref<10x64x128xf32, #tpu.memory_space<vmem>>, vector<1x1x16xf32>,
        %get3A_906 = vector.shape_cast %get3A_905 : vector<1x1x16xf32> to vector<16xf32>
        %mul3A_907 = arith.constant 11.3137083 : f32
        %mul3A_908 = vector.broadcast %mul3A_907 : f32 to vector<16xf32>
        %mul3A_909 = arith.mulf %get3A_906, %mul3A_908 : vector<16xf32>
        %swap3A_910 = arith.constant 3 : i32
        %swap3A_911 = arith.index_cast %swap3A_910 : i32 to index
        %swap3A_912 = arith.index_cast %scan3A_886 : i32 to index
        %swap3A_913 = arith.constant 16 : index
        %swap3A_914 = tpu.vector_load %arg6[%swap3A_911, %swap3A_912, %swap3A_913] {strides = array<i32>} : memref<10x64x128xf32, #tpu.memory_space<vmem>>, vector<1x1x16xf32>,
        %swap3A_915 = vector.shape_cast %swap3A_914 : vector<1x1x16xf32> to vector<16xf32>
        %swap3A_916 = vector.shape_cast %mul3A_909 : vector<16xf32> to vector<1x1x16xf32>
        tpu.vector_store %arg6[%swap3A_911, %swap3A_912, %swap3A_913], %swap3A_916 {strides = array<i32>} : memref<10x64x128xf32, #tpu.memory_space<vmem>>, vector<1x1x16xf32>,
        %get3A_917 = arith.constant 3 : i32
        %get3A_918 = arith.index_cast %get3A_917 : i32 to index
        %get3A_919 = arith.index_cast %scan3A_886 : i32 to index
        %get3A_920 = arith.constant 32 : index
        %get3A_921 = tpu.vector_load %arg6[%get3A_918, %get3A_919, %get3A_920] {strides = array<i32>} : memref<10x64x128xf32, #tpu.memory_space<vmem>>, vector<1x1x16xf32>,
        %get3A_922 = vector.shape_cast %get3A_921 : vector<1x1x16xf32> to vector<16xf32>
        %mul3A_923 = arith.constant 11.3137083 : f32
        %mul3A_924 = vector.broadcast %mul3A_923 : f32 to vector<16xf32>
        %mul3A_925 = arith.mulf %get3A_922, %mul3A_924 : vector<16xf32>
        %swap3A_926 = arith.constant 3 : i32
        %swap3A_927 = arith.index_cast %swap3A_926 : i32 to index
        %swap3A_928 = arith.index_cast %scan3A_886 : i32 to index
        %swap3A_929 = arith.constant 32 : index
        %swap3A_930 = tpu.vector_load %arg6[%swap3A_927, %swap3A_928, %swap3A_929] {strides = array<i32>} : memref<10x64x128xf32, #tpu.memory_space<vmem>>, vector<1x1x16xf32>,
        %swap3A_931 = vector.shape_cast %swap3A_930 : vector<1x1x16xf32> to vector<16xf32>
        %swap3A_932 = vector.shape_cast %mul3A_925 : vector<16xf32> to vector<1x1x16xf32>
        tpu.vector_store %arg6[%swap3A_927, %swap3A_928, %swap3A_929], %swap3A_932 {strides = array<i32>} : memref<10x64x128xf32, #tpu.memory_space<vmem>>, vector<1x1x16xf32>,
        %get3A_933 = arith.constant 3 : i32
        %get3A_934 = arith.index_cast %get3A_933 : i32 to index
        %get3A_935 = arith.index_cast %scan3A_886 : i32 to index
        %get3A_936 = arith.constant 48 : index
        %get3A_937 = tpu.vector_load %arg6[%get3A_934, %get3A_935, %get3A_936] {strides = array<i32>} : memref<10x64x128xf32, #tpu.memory_space<vmem>>, vector<1x1x16xf32>,
        %get3A_938 = vector.shape_cast %get3A_937 : vector<1x1x16xf32> to vector<16xf32>
        %mul3A_939 = arith.constant 11.3137083 : f32
        %mul3A_940 = vector.broadcast %mul3A_939 : f32 to vector<16xf32>
        %mul3A_941 = arith.mulf %get3A_938, %mul3A_940 : vector<16xf32>
        %swap3A_942 = arith.constant 3 : i32
        %swap3A_943 = arith.index_cast %swap3A_942 : i32 to index
        %swap3A_944 = arith.index_cast %scan3A_886 : i32 to index
        %swap3A_945 = arith.constant 48 : index
        %swap3A_946 = tpu.vector_load %arg6[%swap3A_943, %swap3A_944, %swap3A_945] {strides = array<i32>} : memref<10x64x128xf32, #tpu.memory_space<vmem>>, vector<1x1x16xf32>,
        %swap3A_947 = vector.shape_cast %swap3A_946 : vector<1x1x16xf32> to vector<16xf32>
        %swap3A_948 = vector.shape_cast %mul3A_941 : vector<16xf32> to vector<1x1x16xf32>
        tpu.vector_store %arg6[%swap3A_943, %swap3A_944, %swap3A_945], %swap3A_948 {strides = array<i32>} : memref<10x64x128xf32, #tpu.memory_space<vmem>>, vector<1x1x16xf32>,
        %get3A_949 = arith.constant 3 : i32
        %get3A_950 = arith.index_cast %get3A_949 : i32 to index
        %get3A_951 = arith.index_cast %scan3A_886 : i32 to index
        %get3A_952 = arith.constant 64 : index
        %get3A_953 = tpu.vector_load %arg6[%get3A_950, %get3A_951, %get3A_952] {strides = array<i32>} : memref<10x64x128xf32, #tpu.memory_space<vmem>>, vector<1x1x16xf32>,
        %get3A_954 = vector.shape_cast %get3A_953 : vector<1x1x16xf32> to vector<16xf32>
        %mul3A_955 = arith.constant 11.3137083 : f32
        %mul3A_956 = vector.broadcast %mul3A_955 : f32 to vector<16xf32>
        %mul3A_957 = arith.mulf %get3A_954, %mul3A_956 : vector<16xf32>
        %swap3A_958 = arith.constant 3 : i32
        %swap3A_959 = arith.index_cast %swap3A_958 : i32 to index
        %swap3A_960 = arith.index_cast %scan3A_886 : i32 to index
        %swap3A_961 = arith.constant 64 : index
        %swap3A_962 = tpu.vector_load %arg6[%swap3A_959, %swap3A_960, %swap3A_961] {strides = array<i32>} : memref<10x64x128xf32, #tpu.memory_space<vmem>>, vector<1x1x16xf32>,
        %swap3A_963 = vector.shape_cast %swap3A_962 : vector<1x1x16xf32> to vector<16xf32>
        %swap3A_964 = vector.shape_cast %mul3A_957 : vector<16xf32> to vector<1x1x16xf32>
        tpu.vector_store %arg6[%swap3A_959, %swap3A_960, %swap3A_961], %swap3A_964 {strides = array<i32>} : memref<10x64x128xf32, #tpu.memory_space<vmem>>, vector<1x1x16xf32>,
        %get3A_965 = arith.constant 3 : i32
        %get3A_966 = arith.index_cast %get3A_965 : i32 to index
        %get3A_967 = arith.index_cast %scan3A_886 : i32 to index
        %get3A_968 = arith.constant 80 : index
        %get3A_969 = tpu.vector_load %arg6[%get3A_966, %get3A_967, %get3A_968] {strides = array<i32>} : memref<10x64x128xf32, #tpu.memory_space<vmem>>, vector<1x1x16xf32>,
        %get3A_970 = vector.shape_cast %get3A_969 : vector<1x1x16xf32> to vector<16xf32>
        %mul3A_971 = arith.constant 11.3137083 : f32
        %mul3A_972 = vector.broadcast %mul3A_971 : f32 to vector<16xf32>
        %mul3A_973 = arith.mulf %get3A_970, %mul3A_972 : vector<16xf32>
        %swap3A_974 = arith.constant 3 : i32
        %swap3A_975 = arith.index_cast %swap3A_974 : i32 to index
        %swap3A_976 = arith.index_cast %scan3A_886 : i32 to index
        %swap3A_977 = arith.constant 80 : index
        %swap3A_978 = tpu.vector_load %arg6[%swap3A_975, %swap3A_976, %swap3A_977] {strides = array<i32>} : memref<10x64x128xf32, #tpu.memory_space<vmem>>, vector<1x1x16xf32>,
        %swap3A_979 = vector.shape_cast %swap3A_978 : vector<1x1x16xf32> to vector<16xf32>
        %swap3A_980 = vector.shape_cast %mul3A_973 : vector<16xf32> to vector<1x1x16xf32>
        tpu.vector_store %arg6[%swap3A_975, %swap3A_976, %swap3A_977], %swap3A_980 {strides = array<i32>} : memref<10x64x128xf32, #tpu.memory_space<vmem>>, vector<1x1x16xf32>,
        %get3A_981 = arith.constant 3 : i32
        %get3A_982 = arith.index_cast %get3A_981 : i32 to index
        %get3A_983 = arith.index_cast %scan3A_886 : i32 to index
        %get3A_984 = arith.constant 96 : index
        %get3A_985 = tpu.vector_load %arg6[%get3A_982, %get3A_983, %get3A_984] {strides = array<i32>} : memref<10x64x128xf32, #tpu.memory_space<vmem>>, vector<1x1x16xf32>,
        %get3A_986 = vector.shape_cast %get3A_985 : vector<1x1x16xf32> to vector<16xf32>
        %mul3A_987 = arith.constant 11.3137083 : f32
        %mul3A_988 = vector.broadcast %mul3A_987 : f32 to vector<16xf32>
        %mul3A_989 = arith.mulf %get3A_986, %mul3A_988 : vector<16xf32>
        %swap3A_990 = arith.constant 3 : i32
        %swap3A_991 = arith.index_cast %swap3A_990 : i32 to index
        %swap3A_992 = arith.index_cast %scan3A_886 : i32 to index
        %swap3A_993 = arith.constant 96 : index
        %swap3A_994 = tpu.vector_load %arg6[%swap3A_991, %swap3A_992, %swap3A_993] {strides = array<i32>} : memref<10x64x128xf32, #tpu.memory_space<vmem>>, vector<1x1x16xf32>,
        %swap3A_995 = vector.shape_cast %swap3A_994 : vector<1x1x16xf32> to vector<16xf32>
        %swap3A_996 = vector.shape_cast %mul3A_989 : vector<16xf32> to vector<1x1x16xf32>
        tpu.vector_store %arg6[%swap3A_991, %swap3A_992, %swap3A_993], %swap3A_996 {strides = array<i32>} : memref<10x64x128xf32, #tpu.memory_space<vmem>>, vector<1x1x16xf32>,
        %get3A_997 = arith.constant 3 : i32
        %get3A_998 = arith.index_cast %get3A_997 : i32 to index
        %get3A_999 = arith.index_cast %scan3A_886 : i32 to index
        %get3A_1000 = arith.constant 112 : index
        %get3A_1001 = tpu.vector_load %arg6[%get3A_998, %get3A_999, %get3A_1000] {strides = array<i32>} : memref<10x64x128xf32, #tpu.memory_space<vmem>>, vector<1x1x16xf32>,
        %get3A_1002 = vector.shape_cast %get3A_1001 : vector<1x1x16xf32> to vector<16xf32>
        %mul3A_1003 = arith.constant 11.3137083 : f32
        %mul3A_1004 = vector.broadcast %mul3A_1003 : f32 to vector<16xf32>
        %mul3A_1005 = arith.mulf %get3A_1002, %mul3A_1004 : vector<16xf32>
        %swap3A_1006 = arith.constant 3 : i32
        %swap3A_1007 = arith.index_cast %swap3A_1006 : i32 to index
        %swap3A_1008 = arith.index_cast %scan3A_886 : i32 to index
        %swap3A_1009 = arith.constant 112 : index
        %swap3A_1010 = tpu.vector_load %arg6[%swap3A_1007, %swap3A_1008, %swap3A_1009] {strides = array<i32>} : memref<10x64x128xf32, #tpu.memory_space<vmem>>, vector<1x1x16xf32>,
        %swap3A_1011 = vector.shape_cast %swap3A_1010 : vector<1x1x16xf32> to vector<16xf32>
        %swap3A_1012 = vector.shape_cast %mul3A_1005 : vector<16xf32> to vector<1x1x16xf32>
        tpu.vector_store %arg6[%swap3A_1007, %swap3A_1008, %swap3A_1009], %swap3A_1012 {strides = array<i32>} : memref<10x64x128xf32, #tpu.memory_space<vmem>>, vector<1x1x16xf32>,
        %scan3A_1013 = arith.constant 1 : i32
        %scan3A_1014 = arith.addi %scan3A_886, %scan3A_1013 : i32
        %get3A_1015 = arith.constant 3 : i32
        %get3A_1016 = arith.index_cast %get3A_1015 : i32 to index
        %get3A_1017 = arith.index_cast %scan3A_1014 : i32 to index
        %get3A_1018 = arith.constant 0 : index
        %get3A_1019 = tpu.vector_load %arg6[%get3A_1016, %get3A_1017, %get3A_1018] {strides = array<i32>} : memref<10x64x128xf32, #tpu.memory_space<vmem>>, vector<1x1x16xf32>,
        %get3A_1020 = vector.shape_cast %get3A_1019 : vector<1x1x16xf32> to vector<16xf32>
        %mul3A_1021 = arith.constant 11.3137083 : f32
        %mul3A_1022 = vector.broadcast %mul3A_1021 : f32 to vector<16xf32>
        %mul3A_1023 = arith.mulf %get3A_1020, %mul3A_1022 : vector<16xf32>
        %swap3A_1024 = arith.constant 3 : i32
        %swap3A_1025 = arith.index_cast %swap3A_1024 : i32 to index
        %swap3A_1026 = arith.index_cast %scan3A_1014 : i32 to index
        %swap3A_1027 = arith.constant 0 : index
        %swap3A_1028 = tpu.vector_load %arg6[%swap3A_1025, %swap3A_1026, %swap3A_1027] {strides = array<i32>} : memref<10x64x128xf32, #tpu.memory_space<vmem>>, vector<1x1x16xf32>,
        %swap3A_1029 = vector.shape_cast %swap3A_1028 : vector<1x1x16xf32> to vector<16xf32>
        %swap3A_1030 = vector.shape_cast %mul3A_1023 : vector<16xf32> to vector<1x1x16xf32>
        tpu.vector_store %arg6[%swap3A_1025, %swap3A_1026, %swap3A_1027], %swap3A_1030 {strides = array<i32>} : memref<10x64x128xf32, #tpu.memory_space<vmem>>, vector<1x1x16xf32>,
        %get3A_1031 = arith.constant 3 : i32
        %get3A_1032 = arith.index_cast %get3A_1031 : i32 to index
        %get3A_1033 = arith.index_cast %scan3A_1014 : i32 to index
        %get3A_1034 = arith.constant 16 : index
        %get3A_1035 = tpu.vector_load %arg6[%get3A_1032, %get3A_1033, %get3A_1034] {strides = array<i32>} : memref<10x64x128xf32, #tpu.memory_space<vmem>>, vector<1x1x16xf32>,
        %get3A_1036 = vector.shape_cast %get3A_1035 : vector<1x1x16xf32> to vector<16xf32>
        %mul3A_1037 = arith.constant 11.3137083 : f32
        %mul3A_1038 = vector.broadcast %mul3A_1037 : f32 to vector<16xf32>
        %mul3A_1039 = arith.mulf %get3A_1036, %mul3A_1038 : vector<16xf32>
        %swap3A_1040 = arith.constant 3 : i32
        %swap3A_1041 = arith.index_cast %swap3A_1040 : i32 to index
        %swap3A_1042 = arith.index_cast %scan3A_1014 : i32 to index
        %swap3A_1043 = arith.constant 16 : index
        %swap3A_1044 = tpu.vector_load %arg6[%swap3A_1041, %swap3A_1042, %swap3A_1043] {strides = array<i32>} : memref<10x64x128xf32, #tpu.memory_space<vmem>>, vector<1x1x16xf32>,
        %swap3A_1045 = vector.shape_cast %swap3A_1044 : vector<1x1x16xf32> to vector<16xf32>
        %swap3A_1046 = vector.shape_cast %mul3A_1039 : vector<16xf32> to vector<1x1x16xf32>
        tpu.vector_store %arg6[%swap3A_1041, %swap3A_1042, %swap3A_1043], %swap3A_1046 {strides = array<i32>} : memref<10x64x128xf32, #tpu.memory_space<vmem>>, vector<1x1x16xf32>,
        %get3A_1047 = arith.constant 3 : i32
        %get3A_1048 = arith.index_cast %get3A_1047 : i32 to index
        %get3A_1049 = arith.index_cast %scan3A_1014 : i32 to index
        %get3A_1050 = arith.constant 32 : index
        %get3A_1051 = tpu.vector_load %arg6[%get3A_1048, %get3A_1049, %get3A_1050] {strides = array<i32>} : memref<10x64x128xf32, #tpu.memory_space<vmem>>, vector<1x1x16xf32>,
        %get3A_1052 = vector.shape_cast %get3A_1051 : vector<1x1x16xf32> to vector<16xf32>
        %mul3A_1053 = arith.constant 11.3137083 : f32
        %mul3A_1054 = vector.broadcast %mul3A_1053 : f32 to vector<16xf32>
        %mul3A_1055 = arith.mulf %get3A_1052, %mul3A_1054 : vector<16xf32>
        %swap3A_1056 = arith.constant 3 : i32
        %swap3A_1057 = arith.index_cast %swap3A_1056 : i32 to index
        %swap3A_1058 = arith.index_cast %scan3A_1014 : i32 to index
        %swap3A_1059 = arith.constant 32 : index
        %swap3A_1060 = tpu.vector_load %arg6[%swap3A_1057, %swap3A_1058, %swap3A_1059] {strides = array<i32>} : memref<10x64x128xf32, #tpu.memory_space<vmem>>, vector<1x1x16xf32>,
        %swap3A_1061 = vector.shape_cast %swap3A_1060 : vector<1x1x16xf32> to vector<16xf32>
        %swap3A_1062 = vector.shape_cast %mul3A_1055 : vector<16xf32> to vector<1x1x16xf32>
        tpu.vector_store %arg6[%swap3A_1057, %swap3A_1058, %swap3A_1059], %swap3A_1062 {strides = array<i32>} : memref<10x64x128xf32, #tpu.memory_space<vmem>>, vector<1x1x16xf32>,
        %get3A_1063 = arith.constant 3 : i32
        %get3A_1064 = arith.index_cast %get3A_1063 : i32 to index
        %get3A_1065 = arith.index_cast %scan3A_1014 : i32 to index
        %get3A_1066 = arith.constant 48 : index
        %get3A_1067 = tpu.vector_load %arg6[%get3A_1064, %get3A_1065, %get3A_1066] {strides = array<i32>} : memref<10x64x128xf32, #tpu.memory_space<vmem>>, vector<1x1x16xf32>,
        %get3A_1068 = vector.shape_cast %get3A_1067 : vector<1x1x16xf32> to vector<16xf32>
        %mul3A_1069 = arith.constant 11.3137083 : f32
        %mul3A_1070 = vector.broadcast %mul3A_1069 : f32 to vector<16xf32>
        %mul3A_1071 = arith.mulf %get3A_1068, %mul3A_1070 : vector<16xf32>
        %swap3A_1072 = arith.constant 3 : i32
        %swap3A_1073 = arith.index_cast %swap3A_1072 : i32 to index
        %swap3A_1074 = arith.index_cast %scan3A_1014 : i32 to index
        %swap3A_1075 = arith.constant 48 : index
        %swap3A_1076 = tpu.vector_load %arg6[%swap3A_1073, %swap3A_1074, %swap3A_1075] {strides = array<i32>} : memref<10x64x128xf32, #tpu.memory_space<vmem>>, vector<1x1x16xf32>,
        %swap3A_1077 = vector.shape_cast %swap3A_1076 : vector<1x1x16xf32> to vector<16xf32>
        %swap3A_1078 = vector.shape_cast %mul3A_1071 : vector<16xf32> to vector<1x1x16xf32>
        tpu.vector_store %arg6[%swap3A_1073, %swap3A_1074, %swap3A_1075], %swap3A_1078 {strides = array<i32>} : memref<10x64x128xf32, #tpu.memory_space<vmem>>, vector<1x1x16xf32>,
        %get3A_1079 = arith.constant 3 : i32
        %get3A_1080 = arith.index_cast %get3A_1079 : i32 to index
        %get3A_1081 = arith.index_cast %scan3A_1014 : i32 to index
        %get3A_1082 = arith.constant 64 : index
        %get3A_1083 = tpu.vector_load %arg6[%get3A_1080, %get3A_1081, %get3A_1082] {strides = array<i32>} : memref<10x64x128xf32, #tpu.memory_space<vmem>>, vector<1x1x16xf32>,
        %get3A_1084 = vector.shape_cast %get3A_1083 : vector<1x1x16xf32> to vector<16xf32>
        %mul3A_1085 = arith.constant 11.3137083 : f32
        %mul3A_1086 = vector.broadcast %mul3A_1085 : f32 to vector<16xf32>
        %mul3A_1087 = arith.mulf %get3A_1084, %mul3A_1086 : vector<16xf32>
        %swap3A_1088 = arith.constant 3 : i32
        %swap3A_1089 = arith.index_cast %swap3A_1088 : i32 to index
        %swap3A_1090 = arith.index_cast %scan3A_1014 : i32 to index
        %swap3A_1091 = arith.constant 64 : index
        %swap3A_1092 = tpu.vector_load %arg6[%swap3A_1089, %swap3A_1090, %swap3A_1091] {strides = array<i32>} : memref<10x64x128xf32, #tpu.memory_space<vmem>>, vector<1x1x16xf32>,
        %swap3A_1093 = vector.shape_cast %swap3A_1092 : vector<1x1x16xf32> to vector<16xf32>
        %swap3A_1094 = vector.shape_cast %mul3A_1087 : vector<16xf32> to vector<1x1x16xf32>
        tpu.vector_store %arg6[%swap3A_1089, %swap3A_1090, %swap3A_1091], %swap3A_1094 {strides = array<i32>} : memref<10x64x128xf32, #tpu.memory_space<vmem>>, vector<1x1x16xf32>,
        %get3A_1095 = arith.constant 3 : i32
        %get3A_1096 = arith.index_cast %get3A_1095 : i32 to index
        %get3A_1097 = arith.index_cast %scan3A_1014 : i32 to index
        %get3A_1098 = arith.constant 80 : index
        %get3A_1099 = tpu.vector_load %arg6[%get3A_1096, %get3A_1097, %get3A_1098] {strides = array<i32>} : memref<10x64x128xf32, #tpu.memory_space<vmem>>, vector<1x1x16xf32>,
        %get3A_1100 = vector.shape_cast %get3A_1099 : vector<1x1x16xf32> to vector<16xf32>
        %mul3A_1101 = arith.constant 11.3137083 : f32
        %mul3A_1102 = vector.broadcast %mul3A_1101 : f32 to vector<16xf32>
        %mul3A_1103 = arith.mulf %get3A_1100, %mul3A_1102 : vector<16xf32>
        %swap3A_1104 = arith.constant 3 : i32
        %swap3A_1105 = arith.index_cast %swap3A_1104 : i32 to index
        %swap3A_1106 = arith.index_cast %scan3A_1014 : i32 to index
        %swap3A_1107 = arith.constant 80 : index
        %swap3A_1108 = tpu.vector_load %arg6[%swap3A_1105, %swap3A_1106, %swap3A_1107] {strides = array<i32>} : memref<10x64x128xf32, #tpu.memory_space<vmem>>, vector<1x1x16xf32>,
        %swap3A_1109 = vector.shape_cast %swap3A_1108 : vector<1x1x16xf32> to vector<16xf32>
        %swap3A_1110 = vector.shape_cast %mul3A_1103 : vector<16xf32> to vector<1x1x16xf32>
        tpu.vector_store %arg6[%swap3A_1105, %swap3A_1106, %swap3A_1107], %swap3A_1110 {strides = array<i32>} : memref<10x64x128xf32, #tpu.memory_space<vmem>>, vector<1x1x16xf32>,
        %get3A_1111 = arith.constant 3 : i32
        %get3A_1112 = arith.index_cast %get3A_1111 : i32 to index
        %get3A_1113 = arith.index_cast %scan3A_1014 : i32 to index
        %get3A_1114 = arith.constant 96 : index
        %get3A_1115 = tpu.vector_load %arg6[%get3A_1112, %get3A_1113, %get3A_1114] {strides = array<i32>} : memref<10x64x128xf32, #tpu.memory_space<vmem>>, vector<1x1x16xf32>,
        %get3A_1116 = vector.shape_cast %get3A_1115 : vector<1x1x16xf32> to vector<16xf32>
        %mul3A_1117 = arith.constant 11.3137083 : f32
        %mul3A_1118 = vector.broadcast %mul3A_1117 : f32 to vector<16xf32>
        %mul3A_1119 = arith.mulf %get3A_1116, %mul3A_1118 : vector<16xf32>
        %swap3A_1120 = arith.constant 3 : i32
        %swap3A_1121 = arith.index_cast %swap3A_1120 : i32 to index
        %swap3A_1122 = arith.index_cast %scan3A_1014 : i32 to index
        %swap3A_1123 = arith.constant 96 : index
        %swap3A_1124 = tpu.vector_load %arg6[%swap3A_1121, %swap3A_1122, %swap3A_1123] {strides = array<i32>} : memref<10x64x128xf32, #tpu.memory_space<vmem>>, vector<1x1x16xf32>,
        %swap3A_1125 = vector.shape_cast %swap3A_1124 : vector<1x1x16xf32> to vector<16xf32>
        %swap3A_1126 = vector.shape_cast %mul3A_1119 : vector<16xf32> to vector<1x1x16xf32>
        tpu.vector_store %arg6[%swap3A_1121, %swap3A_1122, %swap3A_1123], %swap3A_1126 {strides = array<i32>} : memref<10x64x128xf32, #tpu.memory_space<vmem>>, vector<1x1x16xf32>,
        %get3A_1127 = arith.constant 3 : i32
        %get3A_1128 = arith.index_cast %get3A_1127 : i32 to index
        %get3A_1129 = arith.index_cast %scan3A_1014 : i32 to index
        %get3A_1130 = arith.constant 112 : index
        %get3A_1131 = tpu.vector_load %arg6[%get3A_1128, %get3A_1129, %get3A_1130] {strides = array<i32>} : memref<10x64x128xf32, #tpu.memory_space<vmem>>, vector<1x1x16xf32>,
        %get3A_1132 = vector.shape_cast %get3A_1131 : vector<1x1x16xf32> to vector<16xf32>
        %mul3A_1133 = arith.constant 11.3137083 : f32
        %mul3A_1134 = vector.broadcast %mul3A_1133 : f32 to vector<16xf32>
        %mul3A_1135 = arith.mulf %get3A_1132, %mul3A_1134 : vector<16xf32>
        %swap3A_1136 = arith.constant 3 : i32
        %swap3A_1137 = arith.index_cast %swap3A_1136 : i32 to index
        %swap3A_1138 = arith.index_cast %scan3A_1014 : i32 to index
        %swap3A_1139 = arith.constant 112 : index
        %swap3A_1140 = tpu.vector_load %arg6[%swap3A_1137, %swap3A_1138, %swap3A_1139] {strides = array<i32>} : memref<10x64x128xf32, #tpu.memory_space<vmem>>, vector<1x1x16xf32>,
        %swap3A_1141 = vector.shape_cast %swap3A_1140 : vector<1x1x16xf32> to vector<16xf32>
        %swap3A_1142 = vector.shape_cast %mul3A_1135 : vector<16xf32> to vector<1x1x16xf32>
        tpu.vector_store %arg6[%swap3A_1137, %swap3A_1138, %swap3A_1139], %swap3A_1142 {strides = array<i32>} : memref<10x64x128xf32, #tpu.memory_space<vmem>>, vector<1x1x16xf32>,
      }
      %scan3A_515 = arith.constant 64 : i32
      %add3A_516 = arith.constant 5 : i32
      %add3A_517 = arith.addi %mul3A_328, %add3A_516 : i32
      %mul3A_518 = arith.constant 2 : i32
      %mul3A_519 = arith.muli %add3A_495, %mul3A_518 : i32
      %add3A_520 = arith.constant 1 : i32
      %add3A_521 = arith.addi %mul3A_519, %add3A_520 : i32
      %add3A_522 = arith.constant 8 : i32
      %add3A_523 = arith.addi %add3A_521, %add3A_522 : i32
      %lt3A_524 = arith.constant 100 : i32
      %lt3A_525 = arith.cmpi slt, %add3A_523, %lt3A_524 : i32
      %convert_element_type3A_526 = arith.extui %lt3A_525 : i1 to i32
      %cond3A_527 = arith.constant 0 : i32
      %cond3A_528 = arith.cmpi ne, %convert_element_type3A_526, %cond3A_527 : i32
      scf.if %cond3A_528 {
        %ge3A = arith.constant 10 : i32
        %ge3A_886 = arith.cmpi sge, %add3A_523, %ge3A : i32
        %convert_element_type3A_887 = arith.extui %ge3A_886 : i1 to i32
        %cond3A_888 = arith.constant 0 : i32
        %cond3A_889 = arith.cmpi ne, %convert_element_type3A_887, %cond3A_888 : i32
        scf.if %cond3A_889 {
          %sub3A = arith.constant 5 : i32
          %sub3A_904 = arith.subi %add3A_517, %sub3A : i32
          %mul3A_905 = arith.constant 4096 : i32
          %mul3A_906 = arith.muli %sub3A_904, %mul3A_905 : i32
          %add3A_907 = arith.addi %mul3A_906, %mul3A_2 : i32
          %add3A_908 = arith.constant 64 : i32
          %add3A_909 = arith.addi %add3A_907, %add3A_908 : i32
          %dma_wait3A_910 = arith.constant 1 : i32
          %dma_wait3A_911 = arith.constant 1 : i32
          %dma_wait3A_912 = arith.constant 0 : i32
          %dma_wait3A_913 = arith.constant 0 : i32
          %dma_wait3A_914 = tpu.memref_slice %arg6[%dma_wait3A_910, %dma_wait3A_912, %dma_wait3A_913] : memref<10x64x128xf32, #tpu.memory_space<vmem>> -> memref<1x64x128xf32, #tpu.memory_space<vmem>>
          %dma_wait3A_915 = tpu.memref_squeeze %dma_wait3A_914 : memref<1x64x128xf32, #tpu.memory_space<vmem>> -> memref<64x128xf32, #tpu.memory_space<vmem>>
          %dma_wait3A_916 = arith.constant 0 : i32
          %dma_wait3A_917 = tpu.memref_slice %arg4[%add3A_909, %dma_wait3A_916] : memref<204800x128xf32, #tpu.memory_space<hbm>> -> memref<64x128xf32, #tpu.memory_space<hbm>>
          %dma_wait3A_918 = tpu.memref_slice %arg8[%dma_wait3A_911] : memref<10x!tpu.dma_semaphore, #tpu.memory_space<semaphore_mem>> -> memref<1x!tpu.dma_semaphore, #tpu.memory_space<semaphore_mem>>
          %dma_wait3A_919 = tpu.memref_squeeze %dma_wait3A_918 : memref<1x!tpu.dma_semaphore, #tpu.memory_space<semaphore_mem>> -> memref<!tpu.dma_semaphore, #tpu.memory_space<semaphore_mem>>
          %dma_wait3A_920 = arith.constant 0 : i32
          %dma_wait3A_921 = tpu.memref_slice %arg4[%add3A_909, %dma_wait3A_920] : memref<204800x128xf32, #tpu.memory_space<hbm>> -> memref<64x128xf32, #tpu.memory_space<hbm>>
          %dma_wait3A_922 = arith.constant 0 : i32
          %dma_wait3A_923 = arith.constant 0 : i32
          %dma_wait3A_924 = tpu.memref_slice %arg6[%dma_wait3A_910, %dma_wait3A_922, %dma_wait3A_923] : memref<10x64x128xf32, #tpu.memory_space<vmem>> -> memref<1x64x128xf32, #tpu.memory_space<vmem>>
          %dma_wait3A_925 = tpu.memref_squeeze %dma_wait3A_924 : memref<1x64x128xf32, #tpu.memory_space<vmem>> -> memref<64x128xf32, #tpu.memory_space<vmem>>
          tpu.wait_dma2 semaphore(%dma_wait3A_919 : memref<!tpu.dma_semaphore, #tpu.memory_space<semaphore_mem>>) src(%dma_wait3A_925 : memref<64x128xf32, #tpu.memory_space<vmem>>) dst(%dma_wait3A_921 : memref<64x128xf32, #tpu.memory_space<hbm>>)
        } else {
        }
        %dma_start3A_890 = arith.constant 1 : i32
        %dma_start3A_891 = arith.constant 1 : i32
        %dma_start3A_892 = arith.constant 0 : i32
        %dma_start3A_893 = arith.constant 0 : i32
        %dma_start3A_894 = tpu.memref_slice %arg6[%dma_start3A_890, %dma_start3A_892, %dma_start3A_893] : memref<10x64x128xf32, #tpu.memory_space<vmem>> -> memref<1x64x128xf32, #tpu.memory_space<vmem>>
        %dma_start3A_895 = tpu.memref_squeeze %dma_start3A_894 : memref<1x64x128xf32, #tpu.memory_space<vmem>> -> memref<64x128xf32, #tpu.memory_space<vmem>>
        %dma_start3A_896 = arith.constant 64 : i32
        %dma_start3A_897 = tpu.memref_slice %arg5[%add3A_517, %dma_start3A_896] : memref<50x128xi32, #tpu.memory_space<vmem>> -> memref<1x64xi32, #tpu.memory_space<vmem>>
        %dma_start3A_898 = tpu.memref_squeeze %dma_start3A_897 : memref<1x64xi32, #tpu.memory_space<vmem>> -> memref<64xi32, #tpu.memory_space<vmem>>
        %dma_start3A_899 = arith.constant 0 : i32
        %dma_start3A_900 = arith.constant 0 : i32
        %dma_start3A_901 = tpu.memref_slice %arg3[%dma_start3A_899, %dma_start3A_900] : memref<100000x128xf32, #tpu.memory_space<hbm>> -> memref<100000x128xf32, #tpu.memory_space<hbm>>
        %dma_start3A_902 = tpu.memref_slice %arg7[%dma_start3A_891] : memref<10x!tpu.dma_semaphore, #tpu.memory_space<semaphore_mem>> -> memref<1x!tpu.dma_semaphore, #tpu.memory_space<semaphore_mem>>
        %dma_start3A_903 = tpu.memref_squeeze %dma_start3A_902 : memref<1x!tpu.dma_semaphore, #tpu.memory_space<semaphore_mem>> -> memref<!tpu.dma_semaphore, #tpu.memory_space<semaphore_mem>>
        tpu.enqueue_indirect_dma source(%dma_start3A_901 : memref<100000x128xf32, #tpu.memory_space<hbm>>) target(%dma_start3A_895 : memref<64x128xf32, #tpu.memory_space<vmem>>) offsets(%dma_start3A_898 : memref<64xi32, #tpu.memory_space<vmem>>) semaphore(%dma_start3A_903 : memref<!tpu.dma_semaphore, #tpu.memory_space<semaphore_mem>>)
      } else {
      }
      %mul3A_529 = arith.constant 4096 : i32
      %mul3A_530 = arith.muli %add3A_495, %mul3A_529 : i32
      %add3A_531 = arith.addi %mul3A_530, %mul3A_2 : i32
      %add3A_532 = arith.constant 64 : i32
      %add3A_533 = arith.addi %add3A_531, %add3A_532 : i32
      %dma_start3A_534 = arith.constant 3 : i32
      %dma_start3A_535 = arith.constant 3 : i32
      %dma_start3A_536 = arith.constant 0 : i32
      %dma_start3A_537 = arith.constant 0 : i32
      %dma_start3A_538 = tpu.memref_slice %arg6[%dma_start3A_534, %dma_start3A_536, %dma_start3A_537] : memref<10x64x128xf32, #tpu.memory_space<vmem>> -> memref<1x64x128xf32, #tpu.memory_space<vmem>>
      %dma_start3A_539 = tpu.memref_squeeze %dma_start3A_538 : memref<1x64x128xf32, #tpu.memory_space<vmem>> -> memref<64x128xf32, #tpu.memory_space<vmem>>
      %dma_start3A_540 = arith.constant 0 : i32
      %dma_start3A_541 = tpu.memref_slice %arg4[%add3A_533, %dma_start3A_540] : memref<204800x128xf32, #tpu.memory_space<hbm>> -> memref<64x128xf32, #tpu.memory_space<hbm>>
      %dma_start3A_542 = tpu.memref_slice %arg8[%dma_start3A_535] : memref<10x!tpu.dma_semaphore, #tpu.memory_space<semaphore_mem>> -> memref<1x!tpu.dma_semaphore, #tpu.memory_space<semaphore_mem>>
      %dma_start3A_543 = tpu.memref_squeeze %dma_start3A_542 : memref<1x!tpu.dma_semaphore, #tpu.memory_space<semaphore_mem>> -> memref<!tpu.dma_semaphore, #tpu.memory_space<semaphore_mem>>
      %dma_start3A_544 = arith.constant 0 : i32
      %dma_start3A_545 = tpu.memref_slice %arg4[%add3A_533, %dma_start3A_544] : memref<204800x128xf32, #tpu.memory_space<hbm>> -> memref<64x128xf32, #tpu.memory_space<hbm>>
      %dma_start3A_546 = arith.constant 0 : i32
      %dma_start3A_547 = arith.constant 0 : i32
      %dma_start3A_548 = tpu.memref_slice %arg6[%dma_start3A_534, %dma_start3A_546, %dma_start3A_547] : memref<10x64x128xf32, #tpu.memory_space<vmem>> -> memref<1x64x128xf32, #tpu.memory_space<vmem>>
      %dma_start3A_549 = tpu.memref_squeeze %dma_start3A_548 : memref<1x64x128xf32, #tpu.memory_space<vmem>> -> memref<64x128xf32, #tpu.memory_space<vmem>>
      tpu.enqueue_dma source(%dma_start3A_549 : memref<64x128xf32, #tpu.memory_space<vmem>>) target(%dma_start3A_545 : memref<64x128xf32, #tpu.memory_space<hbm>>) target_semaphore(%dma_start3A_543 : memref<!tpu.dma_semaphore, #tpu.memory_space<semaphore_mem>>)
      %add3A_550 = arith.constant 2 : i32
      %add3A_551 = arith.addi %mul3A_328, %add3A_550 : i32
      %dma_wait3A_552 = arith.constant 4 : i32
      %dma_wait3A_553 = arith.constant 4 : i32
      %dma_wait3A_554 = arith.constant 0 : i32
      %dma_wait3A_555 = arith.constant 0 : i32
      %dma_wait3A_556 = tpu.memref_slice %arg6[%dma_wait3A_552, %dma_wait3A_554, %dma_wait3A_555] : memref<10x64x128xf32, #tpu.memory_space<vmem>> -> memref<1x64x128xf32, #tpu.memory_space<vmem>>
      %dma_wait3A_557 = tpu.memref_squeeze %dma_wait3A_556 : memref<1x64x128xf32, #tpu.memory_space<vmem>> -> memref<64x128xf32, #tpu.memory_space<vmem>>
      %dma_wait3A_558 = arith.constant 0 : i32
      %dma_wait3A_559 = tpu.memref_slice %arg5[%add3A_551, %dma_wait3A_558] : memref<50x128xi32, #tpu.memory_space<vmem>> -> memref<1x64xi32, #tpu.memory_space<vmem>>
      %dma_wait3A_560 = tpu.memref_squeeze %dma_wait3A_559 : memref<1x64xi32, #tpu.memory_space<vmem>> -> memref<64xi32, #tpu.memory_space<vmem>>
      %dma_wait3A_561 = arith.constant 0 : i32
      %dma_wait3A_562 = arith.constant 0 : i32
      %dma_wait3A_563 = tpu.memref_slice %arg3[%dma_wait3A_561, %dma_wait3A_562] : memref<100000x128xf32, #tpu.memory_space<hbm>> -> memref<100000x128xf32, #tpu.memory_space<hbm>>
      %dma_wait3A_564 = tpu.memref_slice %arg7[%dma_wait3A_553] : memref<10x!tpu.dma_semaphore, #tpu.memory_space<semaphore_mem>> -> memref<1x!tpu.dma_semaphore, #tpu.memory_space<semaphore_mem>>
      %dma_wait3A_565 = tpu.memref_squeeze %dma_wait3A_564 : memref<1x!tpu.dma_semaphore, #tpu.memory_space<semaphore_mem>> -> memref<!tpu.dma_semaphore, #tpu.memory_space<semaphore_mem>>
      tpu.wait_indirect_dma semaphore(%dma_wait3A_565 : memref<!tpu.dma_semaphore, #tpu.memory_space<semaphore_mem>>) src(%dma_wait3A_563 : memref<100000x128xf32, #tpu.memory_space<hbm>>) dst(%dma_wait3A_557 : memref<64x128xf32, #tpu.memory_space<vmem>>)
      %scan3A_566 = arith.constant 0 : i32
      %scan3A_567 = arith.constant 0 : i32
      %scan3A_568 = arith.constant 64 : i32
      %scan3A_569 = arith.addi %scan3A_567, %scan3A_568 : i32
      %scan3A_570 = arith.constant 2 : i32
      scf.for %scan3A_886 = %scan3A_567 to %scan3A_569 step %scan3A_570  : i32 {
        %get3A = arith.constant 4 : i32
        %get3A_887 = arith.index_cast %get3A : i32 to index
        %get3A_888 = arith.index_cast %scan3A_886 : i32 to index
        %get3A_889 = arith.constant 0 : index
        %get3A_890 = tpu.vector_load %arg6[%get3A_887, %get3A_888, %get3A_889] {strides = array<i32>} : memref<10x64x128xf32, #tpu.memory_space<vmem>>, vector<1x1x16xf32>,
        %get3A_891 = vector.shape_cast %get3A_890 : vector<1x1x16xf32> to vector<16xf32>
        %mul3A_892 = arith.constant 11.3137083 : f32
        %mul3A_893 = vector.broadcast %mul3A_892 : f32 to vector<16xf32>
        %mul3A_894 = arith.mulf %get3A_891, %mul3A_893 : vector<16xf32>
        %swap3A = arith.constant 4 : i32
        %swap3A_895 = arith.index_cast %swap3A : i32 to index
        %swap3A_896 = arith.index_cast %scan3A_886 : i32 to index
        %swap3A_897 = arith.constant 0 : index
        %swap3A_898 = tpu.vector_load %arg6[%swap3A_895, %swap3A_896, %swap3A_897] {strides = array<i32>} : memref<10x64x128xf32, #tpu.memory_space<vmem>>, vector<1x1x16xf32>,
        %swap3A_899 = vector.shape_cast %swap3A_898 : vector<1x1x16xf32> to vector<16xf32>
        %swap3A_900 = vector.shape_cast %mul3A_894 : vector<16xf32> to vector<1x1x16xf32>
        tpu.vector_store %arg6[%swap3A_895, %swap3A_896, %swap3A_897], %swap3A_900 {strides = array<i32>} : memref<10x64x128xf32, #tpu.memory_space<vmem>>, vector<1x1x16xf32>,
        %get3A_901 = arith.constant 4 : i32
        %get3A_902 = arith.index_cast %get3A_901 : i32 to index
        %get3A_903 = arith.index_cast %scan3A_886 : i32 to index
        %get3A_904 = arith.constant 16 : index
        %get3A_905 = tpu.vector_load %arg6[%get3A_902, %get3A_903, %get3A_904] {strides = array<i32>} : memref<10x64x128xf32, #tpu.memory_space<vmem>>, vector<1x1x16xf32>,
        %get3A_906 = vector.shape_cast %get3A_905 : vector<1x1x16xf32> to vector<16xf32>
        %mul3A_907 = arith.constant 11.3137083 : f32
        %mul3A_908 = vector.broadcast %mul3A_907 : f32 to vector<16xf32>
        %mul3A_909 = arith.mulf %get3A_906, %mul3A_908 : vector<16xf32>
        %swap3A_910 = arith.constant 4 : i32
        %swap3A_911 = arith.index_cast %swap3A_910 : i32 to index
        %swap3A_912 = arith.index_cast %scan3A_886 : i32 to index
        %swap3A_913 = arith.constant 16 : index
        %swap3A_914 = tpu.vector_load %arg6[%swap3A_911, %swap3A_912, %swap3A_913] {strides = array<i32>} : memref<10x64x128xf32, #tpu.memory_space<vmem>>, vector<1x1x16xf32>,
        %swap3A_915 = vector.shape_cast %swap3A_914 : vector<1x1x16xf32> to vector<16xf32>
        %swap3A_916 = vector.shape_cast %mul3A_909 : vector<16xf32> to vector<1x1x16xf32>
        tpu.vector_store %arg6[%swap3A_911, %swap3A_912, %swap3A_913], %swap3A_916 {strides = array<i32>} : memref<10x64x128xf32, #tpu.memory_space<vmem>>, vector<1x1x16xf32>,
        %get3A_917 = arith.constant 4 : i32
        %get3A_918 = arith.index_cast %get3A_917 : i32 to index
        %get3A_919 = arith.index_cast %scan3A_886 : i32 to index
        %get3A_920 = arith.constant 32 : index
        %get3A_921 = tpu.vector_load %arg6[%get3A_918, %get3A_919, %get3A_920] {strides = array<i32>} : memref<10x64x128xf32, #tpu.memory_space<vmem>>, vector<1x1x16xf32>,
        %get3A_922 = vector.shape_cast %get3A_921 : vector<1x1x16xf32> to vector<16xf32>
        %mul3A_923 = arith.constant 11.3137083 : f32
        %mul3A_924 = vector.broadcast %mul3A_923 : f32 to vector<16xf32>
        %mul3A_925 = arith.mulf %get3A_922, %mul3A_924 : vector<16xf32>
        %swap3A_926 = arith.constant 4 : i32
        %swap3A_927 = arith.index_cast %swap3A_926 : i32 to index
        %swap3A_928 = arith.index_cast %scan3A_886 : i32 to index
        %swap3A_929 = arith.constant 32 : index
        %swap3A_930 = tpu.vector_load %arg6[%swap3A_927, %swap3A_928, %swap3A_929] {strides = array<i32>} : memref<10x64x128xf32, #tpu.memory_space<vmem>>, vector<1x1x16xf32>,
        %swap3A_931 = vector.shape_cast %swap3A_930 : vector<1x1x16xf32> to vector<16xf32>
        %swap3A_932 = vector.shape_cast %mul3A_925 : vector<16xf32> to vector<1x1x16xf32>
        tpu.vector_store %arg6[%swap3A_927, %swap3A_928, %swap3A_929], %swap3A_932 {strides = array<i32>} : memref<10x64x128xf32, #tpu.memory_space<vmem>>, vector<1x1x16xf32>,
        %get3A_933 = arith.constant 4 : i32
        %get3A_934 = arith.index_cast %get3A_933 : i32 to index
        %get3A_935 = arith.index_cast %scan3A_886 : i32 to index
        %get3A_936 = arith.constant 48 : index
        %get3A_937 = tpu.vector_load %arg6[%get3A_934, %get3A_935, %get3A_936] {strides = array<i32>} : memref<10x64x128xf32, #tpu.memory_space<vmem>>, vector<1x1x16xf32>,
        %get3A_938 = vector.shape_cast %get3A_937 : vector<1x1x16xf32> to vector<16xf32>
        %mul3A_939 = arith.constant 11.3137083 : f32
        %mul3A_940 = vector.broadcast %mul3A_939 : f32 to vector<16xf32>
        %mul3A_941 = arith.mulf %get3A_938, %mul3A_940 : vector<16xf32>
        %swap3A_942 = arith.constant 4 : i32
        %swap3A_943 = arith.index_cast %swap3A_942 : i32 to index
        %swap3A_944 = arith.index_cast %scan3A_886 : i32 to index
        %swap3A_945 = arith.constant 48 : index
        %swap3A_946 = tpu.vector_load %arg6[%swap3A_943, %swap3A_944, %swap3A_945] {strides = array<i32>} : memref<10x64x128xf32, #tpu.memory_space<vmem>>, vector<1x1x16xf32>,
        %swap3A_947 = vector.shape_cast %swap3A_946 : vector<1x1x16xf32> to vector<16xf32>
        %swap3A_948 = vector.shape_cast %mul3A_941 : vector<16xf32> to vector<1x1x16xf32>
        tpu.vector_store %arg6[%swap3A_943, %swap3A_944, %swap3A_945], %swap3A_948 {strides = array<i32>} : memref<10x64x128xf32, #tpu.memory_space<vmem>>, vector<1x1x16xf32>,
        %get3A_949 = arith.constant 4 : i32
        %get3A_950 = arith.index_cast %get3A_949 : i32 to index
        %get3A_951 = arith.index_cast %scan3A_886 : i32 to index
        %get3A_952 = arith.constant 64 : index
        %get3A_953 = tpu.vector_load %arg6[%get3A_950, %get3A_951, %get3A_952] {strides = array<i32>} : memref<10x64x128xf32, #tpu.memory_space<vmem>>, vector<1x1x16xf32>,
        %get3A_954 = vector.shape_cast %get3A_953 : vector<1x1x16xf32> to vector<16xf32>
        %mul3A_955 = arith.constant 11.3137083 : f32
        %mul3A_956 = vector.broadcast %mul3A_955 : f32 to vector<16xf32>
        %mul3A_957 = arith.mulf %get3A_954, %mul3A_956 : vector<16xf32>
        %swap3A_958 = arith.constant 4 : i32
        %swap3A_959 = arith.index_cast %swap3A_958 : i32 to index
        %swap3A_960 = arith.index_cast %scan3A_886 : i32 to index
        %swap3A_961 = arith.constant 64 : index
        %swap3A_962 = tpu.vector_load %arg6[%swap3A_959, %swap3A_960, %swap3A_961] {strides = array<i32>} : memref<10x64x128xf32, #tpu.memory_space<vmem>>, vector<1x1x16xf32>,
        %swap3A_963 = vector.shape_cast %swap3A_962 : vector<1x1x16xf32> to vector<16xf32>
        %swap3A_964 = vector.shape_cast %mul3A_957 : vector<16xf32> to vector<1x1x16xf32>
        tpu.vector_store %arg6[%swap3A_959, %swap3A_960, %swap3A_961], %swap3A_964 {strides = array<i32>} : memref<10x64x128xf32, #tpu.memory_space<vmem>>, vector<1x1x16xf32>,
        %get3A_965 = arith.constant 4 : i32
        %get3A_966 = arith.index_cast %get3A_965 : i32 to index
        %get3A_967 = arith.index_cast %scan3A_886 : i32 to index
        %get3A_968 = arith.constant 80 : index
        %get3A_969 = tpu.vector_load %arg6[%get3A_966, %get3A_967, %get3A_968] {strides = array<i32>} : memref<10x64x128xf32, #tpu.memory_space<vmem>>, vector<1x1x16xf32>,
        %get3A_970 = vector.shape_cast %get3A_969 : vector<1x1x16xf32> to vector<16xf32>
        %mul3A_971 = arith.constant 11.3137083 : f32
        %mul3A_972 = vector.broadcast %mul3A_971 : f32 to vector<16xf32>
        %mul3A_973 = arith.mulf %get3A_970, %mul3A_972 : vector<16xf32>
        %swap3A_974 = arith.constant 4 : i32
        %swap3A_975 = arith.index_cast %swap3A_974 : i32 to index
        %swap3A_976 = arith.index_cast %scan3A_886 : i32 to index
        %swap3A_977 = arith.constant 80 : index
        %swap3A_978 = tpu.vector_load %arg6[%swap3A_975, %swap3A_976, %swap3A_977] {strides = array<i32>} : memref<10x64x128xf32, #tpu.memory_space<vmem>>, vector<1x1x16xf32>,
        %swap3A_979 = vector.shape_cast %swap3A_978 : vector<1x1x16xf32> to vector<16xf32>
        %swap3A_980 = vector.shape_cast %mul3A_973 : vector<16xf32> to vector<1x1x16xf32>
        tpu.vector_store %arg6[%swap3A_975, %swap3A_976, %swap3A_977], %swap3A_980 {strides = array<i32>} : memref<10x64x128xf32, #tpu.memory_space<vmem>>, vector<1x1x16xf32>,
        %get3A_981 = arith.constant 4 : i32
        %get3A_982 = arith.index_cast %get3A_981 : i32 to index
        %get3A_983 = arith.index_cast %scan3A_886 : i32 to index
        %get3A_984 = arith.constant 96 : index
        %get3A_985 = tpu.vector_load %arg6[%get3A_982, %get3A_983, %get3A_984] {strides = array<i32>} : memref<10x64x128xf32, #tpu.memory_space<vmem>>, vector<1x1x16xf32>,
        %get3A_986 = vector.shape_cast %get3A_985 : vector<1x1x16xf32> to vector<16xf32>
        %mul3A_987 = arith.constant 11.3137083 : f32
        %mul3A_988 = vector.broadcast %mul3A_987 : f32 to vector<16xf32>
        %mul3A_989 = arith.mulf %get3A_986, %mul3A_988 : vector<16xf32>
        %swap3A_990 = arith.constant 4 : i32
        %swap3A_991 = arith.index_cast %swap3A_990 : i32 to index
        %swap3A_992 = arith.index_cast %scan3A_886 : i32 to index
        %swap3A_993 = arith.constant 96 : index
        %swap3A_994 = tpu.vector_load %arg6[%swap3A_991, %swap3A_992, %swap3A_993] {strides = array<i32>} : memref<10x64x128xf32, #tpu.memory_space<vmem>>, vector<1x1x16xf32>,
        %swap3A_995 = vector.shape_cast %swap3A_994 : vector<1x1x16xf32> to vector<16xf32>
        %swap3A_996 = vector.shape_cast %mul3A_989 : vector<16xf32> to vector<1x1x16xf32>
        tpu.vector_store %arg6[%swap3A_991, %swap3A_992, %swap3A_993], %swap3A_996 {strides = array<i32>} : memref<10x64x128xf32, #tpu.memory_space<vmem>>, vector<1x1x16xf32>,
        %get3A_997 = arith.constant 4 : i32
        %get3A_998 = arith.index_cast %get3A_997 : i32 to index
        %get3A_999 = arith.index_cast %scan3A_886 : i32 to index
        %get3A_1000 = arith.constant 112 : index
        %get3A_1001 = tpu.vector_load %arg6[%get3A_998, %get3A_999, %get3A_1000] {strides = array<i32>} : memref<10x64x128xf32, #tpu.memory_space<vmem>>, vector<1x1x16xf32>,
        %get3A_1002 = vector.shape_cast %get3A_1001 : vector<1x1x16xf32> to vector<16xf32>
        %mul3A_1003 = arith.constant 11.3137083 : f32
        %mul3A_1004 = vector.broadcast %mul3A_1003 : f32 to vector<16xf32>
        %mul3A_1005 = arith.mulf %get3A_1002, %mul3A_1004 : vector<16xf32>
        %swap3A_1006 = arith.constant 4 : i32
        %swap3A_1007 = arith.index_cast %swap3A_1006 : i32 to index
        %swap3A_1008 = arith.index_cast %scan3A_886 : i32 to index
        %swap3A_1009 = arith.constant 112 : index
        %swap3A_1010 = tpu.vector_load %arg6[%swap3A_1007, %swap3A_1008, %swap3A_1009] {strides = array<i32>} : memref<10x64x128xf32, #tpu.memory_space<vmem>>, vector<1x1x16xf32>,
        %swap3A_1011 = vector.shape_cast %swap3A_1010 : vector<1x1x16xf32> to vector<16xf32>
        %swap3A_1012 = vector.shape_cast %mul3A_1005 : vector<16xf32> to vector<1x1x16xf32>
        tpu.vector_store %arg6[%swap3A_1007, %swap3A_1008, %swap3A_1009], %swap3A_1012 {strides = array<i32>} : memref<10x64x128xf32, #tpu.memory_space<vmem>>, vector<1x1x16xf32>,
        %scan3A_1013 = arith.constant 1 : i32
        %scan3A_1014 = arith.addi %scan3A_886, %scan3A_1013 : i32
        %get3A_1015 = arith.constant 4 : i32
        %get3A_1016 = arith.index_cast %get3A_1015 : i32 to index
        %get3A_1017 = arith.index_cast %scan3A_1014 : i32 to index
        %get3A_1018 = arith.constant 0 : index
        %get3A_1019 = tpu.vector_load %arg6[%get3A_1016, %get3A_1017, %get3A_1018] {strides = array<i32>} : memref<10x64x128xf32, #tpu.memory_space<vmem>>, vector<1x1x16xf32>,
        %get3A_1020 = vector.shape_cast %get3A_1019 : vector<1x1x16xf32> to vector<16xf32>
        %mul3A_1021 = arith.constant 11.3137083 : f32
        %mul3A_1022 = vector.broadcast %mul3A_1021 : f32 to vector<16xf32>
        %mul3A_1023 = arith.mulf %get3A_1020, %mul3A_1022 : vector<16xf32>
        %swap3A_1024 = arith.constant 4 : i32
        %swap3A_1025 = arith.index_cast %swap3A_1024 : i32 to index
        %swap3A_1026 = arith.index_cast %scan3A_1014 : i32 to index
        %swap3A_1027 = arith.constant 0 : index
        %swap3A_1028 = tpu.vector_load %arg6[%swap3A_1025, %swap3A_1026, %swap3A_1027] {strides = array<i32>} : memref<10x64x128xf32, #tpu.memory_space<vmem>>, vector<1x1x16xf32>,
        %swap3A_1029 = vector.shape_cast %swap3A_1028 : vector<1x1x16xf32> to vector<16xf32>
        %swap3A_1030 = vector.shape_cast %mul3A_1023 : vector<16xf32> to vector<1x1x16xf32>
        tpu.vector_store %arg6[%swap3A_1025, %swap3A_1026, %swap3A_1027], %swap3A_1030 {strides = array<i32>} : memref<10x64x128xf32, #tpu.memory_space<vmem>>, vector<1x1x16xf32>,
        %get3A_1031 = arith.constant 4 : i32
        %get3A_1032 = arith.index_cast %get3A_1031 : i32 to index
        %get3A_1033 = arith.index_cast %scan3A_1014 : i32 to index
        %get3A_1034 = arith.constant 16 : index
        %get3A_1035 = tpu.vector_load %arg6[%get3A_1032, %get3A_1033, %get3A_1034] {strides = array<i32>} : memref<10x64x128xf32, #tpu.memory_space<vmem>>, vector<1x1x16xf32>,
        %get3A_1036 = vector.shape_cast %get3A_1035 : vector<1x1x16xf32> to vector<16xf32>
        %mul3A_1037 = arith.constant 11.3137083 : f32
        %mul3A_1038 = vector.broadcast %mul3A_1037 : f32 to vector<16xf32>
        %mul3A_1039 = arith.mulf %get3A_1036, %mul3A_1038 : vector<16xf32>
        %swap3A_1040 = arith.constant 4 : i32
        %swap3A_1041 = arith.index_cast %swap3A_1040 : i32 to index
        %swap3A_1042 = arith.index_cast %scan3A_1014 : i32 to index
        %swap3A_1043 = arith.constant 16 : index
        %swap3A_1044 = tpu.vector_load %arg6[%swap3A_1041, %swap3A_1042, %swap3A_1043] {strides = array<i32>} : memref<10x64x128xf32, #tpu.memory_space<vmem>>, vector<1x1x16xf32>,
        %swap3A_1045 = vector.shape_cast %swap3A_1044 : vector<1x1x16xf32> to vector<16xf32>
        %swap3A_1046 = vector.shape_cast %mul3A_1039 : vector<16xf32> to vector<1x1x16xf32>
        tpu.vector_store %arg6[%swap3A_1041, %swap3A_1042, %swap3A_1043], %swap3A_1046 {strides = array<i32>} : memref<10x64x128xf32, #tpu.memory_space<vmem>>, vector<1x1x16xf32>,
        %get3A_1047 = arith.constant 4 : i32
        %get3A_1048 = arith.index_cast %get3A_1047 : i32 to index
        %get3A_1049 = arith.index_cast %scan3A_1014 : i32 to index
        %get3A_1050 = arith.constant 32 : index
        %get3A_1051 = tpu.vector_load %arg6[%get3A_1048, %get3A_1049, %get3A_1050] {strides = array<i32>} : memref<10x64x128xf32, #tpu.memory_space<vmem>>, vector<1x1x16xf32>,
        %get3A_1052 = vector.shape_cast %get3A_1051 : vector<1x1x16xf32> to vector<16xf32>
        %mul3A_1053 = arith.constant 11.3137083 : f32
        %mul3A_1054 = vector.broadcast %mul3A_1053 : f32 to vector<16xf32>
        %mul3A_1055 = arith.mulf %get3A_1052, %mul3A_1054 : vector<16xf32>
        %swap3A_1056 = arith.constant 4 : i32
        %swap3A_1057 = arith.index_cast %swap3A_1056 : i32 to index
        %swap3A_1058 = arith.index_cast %scan3A_1014 : i32 to index
        %swap3A_1059 = arith.constant 32 : index
        %swap3A_1060 = tpu.vector_load %arg6[%swap3A_1057, %swap3A_1058, %swap3A_1059] {strides = array<i32>} : memref<10x64x128xf32, #tpu.memory_space<vmem>>, vector<1x1x16xf32>,
        %swap3A_1061 = vector.shape_cast %swap3A_1060 : vector<1x1x16xf32> to vector<16xf32>
        %swap3A_1062 = vector.shape_cast %mul3A_1055 : vector<16xf32> to vector<1x1x16xf32>
        tpu.vector_store %arg6[%swap3A_1057, %swap3A_1058, %swap3A_1059], %swap3A_1062 {strides = array<i32>} : memref<10x64x128xf32, #tpu.memory_space<vmem>>, vector<1x1x16xf32>,
        %get3A_1063 = arith.constant 4 : i32
        %get3A_1064 = arith.index_cast %get3A_1063 : i32 to index
        %get3A_1065 = arith.index_cast %scan3A_1014 : i32 to index
        %get3A_1066 = arith.constant 48 : index
        %get3A_1067 = tpu.vector_load %arg6[%get3A_1064, %get3A_1065, %get3A_1066] {strides = array<i32>} : memref<10x64x128xf32, #tpu.memory_space<vmem>>, vector<1x1x16xf32>,
        %get3A_1068 = vector.shape_cast %get3A_1067 : vector<1x1x16xf32> to vector<16xf32>
        %mul3A_1069 = arith.constant 11.3137083 : f32
        %mul3A_1070 = vector.broadcast %mul3A_1069 : f32 to vector<16xf32>
        %mul3A_1071 = arith.mulf %get3A_1068, %mul3A_1070 : vector<16xf32>
        %swap3A_1072 = arith.constant 4 : i32
        %swap3A_1073 = arith.index_cast %swap3A_1072 : i32 to index
        %swap3A_1074 = arith.index_cast %scan3A_1014 : i32 to index
        %swap3A_1075 = arith.constant 48 : index
        %swap3A_1076 = tpu.vector_load %arg6[%swap3A_1073, %swap3A_1074, %swap3A_1075] {strides = array<i32>} : memref<10x64x128xf32, #tpu.memory_space<vmem>>, vector<1x1x16xf32>,
        %swap3A_1077 = vector.shape_cast %swap3A_1076 : vector<1x1x16xf32> to vector<16xf32>
        %swap3A_1078 = vector.shape_cast %mul3A_1071 : vector<16xf32> to vector<1x1x16xf32>
        tpu.vector_store %arg6[%swap3A_1073, %swap3A_1074, %swap3A_1075], %swap3A_1078 {strides = array<i32>} : memref<10x64x128xf32, #tpu.memory_space<vmem>>, vector<1x1x16xf32>,
        %get3A_1079 = arith.constant 4 : i32
        %get3A_1080 = arith.index_cast %get3A_1079 : i32 to index
        %get3A_1081 = arith.index_cast %scan3A_1014 : i32 to index
        %get3A_1082 = arith.constant 64 : index
        %get3A_1083 = tpu.vector_load %arg6[%get3A_1080, %get3A_1081, %get3A_1082] {strides = array<i32>} : memref<10x64x128xf32, #tpu.memory_space<vmem>>, vector<1x1x16xf32>,
        %get3A_1084 = vector.shape_cast %get3A_1083 : vector<1x1x16xf32> to vector<16xf32>
        %mul3A_1085 = arith.constant 11.3137083 : f32
        %mul3A_1086 = vector.broadcast %mul3A_1085 : f32 to vector<16xf32>
        %mul3A_1087 = arith.mulf %get3A_1084, %mul3A_1086 : vector<16xf32>
        %swap3A_1088 = arith.constant 4 : i32
        %swap3A_1089 = arith.index_cast %swap3A_1088 : i32 to index
        %swap3A_1090 = arith.index_cast %scan3A_1014 : i32 to index
        %swap3A_1091 = arith.constant 64 : index
        %swap3A_1092 = tpu.vector_load %arg6[%swap3A_1089, %swap3A_1090, %swap3A_1091] {strides = array<i32>} : memref<10x64x128xf32, #tpu.memory_space<vmem>>, vector<1x1x16xf32>,
        %swap3A_1093 = vector.shape_cast %swap3A_1092 : vector<1x1x16xf32> to vector<16xf32>
        %swap3A_1094 = vector.shape_cast %mul3A_1087 : vector<16xf32> to vector<1x1x16xf32>
        tpu.vector_store %arg6[%swap3A_1089, %swap3A_1090, %swap3A_1091], %swap3A_1094 {strides = array<i32>} : memref<10x64x128xf32, #tpu.memory_space<vmem>>, vector<1x1x16xf32>,
        %get3A_1095 = arith.constant 4 : i32
        %get3A_1096 = arith.index_cast %get3A_1095 : i32 to index
        %get3A_1097 = arith.index_cast %scan3A_1014 : i32 to index
        %get3A_1098 = arith.constant 80 : index
        %get3A_1099 = tpu.vector_load %arg6[%get3A_1096, %get3A_1097, %get3A_1098] {strides = array<i32>} : memref<10x64x128xf32, #tpu.memory_space<vmem>>, vector<1x1x16xf32>,
        %get3A_1100 = vector.shape_cast %get3A_1099 : vector<1x1x16xf32> to vector<16xf32>
        %mul3A_1101 = arith.constant 11.3137083 : f32
        %mul3A_1102 = vector.broadcast %mul3A_1101 : f32 to vector<16xf32>
        %mul3A_1103 = arith.mulf %get3A_1100, %mul3A_1102 : vector<16xf32>
        %swap3A_1104 = arith.constant 4 : i32
        %swap3A_1105 = arith.index_cast %swap3A_1104 : i32 to index
        %swap3A_1106 = arith.index_cast %scan3A_1014 : i32 to index
        %swap3A_1107 = arith.constant 80 : index
        %swap3A_1108 = tpu.vector_load %arg6[%swap3A_1105, %swap3A_1106, %swap3A_1107] {strides = array<i32>} : memref<10x64x128xf32, #tpu.memory_space<vmem>>, vector<1x1x16xf32>,
        %swap3A_1109 = vector.shape_cast %swap3A_1108 : vector<1x1x16xf32> to vector<16xf32>
        %swap3A_1110 = vector.shape_cast %mul3A_1103 : vector<16xf32> to vector<1x1x16xf32>
        tpu.vector_store %arg6[%swap3A_1105, %swap3A_1106, %swap3A_1107], %swap3A_1110 {strides = array<i32>} : memref<10x64x128xf32, #tpu.memory_space<vmem>>, vector<1x1x16xf32>,
        %get3A_1111 = arith.constant 4 : i32
        %get3A_1112 = arith.index_cast %get3A_1111 : i32 to index
        %get3A_1113 = arith.index_cast %scan3A_1014 : i32 to index
        %get3A_1114 = arith.constant 96 : index
        %get3A_1115 = tpu.vector_load %arg6[%get3A_1112, %get3A_1113, %get3A_1114] {strides = array<i32>} : memref<10x64x128xf32, #tpu.memory_space<vmem>>, vector<1x1x16xf32>,
        %get3A_1116 = vector.shape_cast %get3A_1115 : vector<1x1x16xf32> to vector<16xf32>
        %mul3A_1117 = arith.constant 11.3137083 : f32
        %mul3A_1118 = vector.broadcast %mul3A_1117 : f32 to vector<16xf32>
        %mul3A_1119 = arith.mulf %get3A_1116, %mul3A_1118 : vector<16xf32>
        %swap3A_1120 = arith.constant 4 : i32
        %swap3A_1121 = arith.index_cast %swap3A_1120 : i32 to index
        %swap3A_1122 = arith.index_cast %scan3A_1014 : i32 to index
        %swap3A_1123 = arith.constant 96 : index
        %swap3A_1124 = tpu.vector_load %arg6[%swap3A_1121, %swap3A_1122, %swap3A_1123] {strides = array<i32>} : memref<10x64x128xf32, #tpu.memory_space<vmem>>, vector<1x1x16xf32>,
        %swap3A_1125 = vector.shape_cast %swap3A_1124 : vector<1x1x16xf32> to vector<16xf32>
        %swap3A_1126 = vector.shape_cast %mul3A_1119 : vector<16xf32> to vector<1x1x16xf32>
        tpu.vector_store %arg6[%swap3A_1121, %swap3A_1122, %swap3A_1123], %swap3A_1126 {strides = array<i32>} : memref<10x64x128xf32, #tpu.memory_space<vmem>>, vector<1x1x16xf32>,
        %get3A_1127 = arith.constant 4 : i32
        %get3A_1128 = arith.index_cast %get3A_1127 : i32 to index
        %get3A_1129 = arith.index_cast %scan3A_1014 : i32 to index
        %get3A_1130 = arith.constant 112 : index
        %get3A_1131 = tpu.vector_load %arg6[%get3A_1128, %get3A_1129, %get3A_1130] {strides = array<i32>} : memref<10x64x128xf32, #tpu.memory_space<vmem>>, vector<1x1x16xf32>,
        %get3A_1132 = vector.shape_cast %get3A_1131 : vector<1x1x16xf32> to vector<16xf32>
        %mul3A_1133 = arith.constant 11.3137083 : f32
        %mul3A_1134 = vector.broadcast %mul3A_1133 : f32 to vector<16xf32>
        %mul3A_1135 = arith.mulf %get3A_1132, %mul3A_1134 : vector<16xf32>
        %swap3A_1136 = arith.constant 4 : i32
        %swap3A_1137 = arith.index_cast %swap3A_1136 : i32 to index
        %swap3A_1138 = arith.index_cast %scan3A_1014 : i32 to index
        %swap3A_1139 = arith.constant 112 : index
        %swap3A_1140 = tpu.vector_load %arg6[%swap3A_1137, %swap3A_1138, %swap3A_1139] {strides = array<i32>} : memref<10x64x128xf32, #tpu.memory_space<vmem>>, vector<1x1x16xf32>,
        %swap3A_1141 = vector.shape_cast %swap3A_1140 : vector<1x1x16xf32> to vector<16xf32>
        %swap3A_1142 = vector.shape_cast %mul3A_1135 : vector<16xf32> to vector<1x1x16xf32>
        tpu.vector_store %arg6[%swap3A_1137, %swap3A_1138, %swap3A_1139], %swap3A_1142 {strides = array<i32>} : memref<10x64x128xf32, #tpu.memory_space<vmem>>, vector<1x1x16xf32>,
      }
      %scan3A_571 = arith.constant 64 : i32
      %add3A_572 = arith.constant 6 : i32
      %add3A_573 = arith.addi %mul3A_328, %add3A_572 : i32
      %mul3A_574 = arith.constant 2 : i32
      %mul3A_575 = arith.muli %add3A_551, %mul3A_574 : i32
      %add3A_576 = arith.constant 0 : i32
      %add3A_577 = arith.addi %mul3A_575, %add3A_576 : i32
      %add3A_578 = arith.constant 8 : i32
      %add3A_579 = arith.addi %add3A_577, %add3A_578 : i32
      %lt3A_580 = arith.constant 100 : i32
      %lt3A_581 = arith.cmpi slt, %add3A_579, %lt3A_580 : i32
      %convert_element_type3A_582 = arith.extui %lt3A_581 : i1 to i32
      %cond3A_583 = arith.constant 0 : i32
      %cond3A_584 = arith.cmpi ne, %convert_element_type3A_582, %cond3A_583 : i32
      scf.if %cond3A_584 {
        %ge3A = arith.constant 10 : i32
        %ge3A_886 = arith.cmpi sge, %add3A_579, %ge3A : i32
        %convert_element_type3A_887 = arith.extui %ge3A_886 : i1 to i32
        %cond3A_888 = arith.constant 0 : i32
        %cond3A_889 = arith.cmpi ne, %convert_element_type3A_887, %cond3A_888 : i32
        scf.if %cond3A_889 {
          %sub3A = arith.constant 5 : i32
          %sub3A_904 = arith.subi %add3A_573, %sub3A : i32
          %mul3A_905 = arith.constant 4096 : i32
          %mul3A_906 = arith.muli %sub3A_904, %mul3A_905 : i32
          %add3A_907 = arith.addi %mul3A_906, %mul3A_2 : i32
          %add3A_908 = arith.constant 0 : i32
          %add3A_909 = arith.addi %add3A_907, %add3A_908 : i32
          %dma_wait3A_910 = arith.constant 2 : i32
          %dma_wait3A_911 = arith.constant 2 : i32
          %dma_wait3A_912 = arith.constant 0 : i32
          %dma_wait3A_913 = arith.constant 0 : i32
          %dma_wait3A_914 = tpu.memref_slice %arg6[%dma_wait3A_910, %dma_wait3A_912, %dma_wait3A_913] : memref<10x64x128xf32, #tpu.memory_space<vmem>> -> memref<1x64x128xf32, #tpu.memory_space<vmem>>
          %dma_wait3A_915 = tpu.memref_squeeze %dma_wait3A_914 : memref<1x64x128xf32, #tpu.memory_space<vmem>> -> memref<64x128xf32, #tpu.memory_space<vmem>>
          %dma_wait3A_916 = arith.constant 0 : i32
          %dma_wait3A_917 = tpu.memref_slice %arg4[%add3A_909, %dma_wait3A_916] : memref<204800x128xf32, #tpu.memory_space<hbm>> -> memref<64x128xf32, #tpu.memory_space<hbm>>
          %dma_wait3A_918 = tpu.memref_slice %arg8[%dma_wait3A_911] : memref<10x!tpu.dma_semaphore, #tpu.memory_space<semaphore_mem>> -> memref<1x!tpu.dma_semaphore, #tpu.memory_space<semaphore_mem>>
          %dma_wait3A_919 = tpu.memref_squeeze %dma_wait3A_918 : memref<1x!tpu.dma_semaphore, #tpu.memory_space<semaphore_mem>> -> memref<!tpu.dma_semaphore, #tpu.memory_space<semaphore_mem>>
          %dma_wait3A_920 = arith.constant 0 : i32
          %dma_wait3A_921 = tpu.memref_slice %arg4[%add3A_909, %dma_wait3A_920] : memref<204800x128xf32, #tpu.memory_space<hbm>> -> memref<64x128xf32, #tpu.memory_space<hbm>>
          %dma_wait3A_922 = arith.constant 0 : i32
          %dma_wait3A_923 = arith.constant 0 : i32
          %dma_wait3A_924 = tpu.memref_slice %arg6[%dma_wait3A_910, %dma_wait3A_922, %dma_wait3A_923] : memref<10x64x128xf32, #tpu.memory_space<vmem>> -> memref<1x64x128xf32, #tpu.memory_space<vmem>>
          %dma_wait3A_925 = tpu.memref_squeeze %dma_wait3A_924 : memref<1x64x128xf32, #tpu.memory_space<vmem>> -> memref<64x128xf32, #tpu.memory_space<vmem>>
          tpu.wait_dma2 semaphore(%dma_wait3A_919 : memref<!tpu.dma_semaphore, #tpu.memory_space<semaphore_mem>>) src(%dma_wait3A_925 : memref<64x128xf32, #tpu.memory_space<vmem>>) dst(%dma_wait3A_921 : memref<64x128xf32, #tpu.memory_space<hbm>>)
        } else {
        }
        %dma_start3A_890 = arith.constant 2 : i32
        %dma_start3A_891 = arith.constant 2 : i32
        %dma_start3A_892 = arith.constant 0 : i32
        %dma_start3A_893 = arith.constant 0 : i32
        %dma_start3A_894 = tpu.memref_slice %arg6[%dma_start3A_890, %dma_start3A_892, %dma_start3A_893] : memref<10x64x128xf32, #tpu.memory_space<vmem>> -> memref<1x64x128xf32, #tpu.memory_space<vmem>>
        %dma_start3A_895 = tpu.memref_squeeze %dma_start3A_894 : memref<1x64x128xf32, #tpu.memory_space<vmem>> -> memref<64x128xf32, #tpu.memory_space<vmem>>
        %dma_start3A_896 = arith.constant 0 : i32
        %dma_start3A_897 = tpu.memref_slice %arg5[%add3A_573, %dma_start3A_896] : memref<50x128xi32, #tpu.memory_space<vmem>> -> memref<1x64xi32, #tpu.memory_space<vmem>>
        %dma_start3A_898 = tpu.memref_squeeze %dma_start3A_897 : memref<1x64xi32, #tpu.memory_space<vmem>> -> memref<64xi32, #tpu.memory_space<vmem>>
        %dma_start3A_899 = arith.constant 0 : i32
        %dma_start3A_900 = arith.constant 0 : i32
        %dma_start3A_901 = tpu.memref_slice %arg3[%dma_start3A_899, %dma_start3A_900] : memref<100000x128xf32, #tpu.memory_space<hbm>> -> memref<100000x128xf32, #tpu.memory_space<hbm>>
        %dma_start3A_902 = tpu.memref_slice %arg7[%dma_start3A_891] : memref<10x!tpu.dma_semaphore, #tpu.memory_space<semaphore_mem>> -> memref<1x!tpu.dma_semaphore, #tpu.memory_space<semaphore_mem>>
        %dma_start3A_903 = tpu.memref_squeeze %dma_start3A_902 : memref<1x!tpu.dma_semaphore, #tpu.memory_space<semaphore_mem>> -> memref<!tpu.dma_semaphore, #tpu.memory_space<semaphore_mem>>
        tpu.enqueue_indirect_dma source(%dma_start3A_901 : memref<100000x128xf32, #tpu.memory_space<hbm>>) target(%dma_start3A_895 : memref<64x128xf32, #tpu.memory_space<vmem>>) offsets(%dma_start3A_898 : memref<64xi32, #tpu.memory_space<vmem>>) semaphore(%dma_start3A_903 : memref<!tpu.dma_semaphore, #tpu.memory_space<semaphore_mem>>)
      } else {
      }
      %mul3A_585 = arith.constant 4096 : i32
      %mul3A_586 = arith.muli %add3A_551, %mul3A_585 : i32
      %add3A_587 = arith.addi %mul3A_586, %mul3A_2 : i32
      %add3A_588 = arith.constant 0 : i32
      %add3A_589 = arith.addi %add3A_587, %add3A_588 : i32
      %dma_start3A_590 = arith.constant 4 : i32
      %dma_start3A_591 = arith.constant 4 : i32
      %dma_start3A_592 = arith.constant 0 : i32
      %dma_start3A_593 = arith.constant 0 : i32
      %dma_start3A_594 = tpu.memref_slice %arg6[%dma_start3A_590, %dma_start3A_592, %dma_start3A_593] : memref<10x64x128xf32, #tpu.memory_space<vmem>> -> memref<1x64x128xf32, #tpu.memory_space<vmem>>
      %dma_start3A_595 = tpu.memref_squeeze %dma_start3A_594 : memref<1x64x128xf32, #tpu.memory_space<vmem>> -> memref<64x128xf32, #tpu.memory_space<vmem>>
      %dma_start3A_596 = arith.constant 0 : i32
      %dma_start3A_597 = tpu.memref_slice %arg4[%add3A_589, %dma_start3A_596] : memref<204800x128xf32, #tpu.memory_space<hbm>> -> memref<64x128xf32, #tpu.memory_space<hbm>>
      %dma_start3A_598 = tpu.memref_slice %arg8[%dma_start3A_591] : memref<10x!tpu.dma_semaphore, #tpu.memory_space<semaphore_mem>> -> memref<1x!tpu.dma_semaphore, #tpu.memory_space<semaphore_mem>>
      %dma_start3A_599 = tpu.memref_squeeze %dma_start3A_598 : memref<1x!tpu.dma_semaphore, #tpu.memory_space<semaphore_mem>> -> memref<!tpu.dma_semaphore, #tpu.memory_space<semaphore_mem>>
      %dma_start3A_600 = arith.constant 0 : i32
      %dma_start3A_601 = tpu.memref_slice %arg4[%add3A_589, %dma_start3A_600] : memref<204800x128xf32, #tpu.memory_space<hbm>> -> memref<64x128xf32, #tpu.memory_space<hbm>>
      %dma_start3A_602 = arith.constant 0 : i32
      %dma_start3A_603 = arith.constant 0 : i32
      %dma_start3A_604 = tpu.memref_slice %arg6[%dma_start3A_590, %dma_start3A_602, %dma_start3A_603] : memref<10x64x128xf32, #tpu.memory_space<vmem>> -> memref<1x64x128xf32, #tpu.memory_space<vmem>>
      %dma_start3A_605 = tpu.memref_squeeze %dma_start3A_604 : memref<1x64x128xf32, #tpu.memory_space<vmem>> -> memref<64x128xf32, #tpu.memory_space<vmem>>
      tpu.enqueue_dma source(%dma_start3A_605 : memref<64x128xf32, #tpu.memory_space<vmem>>) target(%dma_start3A_601 : memref<64x128xf32, #tpu.memory_space<hbm>>) target_semaphore(%dma_start3A_599 : memref<!tpu.dma_semaphore, #tpu.memory_space<semaphore_mem>>)
      %add3A_606 = arith.constant 2 : i32
      %add3A_607 = arith.addi %mul3A_328, %add3A_606 : i32
      %dma_wait3A_608 = arith.constant 5 : i32
      %dma_wait3A_609 = arith.constant 5 : i32
      %dma_wait3A_610 = arith.constant 0 : i32
      %dma_wait3A_611 = arith.constant 0 : i32
      %dma_wait3A_612 = tpu.memref_slice %arg6[%dma_wait3A_608, %dma_wait3A_610, %dma_wait3A_611] : memref<10x64x128xf32, #tpu.memory_space<vmem>> -> memref<1x64x128xf32, #tpu.memory_space<vmem>>
      %dma_wait3A_613 = tpu.memref_squeeze %dma_wait3A_612 : memref<1x64x128xf32, #tpu.memory_space<vmem>> -> memref<64x128xf32, #tpu.memory_space<vmem>>
      %dma_wait3A_614 = arith.constant 64 : i32
      %dma_wait3A_615 = tpu.memref_slice %arg5[%add3A_607, %dma_wait3A_614] : memref<50x128xi32, #tpu.memory_space<vmem>> -> memref<1x64xi32, #tpu.memory_space<vmem>>
      %dma_wait3A_616 = tpu.memref_squeeze %dma_wait3A_615 : memref<1x64xi32, #tpu.memory_space<vmem>> -> memref<64xi32, #tpu.memory_space<vmem>>
      %dma_wait3A_617 = arith.constant 0 : i32
      %dma_wait3A_618 = arith.constant 0 : i32
      %dma_wait3A_619 = tpu.memref_slice %arg3[%dma_wait3A_617, %dma_wait3A_618] : memref<100000x128xf32, #tpu.memory_space<hbm>> -> memref<100000x128xf32, #tpu.memory_space<hbm>>
      %dma_wait3A_620 = tpu.memref_slice %arg7[%dma_wait3A_609] : memref<10x!tpu.dma_semaphore, #tpu.memory_space<semaphore_mem>> -> memref<1x!tpu.dma_semaphore, #tpu.memory_space<semaphore_mem>>
      %dma_wait3A_621 = tpu.memref_squeeze %dma_wait3A_620 : memref<1x!tpu.dma_semaphore, #tpu.memory_space<semaphore_mem>> -> memref<!tpu.dma_semaphore, #tpu.memory_space<semaphore_mem>>
      tpu.wait_indirect_dma semaphore(%dma_wait3A_621 : memref<!tpu.dma_semaphore, #tpu.memory_space<semaphore_mem>>) src(%dma_wait3A_619 : memref<100000x128xf32, #tpu.memory_space<hbm>>) dst(%dma_wait3A_613 : memref<64x128xf32, #tpu.memory_space<vmem>>)
      %scan3A_622 = arith.constant 0 : i32
      %scan3A_623 = arith.constant 0 : i32
      %scan3A_624 = arith.constant 64 : i32
      %scan3A_625 = arith.addi %scan3A_623, %scan3A_624 : i32
      %scan3A_626 = arith.constant 2 : i32
      scf.for %scan3A_886 = %scan3A_623 to %scan3A_625 step %scan3A_626  : i32 {
        %get3A = arith.constant 5 : i32
        %get3A_887 = arith.index_cast %get3A : i32 to index
        %get3A_888 = arith.index_cast %scan3A_886 : i32 to index
        %get3A_889 = arith.constant 0 : index
        %get3A_890 = tpu.vector_load %arg6[%get3A_887, %get3A_888, %get3A_889] {strides = array<i32>} : memref<10x64x128xf32, #tpu.memory_space<vmem>>, vector<1x1x16xf32>,
        %get3A_891 = vector.shape_cast %get3A_890 : vector<1x1x16xf32> to vector<16xf32>
        %mul3A_892 = arith.constant 11.3137083 : f32
        %mul3A_893 = vector.broadcast %mul3A_892 : f32 to vector<16xf32>
        %mul3A_894 = arith.mulf %get3A_891, %mul3A_893 : vector<16xf32>
        %swap3A = arith.constant 5 : i32
        %swap3A_895 = arith.index_cast %swap3A : i32 to index
        %swap3A_896 = arith.index_cast %scan3A_886 : i32 to index
        %swap3A_897 = arith.constant 0 : index
        %swap3A_898 = tpu.vector_load %arg6[%swap3A_895, %swap3A_896, %swap3A_897] {strides = array<i32>} : memref<10x64x128xf32, #tpu.memory_space<vmem>>, vector<1x1x16xf32>,
        %swap3A_899 = vector.shape_cast %swap3A_898 : vector<1x1x16xf32> to vector<16xf32>
        %swap3A_900 = vector.shape_cast %mul3A_894 : vector<16xf32> to vector<1x1x16xf32>
        tpu.vector_store %arg6[%swap3A_895, %swap3A_896, %swap3A_897], %swap3A_900 {strides = array<i32>} : memref<10x64x128xf32, #tpu.memory_space<vmem>>, vector<1x1x16xf32>,
        %get3A_901 = arith.constant 5 : i32
        %get3A_902 = arith.index_cast %get3A_901 : i32 to index
        %get3A_903 = arith.index_cast %scan3A_886 : i32 to index
        %get3A_904 = arith.constant 16 : index
        %get3A_905 = tpu.vector_load %arg6[%get3A_902, %get3A_903, %get3A_904] {strides = array<i32>} : memref<10x64x128xf32, #tpu.memory_space<vmem>>, vector<1x1x16xf32>,
        %get3A_906 = vector.shape_cast %get3A_905 : vector<1x1x16xf32> to vector<16xf32>
        %mul3A_907 = arith.constant 11.3137083 : f32
        %mul3A_908 = vector.broadcast %mul3A_907 : f32 to vector<16xf32>
        %mul3A_909 = arith.mulf %get3A_906, %mul3A_908 : vector<16xf32>
        %swap3A_910 = arith.constant 5 : i32
        %swap3A_911 = arith.index_cast %swap3A_910 : i32 to index
        %swap3A_912 = arith.index_cast %scan3A_886 : i32 to index
        %swap3A_913 = arith.constant 16 : index
        %swap3A_914 = tpu.vector_load %arg6[%swap3A_911, %swap3A_912, %swap3A_913] {strides = array<i32>} : memref<10x64x128xf32, #tpu.memory_space<vmem>>, vector<1x1x16xf32>,
        %swap3A_915 = vector.shape_cast %swap3A_914 : vector<1x1x16xf32> to vector<16xf32>
        %swap3A_916 = vector.shape_cast %mul3A_909 : vector<16xf32> to vector<1x1x16xf32>
        tpu.vector_store %arg6[%swap3A_911, %swap3A_912, %swap3A_913], %swap3A_916 {strides = array<i32>} : memref<10x64x128xf32, #tpu.memory_space<vmem>>, vector<1x1x16xf32>,
        %get3A_917 = arith.constant 5 : i32
        %get3A_918 = arith.index_cast %get3A_917 : i32 to index
        %get3A_919 = arith.index_cast %scan3A_886 : i32 to index
        %get3A_920 = arith.constant 32 : index
        %get3A_921 = tpu.vector_load %arg6[%get3A_918, %get3A_919, %get3A_920] {strides = array<i32>} : memref<10x64x128xf32, #tpu.memory_space<vmem>>, vector<1x1x16xf32>,
        %get3A_922 = vector.shape_cast %get3A_921 : vector<1x1x16xf32> to vector<16xf32>
        %mul3A_923 = arith.constant 11.3137083 : f32
        %mul3A_924 = vector.broadcast %mul3A_923 : f32 to vector<16xf32>
        %mul3A_925 = arith.mulf %get3A_922, %mul3A_924 : vector<16xf32>
        %swap3A_926 = arith.constant 5 : i32
        %swap3A_927 = arith.index_cast %swap3A_926 : i32 to index
        %swap3A_928 = arith.index_cast %scan3A_886 : i32 to index
        %swap3A_929 = arith.constant 32 : index
        %swap3A_930 = tpu.vector_load %arg6[%swap3A_927, %swap3A_928, %swap3A_929] {strides = array<i32>} : memref<10x64x128xf32, #tpu.memory_space<vmem>>, vector<1x1x16xf32>,
        %swap3A_931 = vector.shape_cast %swap3A_930 : vector<1x1x16xf32> to vector<16xf32>
        %swap3A_932 = vector.shape_cast %mul3A_925 : vector<16xf32> to vector<1x1x16xf32>
        tpu.vector_store %arg6[%swap3A_927, %swap3A_928, %swap3A_929], %swap3A_932 {strides = array<i32>} : memref<10x64x128xf32, #tpu.memory_space<vmem>>, vector<1x1x16xf32>,
        %get3A_933 = arith.constant 5 : i32
        %get3A_934 = arith.index_cast %get3A_933 : i32 to index
        %get3A_935 = arith.index_cast %scan3A_886 : i32 to index
        %get3A_936 = arith.constant 48 : index
        %get3A_937 = tpu.vector_load %arg6[%get3A_934, %get3A_935, %get3A_936] {strides = array<i32>} : memref<10x64x128xf32, #tpu.memory_space<vmem>>, vector<1x1x16xf32>,
        %get3A_938 = vector.shape_cast %get3A_937 : vector<1x1x16xf32> to vector<16xf32>
        %mul3A_939 = arith.constant 11.3137083 : f32
        %mul3A_940 = vector.broadcast %mul3A_939 : f32 to vector<16xf32>
        %mul3A_941 = arith.mulf %get3A_938, %mul3A_940 : vector<16xf32>
        %swap3A_942 = arith.constant 5 : i32
        %swap3A_943 = arith.index_cast %swap3A_942 : i32 to index
        %swap3A_944 = arith.index_cast %scan3A_886 : i32 to index
        %swap3A_945 = arith.constant 48 : index
        %swap3A_946 = tpu.vector_load %arg6[%swap3A_943, %swap3A_944, %swap3A_945] {strides = array<i32>} : memref<10x64x128xf32, #tpu.memory_space<vmem>>, vector<1x1x16xf32>,
        %swap3A_947 = vector.shape_cast %swap3A_946 : vector<1x1x16xf32> to vector<16xf32>
        %swap3A_948 = vector.shape_cast %mul3A_941 : vector<16xf32> to vector<1x1x16xf32>
        tpu.vector_store %arg6[%swap3A_943, %swap3A_944, %swap3A_945], %swap3A_948 {strides = array<i32>} : memref<10x64x128xf32, #tpu.memory_space<vmem>>, vector<1x1x16xf32>,
        %get3A_949 = arith.constant 5 : i32
        %get3A_950 = arith.index_cast %get3A_949 : i32 to index
        %get3A_951 = arith.index_cast %scan3A_886 : i32 to index
        %get3A_952 = arith.constant 64 : index
        %get3A_953 = tpu.vector_load %arg6[%get3A_950, %get3A_951, %get3A_952] {strides = array<i32>} : memref<10x64x128xf32, #tpu.memory_space<vmem>>, vector<1x1x16xf32>,
        %get3A_954 = vector.shape_cast %get3A_953 : vector<1x1x16xf32> to vector<16xf32>
        %mul3A_955 = arith.constant 11.3137083 : f32
        %mul3A_956 = vector.broadcast %mul3A_955 : f32 to vector<16xf32>
        %mul3A_957 = arith.mulf %get3A_954, %mul3A_956 : vector<16xf32>
        %swap3A_958 = arith.constant 5 : i32
        %swap3A_959 = arith.index_cast %swap3A_958 : i32 to index
        %swap3A_960 = arith.index_cast %scan3A_886 : i32 to index
        %swap3A_961 = arith.constant 64 : index
        %swap3A_962 = tpu.vector_load %arg6[%swap3A_959, %swap3A_960, %swap3A_961] {strides = array<i32>} : memref<10x64x128xf32, #tpu.memory_space<vmem>>, vector<1x1x16xf32>,
        %swap3A_963 = vector.shape_cast %swap3A_962 : vector<1x1x16xf32> to vector<16xf32>
        %swap3A_964 = vector.shape_cast %mul3A_957 : vector<16xf32> to vector<1x1x16xf32>
        tpu.vector_store %arg6[%swap3A_959, %swap3A_960, %swap3A_961], %swap3A_964 {strides = array<i32>} : memref<10x64x128xf32, #tpu.memory_space<vmem>>, vector<1x1x16xf32>,
        %get3A_965 = arith.constant 5 : i32
        %get3A_966 = arith.index_cast %get3A_965 : i32 to index
        %get3A_967 = arith.index_cast %scan3A_886 : i32 to index
        %get3A_968 = arith.constant 80 : index
        %get3A_969 = tpu.vector_load %arg6[%get3A_966, %get3A_967, %get3A_968] {strides = array<i32>} : memref<10x64x128xf32, #tpu.memory_space<vmem>>, vector<1x1x16xf32>,
        %get3A_970 = vector.shape_cast %get3A_969 : vector<1x1x16xf32> to vector<16xf32>
        %mul3A_971 = arith.constant 11.3137083 : f32
        %mul3A_972 = vector.broadcast %mul3A_971 : f32 to vector<16xf32>
        %mul3A_973 = arith.mulf %get3A_970, %mul3A_972 : vector<16xf32>
        %swap3A_974 = arith.constant 5 : i32
        %swap3A_975 = arith.index_cast %swap3A_974 : i32 to index
        %swap3A_976 = arith.index_cast %scan3A_886 : i32 to index
        %swap3A_977 = arith.constant 80 : index
        %swap3A_978 = tpu.vector_load %arg6[%swap3A_975, %swap3A_976, %swap3A_977] {strides = array<i32>} : memref<10x64x128xf32, #tpu.memory_space<vmem>>, vector<1x1x16xf32>,
        %swap3A_979 = vector.shape_cast %swap3A_978 : vector<1x1x16xf32> to vector<16xf32>
        %swap3A_980 = vector.shape_cast %mul3A_973 : vector<16xf32> to vector<1x1x16xf32>
        tpu.vector_store %arg6[%swap3A_975, %swap3A_976, %swap3A_977], %swap3A_980 {strides = array<i32>} : memref<10x64x128xf32, #tpu.memory_space<vmem>>, vector<1x1x16xf32>,
        %get3A_981 = arith.constant 5 : i32
        %get3A_982 = arith.index_cast %get3A_981 : i32 to index
        %get3A_983 = arith.index_cast %scan3A_886 : i32 to index
        %get3A_984 = arith.constant 96 : index
        %get3A_985 = tpu.vector_load %arg6[%get3A_982, %get3A_983, %get3A_984] {strides = array<i32>} : memref<10x64x128xf32, #tpu.memory_space<vmem>>, vector<1x1x16xf32>,
        %get3A_986 = vector.shape_cast %get3A_985 : vector<1x1x16xf32> to vector<16xf32>
        %mul3A_987 = arith.constant 11.3137083 : f32
        %mul3A_988 = vector.broadcast %mul3A_987 : f32 to vector<16xf32>
        %mul3A_989 = arith.mulf %get3A_986, %mul3A_988 : vector<16xf32>
        %swap3A_990 = arith.constant 5 : i32
        %swap3A_991 = arith.index_cast %swap3A_990 : i32 to index
        %swap3A_992 = arith.index_cast %scan3A_886 : i32 to index
        %swap3A_993 = arith.constant 96 : index
        %swap3A_994 = tpu.vector_load %arg6[%swap3A_991, %swap3A_992, %swap3A_993] {strides = array<i32>} : memref<10x64x128xf32, #tpu.memory_space<vmem>>, vector<1x1x16xf32>,
        %swap3A_995 = vector.shape_cast %swap3A_994 : vector<1x1x16xf32> to vector<16xf32>
        %swap3A_996 = vector.shape_cast %mul3A_989 : vector<16xf32> to vector<1x1x16xf32>
        tpu.vector_store %arg6[%swap3A_991, %swap3A_992, %swap3A_993], %swap3A_996 {strides = array<i32>} : memref<10x64x128xf32, #tpu.memory_space<vmem>>, vector<1x1x16xf32>,
        %get3A_997 = arith.constant 5 : i32
        %get3A_998 = arith.index_cast %get3A_997 : i32 to index
        %get3A_999 = arith.index_cast %scan3A_886 : i32 to index
        %get3A_1000 = arith.constant 112 : index
        %get3A_1001 = tpu.vector_load %arg6[%get3A_998, %get3A_999, %get3A_1000] {strides = array<i32>} : memref<10x64x128xf32, #tpu.memory_space<vmem>>, vector<1x1x16xf32>,
        %get3A_1002 = vector.shape_cast %get3A_1001 : vector<1x1x16xf32> to vector<16xf32>
        %mul3A_1003 = arith.constant 11.3137083 : f32
        %mul3A_1004 = vector.broadcast %mul3A_1003 : f32 to vector<16xf32>
        %mul3A_1005 = arith.mulf %get3A_1002, %mul3A_1004 : vector<16xf32>
        %swap3A_1006 = arith.constant 5 : i32
        %swap3A_1007 = arith.index_cast %swap3A_1006 : i32 to index
        %swap3A_1008 = arith.index_cast %scan3A_886 : i32 to index
        %swap3A_1009 = arith.constant 112 : index
        %swap3A_1010 = tpu.vector_load %arg6[%swap3A_1007, %swap3A_1008, %swap3A_1009] {strides = array<i32>} : memref<10x64x128xf32, #tpu.memory_space<vmem>>, vector<1x1x16xf32>,
        %swap3A_1011 = vector.shape_cast %swap3A_1010 : vector<1x1x16xf32> to vector<16xf32>
        %swap3A_1012 = vector.shape_cast %mul3A_1005 : vector<16xf32> to vector<1x1x16xf32>
        tpu.vector_store %arg6[%swap3A_1007, %swap3A_1008, %swap3A_1009], %swap3A_1012 {strides = array<i32>} : memref<10x64x128xf32, #tpu.memory_space<vmem>>, vector<1x1x16xf32>,
        %scan3A_1013 = arith.constant 1 : i32
        %scan3A_1014 = arith.addi %scan3A_886, %scan3A_1013 : i32
        %get3A_1015 = arith.constant 5 : i32
        %get3A_1016 = arith.index_cast %get3A_1015 : i32 to index
        %get3A_1017 = arith.index_cast %scan3A_1014 : i32 to index
        %get3A_1018 = arith.constant 0 : index
        %get3A_1019 = tpu.vector_load %arg6[%get3A_1016, %get3A_1017, %get3A_1018] {strides = array<i32>} : memref<10x64x128xf32, #tpu.memory_space<vmem>>, vector<1x1x16xf32>,
        %get3A_1020 = vector.shape_cast %get3A_1019 : vector<1x1x16xf32> to vector<16xf32>
        %mul3A_1021 = arith.constant 11.3137083 : f32
        %mul3A_1022 = vector.broadcast %mul3A_1021 : f32 to vector<16xf32>
        %mul3A_1023 = arith.mulf %get3A_1020, %mul3A_1022 : vector<16xf32>
        %swap3A_1024 = arith.constant 5 : i32
        %swap3A_1025 = arith.index_cast %swap3A_1024 : i32 to index
        %swap3A_1026 = arith.index_cast %scan3A_1014 : i32 to index
        %swap3A_1027 = arith.constant 0 : index
        %swap3A_1028 = tpu.vector_load %arg6[%swap3A_1025, %swap3A_1026, %swap3A_1027] {strides = array<i32>} : memref<10x64x128xf32, #tpu.memory_space<vmem>>, vector<1x1x16xf32>,
        %swap3A_1029 = vector.shape_cast %swap3A_1028 : vector<1x1x16xf32> to vector<16xf32>
        %swap3A_1030 = vector.shape_cast %mul3A_1023 : vector<16xf32> to vector<1x1x16xf32>
        tpu.vector_store %arg6[%swap3A_1025, %swap3A_1026, %swap3A_1027], %swap3A_1030 {strides = array<i32>} : memref<10x64x128xf32, #tpu.memory_space<vmem>>, vector<1x1x16xf32>,
        %get3A_1031 = arith.constant 5 : i32
        %get3A_1032 = arith.index_cast %get3A_1031 : i32 to index
        %get3A_1033 = arith.index_cast %scan3A_1014 : i32 to index
        %get3A_1034 = arith.constant 16 : index
        %get3A_1035 = tpu.vector_load %arg6[%get3A_1032, %get3A_1033, %get3A_1034] {strides = array<i32>} : memref<10x64x128xf32, #tpu.memory_space<vmem>>, vector<1x1x16xf32>,
        %get3A_1036 = vector.shape_cast %get3A_1035 : vector<1x1x16xf32> to vector<16xf32>
        %mul3A_1037 = arith.constant 11.3137083 : f32
        %mul3A_1038 = vector.broadcast %mul3A_1037 : f32 to vector<16xf32>
        %mul3A_1039 = arith.mulf %get3A_1036, %mul3A_1038 : vector<16xf32>
        %swap3A_1040 = arith.constant 5 : i32
        %swap3A_1041 = arith.index_cast %swap3A_1040 : i32 to index
        %swap3A_1042 = arith.index_cast %scan3A_1014 : i32 to index
        %swap3A_1043 = arith.constant 16 : index
        %swap3A_1044 = tpu.vector_load %arg6[%swap3A_1041, %swap3A_1042, %swap3A_1043] {strides = array<i32>} : memref<10x64x128xf32, #tpu.memory_space<vmem>>, vector<1x1x16xf32>,
        %swap3A_1045 = vector.shape_cast %swap3A_1044 : vector<1x1x16xf32> to vector<16xf32>
        %swap3A_1046 = vector.shape_cast %mul3A_1039 : vector<16xf32> to vector<1x1x16xf32>
        tpu.vector_store %arg6[%swap3A_1041, %swap3A_1042, %swap3A_1043], %swap3A_1046 {strides = array<i32>} : memref<10x64x128xf32, #tpu.memory_space<vmem>>, vector<1x1x16xf32>,
        %get3A_1047 = arith.constant 5 : i32
        %get3A_1048 = arith.index_cast %get3A_1047 : i32 to index
        %get3A_1049 = arith.index_cast %scan3A_1014 : i32 to index
        %get3A_1050 = arith.constant 32 : index
        %get3A_1051 = tpu.vector_load %arg6[%get3A_1048, %get3A_1049, %get3A_1050] {strides = array<i32>} : memref<10x64x128xf32, #tpu.memory_space<vmem>>, vector<1x1x16xf32>,
        %get3A_1052 = vector.shape_cast %get3A_1051 : vector<1x1x16xf32> to vector<16xf32>
        %mul3A_1053 = arith.constant 11.3137083 : f32
        %mul3A_1054 = vector.broadcast %mul3A_1053 : f32 to vector<16xf32>
        %mul3A_1055 = arith.mulf %get3A_1052, %mul3A_1054 : vector<16xf32>
        %swap3A_1056 = arith.constant 5 : i32
        %swap3A_1057 = arith.index_cast %swap3A_1056 : i32 to index
        %swap3A_1058 = arith.index_cast %scan3A_1014 : i32 to index
        %swap3A_1059 = arith.constant 32 : index
        %swap3A_1060 = tpu.vector_load %arg6[%swap3A_1057, %swap3A_1058, %swap3A_1059] {strides = array<i32>} : memref<10x64x128xf32, #tpu.memory_space<vmem>>, vector<1x1x16xf32>,
        %swap3A_1061 = vector.shape_cast %swap3A_1060 : vector<1x1x16xf32> to vector<16xf32>
        %swap3A_1062 = vector.shape_cast %mul3A_1055 : vector<16xf32> to vector<1x1x16xf32>
        tpu.vector_store %arg6[%swap3A_1057, %swap3A_1058, %swap3A_1059], %swap3A_1062 {strides = array<i32>} : memref<10x64x128xf32, #tpu.memory_space<vmem>>, vector<1x1x16xf32>,
        %get3A_1063 = arith.constant 5 : i32
        %get3A_1064 = arith.index_cast %get3A_1063 : i32 to index
        %get3A_1065 = arith.index_cast %scan3A_1014 : i32 to index
        %get3A_1066 = arith.constant 48 : index
        %get3A_1067 = tpu.vector_load %arg6[%get3A_1064, %get3A_1065, %get3A_1066] {strides = array<i32>} : memref<10x64x128xf32, #tpu.memory_space<vmem>>, vector<1x1x16xf32>,
        %get3A_1068 = vector.shape_cast %get3A_1067 : vector<1x1x16xf32> to vector<16xf32>
        %mul3A_1069 = arith.constant 11.3137083 : f32
        %mul3A_1070 = vector.broadcast %mul3A_1069 : f32 to vector<16xf32>
        %mul3A_1071 = arith.mulf %get3A_1068, %mul3A_1070 : vector<16xf32>
        %swap3A_1072 = arith.constant 5 : i32
        %swap3A_1073 = arith.index_cast %swap3A_1072 : i32 to index
        %swap3A_1074 = arith.index_cast %scan3A_1014 : i32 to index
        %swap3A_1075 = arith.constant 48 : index
        %swap3A_1076 = tpu.vector_load %arg6[%swap3A_1073, %swap3A_1074, %swap3A_1075] {strides = array<i32>} : memref<10x64x128xf32, #tpu.memory_space<vmem>>, vector<1x1x16xf32>,
        %swap3A_1077 = vector.shape_cast %swap3A_1076 : vector<1x1x16xf32> to vector<16xf32>
        %swap3A_1078 = vector.shape_cast %mul3A_1071 : vector<16xf32> to vector<1x1x16xf32>
        tpu.vector_store %arg6[%swap3A_1073, %swap3A_1074, %swap3A_1075], %swap3A_1078 {strides = array<i32>} : memref<10x64x128xf32, #tpu.memory_space<vmem>>, vector<1x1x16xf32>,
        %get3A_1079 = arith.constant 5 : i32
        %get3A_1080 = arith.index_cast %get3A_1079 : i32 to index
        %get3A_1081 = arith.index_cast %scan3A_1014 : i32 to index
        %get3A_1082 = arith.constant 64 : index
        %get3A_1083 = tpu.vector_load %arg6[%get3A_1080, %get3A_1081, %get3A_1082] {strides = array<i32>} : memref<10x64x128xf32, #tpu.memory_space<vmem>>, vector<1x1x16xf32>,
        %get3A_1084 = vector.shape_cast %get3A_1083 : vector<1x1x16xf32> to vector<16xf32>
        %mul3A_1085 = arith.constant 11.3137083 : f32
        %mul3A_1086 = vector.broadcast %mul3A_1085 : f32 to vector<16xf32>
        %mul3A_1087 = arith.mulf %get3A_1084, %mul3A_1086 : vector<16xf32>
        %swap3A_1088 = arith.constant 5 : i32
        %swap3A_1089 = arith.index_cast %swap3A_1088 : i32 to index
        %swap3A_1090 = arith.index_cast %scan3A_1014 : i32 to index
        %swap3A_1091 = arith.constant 64 : index
        %swap3A_1092 = tpu.vector_load %arg6[%swap3A_1089, %swap3A_1090, %swap3A_1091] {strides = array<i32>} : memref<10x64x128xf32, #tpu.memory_space<vmem>>, vector<1x1x16xf32>,
        %swap3A_1093 = vector.shape_cast %swap3A_1092 : vector<1x1x16xf32> to vector<16xf32>
        %swap3A_1094 = vector.shape_cast %mul3A_1087 : vector<16xf32> to vector<1x1x16xf32>
        tpu.vector_store %arg6[%swap3A_1089, %swap3A_1090, %swap3A_1091], %swap3A_1094 {strides = array<i32>} : memref<10x64x128xf32, #tpu.memory_space<vmem>>, vector<1x1x16xf32>,
        %get3A_1095 = arith.constant 5 : i32
        %get3A_1096 = arith.index_cast %get3A_1095 : i32 to index
        %get3A_1097 = arith.index_cast %scan3A_1014 : i32 to index
        %get3A_1098 = arith.constant 80 : index
        %get3A_1099 = tpu.vector_load %arg6[%get3A_1096, %get3A_1097, %get3A_1098] {strides = array<i32>} : memref<10x64x128xf32, #tpu.memory_space<vmem>>, vector<1x1x16xf32>,
        %get3A_1100 = vector.shape_cast %get3A_1099 : vector<1x1x16xf32> to vector<16xf32>
        %mul3A_1101 = arith.constant 11.3137083 : f32
        %mul3A_1102 = vector.broadcast %mul3A_1101 : f32 to vector<16xf32>
        %mul3A_1103 = arith.mulf %get3A_1100, %mul3A_1102 : vector<16xf32>
        %swap3A_1104 = arith.constant 5 : i32
        %swap3A_1105 = arith.index_cast %swap3A_1104 : i32 to index
        %swap3A_1106 = arith.index_cast %scan3A_1014 : i32 to index
        %swap3A_1107 = arith.constant 80 : index
        %swap3A_1108 = tpu.vector_load %arg6[%swap3A_1105, %swap3A_1106, %swap3A_1107] {strides = array<i32>} : memref<10x64x128xf32, #tpu.memory_space<vmem>>, vector<1x1x16xf32>,
        %swap3A_1109 = vector.shape_cast %swap3A_1108 : vector<1x1x16xf32> to vector<16xf32>
        %swap3A_1110 = vector.shape_cast %mul3A_1103 : vector<16xf32> to vector<1x1x16xf32>
        tpu.vector_store %arg6[%swap3A_1105, %swap3A_1106, %swap3A_1107], %swap3A_1110 {strides = array<i32>} : memref<10x64x128xf32, #tpu.memory_space<vmem>>, vector<1x1x16xf32>,
        %get3A_1111 = arith.constant 5 : i32
        %get3A_1112 = arith.index_cast %get3A_1111 : i32 to index
        %get3A_1113 = arith.index_cast %scan3A_1014 : i32 to index
        %get3A_1114 = arith.constant 96 : index
        %get3A_1115 = tpu.vector_load %arg6[%get3A_1112, %get3A_1113, %get3A_1114] {strides = array<i32>} : memref<10x64x128xf32, #tpu.memory_space<vmem>>, vector<1x1x16xf32>,
        %get3A_1116 = vector.shape_cast %get3A_1115 : vector<1x1x16xf32> to vector<16xf32>
        %mul3A_1117 = arith.constant 11.3137083 : f32
        %mul3A_1118 = vector.broadcast %mul3A_1117 : f32 to vector<16xf32>
        %mul3A_1119 = arith.mulf %get3A_1116, %mul3A_1118 : vector<16xf32>
        %swap3A_1120 = arith.constant 5 : i32
        %swap3A_1121 = arith.index_cast %swap3A_1120 : i32 to index
        %swap3A_1122 = arith.index_cast %scan3A_1014 : i32 to index
        %swap3A_1123 = arith.constant 96 : index
        %swap3A_1124 = tpu.vector_load %arg6[%swap3A_1121, %swap3A_1122, %swap3A_1123] {strides = array<i32>} : memref<10x64x128xf32, #tpu.memory_space<vmem>>, vector<1x1x16xf32>,
        %swap3A_1125 = vector.shape_cast %swap3A_1124 : vector<1x1x16xf32> to vector<16xf32>
        %swap3A_1126 = vector.shape_cast %mul3A_1119 : vector<16xf32> to vector<1x1x16xf32>
        tpu.vector_store %arg6[%swap3A_1121, %swap3A_1122, %swap3A_1123], %swap3A_1126 {strides = array<i32>} : memref<10x64x128xf32, #tpu.memory_space<vmem>>, vector<1x1x16xf32>,
        %get3A_1127 = arith.constant 5 : i32
        %get3A_1128 = arith.index_cast %get3A_1127 : i32 to index
        %get3A_1129 = arith.index_cast %scan3A_1014 : i32 to index
        %get3A_1130 = arith.constant 112 : index
        %get3A_1131 = tpu.vector_load %arg6[%get3A_1128, %get3A_1129, %get3A_1130] {strides = array<i32>} : memref<10x64x128xf32, #tpu.memory_space<vmem>>, vector<1x1x16xf32>,
        %get3A_1132 = vector.shape_cast %get3A_1131 : vector<1x1x16xf32> to vector<16xf32>
        %mul3A_1133 = arith.constant 11.3137083 : f32
        %mul3A_1134 = vector.broadcast %mul3A_1133 : f32 to vector<16xf32>
        %mul3A_1135 = arith.mulf %get3A_1132, %mul3A_1134 : vector<16xf32>
        %swap3A_1136 = arith.constant 5 : i32
        %swap3A_1137 = arith.index_cast %swap3A_1136 : i32 to index
        %swap3A_1138 = arith.index_cast %scan3A_1014 : i32 to index
        %swap3A_1139 = arith.constant 112 : index
        %swap3A_1140 = tpu.vector_load %arg6[%swap3A_1137, %swap3A_1138, %swap3A_1139] {strides = array<i32>} : memref<10x64x128xf32, #tpu.memory_space<vmem>>, vector<1x1x16xf32>,
        %swap3A_1141 = vector.shape_cast %swap3A_1140 : vector<1x1x16xf32> to vector<16xf32>
        %swap3A_1142 = vector.shape_cast %mul3A_1135 : vector<16xf32> to vector<1x1x16xf32>
        tpu.vector_store %arg6[%swap3A_1137, %swap3A_1138, %swap3A_1139], %swap3A_1142 {strides = array<i32>} : memref<10x64x128xf32, #tpu.memory_space<vmem>>, vector<1x1x16xf32>,
      }
      %scan3A_627 = arith.constant 64 : i32
      %add3A_628 = arith.constant 6 : i32
      %add3A_629 = arith.addi %mul3A_328, %add3A_628 : i32
      %mul3A_630 = arith.constant 2 : i32
      %mul3A_631 = arith.muli %add3A_607, %mul3A_630 : i32
      %add3A_632 = arith.constant 1 : i32
      %add3A_633 = arith.addi %mul3A_631, %add3A_632 : i32
      %add3A_634 = arith.constant 8 : i32
      %add3A_635 = arith.addi %add3A_633, %add3A_634 : i32
      %lt3A_636 = arith.constant 100 : i32
      %lt3A_637 = arith.cmpi slt, %add3A_635, %lt3A_636 : i32
      %convert_element_type3A_638 = arith.extui %lt3A_637 : i1 to i32
      %cond3A_639 = arith.constant 0 : i32
      %cond3A_640 = arith.cmpi ne, %convert_element_type3A_638, %cond3A_639 : i32
      scf.if %cond3A_640 {
        %ge3A = arith.constant 10 : i32
        %ge3A_886 = arith.cmpi sge, %add3A_635, %ge3A : i32
        %convert_element_type3A_887 = arith.extui %ge3A_886 : i1 to i32
        %cond3A_888 = arith.constant 0 : i32
        %cond3A_889 = arith.cmpi ne, %convert_element_type3A_887, %cond3A_888 : i32
        scf.if %cond3A_889 {
          %sub3A = arith.constant 5 : i32
          %sub3A_904 = arith.subi %add3A_629, %sub3A : i32
          %mul3A_905 = arith.constant 4096 : i32
          %mul3A_906 = arith.muli %sub3A_904, %mul3A_905 : i32
          %add3A_907 = arith.addi %mul3A_906, %mul3A_2 : i32
          %add3A_908 = arith.constant 64 : i32
          %add3A_909 = arith.addi %add3A_907, %add3A_908 : i32
          %dma_wait3A_910 = arith.constant 3 : i32
          %dma_wait3A_911 = arith.constant 3 : i32
          %dma_wait3A_912 = arith.constant 0 : i32
          %dma_wait3A_913 = arith.constant 0 : i32
          %dma_wait3A_914 = tpu.memref_slice %arg6[%dma_wait3A_910, %dma_wait3A_912, %dma_wait3A_913] : memref<10x64x128xf32, #tpu.memory_space<vmem>> -> memref<1x64x128xf32, #tpu.memory_space<vmem>>
          %dma_wait3A_915 = tpu.memref_squeeze %dma_wait3A_914 : memref<1x64x128xf32, #tpu.memory_space<vmem>> -> memref<64x128xf32, #tpu.memory_space<vmem>>
          %dma_wait3A_916 = arith.constant 0 : i32
          %dma_wait3A_917 = tpu.memref_slice %arg4[%add3A_909, %dma_wait3A_916] : memref<204800x128xf32, #tpu.memory_space<hbm>> -> memref<64x128xf32, #tpu.memory_space<hbm>>
          %dma_wait3A_918 = tpu.memref_slice %arg8[%dma_wait3A_911] : memref<10x!tpu.dma_semaphore, #tpu.memory_space<semaphore_mem>> -> memref<1x!tpu.dma_semaphore, #tpu.memory_space<semaphore_mem>>
          %dma_wait3A_919 = tpu.memref_squeeze %dma_wait3A_918 : memref<1x!tpu.dma_semaphore, #tpu.memory_space<semaphore_mem>> -> memref<!tpu.dma_semaphore, #tpu.memory_space<semaphore_mem>>
          %dma_wait3A_920 = arith.constant 0 : i32
          %dma_wait3A_921 = tpu.memref_slice %arg4[%add3A_909, %dma_wait3A_920] : memref<204800x128xf32, #tpu.memory_space<hbm>> -> memref<64x128xf32, #tpu.memory_space<hbm>>
          %dma_wait3A_922 = arith.constant 0 : i32
          %dma_wait3A_923 = arith.constant 0 : i32
          %dma_wait3A_924 = tpu.memref_slice %arg6[%dma_wait3A_910, %dma_wait3A_922, %dma_wait3A_923] : memref<10x64x128xf32, #tpu.memory_space<vmem>> -> memref<1x64x128xf32, #tpu.memory_space<vmem>>
          %dma_wait3A_925 = tpu.memref_squeeze %dma_wait3A_924 : memref<1x64x128xf32, #tpu.memory_space<vmem>> -> memref<64x128xf32, #tpu.memory_space<vmem>>
          tpu.wait_dma2 semaphore(%dma_wait3A_919 : memref<!tpu.dma_semaphore, #tpu.memory_space<semaphore_mem>>) src(%dma_wait3A_925 : memref<64x128xf32, #tpu.memory_space<vmem>>) dst(%dma_wait3A_921 : memref<64x128xf32, #tpu.memory_space<hbm>>)
        } else {
        }
        %dma_start3A_890 = arith.constant 3 : i32
        %dma_start3A_891 = arith.constant 3 : i32
        %dma_start3A_892 = arith.constant 0 : i32
        %dma_start3A_893 = arith.constant 0 : i32
        %dma_start3A_894 = tpu.memref_slice %arg6[%dma_start3A_890, %dma_start3A_892, %dma_start3A_893] : memref<10x64x128xf32, #tpu.memory_space<vmem>> -> memref<1x64x128xf32, #tpu.memory_space<vmem>>
        %dma_start3A_895 = tpu.memref_squeeze %dma_start3A_894 : memref<1x64x128xf32, #tpu.memory_space<vmem>> -> memref<64x128xf32, #tpu.memory_space<vmem>>
        %dma_start3A_896 = arith.constant 64 : i32
        %dma_start3A_897 = tpu.memref_slice %arg5[%add3A_629, %dma_start3A_896] : memref<50x128xi32, #tpu.memory_space<vmem>> -> memref<1x64xi32, #tpu.memory_space<vmem>>
        %dma_start3A_898 = tpu.memref_squeeze %dma_start3A_897 : memref<1x64xi32, #tpu.memory_space<vmem>> -> memref<64xi32, #tpu.memory_space<vmem>>
        %dma_start3A_899 = arith.constant 0 : i32
        %dma_start3A_900 = arith.constant 0 : i32
        %dma_start3A_901 = tpu.memref_slice %arg3[%dma_start3A_899, %dma_start3A_900] : memref<100000x128xf32, #tpu.memory_space<hbm>> -> memref<100000x128xf32, #tpu.memory_space<hbm>>
        %dma_start3A_902 = tpu.memref_slice %arg7[%dma_start3A_891] : memref<10x!tpu.dma_semaphore, #tpu.memory_space<semaphore_mem>> -> memref<1x!tpu.dma_semaphore, #tpu.memory_space<semaphore_mem>>
        %dma_start3A_903 = tpu.memref_squeeze %dma_start3A_902 : memref<1x!tpu.dma_semaphore, #tpu.memory_space<semaphore_mem>> -> memref<!tpu.dma_semaphore, #tpu.memory_space<semaphore_mem>>
        tpu.enqueue_indirect_dma source(%dma_start3A_901 : memref<100000x128xf32, #tpu.memory_space<hbm>>) target(%dma_start3A_895 : memref<64x128xf32, #tpu.memory_space<vmem>>) offsets(%dma_start3A_898 : memref<64xi32, #tpu.memory_space<vmem>>) semaphore(%dma_start3A_903 : memref<!tpu.dma_semaphore, #tpu.memory_space<semaphore_mem>>)
      } else {
      }
      %mul3A_641 = arith.constant 4096 : i32
      %mul3A_642 = arith.muli %add3A_607, %mul3A_641 : i32
      %add3A_643 = arith.addi %mul3A_642, %mul3A_2 : i32
      %add3A_644 = arith.constant 64 : i32
      %add3A_645 = arith.addi %add3A_643, %add3A_644 : i32
      %dma_start3A_646 = arith.constant 5 : i32
      %dma_start3A_647 = arith.constant 5 : i32
      %dma_start3A_648 = arith.constant 0 : i32
      %dma_start3A_649 = arith.constant 0 : i32
      %dma_start3A_650 = tpu.memref_slice %arg6[%dma_start3A_646, %dma_start3A_648, %dma_start3A_649] : memref<10x64x128xf32, #tpu.memory_space<vmem>> -> memref<1x64x128xf32, #tpu.memory_space<vmem>>
      %dma_start3A_651 = tpu.memref_squeeze %dma_start3A_650 : memref<1x64x128xf32, #tpu.memory_space<vmem>> -> memref<64x128xf32, #tpu.memory_space<vmem>>
      %dma_start3A_652 = arith.constant 0 : i32
      %dma_start3A_653 = tpu.memref_slice %arg4[%add3A_645, %dma_start3A_652] : memref<204800x128xf32, #tpu.memory_space<hbm>> -> memref<64x128xf32, #tpu.memory_space<hbm>>
      %dma_start3A_654 = tpu.memref_slice %arg8[%dma_start3A_647] : memref<10x!tpu.dma_semaphore, #tpu.memory_space<semaphore_mem>> -> memref<1x!tpu.dma_semaphore, #tpu.memory_space<semaphore_mem>>
      %dma_start3A_655 = tpu.memref_squeeze %dma_start3A_654 : memref<1x!tpu.dma_semaphore, #tpu.memory_space<semaphore_mem>> -> memref<!tpu.dma_semaphore, #tpu.memory_space<semaphore_mem>>
      %dma_start3A_656 = arith.constant 0 : i32
      %dma_start3A_657 = tpu.memref_slice %arg4[%add3A_645, %dma_start3A_656] : memref<204800x128xf32, #tpu.memory_space<hbm>> -> memref<64x128xf32, #tpu.memory_space<hbm>>
      %dma_start3A_658 = arith.constant 0 : i32
      %dma_start3A_659 = arith.constant 0 : i32
      %dma_start3A_660 = tpu.memref_slice %arg6[%dma_start3A_646, %dma_start3A_658, %dma_start3A_659] : memref<10x64x128xf32, #tpu.memory_space<vmem>> -> memref<1x64x128xf32, #tpu.memory_space<vmem>>
      %dma_start3A_661 = tpu.memref_squeeze %dma_start3A_660 : memref<1x64x128xf32, #tpu.memory_space<vmem>> -> memref<64x128xf32, #tpu.memory_space<vmem>>
      tpu.enqueue_dma source(%dma_start3A_661 : memref<64x128xf32, #tpu.memory_space<vmem>>) target(%dma_start3A_657 : memref<64x128xf32, #tpu.memory_space<hbm>>) target_semaphore(%dma_start3A_655 : memref<!tpu.dma_semaphore, #tpu.memory_space<semaphore_mem>>)
      %add3A_662 = arith.constant 3 : i32
      %add3A_663 = arith.addi %mul3A_328, %add3A_662 : i32
      %dma_wait3A_664 = arith.constant 6 : i32
      %dma_wait3A_665 = arith.constant 6 : i32
      %dma_wait3A_666 = arith.constant 0 : i32
      %dma_wait3A_667 = arith.constant 0 : i32
      %dma_wait3A_668 = tpu.memref_slice %arg6[%dma_wait3A_664, %dma_wait3A_666, %dma_wait3A_667] : memref<10x64x128xf32, #tpu.memory_space<vmem>> -> memref<1x64x128xf32, #tpu.memory_space<vmem>>
      %dma_wait3A_669 = tpu.memref_squeeze %dma_wait3A_668 : memref<1x64x128xf32, #tpu.memory_space<vmem>> -> memref<64x128xf32, #tpu.memory_space<vmem>>
      %dma_wait3A_670 = arith.constant 0 : i32
      %dma_wait3A_671 = tpu.memref_slice %arg5[%add3A_663, %dma_wait3A_670] : memref<50x128xi32, #tpu.memory_space<vmem>> -> memref<1x64xi32, #tpu.memory_space<vmem>>
      %dma_wait3A_672 = tpu.memref_squeeze %dma_wait3A_671 : memref<1x64xi32, #tpu.memory_space<vmem>> -> memref<64xi32, #tpu.memory_space<vmem>>
      %dma_wait3A_673 = arith.constant 0 : i32
      %dma_wait3A_674 = arith.constant 0 : i32
      %dma_wait3A_675 = tpu.memref_slice %arg3[%dma_wait3A_673, %dma_wait3A_674] : memref<100000x128xf32, #tpu.memory_space<hbm>> -> memref<100000x128xf32, #tpu.memory_space<hbm>>
      %dma_wait3A_676 = tpu.memref_slice %arg7[%dma_wait3A_665] : memref<10x!tpu.dma_semaphore, #tpu.memory_space<semaphore_mem>> -> memref<1x!tpu.dma_semaphore, #tpu.memory_space<semaphore_mem>>
      %dma_wait3A_677 = tpu.memref_squeeze %dma_wait3A_676 : memref<1x!tpu.dma_semaphore, #tpu.memory_space<semaphore_mem>> -> memref<!tpu.dma_semaphore, #tpu.memory_space<semaphore_mem>>
      tpu.wait_indirect_dma semaphore(%dma_wait3A_677 : memref<!tpu.dma_semaphore, #tpu.memory_space<semaphore_mem>>) src(%dma_wait3A_675 : memref<100000x128xf32, #tpu.memory_space<hbm>>) dst(%dma_wait3A_669 : memref<64x128xf32, #tpu.memory_space<vmem>>)
      %scan3A_678 = arith.constant 0 : i32
      %scan3A_679 = arith.constant 0 : i32
      %scan3A_680 = arith.constant 64 : i32
      %scan3A_681 = arith.addi %scan3A_679, %scan3A_680 : i32
      %scan3A_682 = arith.constant 2 : i32
      scf.for %scan3A_886 = %scan3A_679 to %scan3A_681 step %scan3A_682  : i32 {
        %get3A = arith.constant 6 : i32
        %get3A_887 = arith.index_cast %get3A : i32 to index
        %get3A_888 = arith.index_cast %scan3A_886 : i32 to index
        %get3A_889 = arith.constant 0 : index
        %get3A_890 = tpu.vector_load %arg6[%get3A_887, %get3A_888, %get3A_889] {strides = array<i32>} : memref<10x64x128xf32, #tpu.memory_space<vmem>>, vector<1x1x16xf32>,
        %get3A_891 = vector.shape_cast %get3A_890 : vector<1x1x16xf32> to vector<16xf32>
        %mul3A_892 = arith.constant 11.3137083 : f32
        %mul3A_893 = vector.broadcast %mul3A_892 : f32 to vector<16xf32>
        %mul3A_894 = arith.mulf %get3A_891, %mul3A_893 : vector<16xf32>
        %swap3A = arith.constant 6 : i32
        %swap3A_895 = arith.index_cast %swap3A : i32 to index
        %swap3A_896 = arith.index_cast %scan3A_886 : i32 to index
        %swap3A_897 = arith.constant 0 : index
        %swap3A_898 = tpu.vector_load %arg6[%swap3A_895, %swap3A_896, %swap3A_897] {strides = array<i32>} : memref<10x64x128xf32, #tpu.memory_space<vmem>>, vector<1x1x16xf32>,
        %swap3A_899 = vector.shape_cast %swap3A_898 : vector<1x1x16xf32> to vector<16xf32>
        %swap3A_900 = vector.shape_cast %mul3A_894 : vector<16xf32> to vector<1x1x16xf32>
        tpu.vector_store %arg6[%swap3A_895, %swap3A_896, %swap3A_897], %swap3A_900 {strides = array<i32>} : memref<10x64x128xf32, #tpu.memory_space<vmem>>, vector<1x1x16xf32>,
        %get3A_901 = arith.constant 6 : i32
        %get3A_902 = arith.index_cast %get3A_901 : i32 to index
        %get3A_903 = arith.index_cast %scan3A_886 : i32 to index
        %get3A_904 = arith.constant 16 : index
        %get3A_905 = tpu.vector_load %arg6[%get3A_902, %get3A_903, %get3A_904] {strides = array<i32>} : memref<10x64x128xf32, #tpu.memory_space<vmem>>, vector<1x1x16xf32>,
        %get3A_906 = vector.shape_cast %get3A_905 : vector<1x1x16xf32> to vector<16xf32>
        %mul3A_907 = arith.constant 11.3137083 : f32
        %mul3A_908 = vector.broadcast %mul3A_907 : f32 to vector<16xf32>
        %mul3A_909 = arith.mulf %get3A_906, %mul3A_908 : vector<16xf32>
        %swap3A_910 = arith.constant 6 : i32
        %swap3A_911 = arith.index_cast %swap3A_910 : i32 to index
        %swap3A_912 = arith.index_cast %scan3A_886 : i32 to index
        %swap3A_913 = arith.constant 16 : index
        %swap3A_914 = tpu.vector_load %arg6[%swap3A_911, %swap3A_912, %swap3A_913] {strides = array<i32>} : memref<10x64x128xf32, #tpu.memory_space<vmem>>, vector<1x1x16xf32>,
        %swap3A_915 = vector.shape_cast %swap3A_914 : vector<1x1x16xf32> to vector<16xf32>
        %swap3A_916 = vector.shape_cast %mul3A_909 : vector<16xf32> to vector<1x1x16xf32>
        tpu.vector_store %arg6[%swap3A_911, %swap3A_912, %swap3A_913], %swap3A_916 {strides = array<i32>} : memref<10x64x128xf32, #tpu.memory_space<vmem>>, vector<1x1x16xf32>,
        %get3A_917 = arith.constant 6 : i32
        %get3A_918 = arith.index_cast %get3A_917 : i32 to index
        %get3A_919 = arith.index_cast %scan3A_886 : i32 to index
        %get3A_920 = arith.constant 32 : index
        %get3A_921 = tpu.vector_load %arg6[%get3A_918, %get3A_919, %get3A_920] {strides = array<i32>} : memref<10x64x128xf32, #tpu.memory_space<vmem>>, vector<1x1x16xf32>,
        %get3A_922 = vector.shape_cast %get3A_921 : vector<1x1x16xf32> to vector<16xf32>
        %mul3A_923 = arith.constant 11.3137083 : f32
        %mul3A_924 = vector.broadcast %mul3A_923 : f32 to vector<16xf32>
        %mul3A_925 = arith.mulf %get3A_922, %mul3A_924 : vector<16xf32>
        %swap3A_926 = arith.constant 6 : i32
        %swap3A_927 = arith.index_cast %swap3A_926 : i32 to index
        %swap3A_928 = arith.index_cast %scan3A_886 : i32 to index
        %swap3A_929 = arith.constant 32 : index
        %swap3A_930 = tpu.vector_load %arg6[%swap3A_927, %swap3A_928, %swap3A_929] {strides = array<i32>} : memref<10x64x128xf32, #tpu.memory_space<vmem>>, vector<1x1x16xf32>,
        %swap3A_931 = vector.shape_cast %swap3A_930 : vector<1x1x16xf32> to vector<16xf32>
        %swap3A_932 = vector.shape_cast %mul3A_925 : vector<16xf32> to vector<1x1x16xf32>
        tpu.vector_store %arg6[%swap3A_927, %swap3A_928, %swap3A_929], %swap3A_932 {strides = array<i32>} : memref<10x64x128xf32, #tpu.memory_space<vmem>>, vector<1x1x16xf32>,
        %get3A_933 = arith.constant 6 : i32
        %get3A_934 = arith.index_cast %get3A_933 : i32 to index
        %get3A_935 = arith.index_cast %scan3A_886 : i32 to index
        %get3A_936 = arith.constant 48 : index
        %get3A_937 = tpu.vector_load %arg6[%get3A_934, %get3A_935, %get3A_936] {strides = array<i32>} : memref<10x64x128xf32, #tpu.memory_space<vmem>>, vector<1x1x16xf32>,
        %get3A_938 = vector.shape_cast %get3A_937 : vector<1x1x16xf32> to vector<16xf32>
        %mul3A_939 = arith.constant 11.3137083 : f32
        %mul3A_940 = vector.broadcast %mul3A_939 : f32 to vector<16xf32>
        %mul3A_941 = arith.mulf %get3A_938, %mul3A_940 : vector<16xf32>
        %swap3A_942 = arith.constant 6 : i32
        %swap3A_943 = arith.index_cast %swap3A_942 : i32 to index
        %swap3A_944 = arith.index_cast %scan3A_886 : i32 to index
        %swap3A_945 = arith.constant 48 : index
        %swap3A_946 = tpu.vector_load %arg6[%swap3A_943, %swap3A_944, %swap3A_945] {strides = array<i32>} : memref<10x64x128xf32, #tpu.memory_space<vmem>>, vector<1x1x16xf32>,
        %swap3A_947 = vector.shape_cast %swap3A_946 : vector<1x1x16xf32> to vector<16xf32>
        %swap3A_948 = vector.shape_cast %mul3A_941 : vector<16xf32> to vector<1x1x16xf32>
        tpu.vector_store %arg6[%swap3A_943, %swap3A_944, %swap3A_945], %swap3A_948 {strides = array<i32>} : memref<10x64x128xf32, #tpu.memory_space<vmem>>, vector<1x1x16xf32>,
        %get3A_949 = arith.constant 6 : i32
        %get3A_950 = arith.index_cast %get3A_949 : i32 to index
        %get3A_951 = arith.index_cast %scan3A_886 : i32 to index
        %get3A_952 = arith.constant 64 : index
        %get3A_953 = tpu.vector_load %arg6[%get3A_950, %get3A_951, %get3A_952] {strides = array<i32>} : memref<10x64x128xf32, #tpu.memory_space<vmem>>, vector<1x1x16xf32>,
        %get3A_954 = vector.shape_cast %get3A_953 : vector<1x1x16xf32> to vector<16xf32>
        %mul3A_955 = arith.constant 11.3137083 : f32
        %mul3A_956 = vector.broadcast %mul3A_955 : f32 to vector<16xf32>
        %mul3A_957 = arith.mulf %get3A_954, %mul3A_956 : vector<16xf32>
        %swap3A_958 = arith.constant 6 : i32
        %swap3A_959 = arith.index_cast %swap3A_958 : i32 to index
        %swap3A_960 = arith.index_cast %scan3A_886 : i32 to index
        %swap3A_961 = arith.constant 64 : index
        %swap3A_962 = tpu.vector_load %arg6[%swap3A_959, %swap3A_960, %swap3A_961] {strides = array<i32>} : memref<10x64x128xf32, #tpu.memory_space<vmem>>, vector<1x1x16xf32>,
        %swap3A_963 = vector.shape_cast %swap3A_962 : vector<1x1x16xf32> to vector<16xf32>
        %swap3A_964 = vector.shape_cast %mul3A_957 : vector<16xf32> to vector<1x1x16xf32>
        tpu.vector_store %arg6[%swap3A_959, %swap3A_960, %swap3A_961], %swap3A_964 {strides = array<i32>} : memref<10x64x128xf32, #tpu.memory_space<vmem>>, vector<1x1x16xf32>,
        %get3A_965 = arith.constant 6 : i32
        %get3A_966 = arith.index_cast %get3A_965 : i32 to index
        %get3A_967 = arith.index_cast %scan3A_886 : i32 to index
        %get3A_968 = arith.constant 80 : index
        %get3A_969 = tpu.vector_load %arg6[%get3A_966, %get3A_967, %get3A_968] {strides = array<i32>} : memref<10x64x128xf32, #tpu.memory_space<vmem>>, vector<1x1x16xf32>,
        %get3A_970 = vector.shape_cast %get3A_969 : vector<1x1x16xf32> to vector<16xf32>
        %mul3A_971 = arith.constant 11.3137083 : f32
        %mul3A_972 = vector.broadcast %mul3A_971 : f32 to vector<16xf32>
        %mul3A_973 = arith.mulf %get3A_970, %mul3A_972 : vector<16xf32>
        %swap3A_974 = arith.constant 6 : i32
        %swap3A_975 = arith.index_cast %swap3A_974 : i32 to index
        %swap3A_976 = arith.index_cast %scan3A_886 : i32 to index
        %swap3A_977 = arith.constant 80 : index
        %swap3A_978 = tpu.vector_load %arg6[%swap3A_975, %swap3A_976, %swap3A_977] {strides = array<i32>} : memref<10x64x128xf32, #tpu.memory_space<vmem>>, vector<1x1x16xf32>,
        %swap3A_979 = vector.shape_cast %swap3A_978 : vector<1x1x16xf32> to vector<16xf32>
        %swap3A_980 = vector.shape_cast %mul3A_973 : vector<16xf32> to vector<1x1x16xf32>
        tpu.vector_store %arg6[%swap3A_975, %swap3A_976, %swap3A_977], %swap3A_980 {strides = array<i32>} : memref<10x64x128xf32, #tpu.memory_space<vmem>>, vector<1x1x16xf32>,
        %get3A_981 = arith.constant 6 : i32
        %get3A_982 = arith.index_cast %get3A_981 : i32 to index
        %get3A_983 = arith.index_cast %scan3A_886 : i32 to index
        %get3A_984 = arith.constant 96 : index
        %get3A_985 = tpu.vector_load %arg6[%get3A_982, %get3A_983, %get3A_984] {strides = array<i32>} : memref<10x64x128xf32, #tpu.memory_space<vmem>>, vector<1x1x16xf32>,
        %get3A_986 = vector.shape_cast %get3A_985 : vector<1x1x16xf32> to vector<16xf32>
        %mul3A_987 = arith.constant 11.3137083 : f32
        %mul3A_988 = vector.broadcast %mul3A_987 : f32 to vector<16xf32>
        %mul3A_989 = arith.mulf %get3A_986, %mul3A_988 : vector<16xf32>
        %swap3A_990 = arith.constant 6 : i32
        %swap3A_991 = arith.index_cast %swap3A_990 : i32 to index
        %swap3A_992 = arith.index_cast %scan3A_886 : i32 to index
        %swap3A_993 = arith.constant 96 : index
        %swap3A_994 = tpu.vector_load %arg6[%swap3A_991, %swap3A_992, %swap3A_993] {strides = array<i32>} : memref<10x64x128xf32, #tpu.memory_space<vmem>>, vector<1x1x16xf32>,
        %swap3A_995 = vector.shape_cast %swap3A_994 : vector<1x1x16xf32> to vector<16xf32>
        %swap3A_996 = vector.shape_cast %mul3A_989 : vector<16xf32> to vector<1x1x16xf32>
        tpu.vector_store %arg6[%swap3A_991, %swap3A_992, %swap3A_993], %swap3A_996 {strides = array<i32>} : memref<10x64x128xf32, #tpu.memory_space<vmem>>, vector<1x1x16xf32>,
        %get3A_997 = arith.constant 6 : i32
        %get3A_998 = arith.index_cast %get3A_997 : i32 to index
        %get3A_999 = arith.index_cast %scan3A_886 : i32 to index
        %get3A_1000 = arith.constant 112 : index
        %get3A_1001 = tpu.vector_load %arg6[%get3A_998, %get3A_999, %get3A_1000] {strides = array<i32>} : memref<10x64x128xf32, #tpu.memory_space<vmem>>, vector<1x1x16xf32>,
        %get3A_1002 = vector.shape_cast %get3A_1001 : vector<1x1x16xf32> to vector<16xf32>
        %mul3A_1003 = arith.constant 11.3137083 : f32
        %mul3A_1004 = vector.broadcast %mul3A_1003 : f32 to vector<16xf32>
        %mul3A_1005 = arith.mulf %get3A_1002, %mul3A_1004 : vector<16xf32>
        %swap3A_1006 = arith.constant 6 : i32
        %swap3A_1007 = arith.index_cast %swap3A_1006 : i32 to index
        %swap3A_1008 = arith.index_cast %scan3A_886 : i32 to index
        %swap3A_1009 = arith.constant 112 : index
        %swap3A_1010 = tpu.vector_load %arg6[%swap3A_1007, %swap3A_1008, %swap3A_1009] {strides = array<i32>} : memref<10x64x128xf32, #tpu.memory_space<vmem>>, vector<1x1x16xf32>,
        %swap3A_1011 = vector.shape_cast %swap3A_1010 : vector<1x1x16xf32> to vector<16xf32>
        %swap3A_1012 = vector.shape_cast %mul3A_1005 : vector<16xf32> to vector<1x1x16xf32>
        tpu.vector_store %arg6[%swap3A_1007, %swap3A_1008, %swap3A_1009], %swap3A_1012 {strides = array<i32>} : memref<10x64x128xf32, #tpu.memory_space<vmem>>, vector<1x1x16xf32>,
        %scan3A_1013 = arith.constant 1 : i32
        %scan3A_1014 = arith.addi %scan3A_886, %scan3A_1013 : i32
        %get3A_1015 = arith.constant 6 : i32
        %get3A_1016 = arith.index_cast %get3A_1015 : i32 to index
        %get3A_1017 = arith.index_cast %scan3A_1014 : i32 to index
        %get3A_1018 = arith.constant 0 : index
        %get3A_1019 = tpu.vector_load %arg6[%get3A_1016, %get3A_1017, %get3A_1018] {strides = array<i32>} : memref<10x64x128xf32, #tpu.memory_space<vmem>>, vector<1x1x16xf32>,
        %get3A_1020 = vector.shape_cast %get3A_1019 : vector<1x1x16xf32> to vector<16xf32>
        %mul3A_1021 = arith.constant 11.3137083 : f32
        %mul3A_1022 = vector.broadcast %mul3A_1021 : f32 to vector<16xf32>
        %mul3A_1023 = arith.mulf %get3A_1020, %mul3A_1022 : vector<16xf32>
        %swap3A_1024 = arith.constant 6 : i32
        %swap3A_1025 = arith.index_cast %swap3A_1024 : i32 to index
        %swap3A_1026 = arith.index_cast %scan3A_1014 : i32 to index
        %swap3A_1027 = arith.constant 0 : index
        %swap3A_1028 = tpu.vector_load %arg6[%swap3A_1025, %swap3A_1026, %swap3A_1027] {strides = array<i32>} : memref<10x64x128xf32, #tpu.memory_space<vmem>>, vector<1x1x16xf32>,
        %swap3A_1029 = vector.shape_cast %swap3A_1028 : vector<1x1x16xf32> to vector<16xf32>
        %swap3A_1030 = vector.shape_cast %mul3A_1023 : vector<16xf32> to vector<1x1x16xf32>
        tpu.vector_store %arg6[%swap3A_1025, %swap3A_1026, %swap3A_1027], %swap3A_1030 {strides = array<i32>} : memref<10x64x128xf32, #tpu.memory_space<vmem>>, vector<1x1x16xf32>,
        %get3A_1031 = arith.constant 6 : i32
        %get3A_1032 = arith.index_cast %get3A_1031 : i32 to index
        %get3A_1033 = arith.index_cast %scan3A_1014 : i32 to index
        %get3A_1034 = arith.constant 16 : index
        %get3A_1035 = tpu.vector_load %arg6[%get3A_1032, %get3A_1033, %get3A_1034] {strides = array<i32>} : memref<10x64x128xf32, #tpu.memory_space<vmem>>, vector<1x1x16xf32>,
        %get3A_1036 = vector.shape_cast %get3A_1035 : vector<1x1x16xf32> to vector<16xf32>
        %mul3A_1037 = arith.constant 11.3137083 : f32
        %mul3A_1038 = vector.broadcast %mul3A_1037 : f32 to vector<16xf32>
        %mul3A_1039 = arith.mulf %get3A_1036, %mul3A_1038 : vector<16xf32>
        %swap3A_1040 = arith.constant 6 : i32
        %swap3A_1041 = arith.index_cast %swap3A_1040 : i32 to index
        %swap3A_1042 = arith.index_cast %scan3A_1014 : i32 to index
        %swap3A_1043 = arith.constant 16 : index
        %swap3A_1044 = tpu.vector_load %arg6[%swap3A_1041, %swap3A_1042, %swap3A_1043] {strides = array<i32>} : memref<10x64x128xf32, #tpu.memory_space<vmem>>, vector<1x1x16xf32>,
        %swap3A_1045 = vector.shape_cast %swap3A_1044 : vector<1x1x16xf32> to vector<16xf32>
        %swap3A_1046 = vector.shape_cast %mul3A_1039 : vector<16xf32> to vector<1x1x16xf32>
        tpu.vector_store %arg6[%swap3A_1041, %swap3A_1042, %swap3A_1043], %swap3A_1046 {strides = array<i32>} : memref<10x64x128xf32, #tpu.memory_space<vmem>>, vector<1x1x16xf32>,
        %get3A_1047 = arith.constant 6 : i32
        %get3A_1048 = arith.index_cast %get3A_1047 : i32 to index
        %get3A_1049 = arith.index_cast %scan3A_1014 : i32 to index
        %get3A_1050 = arith.constant 32 : index
        %get3A_1051 = tpu.vector_load %arg6[%get3A_1048, %get3A_1049, %get3A_1050] {strides = array<i32>} : memref<10x64x128xf32, #tpu.memory_space<vmem>>, vector<1x1x16xf32>,
        %get3A_1052 = vector.shape_cast %get3A_1051 : vector<1x1x16xf32> to vector<16xf32>
        %mul3A_1053 = arith.constant 11.3137083 : f32
        %mul3A_1054 = vector.broadcast %mul3A_1053 : f32 to vector<16xf32>
        %mul3A_1055 = arith.mulf %get3A_1052, %mul3A_1054 : vector<16xf32>
        %swap3A_1056 = arith.constant 6 : i32
        %swap3A_1057 = arith.index_cast %swap3A_1056 : i32 to index
        %swap3A_1058 = arith.index_cast %scan3A_1014 : i32 to index
        %swap3A_1059 = arith.constant 32 : index
        %swap3A_1060 = tpu.vector_load %arg6[%swap3A_1057, %swap3A_1058, %swap3A_1059] {strides = array<i32>} : memref<10x64x128xf32, #tpu.memory_space<vmem>>, vector<1x1x16xf32>,
        %swap3A_1061 = vector.shape_cast %swap3A_1060 : vector<1x1x16xf32> to vector<16xf32>
        %swap3A_1062 = vector.shape_cast %mul3A_1055 : vector<16xf32> to vector<1x1x16xf32>
        tpu.vector_store %arg6[%swap3A_1057, %swap3A_1058, %swap3A_1059], %swap3A_1062 {strides = array<i32>} : memref<10x64x128xf32, #tpu.memory_space<vmem>>, vector<1x1x16xf32>,
        %get3A_1063 = arith.constant 6 : i32
        %get3A_1064 = arith.index_cast %get3A_1063 : i32 to index
        %get3A_1065 = arith.index_cast %scan3A_1014 : i32 to index
        %get3A_1066 = arith.constant 48 : index
        %get3A_1067 = tpu.vector_load %arg6[%get3A_1064, %get3A_1065, %get3A_1066] {strides = array<i32>} : memref<10x64x128xf32, #tpu.memory_space<vmem>>, vector<1x1x16xf32>,
        %get3A_1068 = vector.shape_cast %get3A_1067 : vector<1x1x16xf32> to vector<16xf32>
        %mul3A_1069 = arith.constant 11.3137083 : f32
        %mul3A_1070 = vector.broadcast %mul3A_1069 : f32 to vector<16xf32>
        %mul3A_1071 = arith.mulf %get3A_1068, %mul3A_1070 : vector<16xf32>
        %swap3A_1072 = arith.constant 6 : i32
        %swap3A_1073 = arith.index_cast %swap3A_1072 : i32 to index
        %swap3A_1074 = arith.index_cast %scan3A_1014 : i32 to index
        %swap3A_1075 = arith.constant 48 : index
        %swap3A_1076 = tpu.vector_load %arg6[%swap3A_1073, %swap3A_1074, %swap3A_1075] {strides = array<i32>} : memref<10x64x128xf32, #tpu.memory_space<vmem>>, vector<1x1x16xf32>,
        %swap3A_1077 = vector.shape_cast %swap3A_1076 : vector<1x1x16xf32> to vector<16xf32>
        %swap3A_1078 = vector.shape_cast %mul3A_1071 : vector<16xf32> to vector<1x1x16xf32>
        tpu.vector_store %arg6[%swap3A_1073, %swap3A_1074, %swap3A_1075], %swap3A_1078 {strides = array<i32>} : memref<10x64x128xf32, #tpu.memory_space<vmem>>, vector<1x1x16xf32>,
        %get3A_1079 = arith.constant 6 : i32
        %get3A_1080 = arith.index_cast %get3A_1079 : i32 to index
        %get3A_1081 = arith.index_cast %scan3A_1014 : i32 to index
        %get3A_1082 = arith.constant 64 : index
        %get3A_1083 = tpu.vector_load %arg6[%get3A_1080, %get3A_1081, %get3A_1082] {strides = array<i32>} : memref<10x64x128xf32, #tpu.memory_space<vmem>>, vector<1x1x16xf32>,
        %get3A_1084 = vector.shape_cast %get3A_1083 : vector<1x1x16xf32> to vector<16xf32>
        %mul3A_1085 = arith.constant 11.3137083 : f32
        %mul3A_1086 = vector.broadcast %mul3A_1085 : f32 to vector<16xf32>
        %mul3A_1087 = arith.mulf %get3A_1084, %mul3A_1086 : vector<16xf32>
        %swap3A_1088 = arith.constant 6 : i32
        %swap3A_1089 = arith.index_cast %swap3A_1088 : i32 to index
        %swap3A_1090 = arith.index_cast %scan3A_1014 : i32 to index
        %swap3A_1091 = arith.constant 64 : index
        %swap3A_1092 = tpu.vector_load %arg6[%swap3A_1089, %swap3A_1090, %swap3A_1091] {strides = array<i32>} : memref<10x64x128xf32, #tpu.memory_space<vmem>>, vector<1x1x16xf32>,
        %swap3A_1093 = vector.shape_cast %swap3A_1092 : vector<1x1x16xf32> to vector<16xf32>
        %swap3A_1094 = vector.shape_cast %mul3A_1087 : vector<16xf32> to vector<1x1x16xf32>
        tpu.vector_store %arg6[%swap3A_1089, %swap3A_1090, %swap3A_1091], %swap3A_1094 {strides = array<i32>} : memref<10x64x128xf32, #tpu.memory_space<vmem>>, vector<1x1x16xf32>,
        %get3A_1095 = arith.constant 6 : i32
        %get3A_1096 = arith.index_cast %get3A_1095 : i32 to index
        %get3A_1097 = arith.index_cast %scan3A_1014 : i32 to index
        %get3A_1098 = arith.constant 80 : index
        %get3A_1099 = tpu.vector_load %arg6[%get3A_1096, %get3A_1097, %get3A_1098] {strides = array<i32>} : memref<10x64x128xf32, #tpu.memory_space<vmem>>, vector<1x1x16xf32>,
        %get3A_1100 = vector.shape_cast %get3A_1099 : vector<1x1x16xf32> to vector<16xf32>
        %mul3A_1101 = arith.constant 11.3137083 : f32
        %mul3A_1102 = vector.broadcast %mul3A_1101 : f32 to vector<16xf32>
        %mul3A_1103 = arith.mulf %get3A_1100, %mul3A_1102 : vector<16xf32>
        %swap3A_1104 = arith.constant 6 : i32
        %swap3A_1105 = arith.index_cast %swap3A_1104 : i32 to index
        %swap3A_1106 = arith.index_cast %scan3A_1014 : i32 to index
        %swap3A_1107 = arith.constant 80 : index
        %swap3A_1108 = tpu.vector_load %arg6[%swap3A_1105, %swap3A_1106, %swap3A_1107] {strides = array<i32>} : memref<10x64x128xf32, #tpu.memory_space<vmem>>, vector<1x1x16xf32>,
        %swap3A_1109 = vector.shape_cast %swap3A_1108 : vector<1x1x16xf32> to vector<16xf32>
        %swap3A_1110 = vector.shape_cast %mul3A_1103 : vector<16xf32> to vector<1x1x16xf32>
        tpu.vector_store %arg6[%swap3A_1105, %swap3A_1106, %swap3A_1107], %swap3A_1110 {strides = array<i32>} : memref<10x64x128xf32, #tpu.memory_space<vmem>>, vector<1x1x16xf32>,
        %get3A_1111 = arith.constant 6 : i32
        %get3A_1112 = arith.index_cast %get3A_1111 : i32 to index
        %get3A_1113 = arith.index_cast %scan3A_1014 : i32 to index
        %get3A_1114 = arith.constant 96 : index
        %get3A_1115 = tpu.vector_load %arg6[%get3A_1112, %get3A_1113, %get3A_1114] {strides = array<i32>} : memref<10x64x128xf32, #tpu.memory_space<vmem>>, vector<1x1x16xf32>,
        %get3A_1116 = vector.shape_cast %get3A_1115 : vector<1x1x16xf32> to vector<16xf32>
        %mul3A_1117 = arith.constant 11.3137083 : f32
        %mul3A_1118 = vector.broadcast %mul3A_1117 : f32 to vector<16xf32>
        %mul3A_1119 = arith.mulf %get3A_1116, %mul3A_1118 : vector<16xf32>
        %swap3A_1120 = arith.constant 6 : i32
        %swap3A_1121 = arith.index_cast %swap3A_1120 : i32 to index
        %swap3A_1122 = arith.index_cast %scan3A_1014 : i32 to index
        %swap3A_1123 = arith.constant 96 : index
        %swap3A_1124 = tpu.vector_load %arg6[%swap3A_1121, %swap3A_1122, %swap3A_1123] {strides = array<i32>} : memref<10x64x128xf32, #tpu.memory_space<vmem>>, vector<1x1x16xf32>,
        %swap3A_1125 = vector.shape_cast %swap3A_1124 : vector<1x1x16xf32> to vector<16xf32>
        %swap3A_1126 = vector.shape_cast %mul3A_1119 : vector<16xf32> to vector<1x1x16xf32>
        tpu.vector_store %arg6[%swap3A_1121, %swap3A_1122, %swap3A_1123], %swap3A_1126 {strides = array<i32>} : memref<10x64x128xf32, #tpu.memory_space<vmem>>, vector<1x1x16xf32>,
        %get3A_1127 = arith.constant 6 : i32
        %get3A_1128 = arith.index_cast %get3A_1127 : i32 to index
        %get3A_1129 = arith.index_cast %scan3A_1014 : i32 to index
        %get3A_1130 = arith.constant 112 : index
        %get3A_1131 = tpu.vector_load %arg6[%get3A_1128, %get3A_1129, %get3A_1130] {strides = array<i32>} : memref<10x64x128xf32, #tpu.memory_space<vmem>>, vector<1x1x16xf32>,
        %get3A_1132 = vector.shape_cast %get3A_1131 : vector<1x1x16xf32> to vector<16xf32>
        %mul3A_1133 = arith.constant 11.3137083 : f32
        %mul3A_1134 = vector.broadcast %mul3A_1133 : f32 to vector<16xf32>
        %mul3A_1135 = arith.mulf %get3A_1132, %mul3A_1134 : vector<16xf32>
        %swap3A_1136 = arith.constant 6 : i32
        %swap3A_1137 = arith.index_cast %swap3A_1136 : i32 to index
        %swap3A_1138 = arith.index_cast %scan3A_1014 : i32 to index
        %swap3A_1139 = arith.constant 112 : index
        %swap3A_1140 = tpu.vector_load %arg6[%swap3A_1137, %swap3A_1138, %swap3A_1139] {strides = array<i32>} : memref<10x64x128xf32, #tpu.memory_space<vmem>>, vector<1x1x16xf32>,
        %swap3A_1141 = vector.shape_cast %swap3A_1140 : vector<1x1x16xf32> to vector<16xf32>
        %swap3A_1142 = vector.shape_cast %mul3A_1135 : vector<16xf32> to vector<1x1x16xf32>
        tpu.vector_store %arg6[%swap3A_1137, %swap3A_1138, %swap3A_1139], %swap3A_1142 {strides = array<i32>} : memref<10x64x128xf32, #tpu.memory_space<vmem>>, vector<1x1x16xf32>,
      }
      %scan3A_683 = arith.constant 64 : i32
      %add3A_684 = arith.constant 7 : i32
      %add3A_685 = arith.addi %mul3A_328, %add3A_684 : i32
      %mul3A_686 = arith.constant 2 : i32
      %mul3A_687 = arith.muli %add3A_663, %mul3A_686 : i32
      %add3A_688 = arith.constant 0 : i32
      %add3A_689 = arith.addi %mul3A_687, %add3A_688 : i32
      %add3A_690 = arith.constant 8 : i32
      %add3A_691 = arith.addi %add3A_689, %add3A_690 : i32
      %lt3A_692 = arith.constant 100 : i32
      %lt3A_693 = arith.cmpi slt, %add3A_691, %lt3A_692 : i32
      %convert_element_type3A_694 = arith.extui %lt3A_693 : i1 to i32
      %cond3A_695 = arith.constant 0 : i32
      %cond3A_696 = arith.cmpi ne, %convert_element_type3A_694, %cond3A_695 : i32
      scf.if %cond3A_696 {
        %ge3A = arith.constant 10 : i32
        %ge3A_886 = arith.cmpi sge, %add3A_691, %ge3A : i32
        %convert_element_type3A_887 = arith.extui %ge3A_886 : i1 to i32
        %cond3A_888 = arith.constant 0 : i32
        %cond3A_889 = arith.cmpi ne, %convert_element_type3A_887, %cond3A_888 : i32
        scf.if %cond3A_889 {
          %sub3A = arith.constant 5 : i32
          %sub3A_904 = arith.subi %add3A_685, %sub3A : i32
          %mul3A_905 = arith.constant 4096 : i32
          %mul3A_906 = arith.muli %sub3A_904, %mul3A_905 : i32
          %add3A_907 = arith.addi %mul3A_906, %mul3A_2 : i32
          %add3A_908 = arith.constant 0 : i32
          %add3A_909 = arith.addi %add3A_907, %add3A_908 : i32
          %dma_wait3A_910 = arith.constant 4 : i32
          %dma_wait3A_911 = arith.constant 4 : i32
          %dma_wait3A_912 = arith.constant 0 : i32
          %dma_wait3A_913 = arith.constant 0 : i32
          %dma_wait3A_914 = tpu.memref_slice %arg6[%dma_wait3A_910, %dma_wait3A_912, %dma_wait3A_913] : memref<10x64x128xf32, #tpu.memory_space<vmem>> -> memref<1x64x128xf32, #tpu.memory_space<vmem>>
          %dma_wait3A_915 = tpu.memref_squeeze %dma_wait3A_914 : memref<1x64x128xf32, #tpu.memory_space<vmem>> -> memref<64x128xf32, #tpu.memory_space<vmem>>
          %dma_wait3A_916 = arith.constant 0 : i32
          %dma_wait3A_917 = tpu.memref_slice %arg4[%add3A_909, %dma_wait3A_916] : memref<204800x128xf32, #tpu.memory_space<hbm>> -> memref<64x128xf32, #tpu.memory_space<hbm>>
          %dma_wait3A_918 = tpu.memref_slice %arg8[%dma_wait3A_911] : memref<10x!tpu.dma_semaphore, #tpu.memory_space<semaphore_mem>> -> memref<1x!tpu.dma_semaphore, #tpu.memory_space<semaphore_mem>>
          %dma_wait3A_919 = tpu.memref_squeeze %dma_wait3A_918 : memref<1x!tpu.dma_semaphore, #tpu.memory_space<semaphore_mem>> -> memref<!tpu.dma_semaphore, #tpu.memory_space<semaphore_mem>>
          %dma_wait3A_920 = arith.constant 0 : i32
          %dma_wait3A_921 = tpu.memref_slice %arg4[%add3A_909, %dma_wait3A_920] : memref<204800x128xf32, #tpu.memory_space<hbm>> -> memref<64x128xf32, #tpu.memory_space<hbm>>
          %dma_wait3A_922 = arith.constant 0 : i32
          %dma_wait3A_923 = arith.constant 0 : i32
          %dma_wait3A_924 = tpu.memref_slice %arg6[%dma_wait3A_910, %dma_wait3A_922, %dma_wait3A_923] : memref<10x64x128xf32, #tpu.memory_space<vmem>> -> memref<1x64x128xf32, #tpu.memory_space<vmem>>
          %dma_wait3A_925 = tpu.memref_squeeze %dma_wait3A_924 : memref<1x64x128xf32, #tpu.memory_space<vmem>> -> memref<64x128xf32, #tpu.memory_space<vmem>>
          tpu.wait_dma2 semaphore(%dma_wait3A_919 : memref<!tpu.dma_semaphore, #tpu.memory_space<semaphore_mem>>) src(%dma_wait3A_925 : memref<64x128xf32, #tpu.memory_space<vmem>>) dst(%dma_wait3A_921 : memref<64x128xf32, #tpu.memory_space<hbm>>)
        } else {
        }
        %dma_start3A_890 = arith.constant 4 : i32
        %dma_start3A_891 = arith.constant 4 : i32
        %dma_start3A_892 = arith.constant 0 : i32
        %dma_start3A_893 = arith.constant 0 : i32
        %dma_start3A_894 = tpu.memref_slice %arg6[%dma_start3A_890, %dma_start3A_892, %dma_start3A_893] : memref<10x64x128xf32, #tpu.memory_space<vmem>> -> memref<1x64x128xf32, #tpu.memory_space<vmem>>
        %dma_start3A_895 = tpu.memref_squeeze %dma_start3A_894 : memref<1x64x128xf32, #tpu.memory_space<vmem>> -> memref<64x128xf32, #tpu.memory_space<vmem>>
        %dma_start3A_896 = arith.constant 0 : i32
        %dma_start3A_897 = tpu.memref_slice %arg5[%add3A_685, %dma_start3A_896] : memref<50x128xi32, #tpu.memory_space<vmem>> -> memref<1x64xi32, #tpu.memory_space<vmem>>
        %dma_start3A_898 = tpu.memref_squeeze %dma_start3A_897 : memref<1x64xi32, #tpu.memory_space<vmem>> -> memref<64xi32, #tpu.memory_space<vmem>>
        %dma_start3A_899 = arith.constant 0 : i32
        %dma_start3A_900 = arith.constant 0 : i32
        %dma_start3A_901 = tpu.memref_slice %arg3[%dma_start3A_899, %dma_start3A_900] : memref<100000x128xf32, #tpu.memory_space<hbm>> -> memref<100000x128xf32, #tpu.memory_space<hbm>>
        %dma_start3A_902 = tpu.memref_slice %arg7[%dma_start3A_891] : memref<10x!tpu.dma_semaphore, #tpu.memory_space<semaphore_mem>> -> memref<1x!tpu.dma_semaphore, #tpu.memory_space<semaphore_mem>>
        %dma_start3A_903 = tpu.memref_squeeze %dma_start3A_902 : memref<1x!tpu.dma_semaphore, #tpu.memory_space<semaphore_mem>> -> memref<!tpu.dma_semaphore, #tpu.memory_space<semaphore_mem>>
        tpu.enqueue_indirect_dma source(%dma_start3A_901 : memref<100000x128xf32, #tpu.memory_space<hbm>>) target(%dma_start3A_895 : memref<64x128xf32, #tpu.memory_space<vmem>>) offsets(%dma_start3A_898 : memref<64xi32, #tpu.memory_space<vmem>>) semaphore(%dma_start3A_903 : memref<!tpu.dma_semaphore, #tpu.memory_space<semaphore_mem>>)
      } else {
      }
      %mul3A_697 = arith.constant 4096 : i32
      %mul3A_698 = arith.muli %add3A_663, %mul3A_697 : i32
      %add3A_699 = arith.addi %mul3A_698, %mul3A_2 : i32
      %add3A_700 = arith.constant 0 : i32
      %add3A_701 = arith.addi %add3A_699, %add3A_700 : i32
      %dma_start3A_702 = arith.constant 6 : i32
      %dma_start3A_703 = arith.constant 6 : i32
      %dma_start3A_704 = arith.constant 0 : i32
      %dma_start3A_705 = arith.constant 0 : i32
      %dma_start3A_706 = tpu.memref_slice %arg6[%dma_start3A_702, %dma_start3A_704, %dma_start3A_705] : memref<10x64x128xf32, #tpu.memory_space<vmem>> -> memref<1x64x128xf32, #tpu.memory_space<vmem>>
      %dma_start3A_707 = tpu.memref_squeeze %dma_start3A_706 : memref<1x64x128xf32, #tpu.memory_space<vmem>> -> memref<64x128xf32, #tpu.memory_space<vmem>>
      %dma_start3A_708 = arith.constant 0 : i32
      %dma_start3A_709 = tpu.memref_slice %arg4[%add3A_701, %dma_start3A_708] : memref<204800x128xf32, #tpu.memory_space<hbm>> -> memref<64x128xf32, #tpu.memory_space<hbm>>
      %dma_start3A_710 = tpu.memref_slice %arg8[%dma_start3A_703] : memref<10x!tpu.dma_semaphore, #tpu.memory_space<semaphore_mem>> -> memref<1x!tpu.dma_semaphore, #tpu.memory_space<semaphore_mem>>
      %dma_start3A_711 = tpu.memref_squeeze %dma_start3A_710 : memref<1x!tpu.dma_semaphore, #tpu.memory_space<semaphore_mem>> -> memref<!tpu.dma_semaphore, #tpu.memory_space<semaphore_mem>>
      %dma_start3A_712 = arith.constant 0 : i32
      %dma_start3A_713 = tpu.memref_slice %arg4[%add3A_701, %dma_start3A_712] : memref<204800x128xf32, #tpu.memory_space<hbm>> -> memref<64x128xf32, #tpu.memory_space<hbm>>
      %dma_start3A_714 = arith.constant 0 : i32
      %dma_start3A_715 = arith.constant 0 : i32
      %dma_start3A_716 = tpu.memref_slice %arg6[%dma_start3A_702, %dma_start3A_714, %dma_start3A_715] : memref<10x64x128xf32, #tpu.memory_space<vmem>> -> memref<1x64x128xf32, #tpu.memory_space<vmem>>
      %dma_start3A_717 = tpu.memref_squeeze %dma_start3A_716 : memref<1x64x128xf32, #tpu.memory_space<vmem>> -> memref<64x128xf32, #tpu.memory_space<vmem>>
      tpu.enqueue_dma source(%dma_start3A_717 : memref<64x128xf32, #tpu.memory_space<vmem>>) target(%dma_start3A_713 : memref<64x128xf32, #tpu.memory_space<hbm>>) target_semaphore(%dma_start3A_711 : memref<!tpu.dma_semaphore, #tpu.memory_space<semaphore_mem>>)
      %add3A_718 = arith.constant 3 : i32
      %add3A_719 = arith.addi %mul3A_328, %add3A_718 : i32
      %dma_wait3A_720 = arith.constant 7 : i32
      %dma_wait3A_721 = arith.constant 7 : i32
      %dma_wait3A_722 = arith.constant 0 : i32
      %dma_wait3A_723 = arith.constant 0 : i32
      %dma_wait3A_724 = tpu.memref_slice %arg6[%dma_wait3A_720, %dma_wait3A_722, %dma_wait3A_723] : memref<10x64x128xf32, #tpu.memory_space<vmem>> -> memref<1x64x128xf32, #tpu.memory_space<vmem>>
      %dma_wait3A_725 = tpu.memref_squeeze %dma_wait3A_724 : memref<1x64x128xf32, #tpu.memory_space<vmem>> -> memref<64x128xf32, #tpu.memory_space<vmem>>
      %dma_wait3A_726 = arith.constant 64 : i32
      %dma_wait3A_727 = tpu.memref_slice %arg5[%add3A_719, %dma_wait3A_726] : memref<50x128xi32, #tpu.memory_space<vmem>> -> memref<1x64xi32, #tpu.memory_space<vmem>>
      %dma_wait3A_728 = tpu.memref_squeeze %dma_wait3A_727 : memref<1x64xi32, #tpu.memory_space<vmem>> -> memref<64xi32, #tpu.memory_space<vmem>>
      %dma_wait3A_729 = arith.constant 0 : i32
      %dma_wait3A_730 = arith.constant 0 : i32
      %dma_wait3A_731 = tpu.memref_slice %arg3[%dma_wait3A_729, %dma_wait3A_730] : memref<100000x128xf32, #tpu.memory_space<hbm>> -> memref<100000x128xf32, #tpu.memory_space<hbm>>
      %dma_wait3A_732 = tpu.memref_slice %arg7[%dma_wait3A_721] : memref<10x!tpu.dma_semaphore, #tpu.memory_space<semaphore_mem>> -> memref<1x!tpu.dma_semaphore, #tpu.memory_space<semaphore_mem>>
      %dma_wait3A_733 = tpu.memref_squeeze %dma_wait3A_732 : memref<1x!tpu.dma_semaphore, #tpu.memory_space<semaphore_mem>> -> memref<!tpu.dma_semaphore, #tpu.memory_space<semaphore_mem>>
      tpu.wait_indirect_dma semaphore(%dma_wait3A_733 : memref<!tpu.dma_semaphore, #tpu.memory_space<semaphore_mem>>) src(%dma_wait3A_731 : memref<100000x128xf32, #tpu.memory_space<hbm>>) dst(%dma_wait3A_725 : memref<64x128xf32, #tpu.memory_space<vmem>>)
      %scan3A_734 = arith.constant 0 : i32
      %scan3A_735 = arith.constant 0 : i32
      %scan3A_736 = arith.constant 64 : i32
      %scan3A_737 = arith.addi %scan3A_735, %scan3A_736 : i32
      %scan3A_738 = arith.constant 2 : i32
      scf.for %scan3A_886 = %scan3A_735 to %scan3A_737 step %scan3A_738  : i32 {
        %get3A = arith.constant 7 : i32
        %get3A_887 = arith.index_cast %get3A : i32 to index
        %get3A_888 = arith.index_cast %scan3A_886 : i32 to index
        %get3A_889 = arith.constant 0 : index
        %get3A_890 = tpu.vector_load %arg6[%get3A_887, %get3A_888, %get3A_889] {strides = array<i32>} : memref<10x64x128xf32, #tpu.memory_space<vmem>>, vector<1x1x16xf32>,
        %get3A_891 = vector.shape_cast %get3A_890 : vector<1x1x16xf32> to vector<16xf32>
        %mul3A_892 = arith.constant 11.3137083 : f32
        %mul3A_893 = vector.broadcast %mul3A_892 : f32 to vector<16xf32>
        %mul3A_894 = arith.mulf %get3A_891, %mul3A_893 : vector<16xf32>
        %swap3A = arith.constant 7 : i32
        %swap3A_895 = arith.index_cast %swap3A : i32 to index
        %swap3A_896 = arith.index_cast %scan3A_886 : i32 to index
        %swap3A_897 = arith.constant 0 : index
        %swap3A_898 = tpu.vector_load %arg6[%swap3A_895, %swap3A_896, %swap3A_897] {strides = array<i32>} : memref<10x64x128xf32, #tpu.memory_space<vmem>>, vector<1x1x16xf32>,
        %swap3A_899 = vector.shape_cast %swap3A_898 : vector<1x1x16xf32> to vector<16xf32>
        %swap3A_900 = vector.shape_cast %mul3A_894 : vector<16xf32> to vector<1x1x16xf32>
        tpu.vector_store %arg6[%swap3A_895, %swap3A_896, %swap3A_897], %swap3A_900 {strides = array<i32>} : memref<10x64x128xf32, #tpu.memory_space<vmem>>, vector<1x1x16xf32>,
        %get3A_901 = arith.constant 7 : i32
        %get3A_902 = arith.index_cast %get3A_901 : i32 to index
        %get3A_903 = arith.index_cast %scan3A_886 : i32 to index
        %get3A_904 = arith.constant 16 : index
        %get3A_905 = tpu.vector_load %arg6[%get3A_902, %get3A_903, %get3A_904] {strides = array<i32>} : memref<10x64x128xf32, #tpu.memory_space<vmem>>, vector<1x1x16xf32>,
        %get3A_906 = vector.shape_cast %get3A_905 : vector<1x1x16xf32> to vector<16xf32>
        %mul3A_907 = arith.constant 11.3137083 : f32
        %mul3A_908 = vector.broadcast %mul3A_907 : f32 to vector<16xf32>
        %mul3A_909 = arith.mulf %get3A_906, %mul3A_908 : vector<16xf32>
        %swap3A_910 = arith.constant 7 : i32
        %swap3A_911 = arith.index_cast %swap3A_910 : i32 to index
        %swap3A_912 = arith.index_cast %scan3A_886 : i32 to index
        %swap3A_913 = arith.constant 16 : index
        %swap3A_914 = tpu.vector_load %arg6[%swap3A_911, %swap3A_912, %swap3A_913] {strides = array<i32>} : memref<10x64x128xf32, #tpu.memory_space<vmem>>, vector<1x1x16xf32>,
        %swap3A_915 = vector.shape_cast %swap3A_914 : vector<1x1x16xf32> to vector<16xf32>
        %swap3A_916 = vector.shape_cast %mul3A_909 : vector<16xf32> to vector<1x1x16xf32>
        tpu.vector_store %arg6[%swap3A_911, %swap3A_912, %swap3A_913], %swap3A_916 {strides = array<i32>} : memref<10x64x128xf32, #tpu.memory_space<vmem>>, vector<1x1x16xf32>,
        %get3A_917 = arith.constant 7 : i32
        %get3A_918 = arith.index_cast %get3A_917 : i32 to index
        %get3A_919 = arith.index_cast %scan3A_886 : i32 to index
        %get3A_920 = arith.constant 32 : index
        %get3A_921 = tpu.vector_load %arg6[%get3A_918, %get3A_919, %get3A_920] {strides = array<i32>} : memref<10x64x128xf32, #tpu.memory_space<vmem>>, vector<1x1x16xf32>,
        %get3A_922 = vector.shape_cast %get3A_921 : vector<1x1x16xf32> to vector<16xf32>
        %mul3A_923 = arith.constant 11.3137083 : f32
        %mul3A_924 = vector.broadcast %mul3A_923 : f32 to vector<16xf32>
        %mul3A_925 = arith.mulf %get3A_922, %mul3A_924 : vector<16xf32>
        %swap3A_926 = arith.constant 7 : i32
        %swap3A_927 = arith.index_cast %swap3A_926 : i32 to index
        %swap3A_928 = arith.index_cast %scan3A_886 : i32 to index
        %swap3A_929 = arith.constant 32 : index
        %swap3A_930 = tpu.vector_load %arg6[%swap3A_927, %swap3A_928, %swap3A_929] {strides = array<i32>} : memref<10x64x128xf32, #tpu.memory_space<vmem>>, vector<1x1x16xf32>,
        %swap3A_931 = vector.shape_cast %swap3A_930 : vector<1x1x16xf32> to vector<16xf32>
        %swap3A_932 = vector.shape_cast %mul3A_925 : vector<16xf32> to vector<1x1x16xf32>
        tpu.vector_store %arg6[%swap3A_927, %swap3A_928, %swap3A_929], %swap3A_932 {strides = array<i32>} : memref<10x64x128xf32, #tpu.memory_space<vmem>>, vector<1x1x16xf32>,
        %get3A_933 = arith.constant 7 : i32
        %get3A_934 = arith.index_cast %get3A_933 : i32 to index
        %get3A_935 = arith.index_cast %scan3A_886 : i32 to index
        %get3A_936 = arith.constant 48 : index
        %get3A_937 = tpu.vector_load %arg6[%get3A_934, %get3A_935, %get3A_936] {strides = array<i32>} : memref<10x64x128xf32, #tpu.memory_space<vmem>>, vector<1x1x16xf32>,
        %get3A_938 = vector.shape_cast %get3A_937 : vector<1x1x16xf32> to vector<16xf32>
        %mul3A_939 = arith.constant 11.3137083 : f32
        %mul3A_940 = vector.broadcast %mul3A_939 : f32 to vector<16xf32>
        %mul3A_941 = arith.mulf %get3A_938, %mul3A_940 : vector<16xf32>
        %swap3A_942 = arith.constant 7 : i32
        %swap3A_943 = arith.index_cast %swap3A_942 : i32 to index
        %swap3A_944 = arith.index_cast %scan3A_886 : i32 to index
        %swap3A_945 = arith.constant 48 : index
        %swap3A_946 = tpu.vector_load %arg6[%swap3A_943, %swap3A_944, %swap3A_945] {strides = array<i32>} : memref<10x64x128xf32, #tpu.memory_space<vmem>>, vector<1x1x16xf32>,
        %swap3A_947 = vector.shape_cast %swap3A_946 : vector<1x1x16xf32> to vector<16xf32>
        %swap3A_948 = vector.shape_cast %mul3A_941 : vector<16xf32> to vector<1x1x16xf32>
        tpu.vector_store %arg6[%swap3A_943, %swap3A_944, %swap3A_945], %swap3A_948 {strides = array<i32>} : memref<10x64x128xf32, #tpu.memory_space<vmem>>, vector<1x1x16xf32>,
        %get3A_949 = arith.constant 7 : i32
        %get3A_950 = arith.index_cast %get3A_949 : i32 to index
        %get3A_951 = arith.index_cast %scan3A_886 : i32 to index
        %get3A_952 = arith.constant 64 : index
        %get3A_953 = tpu.vector_load %arg6[%get3A_950, %get3A_951, %get3A_952] {strides = array<i32>} : memref<10x64x128xf32, #tpu.memory_space<vmem>>, vector<1x1x16xf32>,
        %get3A_954 = vector.shape_cast %get3A_953 : vector<1x1x16xf32> to vector<16xf32>
        %mul3A_955 = arith.constant 11.3137083 : f32
        %mul3A_956 = vector.broadcast %mul3A_955 : f32 to vector<16xf32>
        %mul3A_957 = arith.mulf %get3A_954, %mul3A_956 : vector<16xf32>
        %swap3A_958 = arith.constant 7 : i32
        %swap3A_959 = arith.index_cast %swap3A_958 : i32 to index
        %swap3A_960 = arith.index_cast %scan3A_886 : i32 to index
        %swap3A_961 = arith.constant 64 : index
        %swap3A_962 = tpu.vector_load %arg6[%swap3A_959, %swap3A_960, %swap3A_961] {strides = array<i32>} : memref<10x64x128xf32, #tpu.memory_space<vmem>>, vector<1x1x16xf32>,
        %swap3A_963 = vector.shape_cast %swap3A_962 : vector<1x1x16xf32> to vector<16xf32>
        %swap3A_964 = vector.shape_cast %mul3A_957 : vector<16xf32> to vector<1x1x16xf32>
        tpu.vector_store %arg6[%swap3A_959, %swap3A_960, %swap3A_961], %swap3A_964 {strides = array<i32>} : memref<10x64x128xf32, #tpu.memory_space<vmem>>, vector<1x1x16xf32>,
        %get3A_965 = arith.constant 7 : i32
        %get3A_966 = arith.index_cast %get3A_965 : i32 to index
        %get3A_967 = arith.index_cast %scan3A_886 : i32 to index
        %get3A_968 = arith.constant 80 : index
        %get3A_969 = tpu.vector_load %arg6[%get3A_966, %get3A_967, %get3A_968] {strides = array<i32>} : memref<10x64x128xf32, #tpu.memory_space<vmem>>, vector<1x1x16xf32>,
        %get3A_970 = vector.shape_cast %get3A_969 : vector<1x1x16xf32> to vector<16xf32>
        %mul3A_971 = arith.constant 11.3137083 : f32
        %mul3A_972 = vector.broadcast %mul3A_971 : f32 to vector<16xf32>
        %mul3A_973 = arith.mulf %get3A_970, %mul3A_972 : vector<16xf32>
        %swap3A_974 = arith.constant 7 : i32
        %swap3A_975 = arith.index_cast %swap3A_974 : i32 to index
        %swap3A_976 = arith.index_cast %scan3A_886 : i32 to index
        %swap3A_977 = arith.constant 80 : index
        %swap3A_978 = tpu.vector_load %arg6[%swap3A_975, %swap3A_976, %swap3A_977] {strides = array<i32>} : memref<10x64x128xf32, #tpu.memory_space<vmem>>, vector<1x1x16xf32>,
        %swap3A_979 = vector.shape_cast %swap3A_978 : vector<1x1x16xf32> to vector<16xf32>
        %swap3A_980 = vector.shape_cast %mul3A_973 : vector<16xf32> to vector<1x1x16xf32>
        tpu.vector_store %arg6[%swap3A_975, %swap3A_976, %swap3A_977], %swap3A_980 {strides = array<i32>} : memref<10x64x128xf32, #tpu.memory_space<vmem>>, vector<1x1x16xf32>,
        %get3A_981 = arith.constant 7 : i32
        %get3A_982 = arith.index_cast %get3A_981 : i32 to index
        %get3A_983 = arith.index_cast %scan3A_886 : i32 to index
        %get3A_984 = arith.constant 96 : index
        %get3A_985 = tpu.vector_load %arg6[%get3A_982, %get3A_983, %get3A_984] {strides = array<i32>} : memref<10x64x128xf32, #tpu.memory_space<vmem>>, vector<1x1x16xf32>,
        %get3A_986 = vector.shape_cast %get3A_985 : vector<1x1x16xf32> to vector<16xf32>
        %mul3A_987 = arith.constant 11.3137083 : f32
        %mul3A_988 = vector.broadcast %mul3A_987 : f32 to vector<16xf32>
        %mul3A_989 = arith.mulf %get3A_986, %mul3A_988 : vector<16xf32>
        %swap3A_990 = arith.constant 7 : i32
        %swap3A_991 = arith.index_cast %swap3A_990 : i32 to index
        %swap3A_992 = arith.index_cast %scan3A_886 : i32 to index
        %swap3A_993 = arith.constant 96 : index
        %swap3A_994 = tpu.vector_load %arg6[%swap3A_991, %swap3A_992, %swap3A_993] {strides = array<i32>} : memref<10x64x128xf32, #tpu.memory_space<vmem>>, vector<1x1x16xf32>,
        %swap3A_995 = vector.shape_cast %swap3A_994 : vector<1x1x16xf32> to vector<16xf32>
        %swap3A_996 = vector.shape_cast %mul3A_989 : vector<16xf32> to vector<1x1x16xf32>
        tpu.vector_store %arg6[%swap3A_991, %swap3A_992, %swap3A_993], %swap3A_996 {strides = array<i32>} : memref<10x64x128xf32, #tpu.memory_space<vmem>>, vector<1x1x16xf32>,
        %get3A_997 = arith.constant 7 : i32
        %get3A_998 = arith.index_cast %get3A_997 : i32 to index
        %get3A_999 = arith.index_cast %scan3A_886 : i32 to index
        %get3A_1000 = arith.constant 112 : index
        %get3A_1001 = tpu.vector_load %arg6[%get3A_998, %get3A_999, %get3A_1000] {strides = array<i32>} : memref<10x64x128xf32, #tpu.memory_space<vmem>>, vector<1x1x16xf32>,
        %get3A_1002 = vector.shape_cast %get3A_1001 : vector<1x1x16xf32> to vector<16xf32>
        %mul3A_1003 = arith.constant 11.3137083 : f32
        %mul3A_1004 = vector.broadcast %mul3A_1003 : f32 to vector<16xf32>
        %mul3A_1005 = arith.mulf %get3A_1002, %mul3A_1004 : vector<16xf32>
        %swap3A_1006 = arith.constant 7 : i32
        %swap3A_1007 = arith.index_cast %swap3A_1006 : i32 to index
        %swap3A_1008 = arith.index_cast %scan3A_886 : i32 to index
        %swap3A_1009 = arith.constant 112 : index
        %swap3A_1010 = tpu.vector_load %arg6[%swap3A_1007, %swap3A_1008, %swap3A_1009] {strides = array<i32>} : memref<10x64x128xf32, #tpu.memory_space<vmem>>, vector<1x1x16xf32>,
        %swap3A_1011 = vector.shape_cast %swap3A_1010 : vector<1x1x16xf32> to vector<16xf32>
        %swap3A_1012 = vector.shape_cast %mul3A_1005 : vector<16xf32> to vector<1x1x16xf32>
        tpu.vector_store %arg6[%swap3A_1007, %swap3A_1008, %swap3A_1009], %swap3A_1012 {strides = array<i32>} : memref<10x64x128xf32, #tpu.memory_space<vmem>>, vector<1x1x16xf32>,
        %scan3A_1013 = arith.constant 1 : i32
        %scan3A_1014 = arith.addi %scan3A_886, %scan3A_1013 : i32
        %get3A_1015 = arith.constant 7 : i32
        %get3A_1016 = arith.index_cast %get3A_1015 : i32 to index
        %get3A_1017 = arith.index_cast %scan3A_1014 : i32 to index
        %get3A_1018 = arith.constant 0 : index
        %get3A_1019 = tpu.vector_load %arg6[%get3A_1016, %get3A_1017, %get3A_1018] {strides = array<i32>} : memref<10x64x128xf32, #tpu.memory_space<vmem>>, vector<1x1x16xf32>,
        %get3A_1020 = vector.shape_cast %get3A_1019 : vector<1x1x16xf32> to vector<16xf32>
        %mul3A_1021 = arith.constant 11.3137083 : f32
        %mul3A_1022 = vector.broadcast %mul3A_1021 : f32 to vector<16xf32>
        %mul3A_1023 = arith.mulf %get3A_1020, %mul3A_1022 : vector<16xf32>
        %swap3A_1024 = arith.constant 7 : i32
        %swap3A_1025 = arith.index_cast %swap3A_1024 : i32 to index
        %swap3A_1026 = arith.index_cast %scan3A_1014 : i32 to index
        %swap3A_1027 = arith.constant 0 : index
        %swap3A_1028 = tpu.vector_load %arg6[%swap3A_1025, %swap3A_1026, %swap3A_1027] {strides = array<i32>} : memref<10x64x128xf32, #tpu.memory_space<vmem>>, vector<1x1x16xf32>,
        %swap3A_1029 = vector.shape_cast %swap3A_1028 : vector<1x1x16xf32> to vector<16xf32>
        %swap3A_1030 = vector.shape_cast %mul3A_1023 : vector<16xf32> to vector<1x1x16xf32>
        tpu.vector_store %arg6[%swap3A_1025, %swap3A_1026, %swap3A_1027], %swap3A_1030 {strides = array<i32>} : memref<10x64x128xf32, #tpu.memory_space<vmem>>, vector<1x1x16xf32>,
        %get3A_1031 = arith.constant 7 : i32
        %get3A_1032 = arith.index_cast %get3A_1031 : i32 to index
        %get3A_1033 = arith.index_cast %scan3A_1014 : i32 to index
        %get3A_1034 = arith.constant 16 : index
        %get3A_1035 = tpu.vector_load %arg6[%get3A_1032, %get3A_1033, %get3A_1034] {strides = array<i32>} : memref<10x64x128xf32, #tpu.memory_space<vmem>>, vector<1x1x16xf32>,
        %get3A_1036 = vector.shape_cast %get3A_1035 : vector<1x1x16xf32> to vector<16xf32>
        %mul3A_1037 = arith.constant 11.3137083 : f32
        %mul3A_1038 = vector.broadcast %mul3A_1037 : f32 to vector<16xf32>
        %mul3A_1039 = arith.mulf %get3A_1036, %mul3A_1038 : vector<16xf32>
        %swap3A_1040 = arith.constant 7 : i32
        %swap3A_1041 = arith.index_cast %swap3A_1040 : i32 to index
        %swap3A_1042 = arith.index_cast %scan3A_1014 : i32 to index
        %swap3A_1043 = arith.constant 16 : index
        %swap3A_1044 = tpu.vector_load %arg6[%swap3A_1041, %swap3A_1042, %swap3A_1043] {strides = array<i32>} : memref<10x64x128xf32, #tpu.memory_space<vmem>>, vector<1x1x16xf32>,
        %swap3A_1045 = vector.shape_cast %swap3A_1044 : vector<1x1x16xf32> to vector<16xf32>
        %swap3A_1046 = vector.shape_cast %mul3A_1039 : vector<16xf32> to vector<1x1x16xf32>
        tpu.vector_store %arg6[%swap3A_1041, %swap3A_1042, %swap3A_1043], %swap3A_1046 {strides = array<i32>} : memref<10x64x128xf32, #tpu.memory_space<vmem>>, vector<1x1x16xf32>,
        %get3A_1047 = arith.constant 7 : i32
        %get3A_1048 = arith.index_cast %get3A_1047 : i32 to index
        %get3A_1049 = arith.index_cast %scan3A_1014 : i32 to index
        %get3A_1050 = arith.constant 32 : index
        %get3A_1051 = tpu.vector_load %arg6[%get3A_1048, %get3A_1049, %get3A_1050] {strides = array<i32>} : memref<10x64x128xf32, #tpu.memory_space<vmem>>, vector<1x1x16xf32>,
        %get3A_1052 = vector.shape_cast %get3A_1051 : vector<1x1x16xf32> to vector<16xf32>
        %mul3A_1053 = arith.constant 11.3137083 : f32
        %mul3A_1054 = vector.broadcast %mul3A_1053 : f32 to vector<16xf32>
        %mul3A_1055 = arith.mulf %get3A_1052, %mul3A_1054 : vector<16xf32>
        %swap3A_1056 = arith.constant 7 : i32
        %swap3A_1057 = arith.index_cast %swap3A_1056 : i32 to index
        %swap3A_1058 = arith.index_cast %scan3A_1014 : i32 to index
        %swap3A_1059 = arith.constant 32 : index
        %swap3A_1060 = tpu.vector_load %arg6[%swap3A_1057, %swap3A_1058, %swap3A_1059] {strides = array<i32>} : memref<10x64x128xf32, #tpu.memory_space<vmem>>, vector<1x1x16xf32>,
        %swap3A_1061 = vector.shape_cast %swap3A_1060 : vector<1x1x16xf32> to vector<16xf32>
        %swap3A_1062 = vector.shape_cast %mul3A_1055 : vector<16xf32> to vector<1x1x16xf32>
        tpu.vector_store %arg6[%swap3A_1057, %swap3A_1058, %swap3A_1059], %swap3A_1062 {strides = array<i32>} : memref<10x64x128xf32, #tpu.memory_space<vmem>>, vector<1x1x16xf32>,
        %get3A_1063 = arith.constant 7 : i32
        %get3A_1064 = arith.index_cast %get3A_1063 : i32 to index
        %get3A_1065 = arith.index_cast %scan3A_1014 : i32 to index
        %get3A_1066 = arith.constant 48 : index
        %get3A_1067 = tpu.vector_load %arg6[%get3A_1064, %get3A_1065, %get3A_1066] {strides = array<i32>} : memref<10x64x128xf32, #tpu.memory_space<vmem>>, vector<1x1x16xf32>,
        %get3A_1068 = vector.shape_cast %get3A_1067 : vector<1x1x16xf32> to vector<16xf32>
        %mul3A_1069 = arith.constant 11.3137083 : f32
        %mul3A_1070 = vector.broadcast %mul3A_1069 : f32 to vector<16xf32>
        %mul3A_1071 = arith.mulf %get3A_1068, %mul3A_1070 : vector<16xf32>
        %swap3A_1072 = arith.constant 7 : i32
        %swap3A_1073 = arith.index_cast %swap3A_1072 : i32 to index
        %swap3A_1074 = arith.index_cast %scan3A_1014 : i32 to index
        %swap3A_1075 = arith.constant 48 : index
        %swap3A_1076 = tpu.vector_load %arg6[%swap3A_1073, %swap3A_1074, %swap3A_1075] {strides = array<i32>} : memref<10x64x128xf32, #tpu.memory_space<vmem>>, vector<1x1x16xf32>,
        %swap3A_1077 = vector.shape_cast %swap3A_1076 : vector<1x1x16xf32> to vector<16xf32>
        %swap3A_1078 = vector.shape_cast %mul3A_1071 : vector<16xf32> to vector<1x1x16xf32>
        tpu.vector_store %arg6[%swap3A_1073, %swap3A_1074, %swap3A_1075], %swap3A_1078 {strides = array<i32>} : memref<10x64x128xf32, #tpu.memory_space<vmem>>, vector<1x1x16xf32>,
        %get3A_1079 = arith.constant 7 : i32
        %get3A_1080 = arith.index_cast %get3A_1079 : i32 to index
        %get3A_1081 = arith.index_cast %scan3A_1014 : i32 to index
        %get3A_1082 = arith.constant 64 : index
        %get3A_1083 = tpu.vector_load %arg6[%get3A_1080, %get3A_1081, %get3A_1082] {strides = array<i32>} : memref<10x64x128xf32, #tpu.memory_space<vmem>>, vector<1x1x16xf32>,
        %get3A_1084 = vector.shape_cast %get3A_1083 : vector<1x1x16xf32> to vector<16xf32>
        %mul3A_1085 = arith.constant 11.3137083 : f32
        %mul3A_1086 = vector.broadcast %mul3A_1085 : f32 to vector<16xf32>
        %mul3A_1087 = arith.mulf %get3A_1084, %mul3A_1086 : vector<16xf32>
        %swap3A_1088 = arith.constant 7 : i32
        %swap3A_1089 = arith.index_cast %swap3A_1088 : i32 to index
        %swap3A_1090 = arith.index_cast %scan3A_1014 : i32 to index
        %swap3A_1091 = arith.constant 64 : index
        %swap3A_1092 = tpu.vector_load %arg6[%swap3A_1089, %swap3A_1090, %swap3A_1091] {strides = array<i32>} : memref<10x64x128xf32, #tpu.memory_space<vmem>>, vector<1x1x16xf32>,
        %swap3A_1093 = vector.shape_cast %swap3A_1092 : vector<1x1x16xf32> to vector<16xf32>
        %swap3A_1094 = vector.shape_cast %mul3A_1087 : vector<16xf32> to vector<1x1x16xf32>
        tpu.vector_store %arg6[%swap3A_1089, %swap3A_1090, %swap3A_1091], %swap3A_1094 {strides = array<i32>} : memref<10x64x128xf32, #tpu.memory_space<vmem>>, vector<1x1x16xf32>,
        %get3A_1095 = arith.constant 7 : i32
        %get3A_1096 = arith.index_cast %get3A_1095 : i32 to index
        %get3A_1097 = arith.index_cast %scan3A_1014 : i32 to index
        %get3A_1098 = arith.constant 80 : index
        %get3A_1099 = tpu.vector_load %arg6[%get3A_1096, %get3A_1097, %get3A_1098] {strides = array<i32>} : memref<10x64x128xf32, #tpu.memory_space<vmem>>, vector<1x1x16xf32>,
        %get3A_1100 = vector.shape_cast %get3A_1099 : vector<1x1x16xf32> to vector<16xf32>
        %mul3A_1101 = arith.constant 11.3137083 : f32
        %mul3A_1102 = vector.broadcast %mul3A_1101 : f32 to vector<16xf32>
        %mul3A_1103 = arith.mulf %get3A_1100, %mul3A_1102 : vector<16xf32>
        %swap3A_1104 = arith.constant 7 : i32
        %swap3A_1105 = arith.index_cast %swap3A_1104 : i32 to index
        %swap3A_1106 = arith.index_cast %scan3A_1014 : i32 to index
        %swap3A_1107 = arith.constant 80 : index
        %swap3A_1108 = tpu.vector_load %arg6[%swap3A_1105, %swap3A_1106, %swap3A_1107] {strides = array<i32>} : memref<10x64x128xf32, #tpu.memory_space<vmem>>, vector<1x1x16xf32>,
        %swap3A_1109 = vector.shape_cast %swap3A_1108 : vector<1x1x16xf32> to vector<16xf32>
        %swap3A_1110 = vector.shape_cast %mul3A_1103 : vector<16xf32> to vector<1x1x16xf32>
        tpu.vector_store %arg6[%swap3A_1105, %swap3A_1106, %swap3A_1107], %swap3A_1110 {strides = array<i32>} : memref<10x64x128xf32, #tpu.memory_space<vmem>>, vector<1x1x16xf32>,
        %get3A_1111 = arith.constant 7 : i32
        %get3A_1112 = arith.index_cast %get3A_1111 : i32 to index
        %get3A_1113 = arith.index_cast %scan3A_1014 : i32 to index
        %get3A_1114 = arith.constant 96 : index
        %get3A_1115 = tpu.vector_load %arg6[%get3A_1112, %get3A_1113, %get3A_1114] {strides = array<i32>} : memref<10x64x128xf32, #tpu.memory_space<vmem>>, vector<1x1x16xf32>,
        %get3A_1116 = vector.shape_cast %get3A_1115 : vector<1x1x16xf32> to vector<16xf32>
        %mul3A_1117 = arith.constant 11.3137083 : f32
        %mul3A_1118 = vector.broadcast %mul3A_1117 : f32 to vector<16xf32>
        %mul3A_1119 = arith.mulf %get3A_1116, %mul3A_1118 : vector<16xf32>
        %swap3A_1120 = arith.constant 7 : i32
        %swap3A_1121 = arith.index_cast %swap3A_1120 : i32 to index
        %swap3A_1122 = arith.index_cast %scan3A_1014 : i32 to index
        %swap3A_1123 = arith.constant 96 : index
        %swap3A_1124 = tpu.vector_load %arg6[%swap3A_1121, %swap3A_1122, %swap3A_1123] {strides = array<i32>} : memref<10x64x128xf32, #tpu.memory_space<vmem>>, vector<1x1x16xf32>,
        %swap3A_1125 = vector.shape_cast %swap3A_1124 : vector<1x1x16xf32> to vector<16xf32>
        %swap3A_1126 = vector.shape_cast %mul3A_1119 : vector<16xf32> to vector<1x1x16xf32>
        tpu.vector_store %arg6[%swap3A_1121, %swap3A_1122, %swap3A_1123], %swap3A_1126 {strides = array<i32>} : memref<10x64x128xf32, #tpu.memory_space<vmem>>, vector<1x1x16xf32>,
        %get3A_1127 = arith.constant 7 : i32
        %get3A_1128 = arith.index_cast %get3A_1127 : i32 to index
        %get3A_1129 = arith.index_cast %scan3A_1014 : i32 to index
        %get3A_1130 = arith.constant 112 : index
        %get3A_1131 = tpu.vector_load %arg6[%get3A_1128, %get3A_1129, %get3A_1130] {strides = array<i32>} : memref<10x64x128xf32, #tpu.memory_space<vmem>>, vector<1x1x16xf32>,
        %get3A_1132 = vector.shape_cast %get3A_1131 : vector<1x1x16xf32> to vector<16xf32>
        %mul3A_1133 = arith.constant 11.3137083 : f32
        %mul3A_1134 = vector.broadcast %mul3A_1133 : f32 to vector<16xf32>
        %mul3A_1135 = arith.mulf %get3A_1132, %mul3A_1134 : vector<16xf32>
        %swap3A_1136 = arith.constant 7 : i32
        %swap3A_1137 = arith.index_cast %swap3A_1136 : i32 to index
        %swap3A_1138 = arith.index_cast %scan3A_1014 : i32 to index
        %swap3A_1139 = arith.constant 112 : index
        %swap3A_1140 = tpu.vector_load %arg6[%swap3A_1137, %swap3A_1138, %swap3A_1139] {strides = array<i32>} : memref<10x64x128xf32, #tpu.memory_space<vmem>>, vector<1x1x16xf32>,
        %swap3A_1141 = vector.shape_cast %swap3A_1140 : vector<1x1x16xf32> to vector<16xf32>
        %swap3A_1142 = vector.shape_cast %mul3A_1135 : vector<16xf32> to vector<1x1x16xf32>
        tpu.vector_store %arg6[%swap3A_1137, %swap3A_1138, %swap3A_1139], %swap3A_1142 {strides = array<i32>} : memref<10x64x128xf32, #tpu.memory_space<vmem>>, vector<1x1x16xf32>,
      }
      %scan3A_739 = arith.constant 64 : i32
      %add3A_740 = arith.constant 7 : i32
      %add3A_741 = arith.addi %mul3A_328, %add3A_740 : i32
      %mul3A_742 = arith.constant 2 : i32
      %mul3A_743 = arith.muli %add3A_719, %mul3A_742 : i32
      %add3A_744 = arith.constant 1 : i32
      %add3A_745 = arith.addi %mul3A_743, %add3A_744 : i32
      %add3A_746 = arith.constant 8 : i32
      %add3A_747 = arith.addi %add3A_745, %add3A_746 : i32
      %lt3A_748 = arith.constant 100 : i32
      %lt3A_749 = arith.cmpi slt, %add3A_747, %lt3A_748 : i32
      %convert_element_type3A_750 = arith.extui %lt3A_749 : i1 to i32
      %cond3A_751 = arith.constant 0 : i32
      %cond3A_752 = arith.cmpi ne, %convert_element_type3A_750, %cond3A_751 : i32
      scf.if %cond3A_752 {
        %ge3A = arith.constant 10 : i32
        %ge3A_886 = arith.cmpi sge, %add3A_747, %ge3A : i32
        %convert_element_type3A_887 = arith.extui %ge3A_886 : i1 to i32
        %cond3A_888 = arith.constant 0 : i32
        %cond3A_889 = arith.cmpi ne, %convert_element_type3A_887, %cond3A_888 : i32
        scf.if %cond3A_889 {
          %sub3A = arith.constant 5 : i32
          %sub3A_904 = arith.subi %add3A_741, %sub3A : i32
          %mul3A_905 = arith.constant 4096 : i32
          %mul3A_906 = arith.muli %sub3A_904, %mul3A_905 : i32
          %add3A_907 = arith.addi %mul3A_906, %mul3A_2 : i32
          %add3A_908 = arith.constant 64 : i32
          %add3A_909 = arith.addi %add3A_907, %add3A_908 : i32
          %dma_wait3A_910 = arith.constant 5 : i32
          %dma_wait3A_911 = arith.constant 5 : i32
          %dma_wait3A_912 = arith.constant 0 : i32
          %dma_wait3A_913 = arith.constant 0 : i32
          %dma_wait3A_914 = tpu.memref_slice %arg6[%dma_wait3A_910, %dma_wait3A_912, %dma_wait3A_913] : memref<10x64x128xf32, #tpu.memory_space<vmem>> -> memref<1x64x128xf32, #tpu.memory_space<vmem>>
          %dma_wait3A_915 = tpu.memref_squeeze %dma_wait3A_914 : memref<1x64x128xf32, #tpu.memory_space<vmem>> -> memref<64x128xf32, #tpu.memory_space<vmem>>
          %dma_wait3A_916 = arith.constant 0 : i32
          %dma_wait3A_917 = tpu.memref_slice %arg4[%add3A_909, %dma_wait3A_916] : memref<204800x128xf32, #tpu.memory_space<hbm>> -> memref<64x128xf32, #tpu.memory_space<hbm>>
          %dma_wait3A_918 = tpu.memref_slice %arg8[%dma_wait3A_911] : memref<10x!tpu.dma_semaphore, #tpu.memory_space<semaphore_mem>> -> memref<1x!tpu.dma_semaphore, #tpu.memory_space<semaphore_mem>>
          %dma_wait3A_919 = tpu.memref_squeeze %dma_wait3A_918 : memref<1x!tpu.dma_semaphore, #tpu.memory_space<semaphore_mem>> -> memref<!tpu.dma_semaphore, #tpu.memory_space<semaphore_mem>>
          %dma_wait3A_920 = arith.constant 0 : i32
          %dma_wait3A_921 = tpu.memref_slice %arg4[%add3A_909, %dma_wait3A_920] : memref<204800x128xf32, #tpu.memory_space<hbm>> -> memref<64x128xf32, #tpu.memory_space<hbm>>
          %dma_wait3A_922 = arith.constant 0 : i32
          %dma_wait3A_923 = arith.constant 0 : i32
          %dma_wait3A_924 = tpu.memref_slice %arg6[%dma_wait3A_910, %dma_wait3A_922, %dma_wait3A_923] : memref<10x64x128xf32, #tpu.memory_space<vmem>> -> memref<1x64x128xf32, #tpu.memory_space<vmem>>
          %dma_wait3A_925 = tpu.memref_squeeze %dma_wait3A_924 : memref<1x64x128xf32, #tpu.memory_space<vmem>> -> memref<64x128xf32, #tpu.memory_space<vmem>>
          tpu.wait_dma2 semaphore(%dma_wait3A_919 : memref<!tpu.dma_semaphore, #tpu.memory_space<semaphore_mem>>) src(%dma_wait3A_925 : memref<64x128xf32, #tpu.memory_space<vmem>>) dst(%dma_wait3A_921 : memref<64x128xf32, #tpu.memory_space<hbm>>)
        } else {
        }
        %dma_start3A_890 = arith.constant 5 : i32
        %dma_start3A_891 = arith.constant 5 : i32
        %dma_start3A_892 = arith.constant 0 : i32
        %dma_start3A_893 = arith.constant 0 : i32
        %dma_start3A_894 = tpu.memref_slice %arg6[%dma_start3A_890, %dma_start3A_892, %dma_start3A_893] : memref<10x64x128xf32, #tpu.memory_space<vmem>> -> memref<1x64x128xf32, #tpu.memory_space<vmem>>
        %dma_start3A_895 = tpu.memref_squeeze %dma_start3A_894 : memref<1x64x128xf32, #tpu.memory_space<vmem>> -> memref<64x128xf32, #tpu.memory_space<vmem>>
        %dma_start3A_896 = arith.constant 64 : i32
        %dma_start3A_897 = tpu.memref_slice %arg5[%add3A_741, %dma_start3A_896] : memref<50x128xi32, #tpu.memory_space<vmem>> -> memref<1x64xi32, #tpu.memory_space<vmem>>
        %dma_start3A_898 = tpu.memref_squeeze %dma_start3A_897 : memref<1x64xi32, #tpu.memory_space<vmem>> -> memref<64xi32, #tpu.memory_space<vmem>>
        %dma_start3A_899 = arith.constant 0 : i32
        %dma_start3A_900 = arith.constant 0 : i32
        %dma_start3A_901 = tpu.memref_slice %arg3[%dma_start3A_899, %dma_start3A_900] : memref<100000x128xf32, #tpu.memory_space<hbm>> -> memref<100000x128xf32, #tpu.memory_space<hbm>>
        %dma_start3A_902 = tpu.memref_slice %arg7[%dma_start3A_891] : memref<10x!tpu.dma_semaphore, #tpu.memory_space<semaphore_mem>> -> memref<1x!tpu.dma_semaphore, #tpu.memory_space<semaphore_mem>>
        %dma_start3A_903 = tpu.memref_squeeze %dma_start3A_902 : memref<1x!tpu.dma_semaphore, #tpu.memory_space<semaphore_mem>> -> memref<!tpu.dma_semaphore, #tpu.memory_space<semaphore_mem>>
        tpu.enqueue_indirect_dma source(%dma_start3A_901 : memref<100000x128xf32, #tpu.memory_space<hbm>>) target(%dma_start3A_895 : memref<64x128xf32, #tpu.memory_space<vmem>>) offsets(%dma_start3A_898 : memref<64xi32, #tpu.memory_space<vmem>>) semaphore(%dma_start3A_903 : memref<!tpu.dma_semaphore, #tpu.memory_space<semaphore_mem>>)
      } else {
      }
      %mul3A_753 = arith.constant 4096 : i32
      %mul3A_754 = arith.muli %add3A_719, %mul3A_753 : i32
      %add3A_755 = arith.addi %mul3A_754, %mul3A_2 : i32
      %add3A_756 = arith.constant 64 : i32
      %add3A_757 = arith.addi %add3A_755, %add3A_756 : i32
      %dma_start3A_758 = arith.constant 7 : i32
      %dma_start3A_759 = arith.constant 7 : i32
      %dma_start3A_760 = arith.constant 0 : i32
      %dma_start3A_761 = arith.constant 0 : i32
      %dma_start3A_762 = tpu.memref_slice %arg6[%dma_start3A_758, %dma_start3A_760, %dma_start3A_761] : memref<10x64x128xf32, #tpu.memory_space<vmem>> -> memref<1x64x128xf32, #tpu.memory_space<vmem>>
      %dma_start3A_763 = tpu.memref_squeeze %dma_start3A_762 : memref<1x64x128xf32, #tpu.memory_space<vmem>> -> memref<64x128xf32, #tpu.memory_space<vmem>>
      %dma_start3A_764 = arith.constant 0 : i32
      %dma_start3A_765 = tpu.memref_slice %arg4[%add3A_757, %dma_start3A_764] : memref<204800x128xf32, #tpu.memory_space<hbm>> -> memref<64x128xf32, #tpu.memory_space<hbm>>
      %dma_start3A_766 = tpu.memref_slice %arg8[%dma_start3A_759] : memref<10x!tpu.dma_semaphore, #tpu.memory_space<semaphore_mem>> -> memref<1x!tpu.dma_semaphore, #tpu.memory_space<semaphore_mem>>
      %dma_start3A_767 = tpu.memref_squeeze %dma_start3A_766 : memref<1x!tpu.dma_semaphore, #tpu.memory_space<semaphore_mem>> -> memref<!tpu.dma_semaphore, #tpu.memory_space<semaphore_mem>>
      %dma_start3A_768 = arith.constant 0 : i32
      %dma_start3A_769 = tpu.memref_slice %arg4[%add3A_757, %dma_start3A_768] : memref<204800x128xf32, #tpu.memory_space<hbm>> -> memref<64x128xf32, #tpu.memory_space<hbm>>
      %dma_start3A_770 = arith.constant 0 : i32
      %dma_start3A_771 = arith.constant 0 : i32
      %dma_start3A_772 = tpu.memref_slice %arg6[%dma_start3A_758, %dma_start3A_770, %dma_start3A_771] : memref<10x64x128xf32, #tpu.memory_space<vmem>> -> memref<1x64x128xf32, #tpu.memory_space<vmem>>
      %dma_start3A_773 = tpu.memref_squeeze %dma_start3A_772 : memref<1x64x128xf32, #tpu.memory_space<vmem>> -> memref<64x128xf32, #tpu.memory_space<vmem>>
      tpu.enqueue_dma source(%dma_start3A_773 : memref<64x128xf32, #tpu.memory_space<vmem>>) target(%dma_start3A_769 : memref<64x128xf32, #tpu.memory_space<hbm>>) target_semaphore(%dma_start3A_767 : memref<!tpu.dma_semaphore, #tpu.memory_space<semaphore_mem>>)
      %add3A_774 = arith.constant 4 : i32
      %add3A_775 = arith.addi %mul3A_328, %add3A_774 : i32
      %dma_wait3A_776 = arith.constant 8 : i32
      %dma_wait3A_777 = arith.constant 8 : i32
      %dma_wait3A_778 = arith.constant 0 : i32
      %dma_wait3A_779 = arith.constant 0 : i32
      %dma_wait3A_780 = tpu.memref_slice %arg6[%dma_wait3A_776, %dma_wait3A_778, %dma_wait3A_779] : memref<10x64x128xf32, #tpu.memory_space<vmem>> -> memref<1x64x128xf32, #tpu.memory_space<vmem>>
      %dma_wait3A_781 = tpu.memref_squeeze %dma_wait3A_780 : memref<1x64x128xf32, #tpu.memory_space<vmem>> -> memref<64x128xf32, #tpu.memory_space<vmem>>
      %dma_wait3A_782 = arith.constant 0 : i32
      %dma_wait3A_783 = tpu.memref_slice %arg5[%add3A_775, %dma_wait3A_782] : memref<50x128xi32, #tpu.memory_space<vmem>> -> memref<1x64xi32, #tpu.memory_space<vmem>>
      %dma_wait3A_784 = tpu.memref_squeeze %dma_wait3A_783 : memref<1x64xi32, #tpu.memory_space<vmem>> -> memref<64xi32, #tpu.memory_space<vmem>>
      %dma_wait3A_785 = arith.constant 0 : i32
      %dma_wait3A_786 = arith.constant 0 : i32
      %dma_wait3A_787 = tpu.memref_slice %arg3[%dma_wait3A_785, %dma_wait3A_786] : memref<100000x128xf32, #tpu.memory_space<hbm>> -> memref<100000x128xf32, #tpu.memory_space<hbm>>
      %dma_wait3A_788 = tpu.memref_slice %arg7[%dma_wait3A_777] : memref<10x!tpu.dma_semaphore, #tpu.memory_space<semaphore_mem>> -> memref<1x!tpu.dma_semaphore, #tpu.memory_space<semaphore_mem>>
      %dma_wait3A_789 = tpu.memref_squeeze %dma_wait3A_788 : memref<1x!tpu.dma_semaphore, #tpu.memory_space<semaphore_mem>> -> memref<!tpu.dma_semaphore, #tpu.memory_space<semaphore_mem>>
      tpu.wait_indirect_dma semaphore(%dma_wait3A_789 : memref<!tpu.dma_semaphore, #tpu.memory_space<semaphore_mem>>) src(%dma_wait3A_787 : memref<100000x128xf32, #tpu.memory_space<hbm>>) dst(%dma_wait3A_781 : memref<64x128xf32, #tpu.memory_space<vmem>>)
      %scan3A_790 = arith.constant 0 : i32
      %scan3A_791 = arith.constant 0 : i32
      %scan3A_792 = arith.constant 64 : i32
      %scan3A_793 = arith.addi %scan3A_791, %scan3A_792 : i32
      %scan3A_794 = arith.constant 2 : i32
      scf.for %scan3A_886 = %scan3A_791 to %scan3A_793 step %scan3A_794  : i32 {
        %get3A = arith.constant 8 : i32
        %get3A_887 = arith.index_cast %get3A : i32 to index
        %get3A_888 = arith.index_cast %scan3A_886 : i32 to index
        %get3A_889 = arith.constant 0 : index
        %get3A_890 = tpu.vector_load %arg6[%get3A_887, %get3A_888, %get3A_889] {strides = array<i32>} : memref<10x64x128xf32, #tpu.memory_space<vmem>>, vector<1x1x16xf32>,
        %get3A_891 = vector.shape_cast %get3A_890 : vector<1x1x16xf32> to vector<16xf32>
        %mul3A_892 = arith.constant 11.3137083 : f32
        %mul3A_893 = vector.broadcast %mul3A_892 : f32 to vector<16xf32>
        %mul3A_894 = arith.mulf %get3A_891, %mul3A_893 : vector<16xf32>
        %swap3A = arith.constant 8 : i32
        %swap3A_895 = arith.index_cast %swap3A : i32 to index
        %swap3A_896 = arith.index_cast %scan3A_886 : i32 to index
        %swap3A_897 = arith.constant 0 : index
        %swap3A_898 = tpu.vector_load %arg6[%swap3A_895, %swap3A_896, %swap3A_897] {strides = array<i32>} : memref<10x64x128xf32, #tpu.memory_space<vmem>>, vector<1x1x16xf32>,
        %swap3A_899 = vector.shape_cast %swap3A_898 : vector<1x1x16xf32> to vector<16xf32>
        %swap3A_900 = vector.shape_cast %mul3A_894 : vector<16xf32> to vector<1x1x16xf32>
        tpu.vector_store %arg6[%swap3A_895, %swap3A_896, %swap3A_897], %swap3A_900 {strides = array<i32>} : memref<10x64x128xf32, #tpu.memory_space<vmem>>, vector<1x1x16xf32>,
        %get3A_901 = arith.constant 8 : i32
        %get3A_902 = arith.index_cast %get3A_901 : i32 to index
        %get3A_903 = arith.index_cast %scan3A_886 : i32 to index
        %get3A_904 = arith.constant 16 : index
        %get3A_905 = tpu.vector_load %arg6[%get3A_902, %get3A_903, %get3A_904] {strides = array<i32>} : memref<10x64x128xf32, #tpu.memory_space<vmem>>, vector<1x1x16xf32>,
        %get3A_906 = vector.shape_cast %get3A_905 : vector<1x1x16xf32> to vector<16xf32>
        %mul3A_907 = arith.constant 11.3137083 : f32
        %mul3A_908 = vector.broadcast %mul3A_907 : f32 to vector<16xf32>
        %mul3A_909 = arith.mulf %get3A_906, %mul3A_908 : vector<16xf32>
        %swap3A_910 = arith.constant 8 : i32
        %swap3A_911 = arith.index_cast %swap3A_910 : i32 to index
        %swap3A_912 = arith.index_cast %scan3A_886 : i32 to index
        %swap3A_913 = arith.constant 16 : index
        %swap3A_914 = tpu.vector_load %arg6[%swap3A_911, %swap3A_912, %swap3A_913] {strides = array<i32>} : memref<10x64x128xf32, #tpu.memory_space<vmem>>, vector<1x1x16xf32>,
        %swap3A_915 = vector.shape_cast %swap3A_914 : vector<1x1x16xf32> to vector<16xf32>
        %swap3A_916 = vector.shape_cast %mul3A_909 : vector<16xf32> to vector<1x1x16xf32>
        tpu.vector_store %arg6[%swap3A_911, %swap3A_912, %swap3A_913], %swap3A_916 {strides = array<i32>} : memref<10x64x128xf32, #tpu.memory_space<vmem>>, vector<1x1x16xf32>,
        %get3A_917 = arith.constant 8 : i32
        %get3A_918 = arith.index_cast %get3A_917 : i32 to index
        %get3A_919 = arith.index_cast %scan3A_886 : i32 to index
        %get3A_920 = arith.constant 32 : index
        %get3A_921 = tpu.vector_load %arg6[%get3A_918, %get3A_919, %get3A_920] {strides = array<i32>} : memref<10x64x128xf32, #tpu.memory_space<vmem>>, vector<1x1x16xf32>,
        %get3A_922 = vector.shape_cast %get3A_921 : vector<1x1x16xf32> to vector<16xf32>
        %mul3A_923 = arith.constant 11.3137083 : f32
        %mul3A_924 = vector.broadcast %mul3A_923 : f32 to vector<16xf32>
        %mul3A_925 = arith.mulf %get3A_922, %mul3A_924 : vector<16xf32>
        %swap3A_926 = arith.constant 8 : i32
        %swap3A_927 = arith.index_cast %swap3A_926 : i32 to index
        %swap3A_928 = arith.index_cast %scan3A_886 : i32 to index
        %swap3A_929 = arith.constant 32 : index
        %swap3A_930 = tpu.vector_load %arg6[%swap3A_927, %swap3A_928, %swap3A_929] {strides = array<i32>} : memref<10x64x128xf32, #tpu.memory_space<vmem>>, vector<1x1x16xf32>,
        %swap3A_931 = vector.shape_cast %swap3A_930 : vector<1x1x16xf32> to vector<16xf32>
        %swap3A_932 = vector.shape_cast %mul3A_925 : vector<16xf32> to vector<1x1x16xf32>
        tpu.vector_store %arg6[%swap3A_927, %swap3A_928, %swap3A_929], %swap3A_932 {strides = array<i32>} : memref<10x64x128xf32, #tpu.memory_space<vmem>>, vector<1x1x16xf32>,
        %get3A_933 = arith.constant 8 : i32
        %get3A_934 = arith.index_cast %get3A_933 : i32 to index
        %get3A_935 = arith.index_cast %scan3A_886 : i32 to index
        %get3A_936 = arith.constant 48 : index
        %get3A_937 = tpu.vector_load %arg6[%get3A_934, %get3A_935, %get3A_936] {strides = array<i32>} : memref<10x64x128xf32, #tpu.memory_space<vmem>>, vector<1x1x16xf32>,
        %get3A_938 = vector.shape_cast %get3A_937 : vector<1x1x16xf32> to vector<16xf32>
        %mul3A_939 = arith.constant 11.3137083 : f32
        %mul3A_940 = vector.broadcast %mul3A_939 : f32 to vector<16xf32>
        %mul3A_941 = arith.mulf %get3A_938, %mul3A_940 : vector<16xf32>
        %swap3A_942 = arith.constant 8 : i32
        %swap3A_943 = arith.index_cast %swap3A_942 : i32 to index
        %swap3A_944 = arith.index_cast %scan3A_886 : i32 to index
        %swap3A_945 = arith.constant 48 : index
        %swap3A_946 = tpu.vector_load %arg6[%swap3A_943, %swap3A_944, %swap3A_945] {strides = array<i32>} : memref<10x64x128xf32, #tpu.memory_space<vmem>>, vector<1x1x16xf32>,
        %swap3A_947 = vector.shape_cast %swap3A_946 : vector<1x1x16xf32> to vector<16xf32>
        %swap3A_948 = vector.shape_cast %mul3A_941 : vector<16xf32> to vector<1x1x16xf32>
        tpu.vector_store %arg6[%swap3A_943, %swap3A_944, %swap3A_945], %swap3A_948 {strides = array<i32>} : memref<10x64x128xf32, #tpu.memory_space<vmem>>, vector<1x1x16xf32>,
        %get3A_949 = arith.constant 8 : i32
        %get3A_950 = arith.index_cast %get3A_949 : i32 to index
        %get3A_951 = arith.index_cast %scan3A_886 : i32 to index
        %get3A_952 = arith.constant 64 : index
        %get3A_953 = tpu.vector_load %arg6[%get3A_950, %get3A_951, %get3A_952] {strides = array<i32>} : memref<10x64x128xf32, #tpu.memory_space<vmem>>, vector<1x1x16xf32>,
        %get3A_954 = vector.shape_cast %get3A_953 : vector<1x1x16xf32> to vector<16xf32>
        %mul3A_955 = arith.constant 11.3137083 : f32
        %mul3A_956 = vector.broadcast %mul3A_955 : f32 to vector<16xf32>
        %mul3A_957 = arith.mulf %get3A_954, %mul3A_956 : vector<16xf32>
        %swap3A_958 = arith.constant 8 : i32
        %swap3A_959 = arith.index_cast %swap3A_958 : i32 to index
        %swap3A_960 = arith.index_cast %scan3A_886 : i32 to index
        %swap3A_961 = arith.constant 64 : index
        %swap3A_962 = tpu.vector_load %arg6[%swap3A_959, %swap3A_960, %swap3A_961] {strides = array<i32>} : memref<10x64x128xf32, #tpu.memory_space<vmem>>, vector<1x1x16xf32>,
        %swap3A_963 = vector.shape_cast %swap3A_962 : vector<1x1x16xf32> to vector<16xf32>
        %swap3A_964 = vector.shape_cast %mul3A_957 : vector<16xf32> to vector<1x1x16xf32>
        tpu.vector_store %arg6[%swap3A_959, %swap3A_960, %swap3A_961], %swap3A_964 {strides = array<i32>} : memref<10x64x128xf32, #tpu.memory_space<vmem>>, vector<1x1x16xf32>,
        %get3A_965 = arith.constant 8 : i32
        %get3A_966 = arith.index_cast %get3A_965 : i32 to index
        %get3A_967 = arith.index_cast %scan3A_886 : i32 to index
        %get3A_968 = arith.constant 80 : index
        %get3A_969 = tpu.vector_load %arg6[%get3A_966, %get3A_967, %get3A_968] {strides = array<i32>} : memref<10x64x128xf32, #tpu.memory_space<vmem>>, vector<1x1x16xf32>,
        %get3A_970 = vector.shape_cast %get3A_969 : vector<1x1x16xf32> to vector<16xf32>
        %mul3A_971 = arith.constant 11.3137083 : f32
        %mul3A_972 = vector.broadcast %mul3A_971 : f32 to vector<16xf32>
        %mul3A_973 = arith.mulf %get3A_970, %mul3A_972 : vector<16xf32>
        %swap3A_974 = arith.constant 8 : i32
        %swap3A_975 = arith.index_cast %swap3A_974 : i32 to index
        %swap3A_976 = arith.index_cast %scan3A_886 : i32 to index
        %swap3A_977 = arith.constant 80 : index
        %swap3A_978 = tpu.vector_load %arg6[%swap3A_975, %swap3A_976, %swap3A_977] {strides = array<i32>} : memref<10x64x128xf32, #tpu.memory_space<vmem>>, vector<1x1x16xf32>,
        %swap3A_979 = vector.shape_cast %swap3A_978 : vector<1x1x16xf32> to vector<16xf32>
        %swap3A_980 = vector.shape_cast %mul3A_973 : vector<16xf32> to vector<1x1x16xf32>
        tpu.vector_store %arg6[%swap3A_975, %swap3A_976, %swap3A_977], %swap3A_980 {strides = array<i32>} : memref<10x64x128xf32, #tpu.memory_space<vmem>>, vector<1x1x16xf32>,
        %get3A_981 = arith.constant 8 : i32
        %get3A_982 = arith.index_cast %get3A_981 : i32 to index
        %get3A_983 = arith.index_cast %scan3A_886 : i32 to index
        %get3A_984 = arith.constant 96 : index
        %get3A_985 = tpu.vector_load %arg6[%get3A_982, %get3A_983, %get3A_984] {strides = array<i32>} : memref<10x64x128xf32, #tpu.memory_space<vmem>>, vector<1x1x16xf32>,
        %get3A_986 = vector.shape_cast %get3A_985 : vector<1x1x16xf32> to vector<16xf32>
        %mul3A_987 = arith.constant 11.3137083 : f32
        %mul3A_988 = vector.broadcast %mul3A_987 : f32 to vector<16xf32>
        %mul3A_989 = arith.mulf %get3A_986, %mul3A_988 : vector<16xf32>
        %swap3A_990 = arith.constant 8 : i32
        %swap3A_991 = arith.index_cast %swap3A_990 : i32 to index
        %swap3A_992 = arith.index_cast %scan3A_886 : i32 to index
        %swap3A_993 = arith.constant 96 : index
        %swap3A_994 = tpu.vector_load %arg6[%swap3A_991, %swap3A_992, %swap3A_993] {strides = array<i32>} : memref<10x64x128xf32, #tpu.memory_space<vmem>>, vector<1x1x16xf32>,
        %swap3A_995 = vector.shape_cast %swap3A_994 : vector<1x1x16xf32> to vector<16xf32>
        %swap3A_996 = vector.shape_cast %mul3A_989 : vector<16xf32> to vector<1x1x16xf32>
        tpu.vector_store %arg6[%swap3A_991, %swap3A_992, %swap3A_993], %swap3A_996 {strides = array<i32>} : memref<10x64x128xf32, #tpu.memory_space<vmem>>, vector<1x1x16xf32>,
        %get3A_997 = arith.constant 8 : i32
        %get3A_998 = arith.index_cast %get3A_997 : i32 to index
        %get3A_999 = arith.index_cast %scan3A_886 : i32 to index
        %get3A_1000 = arith.constant 112 : index
        %get3A_1001 = tpu.vector_load %arg6[%get3A_998, %get3A_999, %get3A_1000] {strides = array<i32>} : memref<10x64x128xf32, #tpu.memory_space<vmem>>, vector<1x1x16xf32>,
        %get3A_1002 = vector.shape_cast %get3A_1001 : vector<1x1x16xf32> to vector<16xf32>
        %mul3A_1003 = arith.constant 11.3137083 : f32
        %mul3A_1004 = vector.broadcast %mul3A_1003 : f32 to vector<16xf32>
        %mul3A_1005 = arith.mulf %get3A_1002, %mul3A_1004 : vector<16xf32>
        %swap3A_1006 = arith.constant 8 : i32
        %swap3A_1007 = arith.index_cast %swap3A_1006 : i32 to index
        %swap3A_1008 = arith.index_cast %scan3A_886 : i32 to index
        %swap3A_1009 = arith.constant 112 : index
        %swap3A_1010 = tpu.vector_load %arg6[%swap3A_1007, %swap3A_1008, %swap3A_1009] {strides = array<i32>} : memref<10x64x128xf32, #tpu.memory_space<vmem>>, vector<1x1x16xf32>,
        %swap3A_1011 = vector.shape_cast %swap3A_1010 : vector<1x1x16xf32> to vector<16xf32>
        %swap3A_1012 = vector.shape_cast %mul3A_1005 : vector<16xf32> to vector<1x1x16xf32>
        tpu.vector_store %arg6[%swap3A_1007, %swap3A_1008, %swap3A_1009], %swap3A_1012 {strides = array<i32>} : memref<10x64x128xf32, #tpu.memory_space<vmem>>, vector<1x1x16xf32>,
        %scan3A_1013 = arith.constant 1 : i32
        %scan3A_1014 = arith.addi %scan3A_886, %scan3A_1013 : i32
        %get3A_1015 = arith.constant 8 : i32
        %get3A_1016 = arith.index_cast %get3A_1015 : i32 to index
        %get3A_1017 = arith.index_cast %scan3A_1014 : i32 to index
        %get3A_1018 = arith.constant 0 : index
        %get3A_1019 = tpu.vector_load %arg6[%get3A_1016, %get3A_1017, %get3A_1018] {strides = array<i32>} : memref<10x64x128xf32, #tpu.memory_space<vmem>>, vector<1x1x16xf32>,
        %get3A_1020 = vector.shape_cast %get3A_1019 : vector<1x1x16xf32> to vector<16xf32>
        %mul3A_1021 = arith.constant 11.3137083 : f32
        %mul3A_1022 = vector.broadcast %mul3A_1021 : f32 to vector<16xf32>
        %mul3A_1023 = arith.mulf %get3A_1020, %mul3A_1022 : vector<16xf32>
        %swap3A_1024 = arith.constant 8 : i32
        %swap3A_1025 = arith.index_cast %swap3A_1024 : i32 to index
        %swap3A_1026 = arith.index_cast %scan3A_1014 : i32 to index
        %swap3A_1027 = arith.constant 0 : index
        %swap3A_1028 = tpu.vector_load %arg6[%swap3A_1025, %swap3A_1026, %swap3A_1027] {strides = array<i32>} : memref<10x64x128xf32, #tpu.memory_space<vmem>>, vector<1x1x16xf32>,
        %swap3A_1029 = vector.shape_cast %swap3A_1028 : vector<1x1x16xf32> to vector<16xf32>
        %swap3A_1030 = vector.shape_cast %mul3A_1023 : vector<16xf32> to vector<1x1x16xf32>
        tpu.vector_store %arg6[%swap3A_1025, %swap3A_1026, %swap3A_1027], %swap3A_1030 {strides = array<i32>} : memref<10x64x128xf32, #tpu.memory_space<vmem>>, vector<1x1x16xf32>,
        %get3A_1031 = arith.constant 8 : i32
        %get3A_1032 = arith.index_cast %get3A_1031 : i32 to index
        %get3A_1033 = arith.index_cast %scan3A_1014 : i32 to index
        %get3A_1034 = arith.constant 16 : index
        %get3A_1035 = tpu.vector_load %arg6[%get3A_1032, %get3A_1033, %get3A_1034] {strides = array<i32>} : memref<10x64x128xf32, #tpu.memory_space<vmem>>, vector<1x1x16xf32>,
        %get3A_1036 = vector.shape_cast %get3A_1035 : vector<1x1x16xf32> to vector<16xf32>
        %mul3A_1037 = arith.constant 11.3137083 : f32
        %mul3A_1038 = vector.broadcast %mul3A_1037 : f32 to vector<16xf32>
        %mul3A_1039 = arith.mulf %get3A_1036, %mul3A_1038 : vector<16xf32>
        %swap3A_1040 = arith.constant 8 : i32
        %swap3A_1041 = arith.index_cast %swap3A_1040 : i32 to index
        %swap3A_1042 = arith.index_cast %scan3A_1014 : i32 to index
        %swap3A_1043 = arith.constant 16 : index
        %swap3A_1044 = tpu.vector_load %arg6[%swap3A_1041, %swap3A_1042, %swap3A_1043] {strides = array<i32>} : memref<10x64x128xf32, #tpu.memory_space<vmem>>, vector<1x1x16xf32>,
        %swap3A_1045 = vector.shape_cast %swap3A_1044 : vector<1x1x16xf32> to vector<16xf32>
        %swap3A_1046 = vector.shape_cast %mul3A_1039 : vector<16xf32> to vector<1x1x16xf32>
        tpu.vector_store %arg6[%swap3A_1041, %swap3A_1042, %swap3A_1043], %swap3A_1046 {strides = array<i32>} : memref<10x64x128xf32, #tpu.memory_space<vmem>>, vector<1x1x16xf32>,
        %get3A_1047 = arith.constant 8 : i32
        %get3A_1048 = arith.index_cast %get3A_1047 : i32 to index
        %get3A_1049 = arith.index_cast %scan3A_1014 : i32 to index
        %get3A_1050 = arith.constant 32 : index
        %get3A_1051 = tpu.vector_load %arg6[%get3A_1048, %get3A_1049, %get3A_1050] {strides = array<i32>} : memref<10x64x128xf32, #tpu.memory_space<vmem>>, vector<1x1x16xf32>,
        %get3A_1052 = vector.shape_cast %get3A_1051 : vector<1x1x16xf32> to vector<16xf32>
        %mul3A_1053 = arith.constant 11.3137083 : f32
        %mul3A_1054 = vector.broadcast %mul3A_1053 : f32 to vector<16xf32>
        %mul3A_1055 = arith.mulf %get3A_1052, %mul3A_1054 : vector<16xf32>
        %swap3A_1056 = arith.constant 8 : i32
        %swap3A_1057 = arith.index_cast %swap3A_1056 : i32 to index
        %swap3A_1058 = arith.index_cast %scan3A_1014 : i32 to index
        %swap3A_1059 = arith.constant 32 : index
        %swap3A_1060 = tpu.vector_load %arg6[%swap3A_1057, %swap3A_1058, %swap3A_1059] {strides = array<i32>} : memref<10x64x128xf32, #tpu.memory_space<vmem>>, vector<1x1x16xf32>,
        %swap3A_1061 = vector.shape_cast %swap3A_1060 : vector<1x1x16xf32> to vector<16xf32>
        %swap3A_1062 = vector.shape_cast %mul3A_1055 : vector<16xf32> to vector<1x1x16xf32>
        tpu.vector_store %arg6[%swap3A_1057, %swap3A_1058, %swap3A_1059], %swap3A_1062 {strides = array<i32>} : memref<10x64x128xf32, #tpu.memory_space<vmem>>, vector<1x1x16xf32>,
        %get3A_1063 = arith.constant 8 : i32
        %get3A_1064 = arith.index_cast %get3A_1063 : i32 to index
        %get3A_1065 = arith.index_cast %scan3A_1014 : i32 to index
        %get3A_1066 = arith.constant 48 : index
        %get3A_1067 = tpu.vector_load %arg6[%get3A_1064, %get3A_1065, %get3A_1066] {strides = array<i32>} : memref<10x64x128xf32, #tpu.memory_space<vmem>>, vector<1x1x16xf32>,
        %get3A_1068 = vector.shape_cast %get3A_1067 : vector<1x1x16xf32> to vector<16xf32>
        %mul3A_1069 = arith.constant 11.3137083 : f32
        %mul3A_1070 = vector.broadcast %mul3A_1069 : f32 to vector<16xf32>
        %mul3A_1071 = arith.mulf %get3A_1068, %mul3A_1070 : vector<16xf32>
        %swap3A_1072 = arith.constant 8 : i32
        %swap3A_1073 = arith.index_cast %swap3A_1072 : i32 to index
        %swap3A_1074 = arith.index_cast %scan3A_1014 : i32 to index
        %swap3A_1075 = arith.constant 48 : index
        %swap3A_1076 = tpu.vector_load %arg6[%swap3A_1073, %swap3A_1074, %swap3A_1075] {strides = array<i32>} : memref<10x64x128xf32, #tpu.memory_space<vmem>>, vector<1x1x16xf32>,
        %swap3A_1077 = vector.shape_cast %swap3A_1076 : vector<1x1x16xf32> to vector<16xf32>
        %swap3A_1078 = vector.shape_cast %mul3A_1071 : vector<16xf32> to vector<1x1x16xf32>
        tpu.vector_store %arg6[%swap3A_1073, %swap3A_1074, %swap3A_1075], %swap3A_1078 {strides = array<i32>} : memref<10x64x128xf32, #tpu.memory_space<vmem>>, vector<1x1x16xf32>,
        %get3A_1079 = arith.constant 8 : i32
        %get3A_1080 = arith.index_cast %get3A_1079 : i32 to index
        %get3A_1081 = arith.index_cast %scan3A_1014 : i32 to index
        %get3A_1082 = arith.constant 64 : index
        %get3A_1083 = tpu.vector_load %arg6[%get3A_1080, %get3A_1081, %get3A_1082] {strides = array<i32>} : memref<10x64x128xf32, #tpu.memory_space<vmem>>, vector<1x1x16xf32>,
        %get3A_1084 = vector.shape_cast %get3A_1083 : vector<1x1x16xf32> to vector<16xf32>
        %mul3A_1085 = arith.constant 11.3137083 : f32
        %mul3A_1086 = vector.broadcast %mul3A_1085 : f32 to vector<16xf32>
        %mul3A_1087 = arith.mulf %get3A_1084, %mul3A_1086 : vector<16xf32>
        %swap3A_1088 = arith.constant 8 : i32
        %swap3A_1089 = arith.index_cast %swap3A_1088 : i32 to index
        %swap3A_1090 = arith.index_cast %scan3A_1014 : i32 to index
        %swap3A_1091 = arith.constant 64 : index
        %swap3A_1092 = tpu.vector_load %arg6[%swap3A_1089, %swap3A_1090, %swap3A_1091] {strides = array<i32>} : memref<10x64x128xf32, #tpu.memory_space<vmem>>, vector<1x1x16xf32>,
        %swap3A_1093 = vector.shape_cast %swap3A_1092 : vector<1x1x16xf32> to vector<16xf32>
        %swap3A_1094 = vector.shape_cast %mul3A_1087 : vector<16xf32> to vector<1x1x16xf32>
        tpu.vector_store %arg6[%swap3A_1089, %swap3A_1090, %swap3A_1091], %swap3A_1094 {strides = array<i32>} : memref<10x64x128xf32, #tpu.memory_space<vmem>>, vector<1x1x16xf32>,
        %get3A_1095 = arith.constant 8 : i32
        %get3A_1096 = arith.index_cast %get3A_1095 : i32 to index
        %get3A_1097 = arith.index_cast %scan3A_1014 : i32 to index
        %get3A_1098 = arith.constant 80 : index
        %get3A_1099 = tpu.vector_load %arg6[%get3A_1096, %get3A_1097, %get3A_1098] {strides = array<i32>} : memref<10x64x128xf32, #tpu.memory_space<vmem>>, vector<1x1x16xf32>,
        %get3A_1100 = vector.shape_cast %get3A_1099 : vector<1x1x16xf32> to vector<16xf32>
        %mul3A_1101 = arith.constant 11.3137083 : f32
        %mul3A_1102 = vector.broadcast %mul3A_1101 : f32 to vector<16xf32>
        %mul3A_1103 = arith.mulf %get3A_1100, %mul3A_1102 : vector<16xf32>
        %swap3A_1104 = arith.constant 8 : i32
        %swap3A_1105 = arith.index_cast %swap3A_1104 : i32 to index
        %swap3A_1106 = arith.index_cast %scan3A_1014 : i32 to index
        %swap3A_1107 = arith.constant 80 : index
        %swap3A_1108 = tpu.vector_load %arg6[%swap3A_1105, %swap3A_1106, %swap3A_1107] {strides = array<i32>} : memref<10x64x128xf32, #tpu.memory_space<vmem>>, vector<1x1x16xf32>,
        %swap3A_1109 = vector.shape_cast %swap3A_1108 : vector<1x1x16xf32> to vector<16xf32>
        %swap3A_1110 = vector.shape_cast %mul3A_1103 : vector<16xf32> to vector<1x1x16xf32>
        tpu.vector_store %arg6[%swap3A_1105, %swap3A_1106, %swap3A_1107], %swap3A_1110 {strides = array<i32>} : memref<10x64x128xf32, #tpu.memory_space<vmem>>, vector<1x1x16xf32>,
        %get3A_1111 = arith.constant 8 : i32
        %get3A_1112 = arith.index_cast %get3A_1111 : i32 to index
        %get3A_1113 = arith.index_cast %scan3A_1014 : i32 to index
        %get3A_1114 = arith.constant 96 : index
        %get3A_1115 = tpu.vector_load %arg6[%get3A_1112, %get3A_1113, %get3A_1114] {strides = array<i32>} : memref<10x64x128xf32, #tpu.memory_space<vmem>>, vector<1x1x16xf32>,
        %get3A_1116 = vector.shape_cast %get3A_1115 : vector<1x1x16xf32> to vector<16xf32>
        %mul3A_1117 = arith.constant 11.3137083 : f32
        %mul3A_1118 = vector.broadcast %mul3A_1117 : f32 to vector<16xf32>
        %mul3A_1119 = arith.mulf %get3A_1116, %mul3A_1118 : vector<16xf32>
        %swap3A_1120 = arith.constant 8 : i32
        %swap3A_1121 = arith.index_cast %swap3A_1120 : i32 to index
        %swap3A_1122 = arith.index_cast %scan3A_1014 : i32 to index
        %swap3A_1123 = arith.constant 96 : index
        %swap3A_1124 = tpu.vector_load %arg6[%swap3A_1121, %swap3A_1122, %swap3A_1123] {strides = array<i32>} : memref<10x64x128xf32, #tpu.memory_space<vmem>>, vector<1x1x16xf32>,
        %swap3A_1125 = vector.shape_cast %swap3A_1124 : vector<1x1x16xf32> to vector<16xf32>
        %swap3A_1126 = vector.shape_cast %mul3A_1119 : vector<16xf32> to vector<1x1x16xf32>
        tpu.vector_store %arg6[%swap3A_1121, %swap3A_1122, %swap3A_1123], %swap3A_1126 {strides = array<i32>} : memref<10x64x128xf32, #tpu.memory_space<vmem>>, vector<1x1x16xf32>,
        %get3A_1127 = arith.constant 8 : i32
        %get3A_1128 = arith.index_cast %get3A_1127 : i32 to index
        %get3A_1129 = arith.index_cast %scan3A_1014 : i32 to index
        %get3A_1130 = arith.constant 112 : index
        %get3A_1131 = tpu.vector_load %arg6[%get3A_1128, %get3A_1129, %get3A_1130] {strides = array<i32>} : memref<10x64x128xf32, #tpu.memory_space<vmem>>, vector<1x1x16xf32>,
        %get3A_1132 = vector.shape_cast %get3A_1131 : vector<1x1x16xf32> to vector<16xf32>
        %mul3A_1133 = arith.constant 11.3137083 : f32
        %mul3A_1134 = vector.broadcast %mul3A_1133 : f32 to vector<16xf32>
        %mul3A_1135 = arith.mulf %get3A_1132, %mul3A_1134 : vector<16xf32>
        %swap3A_1136 = arith.constant 8 : i32
        %swap3A_1137 = arith.index_cast %swap3A_1136 : i32 to index
        %swap3A_1138 = arith.index_cast %scan3A_1014 : i32 to index
        %swap3A_1139 = arith.constant 112 : index
        %swap3A_1140 = tpu.vector_load %arg6[%swap3A_1137, %swap3A_1138, %swap3A_1139] {strides = array<i32>} : memref<10x64x128xf32, #tpu.memory_space<vmem>>, vector<1x1x16xf32>,
        %swap3A_1141 = vector.shape_cast %swap3A_1140 : vector<1x1x16xf32> to vector<16xf32>
        %swap3A_1142 = vector.shape_cast %mul3A_1135 : vector<16xf32> to vector<1x1x16xf32>
        tpu.vector_store %arg6[%swap3A_1137, %swap3A_1138, %swap3A_1139], %swap3A_1142 {strides = array<i32>} : memref<10x64x128xf32, #tpu.memory_space<vmem>>, vector<1x1x16xf32>,
      }
      %scan3A_795 = arith.constant 64 : i32
      %add3A_796 = arith.constant 8 : i32
      %add3A_797 = arith.addi %mul3A_328, %add3A_796 : i32
      %mul3A_798 = arith.constant 2 : i32
      %mul3A_799 = arith.muli %add3A_775, %mul3A_798 : i32
      %add3A_800 = arith.constant 0 : i32
      %add3A_801 = arith.addi %mul3A_799, %add3A_800 : i32
      %add3A_802 = arith.constant 8 : i32
      %add3A_803 = arith.addi %add3A_801, %add3A_802 : i32
      %lt3A_804 = arith.constant 100 : i32
      %lt3A_805 = arith.cmpi slt, %add3A_803, %lt3A_804 : i32
      %convert_element_type3A_806 = arith.extui %lt3A_805 : i1 to i32
      %cond3A_807 = arith.constant 0 : i32
      %cond3A_808 = arith.cmpi ne, %convert_element_type3A_806, %cond3A_807 : i32
      scf.if %cond3A_808 {
        %ge3A = arith.constant 10 : i32
        %ge3A_886 = arith.cmpi sge, %add3A_803, %ge3A : i32
        %convert_element_type3A_887 = arith.extui %ge3A_886 : i1 to i32
        %cond3A_888 = arith.constant 0 : i32
        %cond3A_889 = arith.cmpi ne, %convert_element_type3A_887, %cond3A_888 : i32
        scf.if %cond3A_889 {
          %sub3A = arith.constant 5 : i32
          %sub3A_904 = arith.subi %add3A_797, %sub3A : i32
          %mul3A_905 = arith.constant 4096 : i32
          %mul3A_906 = arith.muli %sub3A_904, %mul3A_905 : i32
          %add3A_907 = arith.addi %mul3A_906, %mul3A_2 : i32
          %add3A_908 = arith.constant 0 : i32
          %add3A_909 = arith.addi %add3A_907, %add3A_908 : i32
          %dma_wait3A_910 = arith.constant 6 : i32
          %dma_wait3A_911 = arith.constant 6 : i32
          %dma_wait3A_912 = arith.constant 0 : i32
          %dma_wait3A_913 = arith.constant 0 : i32
          %dma_wait3A_914 = tpu.memref_slice %arg6[%dma_wait3A_910, %dma_wait3A_912, %dma_wait3A_913] : memref<10x64x128xf32, #tpu.memory_space<vmem>> -> memref<1x64x128xf32, #tpu.memory_space<vmem>>
          %dma_wait3A_915 = tpu.memref_squeeze %dma_wait3A_914 : memref<1x64x128xf32, #tpu.memory_space<vmem>> -> memref<64x128xf32, #tpu.memory_space<vmem>>
          %dma_wait3A_916 = arith.constant 0 : i32
          %dma_wait3A_917 = tpu.memref_slice %arg4[%add3A_909, %dma_wait3A_916] : memref<204800x128xf32, #tpu.memory_space<hbm>> -> memref<64x128xf32, #tpu.memory_space<hbm>>
          %dma_wait3A_918 = tpu.memref_slice %arg8[%dma_wait3A_911] : memref<10x!tpu.dma_semaphore, #tpu.memory_space<semaphore_mem>> -> memref<1x!tpu.dma_semaphore, #tpu.memory_space<semaphore_mem>>
          %dma_wait3A_919 = tpu.memref_squeeze %dma_wait3A_918 : memref<1x!tpu.dma_semaphore, #tpu.memory_space<semaphore_mem>> -> memref<!tpu.dma_semaphore, #tpu.memory_space<semaphore_mem>>
          %dma_wait3A_920 = arith.constant 0 : i32
          %dma_wait3A_921 = tpu.memref_slice %arg4[%add3A_909, %dma_wait3A_920] : memref<204800x128xf32, #tpu.memory_space<hbm>> -> memref<64x128xf32, #tpu.memory_space<hbm>>
          %dma_wait3A_922 = arith.constant 0 : i32
          %dma_wait3A_923 = arith.constant 0 : i32
          %dma_wait3A_924 = tpu.memref_slice %arg6[%dma_wait3A_910, %dma_wait3A_922, %dma_wait3A_923] : memref<10x64x128xf32, #tpu.memory_space<vmem>> -> memref<1x64x128xf32, #tpu.memory_space<vmem>>
          %dma_wait3A_925 = tpu.memref_squeeze %dma_wait3A_924 : memref<1x64x128xf32, #tpu.memory_space<vmem>> -> memref<64x128xf32, #tpu.memory_space<vmem>>
          tpu.wait_dma2 semaphore(%dma_wait3A_919 : memref<!tpu.dma_semaphore, #tpu.memory_space<semaphore_mem>>) src(%dma_wait3A_925 : memref<64x128xf32, #tpu.memory_space<vmem>>) dst(%dma_wait3A_921 : memref<64x128xf32, #tpu.memory_space<hbm>>)
        } else {
        }
        %dma_start3A_890 = arith.constant 6 : i32
        %dma_start3A_891 = arith.constant 6 : i32
        %dma_start3A_892 = arith.constant 0 : i32
        %dma_start3A_893 = arith.constant 0 : i32
        %dma_start3A_894 = tpu.memref_slice %arg6[%dma_start3A_890, %dma_start3A_892, %dma_start3A_893] : memref<10x64x128xf32, #tpu.memory_space<vmem>> -> memref<1x64x128xf32, #tpu.memory_space<vmem>>
        %dma_start3A_895 = tpu.memref_squeeze %dma_start3A_894 : memref<1x64x128xf32, #tpu.memory_space<vmem>> -> memref<64x128xf32, #tpu.memory_space<vmem>>
        %dma_start3A_896 = arith.constant 0 : i32
        %dma_start3A_897 = tpu.memref_slice %arg5[%add3A_797, %dma_start3A_896] : memref<50x128xi32, #tpu.memory_space<vmem>> -> memref<1x64xi32, #tpu.memory_space<vmem>>
        %dma_start3A_898 = tpu.memref_squeeze %dma_start3A_897 : memref<1x64xi32, #tpu.memory_space<vmem>> -> memref<64xi32, #tpu.memory_space<vmem>>
        %dma_start3A_899 = arith.constant 0 : i32
        %dma_start3A_900 = arith.constant 0 : i32
        %dma_start3A_901 = tpu.memref_slice %arg3[%dma_start3A_899, %dma_start3A_900] : memref<100000x128xf32, #tpu.memory_space<hbm>> -> memref<100000x128xf32, #tpu.memory_space<hbm>>
        %dma_start3A_902 = tpu.memref_slice %arg7[%dma_start3A_891] : memref<10x!tpu.dma_semaphore, #tpu.memory_space<semaphore_mem>> -> memref<1x!tpu.dma_semaphore, #tpu.memory_space<semaphore_mem>>
        %dma_start3A_903 = tpu.memref_squeeze %dma_start3A_902 : memref<1x!tpu.dma_semaphore, #tpu.memory_space<semaphore_mem>> -> memref<!tpu.dma_semaphore, #tpu.memory_space<semaphore_mem>>
        tpu.enqueue_indirect_dma source(%dma_start3A_901 : memref<100000x128xf32, #tpu.memory_space<hbm>>) target(%dma_start3A_895 : memref<64x128xf32, #tpu.memory_space<vmem>>) offsets(%dma_start3A_898 : memref<64xi32, #tpu.memory_space<vmem>>) semaphore(%dma_start3A_903 : memref<!tpu.dma_semaphore, #tpu.memory_space<semaphore_mem>>)
      } else {
      }
      %mul3A_809 = arith.constant 4096 : i32
      %mul3A_810 = arith.muli %add3A_775, %mul3A_809 : i32
      %add3A_811 = arith.addi %mul3A_810, %mul3A_2 : i32
      %add3A_812 = arith.constant 0 : i32
      %add3A_813 = arith.addi %add3A_811, %add3A_812 : i32
      %dma_start3A_814 = arith.constant 8 : i32
      %dma_start3A_815 = arith.constant 8 : i32
      %dma_start3A_816 = arith.constant 0 : i32
      %dma_start3A_817 = arith.constant 0 : i32
      %dma_start3A_818 = tpu.memref_slice %arg6[%dma_start3A_814, %dma_start3A_816, %dma_start3A_817] : memref<10x64x128xf32, #tpu.memory_space<vmem>> -> memref<1x64x128xf32, #tpu.memory_space<vmem>>
      %dma_start3A_819 = tpu.memref_squeeze %dma_start3A_818 : memref<1x64x128xf32, #tpu.memory_space<vmem>> -> memref<64x128xf32, #tpu.memory_space<vmem>>
      %dma_start3A_820 = arith.constant 0 : i32
      %dma_start3A_821 = tpu.memref_slice %arg4[%add3A_813, %dma_start3A_820] : memref<204800x128xf32, #tpu.memory_space<hbm>> -> memref<64x128xf32, #tpu.memory_space<hbm>>
      %dma_start3A_822 = tpu.memref_slice %arg8[%dma_start3A_815] : memref<10x!tpu.dma_semaphore, #tpu.memory_space<semaphore_mem>> -> memref<1x!tpu.dma_semaphore, #tpu.memory_space<semaphore_mem>>
      %dma_start3A_823 = tpu.memref_squeeze %dma_start3A_822 : memref<1x!tpu.dma_semaphore, #tpu.memory_space<semaphore_mem>> -> memref<!tpu.dma_semaphore, #tpu.memory_space<semaphore_mem>>
      %dma_start3A_824 = arith.constant 0 : i32
      %dma_start3A_825 = tpu.memref_slice %arg4[%add3A_813, %dma_start3A_824] : memref<204800x128xf32, #tpu.memory_space<hbm>> -> memref<64x128xf32, #tpu.memory_space<hbm>>
      %dma_start3A_826 = arith.constant 0 : i32
      %dma_start3A_827 = arith.constant 0 : i32
      %dma_start3A_828 = tpu.memref_slice %arg6[%dma_start3A_814, %dma_start3A_826, %dma_start3A_827] : memref<10x64x128xf32, #tpu.memory_space<vmem>> -> memref<1x64x128xf32, #tpu.memory_space<vmem>>
      %dma_start3A_829 = tpu.memref_squeeze %dma_start3A_828 : memref<1x64x128xf32, #tpu.memory_space<vmem>> -> memref<64x128xf32, #tpu.memory_space<vmem>>
      tpu.enqueue_dma source(%dma_start3A_829 : memref<64x128xf32, #tpu.memory_space<vmem>>) target(%dma_start3A_825 : memref<64x128xf32, #tpu.memory_space<hbm>>) target_semaphore(%dma_start3A_823 : memref<!tpu.dma_semaphore, #tpu.memory_space<semaphore_mem>>)
      %add3A_830 = arith.constant 4 : i32
      %add3A_831 = arith.addi %mul3A_328, %add3A_830 : i32
      %dma_wait3A_832 = arith.constant 9 : i32
      %dma_wait3A_833 = arith.constant 9 : i32
      %dma_wait3A_834 = arith.constant 0 : i32
      %dma_wait3A_835 = arith.constant 0 : i32
      %dma_wait3A_836 = tpu.memref_slice %arg6[%dma_wait3A_832, %dma_wait3A_834, %dma_wait3A_835] : memref<10x64x128xf32, #tpu.memory_space<vmem>> -> memref<1x64x128xf32, #tpu.memory_space<vmem>>
      %dma_wait3A_837 = tpu.memref_squeeze %dma_wait3A_836 : memref<1x64x128xf32, #tpu.memory_space<vmem>> -> memref<64x128xf32, #tpu.memory_space<vmem>>
      %dma_wait3A_838 = arith.constant 64 : i32
      %dma_wait3A_839 = tpu.memref_slice %arg5[%add3A_831, %dma_wait3A_838] : memref<50x128xi32, #tpu.memory_space<vmem>> -> memref<1x64xi32, #tpu.memory_space<vmem>>
      %dma_wait3A_840 = tpu.memref_squeeze %dma_wait3A_839 : memref<1x64xi32, #tpu.memory_space<vmem>> -> memref<64xi32, #tpu.memory_space<vmem>>
      %dma_wait3A_841 = arith.constant 0 : i32
      %dma_wait3A_842 = arith.constant 0 : i32
      %dma_wait3A_843 = tpu.memref_slice %arg3[%dma_wait3A_841, %dma_wait3A_842] : memref<100000x128xf32, #tpu.memory_space<hbm>> -> memref<100000x128xf32, #tpu.memory_space<hbm>>
      %dma_wait3A_844 = tpu.memref_slice %arg7[%dma_wait3A_833] : memref<10x!tpu.dma_semaphore, #tpu.memory_space<semaphore_mem>> -> memref<1x!tpu.dma_semaphore, #tpu.memory_space<semaphore_mem>>
      %dma_wait3A_845 = tpu.memref_squeeze %dma_wait3A_844 : memref<1x!tpu.dma_semaphore, #tpu.memory_space<semaphore_mem>> -> memref<!tpu.dma_semaphore, #tpu.memory_space<semaphore_mem>>
      tpu.wait_indirect_dma semaphore(%dma_wait3A_845 : memref<!tpu.dma_semaphore, #tpu.memory_space<semaphore_mem>>) src(%dma_wait3A_843 : memref<100000x128xf32, #tpu.memory_space<hbm>>) dst(%dma_wait3A_837 : memref<64x128xf32, #tpu.memory_space<vmem>>)
      %scan3A_846 = arith.constant 0 : i32
      %scan3A_847 = arith.constant 0 : i32
      %scan3A_848 = arith.constant 64 : i32
      %scan3A_849 = arith.addi %scan3A_847, %scan3A_848 : i32
      %scan3A_850 = arith.constant 2 : i32
      scf.for %scan3A_886 = %scan3A_847 to %scan3A_849 step %scan3A_850  : i32 {
        %get3A = arith.constant 9 : i32
        %get3A_887 = arith.index_cast %get3A : i32 to index
        %get3A_888 = arith.index_cast %scan3A_886 : i32 to index
        %get3A_889 = arith.constant 0 : index
        %get3A_890 = tpu.vector_load %arg6[%get3A_887, %get3A_888, %get3A_889] {strides = array<i32>} : memref<10x64x128xf32, #tpu.memory_space<vmem>>, vector<1x1x16xf32>,
        %get3A_891 = vector.shape_cast %get3A_890 : vector<1x1x16xf32> to vector<16xf32>
        %mul3A_892 = arith.constant 11.3137083 : f32
        %mul3A_893 = vector.broadcast %mul3A_892 : f32 to vector<16xf32>
        %mul3A_894 = arith.mulf %get3A_891, %mul3A_893 : vector<16xf32>
        %swap3A = arith.constant 9 : i32
        %swap3A_895 = arith.index_cast %swap3A : i32 to index
        %swap3A_896 = arith.index_cast %scan3A_886 : i32 to index
        %swap3A_897 = arith.constant 0 : index
        %swap3A_898 = tpu.vector_load %arg6[%swap3A_895, %swap3A_896, %swap3A_897] {strides = array<i32>} : memref<10x64x128xf32, #tpu.memory_space<vmem>>, vector<1x1x16xf32>,
        %swap3A_899 = vector.shape_cast %swap3A_898 : vector<1x1x16xf32> to vector<16xf32>
        %swap3A_900 = vector.shape_cast %mul3A_894 : vector<16xf32> to vector<1x1x16xf32>
        tpu.vector_store %arg6[%swap3A_895, %swap3A_896, %swap3A_897], %swap3A_900 {strides = array<i32>} : memref<10x64x128xf32, #tpu.memory_space<vmem>>, vector<1x1x16xf32>,
        %get3A_901 = arith.constant 9 : i32
        %get3A_902 = arith.index_cast %get3A_901 : i32 to index
        %get3A_903 = arith.index_cast %scan3A_886 : i32 to index
        %get3A_904 = arith.constant 16 : index
        %get3A_905 = tpu.vector_load %arg6[%get3A_902, %get3A_903, %get3A_904] {strides = array<i32>} : memref<10x64x128xf32, #tpu.memory_space<vmem>>, vector<1x1x16xf32>,
        %get3A_906 = vector.shape_cast %get3A_905 : vector<1x1x16xf32> to vector<16xf32>
        %mul3A_907 = arith.constant 11.3137083 : f32
        %mul3A_908 = vector.broadcast %mul3A_907 : f32 to vector<16xf32>
        %mul3A_909 = arith.mulf %get3A_906, %mul3A_908 : vector<16xf32>
        %swap3A_910 = arith.constant 9 : i32
        %swap3A_911 = arith.index_cast %swap3A_910 : i32 to index
        %swap3A_912 = arith.index_cast %scan3A_886 : i32 to index
        %swap3A_913 = arith.constant 16 : index
        %swap3A_914 = tpu.vector_load %arg6[%swap3A_911, %swap3A_912, %swap3A_913] {strides = array<i32>} : memref<10x64x128xf32, #tpu.memory_space<vmem>>, vector<1x1x16xf32>,
        %swap3A_915 = vector.shape_cast %swap3A_914 : vector<1x1x16xf32> to vector<16xf32>
        %swap3A_916 = vector.shape_cast %mul3A_909 : vector<16xf32> to vector<1x1x16xf32>
        tpu.vector_store %arg6[%swap3A_911, %swap3A_912, %swap3A_913], %swap3A_916 {strides = array<i32>} : memref<10x64x128xf32, #tpu.memory_space<vmem>>, vector<1x1x16xf32>,
        %get3A_917 = arith.constant 9 : i32
        %get3A_918 = arith.index_cast %get3A_917 : i32 to index
        %get3A_919 = arith.index_cast %scan3A_886 : i32 to index
        %get3A_920 = arith.constant 32 : index
        %get3A_921 = tpu.vector_load %arg6[%get3A_918, %get3A_919, %get3A_920] {strides = array<i32>} : memref<10x64x128xf32, #tpu.memory_space<vmem>>, vector<1x1x16xf32>,
        %get3A_922 = vector.shape_cast %get3A_921 : vector<1x1x16xf32> to vector<16xf32>
        %mul3A_923 = arith.constant 11.3137083 : f32
        %mul3A_924 = vector.broadcast %mul3A_923 : f32 to vector<16xf32>
        %mul3A_925 = arith.mulf %get3A_922, %mul3A_924 : vector<16xf32>
        %swap3A_926 = arith.constant 9 : i32
        %swap3A_927 = arith.index_cast %swap3A_926 : i32 to index
        %swap3A_928 = arith.index_cast %scan3A_886 : i32 to index
        %swap3A_929 = arith.constant 32 : index
        %swap3A_930 = tpu.vector_load %arg6[%swap3A_927, %swap3A_928, %swap3A_929] {strides = array<i32>} : memref<10x64x128xf32, #tpu.memory_space<vmem>>, vector<1x1x16xf32>,
        %swap3A_931 = vector.shape_cast %swap3A_930 : vector<1x1x16xf32> to vector<16xf32>
        %swap3A_932 = vector.shape_cast %mul3A_925 : vector<16xf32> to vector<1x1x16xf32>
        tpu.vector_store %arg6[%swap3A_927, %swap3A_928, %swap3A_929], %swap3A_932 {strides = array<i32>} : memref<10x64x128xf32, #tpu.memory_space<vmem>>, vector<1x1x16xf32>,
        %get3A_933 = arith.constant 9 : i32
        %get3A_934 = arith.index_cast %get3A_933 : i32 to index
        %get3A_935 = arith.index_cast %scan3A_886 : i32 to index
        %get3A_936 = arith.constant 48 : index
        %get3A_937 = tpu.vector_load %arg6[%get3A_934, %get3A_935, %get3A_936] {strides = array<i32>} : memref<10x64x128xf32, #tpu.memory_space<vmem>>, vector<1x1x16xf32>,
        %get3A_938 = vector.shape_cast %get3A_937 : vector<1x1x16xf32> to vector<16xf32>
        %mul3A_939 = arith.constant 11.3137083 : f32
        %mul3A_940 = vector.broadcast %mul3A_939 : f32 to vector<16xf32>
        %mul3A_941 = arith.mulf %get3A_938, %mul3A_940 : vector<16xf32>
        %swap3A_942 = arith.constant 9 : i32
        %swap3A_943 = arith.index_cast %swap3A_942 : i32 to index
        %swap3A_944 = arith.index_cast %scan3A_886 : i32 to index
        %swap3A_945 = arith.constant 48 : index
        %swap3A_946 = tpu.vector_load %arg6[%swap3A_943, %swap3A_944, %swap3A_945] {strides = array<i32>} : memref<10x64x128xf32, #tpu.memory_space<vmem>>, vector<1x1x16xf32>,
        %swap3A_947 = vector.shape_cast %swap3A_946 : vector<1x1x16xf32> to vector<16xf32>
        %swap3A_948 = vector.shape_cast %mul3A_941 : vector<16xf32> to vector<1x1x16xf32>
        tpu.vector_store %arg6[%swap3A_943, %swap3A_944, %swap3A_945], %swap3A_948 {strides = array<i32>} : memref<10x64x128xf32, #tpu.memory_space<vmem>>, vector<1x1x16xf32>,
        %get3A_949 = arith.constant 9 : i32
        %get3A_950 = arith.index_cast %get3A_949 : i32 to index
        %get3A_951 = arith.index_cast %scan3A_886 : i32 to index
        %get3A_952 = arith.constant 64 : index
        %get3A_953 = tpu.vector_load %arg6[%get3A_950, %get3A_951, %get3A_952] {strides = array<i32>} : memref<10x64x128xf32, #tpu.memory_space<vmem>>, vector<1x1x16xf32>,
        %get3A_954 = vector.shape_cast %get3A_953 : vector<1x1x16xf32> to vector<16xf32>
        %mul3A_955 = arith.constant 11.3137083 : f32
        %mul3A_956 = vector.broadcast %mul3A_955 : f32 to vector<16xf32>
        %mul3A_957 = arith.mulf %get3A_954, %mul3A_956 : vector<16xf32>
        %swap3A_958 = arith.constant 9 : i32
        %swap3A_959 = arith.index_cast %swap3A_958 : i32 to index
        %swap3A_960 = arith.index_cast %scan3A_886 : i32 to index
        %swap3A_961 = arith.constant 64 : index
        %swap3A_962 = tpu.vector_load %arg6[%swap3A_959, %swap3A_960, %swap3A_961] {strides = array<i32>} : memref<10x64x128xf32, #tpu.memory_space<vmem>>, vector<1x1x16xf32>,
        %swap3A_963 = vector.shape_cast %swap3A_962 : vector<1x1x16xf32> to vector<16xf32>
        %swap3A_964 = vector.shape_cast %mul3A_957 : vector<16xf32> to vector<1x1x16xf32>
        tpu.vector_store %arg6[%swap3A_959, %swap3A_960, %swap3A_961], %swap3A_964 {strides = array<i32>} : memref<10x64x128xf32, #tpu.memory_space<vmem>>, vector<1x1x16xf32>,
        %get3A_965 = arith.constant 9 : i32
        %get3A_966 = arith.index_cast %get3A_965 : i32 to index
        %get3A_967 = arith.index_cast %scan3A_886 : i32 to index
        %get3A_968 = arith.constant 80 : index
        %get3A_969 = tpu.vector_load %arg6[%get3A_966, %get3A_967, %get3A_968] {strides = array<i32>} : memref<10x64x128xf32, #tpu.memory_space<vmem>>, vector<1x1x16xf32>,
        %get3A_970 = vector.shape_cast %get3A_969 : vector<1x1x16xf32> to vector<16xf32>
        %mul3A_971 = arith.constant 11.3137083 : f32
        %mul3A_972 = vector.broadcast %mul3A_971 : f32 to vector<16xf32>
        %mul3A_973 = arith.mulf %get3A_970, %mul3A_972 : vector<16xf32>
        %swap3A_974 = arith.constant 9 : i32
        %swap3A_975 = arith.index_cast %swap3A_974 : i32 to index
        %swap3A_976 = arith.index_cast %scan3A_886 : i32 to index
        %swap3A_977 = arith.constant 80 : index
        %swap3A_978 = tpu.vector_load %arg6[%swap3A_975, %swap3A_976, %swap3A_977] {strides = array<i32>} : memref<10x64x128xf32, #tpu.memory_space<vmem>>, vector<1x1x16xf32>,
        %swap3A_979 = vector.shape_cast %swap3A_978 : vector<1x1x16xf32> to vector<16xf32>
        %swap3A_980 = vector.shape_cast %mul3A_973 : vector<16xf32> to vector<1x1x16xf32>
        tpu.vector_store %arg6[%swap3A_975, %swap3A_976, %swap3A_977], %swap3A_980 {strides = array<i32>} : memref<10x64x128xf32, #tpu.memory_space<vmem>>, vector<1x1x16xf32>,
        %get3A_981 = arith.constant 9 : i32
        %get3A_982 = arith.index_cast %get3A_981 : i32 to index
        %get3A_983 = arith.index_cast %scan3A_886 : i32 to index
        %get3A_984 = arith.constant 96 : index
        %get3A_985 = tpu.vector_load %arg6[%get3A_982, %get3A_983, %get3A_984] {strides = array<i32>} : memref<10x64x128xf32, #tpu.memory_space<vmem>>, vector<1x1x16xf32>,
        %get3A_986 = vector.shape_cast %get3A_985 : vector<1x1x16xf32> to vector<16xf32>
        %mul3A_987 = arith.constant 11.3137083 : f32
        %mul3A_988 = vector.broadcast %mul3A_987 : f32 to vector<16xf32>
        %mul3A_989 = arith.mulf %get3A_986, %mul3A_988 : vector<16xf32>
        %swap3A_990 = arith.constant 9 : i32
        %swap3A_991 = arith.index_cast %swap3A_990 : i32 to index
        %swap3A_992 = arith.index_cast %scan3A_886 : i32 to index
        %swap3A_993 = arith.constant 96 : index
        %swap3A_994 = tpu.vector_load %arg6[%swap3A_991, %swap3A_992, %swap3A_993] {strides = array<i32>} : memref<10x64x128xf32, #tpu.memory_space<vmem>>, vector<1x1x16xf32>,
        %swap3A_995 = vector.shape_cast %swap3A_994 : vector<1x1x16xf32> to vector<16xf32>
        %swap3A_996 = vector.shape_cast %mul3A_989 : vector<16xf32> to vector<1x1x16xf32>
        tpu.vector_store %arg6[%swap3A_991, %swap3A_992, %swap3A_993], %swap3A_996 {strides = array<i32>} : memref<10x64x128xf32, #tpu.memory_space<vmem>>, vector<1x1x16xf32>,
        %get3A_997 = arith.constant 9 : i32
        %get3A_998 = arith.index_cast %get3A_997 : i32 to index
        %get3A_999 = arith.index_cast %scan3A_886 : i32 to index
        %get3A_1000 = arith.constant 112 : index
        %get3A_1001 = tpu.vector_load %arg6[%get3A_998, %get3A_999, %get3A_1000] {strides = array<i32>} : memref<10x64x128xf32, #tpu.memory_space<vmem>>, vector<1x1x16xf32>,
        %get3A_1002 = vector.shape_cast %get3A_1001 : vector<1x1x16xf32> to vector<16xf32>
        %mul3A_1003 = arith.constant 11.3137083 : f32
        %mul3A_1004 = vector.broadcast %mul3A_1003 : f32 to vector<16xf32>
        %mul3A_1005 = arith.mulf %get3A_1002, %mul3A_1004 : vector<16xf32>
        %swap3A_1006 = arith.constant 9 : i32
        %swap3A_1007 = arith.index_cast %swap3A_1006 : i32 to index
        %swap3A_1008 = arith.index_cast %scan3A_886 : i32 to index
        %swap3A_1009 = arith.constant 112 : index
        %swap3A_1010 = tpu.vector_load %arg6[%swap3A_1007, %swap3A_1008, %swap3A_1009] {strides = array<i32>} : memref<10x64x128xf32, #tpu.memory_space<vmem>>, vector<1x1x16xf32>,
        %swap3A_1011 = vector.shape_cast %swap3A_1010 : vector<1x1x16xf32> to vector<16xf32>
        %swap3A_1012 = vector.shape_cast %mul3A_1005 : vector<16xf32> to vector<1x1x16xf32>
        tpu.vector_store %arg6[%swap3A_1007, %swap3A_1008, %swap3A_1009], %swap3A_1012 {strides = array<i32>} : memref<10x64x128xf32, #tpu.memory_space<vmem>>, vector<1x1x16xf32>,
        %scan3A_1013 = arith.constant 1 : i32
        %scan3A_1014 = arith.addi %scan3A_886, %scan3A_1013 : i32
        %get3A_1015 = arith.constant 9 : i32
        %get3A_1016 = arith.index_cast %get3A_1015 : i32 to index
        %get3A_1017 = arith.index_cast %scan3A_1014 : i32 to index
        %get3A_1018 = arith.constant 0 : index
        %get3A_1019 = tpu.vector_load %arg6[%get3A_1016, %get3A_1017, %get3A_1018] {strides = array<i32>} : memref<10x64x128xf32, #tpu.memory_space<vmem>>, vector<1x1x16xf32>,
        %get3A_1020 = vector.shape_cast %get3A_1019 : vector<1x1x16xf32> to vector<16xf32>
        %mul3A_1021 = arith.constant 11.3137083 : f32
        %mul3A_1022 = vector.broadcast %mul3A_1021 : f32 to vector<16xf32>
        %mul3A_1023 = arith.mulf %get3A_1020, %mul3A_1022 : vector<16xf32>
        %swap3A_1024 = arith.constant 9 : i32
        %swap3A_1025 = arith.index_cast %swap3A_1024 : i32 to index
        %swap3A_1026 = arith.index_cast %scan3A_1014 : i32 to index
        %swap3A_1027 = arith.constant 0 : index
        %swap3A_1028 = tpu.vector_load %arg6[%swap3A_1025, %swap3A_1026, %swap3A_1027] {strides = array<i32>} : memref<10x64x128xf32, #tpu.memory_space<vmem>>, vector<1x1x16xf32>,
        %swap3A_1029 = vector.shape_cast %swap3A_1028 : vector<1x1x16xf32> to vector<16xf32>
        %swap3A_1030 = vector.shape_cast %mul3A_1023 : vector<16xf32> to vector<1x1x16xf32>
        tpu.vector_store %arg6[%swap3A_1025, %swap3A_1026, %swap3A_1027], %swap3A_1030 {strides = array<i32>} : memref<10x64x128xf32, #tpu.memory_space<vmem>>, vector<1x1x16xf32>,
        %get3A_1031 = arith.constant 9 : i32
        %get3A_1032 = arith.index_cast %get3A_1031 : i32 to index
        %get3A_1033 = arith.index_cast %scan3A_1014 : i32 to index
        %get3A_1034 = arith.constant 16 : index
        %get3A_1035 = tpu.vector_load %arg6[%get3A_1032, %get3A_1033, %get3A_1034] {strides = array<i32>} : memref<10x64x128xf32, #tpu.memory_space<vmem>>, vector<1x1x16xf32>,
        %get3A_1036 = vector.shape_cast %get3A_1035 : vector<1x1x16xf32> to vector<16xf32>
        %mul3A_1037 = arith.constant 11.3137083 : f32
        %mul3A_1038 = vector.broadcast %mul3A_1037 : f32 to vector<16xf32>
        %mul3A_1039 = arith.mulf %get3A_1036, %mul3A_1038 : vector<16xf32>
        %swap3A_1040 = arith.constant 9 : i32
        %swap3A_1041 = arith.index_cast %swap3A_1040 : i32 to index
        %swap3A_1042 = arith.index_cast %scan3A_1014 : i32 to index
        %swap3A_1043 = arith.constant 16 : index
        %swap3A_1044 = tpu.vector_load %arg6[%swap3A_1041, %swap3A_1042, %swap3A_1043] {strides = array<i32>} : memref<10x64x128xf32, #tpu.memory_space<vmem>>, vector<1x1x16xf32>,
        %swap3A_1045 = vector.shape_cast %swap3A_1044 : vector<1x1x16xf32> to vector<16xf32>
        %swap3A_1046 = vector.shape_cast %mul3A_1039 : vector<16xf32> to vector<1x1x16xf32>
        tpu.vector_store %arg6[%swap3A_1041, %swap3A_1042, %swap3A_1043], %swap3A_1046 {strides = array<i32>} : memref<10x64x128xf32, #tpu.memory_space<vmem>>, vector<1x1x16xf32>,
        %get3A_1047 = arith.constant 9 : i32
        %get3A_1048 = arith.index_cast %get3A_1047 : i32 to index
        %get3A_1049 = arith.index_cast %scan3A_1014 : i32 to index
        %get3A_1050 = arith.constant 32 : index
        %get3A_1051 = tpu.vector_load %arg6[%get3A_1048, %get3A_1049, %get3A_1050] {strides = array<i32>} : memref<10x64x128xf32, #tpu.memory_space<vmem>>, vector<1x1x16xf32>,
        %get3A_1052 = vector.shape_cast %get3A_1051 : vector<1x1x16xf32> to vector<16xf32>
        %mul3A_1053 = arith.constant 11.3137083 : f32
        %mul3A_1054 = vector.broadcast %mul3A_1053 : f32 to vector<16xf32>
        %mul3A_1055 = arith.mulf %get3A_1052, %mul3A_1054 : vector<16xf32>
        %swap3A_1056 = arith.constant 9 : i32
        %swap3A_1057 = arith.index_cast %swap3A_1056 : i32 to index
        %swap3A_1058 = arith.index_cast %scan3A_1014 : i32 to index
        %swap3A_1059 = arith.constant 32 : index
        %swap3A_1060 = tpu.vector_load %arg6[%swap3A_1057, %swap3A_1058, %swap3A_1059] {strides = array<i32>} : memref<10x64x128xf32, #tpu.memory_space<vmem>>, vector<1x1x16xf32>,
        %swap3A_1061 = vector.shape_cast %swap3A_1060 : vector<1x1x16xf32> to vector<16xf32>
        %swap3A_1062 = vector.shape_cast %mul3A_1055 : vector<16xf32> to vector<1x1x16xf32>
        tpu.vector_store %arg6[%swap3A_1057, %swap3A_1058, %swap3A_1059], %swap3A_1062 {strides = array<i32>} : memref<10x64x128xf32, #tpu.memory_space<vmem>>, vector<1x1x16xf32>,
        %get3A_1063 = arith.constant 9 : i32
        %get3A_1064 = arith.index_cast %get3A_1063 : i32 to index
        %get3A_1065 = arith.index_cast %scan3A_1014 : i32 to index
        %get3A_1066 = arith.constant 48 : index
        %get3A_1067 = tpu.vector_load %arg6[%get3A_1064, %get3A_1065, %get3A_1066] {strides = array<i32>} : memref<10x64x128xf32, #tpu.memory_space<vmem>>, vector<1x1x16xf32>,
        %get3A_1068 = vector.shape_cast %get3A_1067 : vector<1x1x16xf32> to vector<16xf32>
        %mul3A_1069 = arith.constant 11.3137083 : f32
        %mul3A_1070 = vector.broadcast %mul3A_1069 : f32 to vector<16xf32>
        %mul3A_1071 = arith.mulf %get3A_1068, %mul3A_1070 : vector<16xf32>
        %swap3A_1072 = arith.constant 9 : i32
        %swap3A_1073 = arith.index_cast %swap3A_1072 : i32 to index
        %swap3A_1074 = arith.index_cast %scan3A_1014 : i32 to index
        %swap3A_1075 = arith.constant 48 : index
        %swap3A_1076 = tpu.vector_load %arg6[%swap3A_1073, %swap3A_1074, %swap3A_1075] {strides = array<i32>} : memref<10x64x128xf32, #tpu.memory_space<vmem>>, vector<1x1x16xf32>,
        %swap3A_1077 = vector.shape_cast %swap3A_1076 : vector<1x1x16xf32> to vector<16xf32>
        %swap3A_1078 = vector.shape_cast %mul3A_1071 : vector<16xf32> to vector<1x1x16xf32>
        tpu.vector_store %arg6[%swap3A_1073, %swap3A_1074, %swap3A_1075], %swap3A_1078 {strides = array<i32>} : memref<10x64x128xf32, #tpu.memory_space<vmem>>, vector<1x1x16xf32>,
        %get3A_1079 = arith.constant 9 : i32
        %get3A_1080 = arith.index_cast %get3A_1079 : i32 to index
        %get3A_1081 = arith.index_cast %scan3A_1014 : i32 to index
        %get3A_1082 = arith.constant 64 : index
        %get3A_1083 = tpu.vector_load %arg6[%get3A_1080, %get3A_1081, %get3A_1082] {strides = array<i32>} : memref<10x64x128xf32, #tpu.memory_space<vmem>>, vector<1x1x16xf32>,
        %get3A_1084 = vector.shape_cast %get3A_1083 : vector<1x1x16xf32> to vector<16xf32>
        %mul3A_1085 = arith.constant 11.3137083 : f32
        %mul3A_1086 = vector.broadcast %mul3A_1085 : f32 to vector<16xf32>
        %mul3A_1087 = arith.mulf %get3A_1084, %mul3A_1086 : vector<16xf32>
        %swap3A_1088 = arith.constant 9 : i32
        %swap3A_1089 = arith.index_cast %swap3A_1088 : i32 to index
        %swap3A_1090 = arith.index_cast %scan3A_1014 : i32 to index
        %swap3A_1091 = arith.constant 64 : index
        %swap3A_1092 = tpu.vector_load %arg6[%swap3A_1089, %swap3A_1090, %swap3A_1091] {strides = array<i32>} : memref<10x64x128xf32, #tpu.memory_space<vmem>>, vector<1x1x16xf32>,
        %swap3A_1093 = vector.shape_cast %swap3A_1092 : vector<1x1x16xf32> to vector<16xf32>
        %swap3A_1094 = vector.shape_cast %mul3A_1087 : vector<16xf32> to vector<1x1x16xf32>
        tpu.vector_store %arg6[%swap3A_1089, %swap3A_1090, %swap3A_1091], %swap3A_1094 {strides = array<i32>} : memref<10x64x128xf32, #tpu.memory_space<vmem>>, vector<1x1x16xf32>,
        %get3A_1095 = arith.constant 9 : i32
        %get3A_1096 = arith.index_cast %get3A_1095 : i32 to index
        %get3A_1097 = arith.index_cast %scan3A_1014 : i32 to index
        %get3A_1098 = arith.constant 80 : index
        %get3A_1099 = tpu.vector_load %arg6[%get3A_1096, %get3A_1097, %get3A_1098] {strides = array<i32>} : memref<10x64x128xf32, #tpu.memory_space<vmem>>, vector<1x1x16xf32>,
        %get3A_1100 = vector.shape_cast %get3A_1099 : vector<1x1x16xf32> to vector<16xf32>
        %mul3A_1101 = arith.constant 11.3137083 : f32
        %mul3A_1102 = vector.broadcast %mul3A_1101 : f32 to vector<16xf32>
        %mul3A_1103 = arith.mulf %get3A_1100, %mul3A_1102 : vector<16xf32>
        %swap3A_1104 = arith.constant 9 : i32
        %swap3A_1105 = arith.index_cast %swap3A_1104 : i32 to index
        %swap3A_1106 = arith.index_cast %scan3A_1014 : i32 to index
        %swap3A_1107 = arith.constant 80 : index
        %swap3A_1108 = tpu.vector_load %arg6[%swap3A_1105, %swap3A_1106, %swap3A_1107] {strides = array<i32>} : memref<10x64x128xf32, #tpu.memory_space<vmem>>, vector<1x1x16xf32>,
        %swap3A_1109 = vector.shape_cast %swap3A_1108 : vector<1x1x16xf32> to vector<16xf32>
        %swap3A_1110 = vector.shape_cast %mul3A_1103 : vector<16xf32> to vector<1x1x16xf32>
        tpu.vector_store %arg6[%swap3A_1105, %swap3A_1106, %swap3A_1107], %swap3A_1110 {strides = array<i32>} : memref<10x64x128xf32, #tpu.memory_space<vmem>>, vector<1x1x16xf32>,
        %get3A_1111 = arith.constant 9 : i32
        %get3A_1112 = arith.index_cast %get3A_1111 : i32 to index
        %get3A_1113 = arith.index_cast %scan3A_1014 : i32 to index
        %get3A_1114 = arith.constant 96 : index
        %get3A_1115 = tpu.vector_load %arg6[%get3A_1112, %get3A_1113, %get3A_1114] {strides = array<i32>} : memref<10x64x128xf32, #tpu.memory_space<vmem>>, vector<1x1x16xf32>,
        %get3A_1116 = vector.shape_cast %get3A_1115 : vector<1x1x16xf32> to vector<16xf32>
        %mul3A_1117 = arith.constant 11.3137083 : f32
        %mul3A_1118 = vector.broadcast %mul3A_1117 : f32 to vector<16xf32>
        %mul3A_1119 = arith.mulf %get3A_1116, %mul3A_1118 : vector<16xf32>
        %swap3A_1120 = arith.constant 9 : i32
        %swap3A_1121 = arith.index_cast %swap3A_1120 : i32 to index
        %swap3A_1122 = arith.index_cast %scan3A_1014 : i32 to index
        %swap3A_1123 = arith.constant 96 : index
        %swap3A_1124 = tpu.vector_load %arg6[%swap3A_1121, %swap3A_1122, %swap3A_1123] {strides = array<i32>} : memref<10x64x128xf32, #tpu.memory_space<vmem>>, vector<1x1x16xf32>,
        %swap3A_1125 = vector.shape_cast %swap3A_1124 : vector<1x1x16xf32> to vector<16xf32>
        %swap3A_1126 = vector.shape_cast %mul3A_1119 : vector<16xf32> to vector<1x1x16xf32>
        tpu.vector_store %arg6[%swap3A_1121, %swap3A_1122, %swap3A_1123], %swap3A_1126 {strides = array<i32>} : memref<10x64x128xf32, #tpu.memory_space<vmem>>, vector<1x1x16xf32>,
        %get3A_1127 = arith.constant 9 : i32
        %get3A_1128 = arith.index_cast %get3A_1127 : i32 to index
        %get3A_1129 = arith.index_cast %scan3A_1014 : i32 to index
        %get3A_1130 = arith.constant 112 : index
        %get3A_1131 = tpu.vector_load %arg6[%get3A_1128, %get3A_1129, %get3A_1130] {strides = array<i32>} : memref<10x64x128xf32, #tpu.memory_space<vmem>>, vector<1x1x16xf32>,
        %get3A_1132 = vector.shape_cast %get3A_1131 : vector<1x1x16xf32> to vector<16xf32>
        %mul3A_1133 = arith.constant 11.3137083 : f32
        %mul3A_1134 = vector.broadcast %mul3A_1133 : f32 to vector<16xf32>
        %mul3A_1135 = arith.mulf %get3A_1132, %mul3A_1134 : vector<16xf32>
        %swap3A_1136 = arith.constant 9 : i32
        %swap3A_1137 = arith.index_cast %swap3A_1136 : i32 to index
        %swap3A_1138 = arith.index_cast %scan3A_1014 : i32 to index
        %swap3A_1139 = arith.constant 112 : index
        %swap3A_1140 = tpu.vector_load %arg6[%swap3A_1137, %swap3A_1138, %swap3A_1139] {strides = array<i32>} : memref<10x64x128xf32, #tpu.memory_space<vmem>>, vector<1x1x16xf32>,
        %swap3A_1141 = vector.shape_cast %swap3A_1140 : vector<1x1x16xf32> to vector<16xf32>
        %swap3A_1142 = vector.shape_cast %mul3A_1135 : vector<16xf32> to vector<1x1x16xf32>
        tpu.vector_store %arg6[%swap3A_1137, %swap3A_1138, %swap3A_1139], %swap3A_1142 {strides = array<i32>} : memref<10x64x128xf32, #tpu.memory_space<vmem>>, vector<1x1x16xf32>,
      }
      %scan3A_851 = arith.constant 64 : i32
      %add3A_852 = arith.constant 8 : i32
      %add3A_853 = arith.addi %mul3A_328, %add3A_852 : i32
      %mul3A_854 = arith.constant 2 : i32
      %mul3A_855 = arith.muli %add3A_831, %mul3A_854 : i32
      %add3A_856 = arith.constant 1 : i32
      %add3A_857 = arith.addi %mul3A_855, %add3A_856 : i32
      %add3A_858 = arith.constant 8 : i32
      %add3A_859 = arith.addi %add3A_857, %add3A_858 : i32
      %lt3A_860 = arith.constant 100 : i32
      %lt3A_861 = arith.cmpi slt, %add3A_859, %lt3A_860 : i32
      %convert_element_type3A_862 = arith.extui %lt3A_861 : i1 to i32
      %cond3A_863 = arith.constant 0 : i32
      %cond3A_864 = arith.cmpi ne, %convert_element_type3A_862, %cond3A_863 : i32
      scf.if %cond3A_864 {
        %ge3A = arith.constant 10 : i32
        %ge3A_886 = arith.cmpi sge, %add3A_859, %ge3A : i32
        %convert_element_type3A_887 = arith.extui %ge3A_886 : i1 to i32
        %cond3A_888 = arith.constant 0 : i32
        %cond3A_889 = arith.cmpi ne, %convert_element_type3A_887, %cond3A_888 : i32
        scf.if %cond3A_889 {
          %sub3A = arith.constant 5 : i32
          %sub3A_904 = arith.subi %add3A_853, %sub3A : i32
          %mul3A_905 = arith.constant 4096 : i32
          %mul3A_906 = arith.muli %sub3A_904, %mul3A_905 : i32
          %add3A_907 = arith.addi %mul3A_906, %mul3A_2 : i32
          %add3A_908 = arith.constant 64 : i32
          %add3A_909 = arith.addi %add3A_907, %add3A_908 : i32
          %dma_wait3A_910 = arith.constant 7 : i32
          %dma_wait3A_911 = arith.constant 7 : i32
          %dma_wait3A_912 = arith.constant 0 : i32
          %dma_wait3A_913 = arith.constant 0 : i32
          %dma_wait3A_914 = tpu.memref_slice %arg6[%dma_wait3A_910, %dma_wait3A_912, %dma_wait3A_913] : memref<10x64x128xf32, #tpu.memory_space<vmem>> -> memref<1x64x128xf32, #tpu.memory_space<vmem>>
          %dma_wait3A_915 = tpu.memref_squeeze %dma_wait3A_914 : memref<1x64x128xf32, #tpu.memory_space<vmem>> -> memref<64x128xf32, #tpu.memory_space<vmem>>
          %dma_wait3A_916 = arith.constant 0 : i32
          %dma_wait3A_917 = tpu.memref_slice %arg4[%add3A_909, %dma_wait3A_916] : memref<204800x128xf32, #tpu.memory_space<hbm>> -> memref<64x128xf32, #tpu.memory_space<hbm>>
          %dma_wait3A_918 = tpu.memref_slice %arg8[%dma_wait3A_911] : memref<10x!tpu.dma_semaphore, #tpu.memory_space<semaphore_mem>> -> memref<1x!tpu.dma_semaphore, #tpu.memory_space<semaphore_mem>>
          %dma_wait3A_919 = tpu.memref_squeeze %dma_wait3A_918 : memref<1x!tpu.dma_semaphore, #tpu.memory_space<semaphore_mem>> -> memref<!tpu.dma_semaphore, #tpu.memory_space<semaphore_mem>>
          %dma_wait3A_920 = arith.constant 0 : i32
          %dma_wait3A_921 = tpu.memref_slice %arg4[%add3A_909, %dma_wait3A_920] : memref<204800x128xf32, #tpu.memory_space<hbm>> -> memref<64x128xf32, #tpu.memory_space<hbm>>
          %dma_wait3A_922 = arith.constant 0 : i32
          %dma_wait3A_923 = arith.constant 0 : i32
          %dma_wait3A_924 = tpu.memref_slice %arg6[%dma_wait3A_910, %dma_wait3A_922, %dma_wait3A_923] : memref<10x64x128xf32, #tpu.memory_space<vmem>> -> memref<1x64x128xf32, #tpu.memory_space<vmem>>
          %dma_wait3A_925 = tpu.memref_squeeze %dma_wait3A_924 : memref<1x64x128xf32, #tpu.memory_space<vmem>> -> memref<64x128xf32, #tpu.memory_space<vmem>>
          tpu.wait_dma2 semaphore(%dma_wait3A_919 : memref<!tpu.dma_semaphore, #tpu.memory_space<semaphore_mem>>) src(%dma_wait3A_925 : memref<64x128xf32, #tpu.memory_space<vmem>>) dst(%dma_wait3A_921 : memref<64x128xf32, #tpu.memory_space<hbm>>)
        } else {
        }
        %dma_start3A_890 = arith.constant 7 : i32
        %dma_start3A_891 = arith.constant 7 : i32
        %dma_start3A_892 = arith.constant 0 : i32
        %dma_start3A_893 = arith.constant 0 : i32
        %dma_start3A_894 = tpu.memref_slice %arg6[%dma_start3A_890, %dma_start3A_892, %dma_start3A_893] : memref<10x64x128xf32, #tpu.memory_space<vmem>> -> memref<1x64x128xf32, #tpu.memory_space<vmem>>
        %dma_start3A_895 = tpu.memref_squeeze %dma_start3A_894 : memref<1x64x128xf32, #tpu.memory_space<vmem>> -> memref<64x128xf32, #tpu.memory_space<vmem>>
        %dma_start3A_896 = arith.constant 64 : i32
        %dma_start3A_897 = tpu.memref_slice %arg5[%add3A_853, %dma_start3A_896] : memref<50x128xi32, #tpu.memory_space<vmem>> -> memref<1x64xi32, #tpu.memory_space<vmem>>
        %dma_start3A_898 = tpu.memref_squeeze %dma_start3A_897 : memref<1x64xi32, #tpu.memory_space<vmem>> -> memref<64xi32, #tpu.memory_space<vmem>>
        %dma_start3A_899 = arith.constant 0 : i32
        %dma_start3A_900 = arith.constant 0 : i32
        %dma_start3A_901 = tpu.memref_slice %arg3[%dma_start3A_899, %dma_start3A_900] : memref<100000x128xf32, #tpu.memory_space<hbm>> -> memref<100000x128xf32, #tpu.memory_space<hbm>>
        %dma_start3A_902 = tpu.memref_slice %arg7[%dma_start3A_891] : memref<10x!tpu.dma_semaphore, #tpu.memory_space<semaphore_mem>> -> memref<1x!tpu.dma_semaphore, #tpu.memory_space<semaphore_mem>>
        %dma_start3A_903 = tpu.memref_squeeze %dma_start3A_902 : memref<1x!tpu.dma_semaphore, #tpu.memory_space<semaphore_mem>> -> memref<!tpu.dma_semaphore, #tpu.memory_space<semaphore_mem>>
        tpu.enqueue_indirect_dma source(%dma_start3A_901 : memref<100000x128xf32, #tpu.memory_space<hbm>>) target(%dma_start3A_895 : memref<64x128xf32, #tpu.memory_space<vmem>>) offsets(%dma_start3A_898 : memref<64xi32, #tpu.memory_space<vmem>>) semaphore(%dma_start3A_903 : memref<!tpu.dma_semaphore, #tpu.memory_space<semaphore_mem>>)
      } else {
      }
      %mul3A_865 = arith.constant 4096 : i32
      %mul3A_866 = arith.muli %add3A_831, %mul3A_865 : i32
      %add3A_867 = arith.addi %mul3A_866, %mul3A_2 : i32
      %add3A_868 = arith.constant 64 : i32
      %add3A_869 = arith.addi %add3A_867, %add3A_868 : i32
      %dma_start3A_870 = arith.constant 9 : i32
      %dma_start3A_871 = arith.constant 9 : i32
      %dma_start3A_872 = arith.constant 0 : i32
      %dma_start3A_873 = arith.constant 0 : i32
      %dma_start3A_874 = tpu.memref_slice %arg6[%dma_start3A_870, %dma_start3A_872, %dma_start3A_873] : memref<10x64x128xf32, #tpu.memory_space<vmem>> -> memref<1x64x128xf32, #tpu.memory_space<vmem>>
      %dma_start3A_875 = tpu.memref_squeeze %dma_start3A_874 : memref<1x64x128xf32, #tpu.memory_space<vmem>> -> memref<64x128xf32, #tpu.memory_space<vmem>>
      %dma_start3A_876 = arith.constant 0 : i32
      %dma_start3A_877 = tpu.memref_slice %arg4[%add3A_869, %dma_start3A_876] : memref<204800x128xf32, #tpu.memory_space<hbm>> -> memref<64x128xf32, #tpu.memory_space<hbm>>
      %dma_start3A_878 = tpu.memref_slice %arg8[%dma_start3A_871] : memref<10x!tpu.dma_semaphore, #tpu.memory_space<semaphore_mem>> -> memref<1x!tpu.dma_semaphore, #tpu.memory_space<semaphore_mem>>
      %dma_start3A_879 = tpu.memref_squeeze %dma_start3A_878 : memref<1x!tpu.dma_semaphore, #tpu.memory_space<semaphore_mem>> -> memref<!tpu.dma_semaphore, #tpu.memory_space<semaphore_mem>>
      %dma_start3A_880 = arith.constant 0 : i32
      %dma_start3A_881 = tpu.memref_slice %arg4[%add3A_869, %dma_start3A_880] : memref<204800x128xf32, #tpu.memory_space<hbm>> -> memref<64x128xf32, #tpu.memory_space<hbm>>
      %dma_start3A_882 = arith.constant 0 : i32
      %dma_start3A_883 = arith.constant 0 : i32
      %dma_start3A_884 = tpu.memref_slice %arg6[%dma_start3A_870, %dma_start3A_882, %dma_start3A_883] : memref<10x64x128xf32, #tpu.memory_space<vmem>> -> memref<1x64x128xf32, #tpu.memory_space<vmem>>
      %dma_start3A_885 = tpu.memref_squeeze %dma_start3A_884 : memref<1x64x128xf32, #tpu.memory_space<vmem>> -> memref<64x128xf32, #tpu.memory_space<vmem>>
      tpu.enqueue_dma source(%dma_start3A_885 : memref<64x128xf32, #tpu.memory_space<vmem>>) target(%dma_start3A_881 : memref<64x128xf32, #tpu.memory_space<hbm>>) target_semaphore(%dma_start3A_879 : memref<!tpu.dma_semaphore, #tpu.memory_space<semaphore_mem>>)
    }
    %scan3A_126 = arith.constant 10 : i32
    %add3A_127 = arith.constant 184320 : i32
    %add3A_128 = arith.addi %add3A_127, %mul3A_2 : i32
    %add3A_129 = arith.constant 0 : i32
    %add3A_130 = arith.addi %add3A_128, %add3A_129 : i32
    %dma_wait3A = arith.constant 0 : i32
    %dma_wait3A_131 = arith.constant 0 : i32
    %dma_wait3A_132 = arith.constant 0 : i32
    %dma_wait3A_133 = arith.constant 0 : i32
    %dma_wait3A_134 = tpu.memref_slice %arg6[%dma_wait3A, %dma_wait3A_132, %dma_wait3A_133] : memref<10x64x128xf32, #tpu.memory_space<vmem>> -> memref<1x64x128xf32, #tpu.memory_space<vmem>>
    %dma_wait3A_135 = tpu.memref_squeeze %dma_wait3A_134 : memref<1x64x128xf32, #tpu.memory_space<vmem>> -> memref<64x128xf32, #tpu.memory_space<vmem>>
    %dma_wait3A_136 = arith.constant 0 : i32
    %dma_wait3A_137 = tpu.memref_slice %arg4[%add3A_130, %dma_wait3A_136] : memref<204800x128xf32, #tpu.memory_space<hbm>> -> memref<64x128xf32, #tpu.memory_space<hbm>>
    %dma_wait3A_138 = tpu.memref_slice %arg8[%dma_wait3A_131] : memref<10x!tpu.dma_semaphore, #tpu.memory_space<semaphore_mem>> -> memref<1x!tpu.dma_semaphore, #tpu.memory_space<semaphore_mem>>
    %dma_wait3A_139 = tpu.memref_squeeze %dma_wait3A_138 : memref<1x!tpu.dma_semaphore, #tpu.memory_space<semaphore_mem>> -> memref<!tpu.dma_semaphore, #tpu.memory_space<semaphore_mem>>
    %dma_wait3A_140 = arith.constant 0 : i32
    %dma_wait3A_141 = tpu.memref_slice %arg4[%add3A_130, %dma_wait3A_140] : memref<204800x128xf32, #tpu.memory_space<hbm>> -> memref<64x128xf32, #tpu.memory_space<hbm>>
    %dma_wait3A_142 = arith.constant 0 : i32
    %dma_wait3A_143 = arith.constant 0 : i32
    %dma_wait3A_144 = tpu.memref_slice %arg6[%dma_wait3A, %dma_wait3A_142, %dma_wait3A_143] : memref<10x64x128xf32, #tpu.memory_space<vmem>> -> memref<1x64x128xf32, #tpu.memory_space<vmem>>
    %dma_wait3A_145 = tpu.memref_squeeze %dma_wait3A_144 : memref<1x64x128xf32, #tpu.memory_space<vmem>> -> memref<64x128xf32, #tpu.memory_space<vmem>>
    tpu.wait_dma2 semaphore(%dma_wait3A_139 : memref<!tpu.dma_semaphore, #tpu.memory_space<semaphore_mem>>) src(%dma_wait3A_145 : memref<64x128xf32, #tpu.memory_space<vmem>>) dst(%dma_wait3A_141 : memref<64x128xf32, #tpu.memory_space<hbm>>)
    %add3A_146 = arith.constant 184320 : i32
    %add3A_147 = arith.addi %add3A_146, %mul3A_2 : i32
    %add3A_148 = arith.constant 64 : i32
    %add3A_149 = arith.addi %add3A_147, %add3A_148 : i32
    %dma_wait3A_150 = arith.constant 1 : i32
    %dma_wait3A_151 = arith.constant 1 : i32
    %dma_wait3A_152 = arith.constant 0 : i32
    %dma_wait3A_153 = arith.constant 0 : i32
    %dma_wait3A_154 = tpu.memref_slice %arg6[%dma_wait3A_150, %dma_wait3A_152, %dma_wait3A_153] : memref<10x64x128xf32, #tpu.memory_space<vmem>> -> memref<1x64x128xf32, #tpu.memory_space<vmem>>
    %dma_wait3A_155 = tpu.memref_squeeze %dma_wait3A_154 : memref<1x64x128xf32, #tpu.memory_space<vmem>> -> memref<64x128xf32, #tpu.memory_space<vmem>>
    %dma_wait3A_156 = arith.constant 0 : i32
    %dma_wait3A_157 = tpu.memref_slice %arg4[%add3A_149, %dma_wait3A_156] : memref<204800x128xf32, #tpu.memory_space<hbm>> -> memref<64x128xf32, #tpu.memory_space<hbm>>
    %dma_wait3A_158 = tpu.memref_slice %arg8[%dma_wait3A_151] : memref<10x!tpu.dma_semaphore, #tpu.memory_space<semaphore_mem>> -> memref<1x!tpu.dma_semaphore, #tpu.memory_space<semaphore_mem>>
    %dma_wait3A_159 = tpu.memref_squeeze %dma_wait3A_158 : memref<1x!tpu.dma_semaphore, #tpu.memory_space<semaphore_mem>> -> memref<!tpu.dma_semaphore, #tpu.memory_space<semaphore_mem>>
    %dma_wait3A_160 = arith.constant 0 : i32
    %dma_wait3A_161 = tpu.memref_slice %arg4[%add3A_149, %dma_wait3A_160] : memref<204800x128xf32, #tpu.memory_space<hbm>> -> memref<64x128xf32, #tpu.memory_space<hbm>>
    %dma_wait3A_162 = arith.constant 0 : i32
    %dma_wait3A_163 = arith.constant 0 : i32
    %dma_wait3A_164 = tpu.memref_slice %arg6[%dma_wait3A_150, %dma_wait3A_162, %dma_wait3A_163] : memref<10x64x128xf32, #tpu.memory_space<vmem>> -> memref<1x64x128xf32, #tpu.memory_space<vmem>>
    %dma_wait3A_165 = tpu.memref_squeeze %dma_wait3A_164 : memref<1x64x128xf32, #tpu.memory_space<vmem>> -> memref<64x128xf32, #tpu.memory_space<vmem>>
    tpu.wait_dma2 semaphore(%dma_wait3A_159 : memref<!tpu.dma_semaphore, #tpu.memory_space<semaphore_mem>>) src(%dma_wait3A_165 : memref<64x128xf32, #tpu.memory_space<vmem>>) dst(%dma_wait3A_161 : memref<64x128xf32, #tpu.memory_space<hbm>>)
    %add3A_166 = arith.constant 188416 : i32
    %add3A_167 = arith.addi %add3A_166, %mul3A_2 : i32
    %add3A_168 = arith.constant 0 : i32
    %add3A_169 = arith.addi %add3A_167, %add3A_168 : i32
    %dma_wait3A_170 = arith.constant 2 : i32
    %dma_wait3A_171 = arith.constant 2 : i32
    %dma_wait3A_172 = arith.constant 0 : i32
    %dma_wait3A_173 = arith.constant 0 : i32
    %dma_wait3A_174 = tpu.memref_slice %arg6[%dma_wait3A_170, %dma_wait3A_172, %dma_wait3A_173] : memref<10x64x128xf32, #tpu.memory_space<vmem>> -> memref<1x64x128xf32, #tpu.memory_space<vmem>>
    %dma_wait3A_175 = tpu.memref_squeeze %dma_wait3A_174 : memref<1x64x128xf32, #tpu.memory_space<vmem>> -> memref<64x128xf32, #tpu.memory_space<vmem>>
    %dma_wait3A_176 = arith.constant 0 : i32
    %dma_wait3A_177 = tpu.memref_slice %arg4[%add3A_169, %dma_wait3A_176] : memref<204800x128xf32, #tpu.memory_space<hbm>> -> memref<64x128xf32, #tpu.memory_space<hbm>>
    %dma_wait3A_178 = tpu.memref_slice %arg8[%dma_wait3A_171] : memref<10x!tpu.dma_semaphore, #tpu.memory_space<semaphore_mem>> -> memref<1x!tpu.dma_semaphore, #tpu.memory_space<semaphore_mem>>
    %dma_wait3A_179 = tpu.memref_squeeze %dma_wait3A_178 : memref<1x!tpu.dma_semaphore, #tpu.memory_space<semaphore_mem>> -> memref<!tpu.dma_semaphore, #tpu.memory_space<semaphore_mem>>
    %dma_wait3A_180 = arith.constant 0 : i32
    %dma_wait3A_181 = tpu.memref_slice %arg4[%add3A_169, %dma_wait3A_180] : memref<204800x128xf32, #tpu.memory_space<hbm>> -> memref<64x128xf32, #tpu.memory_space<hbm>>
    %dma_wait3A_182 = arith.constant 0 : i32
    %dma_wait3A_183 = arith.constant 0 : i32
    %dma_wait3A_184 = tpu.memref_slice %arg6[%dma_wait3A_170, %dma_wait3A_182, %dma_wait3A_183] : memref<10x64x128xf32, #tpu.memory_space<vmem>> -> memref<1x64x128xf32, #tpu.memory_space<vmem>>
    %dma_wait3A_185 = tpu.memref_squeeze %dma_wait3A_184 : memref<1x64x128xf32, #tpu.memory_space<vmem>> -> memref<64x128xf32, #tpu.memory_space<vmem>>
    tpu.wait_dma2 semaphore(%dma_wait3A_179 : memref<!tpu.dma_semaphore, #tpu.memory_space<semaphore_mem>>) src(%dma_wait3A_185 : memref<64x128xf32, #tpu.memory_space<vmem>>) dst(%dma_wait3A_181 : memref<64x128xf32, #tpu.memory_space<hbm>>)
    %add3A_186 = arith.constant 188416 : i32
    %add3A_187 = arith.addi %add3A_186, %mul3A_2 : i32
    %add3A_188 = arith.constant 64 : i32
    %add3A_189 = arith.addi %add3A_187, %add3A_188 : i32
    %dma_wait3A_190 = arith.constant 3 : i32
    %dma_wait3A_191 = arith.constant 3 : i32
    %dma_wait3A_192 = arith.constant 0 : i32
    %dma_wait3A_193 = arith.constant 0 : i32
    %dma_wait3A_194 = tpu.memref_slice %arg6[%dma_wait3A_190, %dma_wait3A_192, %dma_wait3A_193] : memref<10x64x128xf32, #tpu.memory_space<vmem>> -> memref<1x64x128xf32, #tpu.memory_space<vmem>>
    %dma_wait3A_195 = tpu.memref_squeeze %dma_wait3A_194 : memref<1x64x128xf32, #tpu.memory_space<vmem>> -> memref<64x128xf32, #tpu.memory_space<vmem>>
    %dma_wait3A_196 = arith.constant 0 : i32
    %dma_wait3A_197 = tpu.memref_slice %arg4[%add3A_189, %dma_wait3A_196] : memref<204800x128xf32, #tpu.memory_space<hbm>> -> memref<64x128xf32, #tpu.memory_space<hbm>>
    %dma_wait3A_198 = tpu.memref_slice %arg8[%dma_wait3A_191] : memref<10x!tpu.dma_semaphore, #tpu.memory_space<semaphore_mem>> -> memref<1x!tpu.dma_semaphore, #tpu.memory_space<semaphore_mem>>
    %dma_wait3A_199 = tpu.memref_squeeze %dma_wait3A_198 : memref<1x!tpu.dma_semaphore, #tpu.memory_space<semaphore_mem>> -> memref<!tpu.dma_semaphore, #tpu.memory_space<semaphore_mem>>
    %dma_wait3A_200 = arith.constant 0 : i32
    %dma_wait3A_201 = tpu.memref_slice %arg4[%add3A_189, %dma_wait3A_200] : memref<204800x128xf32, #tpu.memory_space<hbm>> -> memref<64x128xf32, #tpu.memory_space<hbm>>
    %dma_wait3A_202 = arith.constant 0 : i32
    %dma_wait3A_203 = arith.constant 0 : i32
    %dma_wait3A_204 = tpu.memref_slice %arg6[%dma_wait3A_190, %dma_wait3A_202, %dma_wait3A_203] : memref<10x64x128xf32, #tpu.memory_space<vmem>> -> memref<1x64x128xf32, #tpu.memory_space<vmem>>
    %dma_wait3A_205 = tpu.memref_squeeze %dma_wait3A_204 : memref<1x64x128xf32, #tpu.memory_space<vmem>> -> memref<64x128xf32, #tpu.memory_space<vmem>>
    tpu.wait_dma2 semaphore(%dma_wait3A_199 : memref<!tpu.dma_semaphore, #tpu.memory_space<semaphore_mem>>) src(%dma_wait3A_205 : memref<64x128xf32, #tpu.memory_space<vmem>>) dst(%dma_wait3A_201 : memref<64x128xf32, #tpu.memory_space<hbm>>)
    %add3A_206 = arith.constant 192512 : i32
    %add3A_207 = arith.addi %add3A_206, %mul3A_2 : i32
    %add3A_208 = arith.constant 0 : i32
    %add3A_209 = arith.addi %add3A_207, %add3A_208 : i32
    %dma_wait3A_210 = arith.constant 4 : i32
    %dma_wait3A_211 = arith.constant 4 : i32
    %dma_wait3A_212 = arith.constant 0 : i32
    %dma_wait3A_213 = arith.constant 0 : i32
    %dma_wait3A_214 = tpu.memref_slice %arg6[%dma_wait3A_210, %dma_wait3A_212, %dma_wait3A_213] : memref<10x64x128xf32, #tpu.memory_space<vmem>> -> memref<1x64x128xf32, #tpu.memory_space<vmem>>
    %dma_wait3A_215 = tpu.memref_squeeze %dma_wait3A_214 : memref<1x64x128xf32, #tpu.memory_space<vmem>> -> memref<64x128xf32, #tpu.memory_space<vmem>>
    %dma_wait3A_216 = arith.constant 0 : i32
    %dma_wait3A_217 = tpu.memref_slice %arg4[%add3A_209, %dma_wait3A_216] : memref<204800x128xf32, #tpu.memory_space<hbm>> -> memref<64x128xf32, #tpu.memory_space<hbm>>
    %dma_wait3A_218 = tpu.memref_slice %arg8[%dma_wait3A_211] : memref<10x!tpu.dma_semaphore, #tpu.memory_space<semaphore_mem>> -> memref<1x!tpu.dma_semaphore, #tpu.memory_space<semaphore_mem>>
    %dma_wait3A_219 = tpu.memref_squeeze %dma_wait3A_218 : memref<1x!tpu.dma_semaphore, #tpu.memory_space<semaphore_mem>> -> memref<!tpu.dma_semaphore, #tpu.memory_space<semaphore_mem>>
    %dma_wait3A_220 = arith.constant 0 : i32
    %dma_wait3A_221 = tpu.memref_slice %arg4[%add3A_209, %dma_wait3A_220] : memref<204800x128xf32, #tpu.memory_space<hbm>> -> memref<64x128xf32, #tpu.memory_space<hbm>>
    %dma_wait3A_222 = arith.constant 0 : i32
    %dma_wait3A_223 = arith.constant 0 : i32
    %dma_wait3A_224 = tpu.memref_slice %arg6[%dma_wait3A_210, %dma_wait3A_222, %dma_wait3A_223] : memref<10x64x128xf32, #tpu.memory_space<vmem>> -> memref<1x64x128xf32, #tpu.memory_space<vmem>>
    %dma_wait3A_225 = tpu.memref_squeeze %dma_wait3A_224 : memref<1x64x128xf32, #tpu.memory_space<vmem>> -> memref<64x128xf32, #tpu.memory_space<vmem>>
    tpu.wait_dma2 semaphore(%dma_wait3A_219 : memref<!tpu.dma_semaphore, #tpu.memory_space<semaphore_mem>>) src(%dma_wait3A_225 : memref<64x128xf32, #tpu.memory_space<vmem>>) dst(%dma_wait3A_221 : memref<64x128xf32, #tpu.memory_space<hbm>>)
    %add3A_226 = arith.constant 192512 : i32
    %add3A_227 = arith.addi %add3A_226, %mul3A_2 : i32
    %add3A_228 = arith.constant 64 : i32
    %add3A_229 = arith.addi %add3A_227, %add3A_228 : i32
    %dma_wait3A_230 = arith.constant 5 : i32
    %dma_wait3A_231 = arith.constant 5 : i32
    %dma_wait3A_232 = arith.constant 0 : i32
    %dma_wait3A_233 = arith.constant 0 : i32
    %dma_wait3A_234 = tpu.memref_slice %arg6[%dma_wait3A_230, %dma_wait3A_232, %dma_wait3A_233] : memref<10x64x128xf32, #tpu.memory_space<vmem>> -> memref<1x64x128xf32, #tpu.memory_space<vmem>>
    %dma_wait3A_235 = tpu.memref_squeeze %dma_wait3A_234 : memref<1x64x128xf32, #tpu.memory_space<vmem>> -> memref<64x128xf32, #tpu.memory_space<vmem>>
    %dma_wait3A_236 = arith.constant 0 : i32
    %dma_wait3A_237 = tpu.memref_slice %arg4[%add3A_229, %dma_wait3A_236] : memref<204800x128xf32, #tpu.memory_space<hbm>> -> memref<64x128xf32, #tpu.memory_space<hbm>>
    %dma_wait3A_238 = tpu.memref_slice %arg8[%dma_wait3A_231] : memref<10x!tpu.dma_semaphore, #tpu.memory_space<semaphore_mem>> -> memref<1x!tpu.dma_semaphore, #tpu.memory_space<semaphore_mem>>
    %dma_wait3A_239 = tpu.memref_squeeze %dma_wait3A_238 : memref<1x!tpu.dma_semaphore, #tpu.memory_space<semaphore_mem>> -> memref<!tpu.dma_semaphore, #tpu.memory_space<semaphore_mem>>
    %dma_wait3A_240 = arith.constant 0 : i32
    %dma_wait3A_241 = tpu.memref_slice %arg4[%add3A_229, %dma_wait3A_240] : memref<204800x128xf32, #tpu.memory_space<hbm>> -> memref<64x128xf32, #tpu.memory_space<hbm>>
    %dma_wait3A_242 = arith.constant 0 : i32
    %dma_wait3A_243 = arith.constant 0 : i32
    %dma_wait3A_244 = tpu.memref_slice %arg6[%dma_wait3A_230, %dma_wait3A_242, %dma_wait3A_243] : memref<10x64x128xf32, #tpu.memory_space<vmem>> -> memref<1x64x128xf32, #tpu.memory_space<vmem>>
    %dma_wait3A_245 = tpu.memref_squeeze %dma_wait3A_244 : memref<1x64x128xf32, #tpu.memory_space<vmem>> -> memref<64x128xf32, #tpu.memory_space<vmem>>
    tpu.wait_dma2 semaphore(%dma_wait3A_239 : memref<!tpu.dma_semaphore, #tpu.memory_space<semaphore_mem>>) src(%dma_wait3A_245 : memref<64x128xf32, #tpu.memory_space<vmem>>) dst(%dma_wait3A_241 : memref<64x128xf32, #tpu.memory_space<hbm>>)
    %add3A_246 = arith.constant 196608 : i32
    %add3A_247 = arith.addi %add3A_246, %mul3A_2 : i32
    %add3A_248 = arith.constant 0 : i32
    %add3A_249 = arith.addi %add3A_247, %add3A_248 : i32
    %dma_wait3A_250 = arith.constant 6 : i32
    %dma_wait3A_251 = arith.constant 6 : i32
    %dma_wait3A_252 = arith.constant 0 : i32
    %dma_wait3A_253 = arith.constant 0 : i32
    %dma_wait3A_254 = tpu.memref_slice %arg6[%dma_wait3A_250, %dma_wait3A_252, %dma_wait3A_253] : memref<10x64x128xf32, #tpu.memory_space<vmem>> -> memref<1x64x128xf32, #tpu.memory_space<vmem>>
    %dma_wait3A_255 = tpu.memref_squeeze %dma_wait3A_254 : memref<1x64x128xf32, #tpu.memory_space<vmem>> -> memref<64x128xf32, #tpu.memory_space<vmem>>
    %dma_wait3A_256 = arith.constant 0 : i32
    %dma_wait3A_257 = tpu.memref_slice %arg4[%add3A_249, %dma_wait3A_256] : memref<204800x128xf32, #tpu.memory_space<hbm>> -> memref<64x128xf32, #tpu.memory_space<hbm>>
    %dma_wait3A_258 = tpu.memref_slice %arg8[%dma_wait3A_251] : memref<10x!tpu.dma_semaphore, #tpu.memory_space<semaphore_mem>> -> memref<1x!tpu.dma_semaphore, #tpu.memory_space<semaphore_mem>>
    %dma_wait3A_259 = tpu.memref_squeeze %dma_wait3A_258 : memref<1x!tpu.dma_semaphore, #tpu.memory_space<semaphore_mem>> -> memref<!tpu.dma_semaphore, #tpu.memory_space<semaphore_mem>>
    %dma_wait3A_260 = arith.constant 0 : i32
    %dma_wait3A_261 = tpu.memref_slice %arg4[%add3A_249, %dma_wait3A_260] : memref<204800x128xf32, #tpu.memory_space<hbm>> -> memref<64x128xf32, #tpu.memory_space<hbm>>
    %dma_wait3A_262 = arith.constant 0 : i32
    %dma_wait3A_263 = arith.constant 0 : i32
    %dma_wait3A_264 = tpu.memref_slice %arg6[%dma_wait3A_250, %dma_wait3A_262, %dma_wait3A_263] : memref<10x64x128xf32, #tpu.memory_space<vmem>> -> memref<1x64x128xf32, #tpu.memory_space<vmem>>
    %dma_wait3A_265 = tpu.memref_squeeze %dma_wait3A_264 : memref<1x64x128xf32, #tpu.memory_space<vmem>> -> memref<64x128xf32, #tpu.memory_space<vmem>>
    tpu.wait_dma2 semaphore(%dma_wait3A_259 : memref<!tpu.dma_semaphore, #tpu.memory_space<semaphore_mem>>) src(%dma_wait3A_265 : memref<64x128xf32, #tpu.memory_space<vmem>>) dst(%dma_wait3A_261 : memref<64x128xf32, #tpu.memory_space<hbm>>)
    %add3A_266 = arith.constant 196608 : i32
    %add3A_267 = arith.addi %add3A_266, %mul3A_2 : i32
    %add3A_268 = arith.constant 64 : i32
    %add3A_269 = arith.addi %add3A_267, %add3A_268 : i32
    %dma_wait3A_270 = arith.constant 7 : i32
    %dma_wait3A_271 = arith.constant 7 : i32
    %dma_wait3A_272 = arith.constant 0 : i32
    %dma_wait3A_273 = arith.constant 0 : i32
    %dma_wait3A_274 = tpu.memref_slice %arg6[%dma_wait3A_270, %dma_wait3A_272, %dma_wait3A_273] : memref<10x64x128xf32, #tpu.memory_space<vmem>> -> memref<1x64x128xf32, #tpu.memory_space<vmem>>
    %dma_wait3A_275 = tpu.memref_squeeze %dma_wait3A_274 : memref<1x64x128xf32, #tpu.memory_space<vmem>> -> memref<64x128xf32, #tpu.memory_space<vmem>>
    %dma_wait3A_276 = arith.constant 0 : i32
    %dma_wait3A_277 = tpu.memref_slice %arg4[%add3A_269, %dma_wait3A_276] : memref<204800x128xf32, #tpu.memory_space<hbm>> -> memref<64x128xf32, #tpu.memory_space<hbm>>
    %dma_wait3A_278 = tpu.memref_slice %arg8[%dma_wait3A_271] : memref<10x!tpu.dma_semaphore, #tpu.memory_space<semaphore_mem>> -> memref<1x!tpu.dma_semaphore, #tpu.memory_space<semaphore_mem>>
    %dma_wait3A_279 = tpu.memref_squeeze %dma_wait3A_278 : memref<1x!tpu.dma_semaphore, #tpu.memory_space<semaphore_mem>> -> memref<!tpu.dma_semaphore, #tpu.memory_space<semaphore_mem>>
    %dma_wait3A_280 = arith.constant 0 : i32
    %dma_wait3A_281 = tpu.memref_slice %arg4[%add3A_269, %dma_wait3A_280] : memref<204800x128xf32, #tpu.memory_space<hbm>> -> memref<64x128xf32, #tpu.memory_space<hbm>>
    %dma_wait3A_282 = arith.constant 0 : i32
    %dma_wait3A_283 = arith.constant 0 : i32
    %dma_wait3A_284 = tpu.memref_slice %arg6[%dma_wait3A_270, %dma_wait3A_282, %dma_wait3A_283] : memref<10x64x128xf32, #tpu.memory_space<vmem>> -> memref<1x64x128xf32, #tpu.memory_space<vmem>>
    %dma_wait3A_285 = tpu.memref_squeeze %dma_wait3A_284 : memref<1x64x128xf32, #tpu.memory_space<vmem>> -> memref<64x128xf32, #tpu.memory_space<vmem>>
    tpu.wait_dma2 semaphore(%dma_wait3A_279 : memref<!tpu.dma_semaphore, #tpu.memory_space<semaphore_mem>>) src(%dma_wait3A_285 : memref<64x128xf32, #tpu.memory_space<vmem>>) dst(%dma_wait3A_281 : memref<64x128xf32, #tpu.memory_space<hbm>>)
    %add3A_286 = arith.constant 200704 : i32
    %add3A_287 = arith.addi %add3A_286, %mul3A_2 : i32
    %add3A_288 = arith.constant 0 : i32
    %add3A_289 = arith.addi %add3A_287, %add3A_288 : i32
    %dma_wait3A_290 = arith.constant 8 : i32
    %dma_wait3A_291 = arith.constant 8 : i32
    %dma_wait3A_292 = arith.constant 0 : i32
    %dma_wait3A_293 = arith.constant 0 : i32
    %dma_wait3A_294 = tpu.memref_slice %arg6[%dma_wait3A_290, %dma_wait3A_292, %dma_wait3A_293] : memref<10x64x128xf32, #tpu.memory_space<vmem>> -> memref<1x64x128xf32, #tpu.memory_space<vmem>>
    %dma_wait3A_295 = tpu.memref_squeeze %dma_wait3A_294 : memref<1x64x128xf32, #tpu.memory_space<vmem>> -> memref<64x128xf32, #tpu.memory_space<vmem>>
    %dma_wait3A_296 = arith.constant 0 : i32
    %dma_wait3A_297 = tpu.memref_slice %arg4[%add3A_289, %dma_wait3A_296] : memref<204800x128xf32, #tpu.memory_space<hbm>> -> memref<64x128xf32, #tpu.memory_space<hbm>>
    %dma_wait3A_298 = tpu.memref_slice %arg8[%dma_wait3A_291] : memref<10x!tpu.dma_semaphore, #tpu.memory_space<semaphore_mem>> -> memref<1x!tpu.dma_semaphore, #tpu.memory_space<semaphore_mem>>
    %dma_wait3A_299 = tpu.memref_squeeze %dma_wait3A_298 : memref<1x!tpu.dma_semaphore, #tpu.memory_space<semaphore_mem>> -> memref<!tpu.dma_semaphore, #tpu.memory_space<semaphore_mem>>
    %dma_wait3A_300 = arith.constant 0 : i32
    %dma_wait3A_301 = tpu.memref_slice %arg4[%add3A_289, %dma_wait3A_300] : memref<204800x128xf32, #tpu.memory_space<hbm>> -> memref<64x128xf32, #tpu.memory_space<hbm>>
    %dma_wait3A_302 = arith.constant 0 : i32
    %dma_wait3A_303 = arith.constant 0 : i32
    %dma_wait3A_304 = tpu.memref_slice %arg6[%dma_wait3A_290, %dma_wait3A_302, %dma_wait3A_303] : memref<10x64x128xf32, #tpu.memory_space<vmem>> -> memref<1x64x128xf32, #tpu.memory_space<vmem>>
    %dma_wait3A_305 = tpu.memref_squeeze %dma_wait3A_304 : memref<1x64x128xf32, #tpu.memory_space<vmem>> -> memref<64x128xf32, #tpu.memory_space<vmem>>
    tpu.wait_dma2 semaphore(%dma_wait3A_299 : memref<!tpu.dma_semaphore, #tpu.memory_space<semaphore_mem>>) src(%dma_wait3A_305 : memref<64x128xf32, #tpu.memory_space<vmem>>) dst(%dma_wait3A_301 : memref<64x128xf32, #tpu.memory_space<hbm>>)
    %add3A_306 = arith.constant 200704 : i32
    %add3A_307 = arith.addi %add3A_306, %mul3A_2 : i32
    %add3A_308 = arith.constant 64 : i32
    %add3A_309 = arith.addi %add3A_307, %add3A_308 : i32
    %dma_wait3A_310 = arith.constant 9 : i32
    %dma_wait3A_311 = arith.constant 9 : i32
    %dma_wait3A_312 = arith.constant 0 : i32
    %dma_wait3A_313 = arith.constant 0 : i32
    %dma_wait3A_314 = tpu.memref_slice %arg6[%dma_wait3A_310, %dma_wait3A_312, %dma_wait3A_313] : memref<10x64x128xf32, #tpu.memory_space<vmem>> -> memref<1x64x128xf32, #tpu.memory_space<vmem>>
    %dma_wait3A_315 = tpu.memref_squeeze %dma_wait3A_314 : memref<1x64x128xf32, #tpu.memory_space<vmem>> -> memref<64x128xf32, #tpu.memory_space<vmem>>
    %dma_wait3A_316 = arith.constant 0 : i32
    %dma_wait3A_317 = tpu.memref_slice %arg4[%add3A_309, %dma_wait3A_316] : memref<204800x128xf32, #tpu.memory_space<hbm>> -> memref<64x128xf32, #tpu.memory_space<hbm>>
    %dma_wait3A_318 = tpu.memref_slice %arg8[%dma_wait3A_311] : memref<10x!tpu.dma_semaphore, #tpu.memory_space<semaphore_mem>> -> memref<1x!tpu.dma_semaphore, #tpu.memory_space<semaphore_mem>>
    %dma_wait3A_319 = tpu.memref_squeeze %dma_wait3A_318 : memref<1x!tpu.dma_semaphore, #tpu.memory_space<semaphore_mem>> -> memref<!tpu.dma_semaphore, #tpu.memory_space<semaphore_mem>>
    %dma_wait3A_320 = arith.constant 0 : i32
    %dma_wait3A_321 = tpu.memref_slice %arg4[%add3A_309, %dma_wait3A_320] : memref<204800x128xf32, #tpu.memory_space<hbm>> -> memref<64x128xf32, #tpu.memory_space<hbm>>
    %dma_wait3A_322 = arith.constant 0 : i32
    %dma_wait3A_323 = arith.constant 0 : i32
    %dma_wait3A_324 = tpu.memref_slice %arg6[%dma_wait3A_310, %dma_wait3A_322, %dma_wait3A_323] : memref<10x64x128xf32, #tpu.memory_space<vmem>> -> memref<1x64x128xf32, #tpu.memory_space<vmem>>
    %dma_wait3A_325 = tpu.memref_squeeze %dma_wait3A_324 : memref<1x64x128xf32, #tpu.memory_space<vmem>> -> memref<64x128xf32, #tpu.memory_space<vmem>>
    tpu.wait_dma2 semaphore(%dma_wait3A_319 : memref<!tpu.dma_semaphore, #tpu.memory_space<semaphore_mem>>) src(%dma_wait3A_325 : memref<64x128xf32, #tpu.memory_space<vmem>>) dst(%dma_wait3A_321 : memref<64x128xf32, #tpu.memory_space<hbm>>)
    return
  }
}

</mosaic_0001>

<sc_bundles>
// kernel: _emb_call.3.cloned.1.call-start
scs
__scs_entry_jumppad:
0x0: {  	(pc) =	sbr.rel $0x88, $3  }
0x1: {  	(tag) =	ssettag $0x0;
	lr =	simm.s32 $0x1  }
0x2: {  	[smem:$0x3F9F] =	sst lr;
	_ =	strace $0xD0000000  }
0x3: {  	_ = 	snop  }
0x4: {  	_ = 	snop  }
0x5: {  	_ = 	snop  }
0x6: {  	_ = 	snop  }
0x7: {  	_ = 	snop  }
__scs_overlays_trampoline_lowered:
0x8: {  	[smem:$0x3FAE] =	sst s0  }
0x9: {  	[smem:$0x3FAF] =	sst s1  }
0xa: {  	[smem:$0x3FB0] =	sst s2  }
0xb: {  	[smem:$0x3FB1] =	sst s3  }
0xc: {  	[smem:$0x3FB2] =	sst s4  }
0xd: {  	[smem:$0x3FB3] =	sst s5  }
0xe: {  	[smem:$0x3FB4] =	sst s6  }
0xf: {  	[smem:$0x3FB5] =	sst s7  }
0x10: {  	[smem:$0x3FB6] =	sst s8  }
0x11: {  	[smem:$0x3FB7] =	sst s9;
	s0 =	simm.s32 @!p0 $0x0  }
0x12: {  	s1 =	sld [smem:$0x3F9D];
	s0 =	simm.s32 @p0 $0x1  }
0x13: {  	[smem:$0x3FB8] =	sst s0;
	s0 =	simm.s32 @!p1 $0x0  }
0x14: {  	s2 =	sld [smem:$0x3F9C];
	s0 =	simm.s32 @p1 $0x1  }
0x15: {  	[smem:$0x3FB9] =	sst s0;
	s0 =	simm.s32 @!p2 $0x0  }
0x16: {  	s3 =	sld [smem:$0x3FDB];
	s0 =	simm.s32 @p2 $0x1  }
0x17: {  	s4 =	simm.s32 $0x1BF5;
	[smem:$0x3FBB] =	sst s0  }
0x18: {  	s0 =	sld [smem:$0x3F9E];
	_ =	swait.ge [sflag:s4], $0x0  }
0x19: {  	s7 =	sld [smem:$0x3F9F]  }
0x1a: {  	s8 =	sadd.s32 $0xFFFFE003, lr  }
0x1b: {  	s9 =	sadd.s32 $0xFFFFFEF7, lr;
	s5 =	simm.s32 $0xFFFFFFFF;
	p2 =	slt.u32 s8, $0xFFFFF086  }
0x1c: {  	p1 =	slt.u32 s9, $0xF7A;
	s5 =	simm.s32 @!p2 $0x0  }
0x1d: {  	s5 =	simm.s32 @p1 $0x1;
	p0 =	seq.s32 s7, s2  }
0x1e: {  	s7 =	smul.u32 @!p0 $0xF7A, s2;
	p2 =	seq.s32 @!p0 s5, $0x0  }
0x1f: {  	s9 =	smul.u32 $0xF7A, s1;
	s8 =	simm.s32 @!p0 $0x1BF5;
	p2 =	por !p2, p0  }
0x20: {  	[sflag:s8] =	ssyncset.s32 @!p0 $0xFFFFF086;
	s6 =	sadd.s32 @!p0 s3, s7;
	s7 =	simm.s32 @!p0 $0x108  }
0x21: {  	s3 =	sadd.s32 s3, s9;
	s6 =	sadd.s32 @!p0 $0x88, s6;
	s7 =	simm.s32 @p2 $0x1082  }
0x22: {  	[simem:s7], [sflag:s8] =	dma.local @!p0 [hbm:s6], $0xF7A  }
0x23: {  	s9 =	sor.u32 $0xD0000000, s2;
	s6 =	simm.s32 $0x108;
	_ =	swait.ge @!p0 [sflag:s8], $0x0  }
0x24: {  	s3 =	sadd.s32 $0x88, s3;
	s6 =	simm.s32 @!p1 $0x1082;
	[sflag:s4] =	ssyncset.s32 $0xFFFFF086  }
0x25: {  	[simem:s6], [sflag:s4] =	dma.local [hbm:s3], $0xF7A  }
0x26: {  	[smem:$0x3F9F] =	sst s1;
	(tag) =	ssettag s2;
	_ =	strace s9  }
0x27: {  	s1 =	sld [smem:$0x3FAF]  }
0x28: {  	s2 =	sld [smem:$0x3FB0]  }
0x29: {  	s4 =	sld [smem:$0x3FB2]  }
0x2a: {  	p0 =	seq.s32 s5, $0x0;
	s5 =	sld [smem:$0x3FB3]  }
0x2b: {  	s6 =	sld [smem:$0x3FB4]  }
0x2c: {  	s7 =	sld [smem:$0x3FB5]  }
0x2d: {  	s3 =	simm.s32 $0x108;
	s8 =	sld [smem:$0x3FB6]  }
0x2e: {  	s3 =	simm.s32 @!p0 $0x1082;
	s9 =	sld [smem:$0x3FB7]  }
0x2f: {  	lr =	sadd.s32 s0, s3;
	s0 =	sld [smem:$0x3FAE]  }
0x30: {  	s3 =	sld [smem:$0x3FB1]  }
0x31: {  	[smem:$0x3FBA] =	sst s10  }
0x32: {  	s10 =	sld [smem:$0x3FB8];
	_ =	sdelay $0x3  }
0x33: {  	p0 =	seq.s32 s10, $0x1;
	s10 =	sld [smem:$0x3FBA];
	_ =	sdelay $0x3  }
0x34: {  	[smem:$0x3FBA] =	sst s10  }
0x35: {  	s10 =	sld [smem:$0x3FB9];
	_ =	sdelay $0x3  }
0x36: {  	p1 =	seq.s32 s10, $0x1;
	s10 =	sld [smem:$0x3FBA];
	_ =	sdelay $0x3  }
0x37: {  	[smem:$0x3FBA] =	sst s10  }
0x38: {  	s10 =	sld [smem:$0x3FBB]  }
0x39: {  	_ = 	snop;
	(pc) =	sbr.ind lr, $3  }
0x3a: {  	_ = 	snop  }
0x3b: {  	_ = 	snop  }
0x3c: {  	p2 =	seq.s32 s10, $0x1;
	s10 =	sld [smem:$0x3FBA]  }
0x3d: {  	_ =	shalt  }
0x3e: {  	_ =	shalt  }
0x3f: {  	_ =	shalt  }
0x40: {  	_ =	shalt  }
0x41: {  	_ =	shalt  }
0x42: {  	_ =	shalt  }
0x43: {  	_ =	shalt  }
0x44: {  	_ =	shalt  }
0x45: {  	_ =	shalt  }
0x46: {  	_ =	shalt  }
0x47: {  	_ =	shalt  }
0x48: {  	_ =	shalt  }
0x49: {  	_ =	shalt  }
0x4a: {  	_ =	shalt  }
0x4b: {  	_ =	shalt  }
0x4c: {  	_ =	shalt  }
0x4d: {  	_ =	shalt  }
0x4e: {  	_ =	shalt  }
0x4f: {  	_ =	shalt  }
0x50: {  	_ =	shalt  }
0x51: {  	_ =	shalt  }
0x52: {  	_ =	shalt  }
0x53: {  	_ =	shalt  }
0x54: {  	_ =	shalt  }
0x55: {  	_ =	shalt  }
0x56: {  	_ =	shalt  }
0x57: {  	_ =	shalt  }
0x58: {  	_ =	shalt  }
0x59: {  	_ =	shalt  }
0x5a: {  	_ =	shalt  }
0x5b: {  	_ =	shalt  }
0x5c: {  	_ =	shalt  }
0x5d: {  	_ =	shalt  }
0x5e: {  	_ =	shalt  }
0x5f: {  	_ =	shalt  }
0x60: {  	_ =	shalt  }
0x61: {  	_ =	shalt  }
0x62: {  	_ =	shalt  }
0x63: {  	_ =	shalt  }
0x64: {  	_ =	shalt  }
0x65: {  	_ =	shalt  }
0x66: {  	_ =	shalt  }
0x67: {  	_ =	shalt  }
0x68: {  	_ =	shalt  }
0x69: {  	_ =	shalt  }
0x6a: {  	_ =	shalt  }
0x6b: {  	_ =	shalt  }
0x6c: {  	_ =	shalt  }
0x6d: {  	_ =	shalt  }
0x6e: {  	_ =	shalt  }
0x6f: {  	_ =	shalt  }
0x70: {  	_ =	shalt  }
0x71: {  	_ =	shalt  }
0x72: {  	_ =	shalt  }
0x73: {  	_ =	shalt  }
0x74: {  	_ =	shalt  }
0x75: {  	_ =	shalt  }
0x76: {  	_ =	shalt  }
0x77: {  	_ =	shalt  }
0x78: {  	_ =	shalt  }
0x79: {  	_ =	shalt  }
0x7a: {  	_ =	shalt  }
0x7b: {  	_ =	shalt  }
0x7c: {  	_ =	shalt  }
0x7d: {  	_ =	shalt  }
0x7e: {  	_ =	shalt  }
0x7f: {  	_ =	shalt  }
0x80: {  	_ =	shalt  }
0x81: {  	_ =	shalt  }
0x82: {  	_ =	shalt  }
0x83: {  	_ =	shalt  }
0x84: {  	_ =	shalt  }
0x85: {  	_ =	shalt  }
0x86: {  	_ =	shalt  }
0x87: {  	_ =	shalt  }
.Lfunc_end0:
.L_simem_size_0:
called_computation_lowered:
.L_overlay_start_0:
0x88: {  	s2 =	sld [smem:$0x3FD9]  }
0x89: {  	s3 =	sld [smem:$0x3FFE];
	_ =	sdelay $0x1  }
0x8a: {  	s1 =	srdreg.scid  }
0x8b: {  	s0 =	sand.u32 $0x1, s1  }
0x8c: {  	s18 =	sshll.u32 s0, $0xA;
	s2 =	sadd.s32 s3, s2  }
0x8d: {  	s2 =	sadd.s32 s2, s18  }
0x8e: {  	[smem:$0x3FC6] =	sst s2  }
0x8f: {  	_ = 	snop  }
0x90: {  	s2 =	sld [smem:$0x3FC9]  }
0x91: {  	s19 =	sld [smem:$0x3FC8]  }
0x92: {  	s4 =	sld [smem:$0x3FD0];
	(tm) =	ssettm $0x1  }
0x93: {  	s5 =	sld [smem:$0x3FFB];
	_ =	sdelay $0x3  }
0x94: {  	_ =	strace s5  }
0x95: {  	s5 =	sld [smem:$0x3FFC];
	_ =	sdelay $0x3  }
0x96: {  	_ =	strace s5  }
0x97: {  	s5 =	sld [smem:$0x3FFD];
	_ =	sdelay $0x3  }
0x98: {  	_ =	strace s5  }
0x99: {  	_ =	strace $0x8FFFFFFF  }
0x9a: {  	s20 =	sld [smem:$0x3FDB];
	_ =	sdelay $0x1  }
0x9b: {  	s6 =	simm.s32 $_scs_section_size  }
0x9c: {  	s7 =	simm.s32 $_size__tile_overlayer_lowered;
	s8 =	simm.s32 $_tile_overlayer_lowered  }
0x9d: {  	s23 =	simm.s32 $0x1BFF;
	s22 =	sshll.u32 s8, $0x1;
	s5 =	sadd.s32 s6, s20  }
0x9e: {  	s9 =	simm.s32 $0x0;
	s21 =	sshll.u32 s7, $0x1;
	s7 =	sadd.s32 s22, s5  }
0x9f: {  	[timem:s9], [sflag:s23] =	dma.local [hbm:s7], s21  }
0xa0: {  	_ =	swait.ge [sflag:s23], s21  }
0xa1: {  	s6 =	ssub.s32 $0x0, s21;
	[sflag:s23] =	ssyncset.done $0x0  }
0xa2: {  	[sflag:s23] =	ssyncadd.s32 s6;
	_ =	sdelay $0x1  }
0xa3: {  	s24 =	simm.s32 $0x1B8B  }
0xa4: {  	_ =	swait.ge [sflag:s24], $0x1  }
0xa5: {  	[sflag:s24] =	ssyncset.done $0x0  }
0xa6: {  	s25 =	simm.s32 $0x1B8E;
	[sflag:s24] =	ssyncadd.s32 $0xFFFFFFFF  }
0xa7: {  	s26 =	simm.s32 $execute0_lowered;
	[smem:$0x3FD2] =	sst s25  }
0xa8: {  	s6 =	sshll.u32 s26, $0x1;
	_ =	strace $0x80000046;
	[dreg:$0x1] =	wrdreg $0xFFFFFFFF  }
0xa9: {  	s28 =	simm.s32 $_size_execute0_lowered;
	s5 =	sadd.s32 s5, s6;
	[dreg:$0x0] =	wrdreg $0x0  }
0xaa: {  	s6 =	sshll.u32 s28, $0x1;
	[dreg:$0x2] =	wrdreg s5  }
0xab: {  	[dreg:$0x3] =	wrdreg s6  }
0xac: {  	[dreg:$0x4] =	wrdreg $0xC0  }
0xad: {  	_ =	task [dreg:s9], $0x5FFFF  }
0xae: {  	[dreg:$0x1] =	wrdreg $0xFFFFFFFF  }
0xaf: {  	[dreg:$0x0] =	wrdreg $0x60  }
0xb0: {  	[dreg:$0x2] =	wrdreg s2  }
0xb1: {  	[dreg:$0x3] =	wrdreg s19  }
0xb2: {  	[dreg:$0x4] =	wrdreg s4  }
0xb3: {  	[dreg:$0x5] =	wrdreg $0x9  }
0xb4: {  	_ =	task.clear_ibuf [dreg:s9], $0x6FFFF;
	_ =	strace $0x90000046  }
0xb5: {  	s29 =	simm.s32 $0x9;
	_ =	strace $0x80000048  }
0xb6: {  	_ =	swait.ge [sflag:s29], $0x1  }
0xb7: {  	[sflag:s29] =	ssyncadd.s32 $0xFFFFFFFF  }
0xb8: {  	_ =	strace $0x90000048  }
0xb9: {  	_ =	sfence  }
0xba: {  	s30 =	sld [smem:$0x0];
	_ =	sdelay $0x2  }
0xbb: {  	s31 =	sshll.u32 s1, $0xD;
	s1 =	sshrl.u32 s1, $0x2  }
0xbc: {  	s3 =	sand.u32 $0x4000, s31;
	s1 =	sadd.s32 s1, s30  }
0xbd: {  	s0 =	sor.u32 s3, s0;
	s1 =	sshll.u32 s1, $0x11  }
0xbe: {  	s0 =	sor.u32 s1, s0  }
0xbf: {  	s0 =	sadd.s32 $0x8F2B, s0  }
0xc0: {  	[sflag:s0] =	ssyncadd.remote.s32 $0x1  }
0xc1: {  	_ =	sfence.sel $0xFFFF  }
0xc2: {  	[dreg:$0x0] =	wrdreg $0xFFFFFFFF;
	(pc) =	sbr.abs _section_cstart, $3  }
0xc3: {  	[dreg:$0x1] =	wrdreg $0xFFFFFFFF  }
0xc4: {  	_ =	task.clear_ibuf [dreg:s9], $0x2FFFF;
	_ =	strace $0x9FFFFFFF  }
0xc5: {  	(tm) =	ssettm $0x7FFFFFFF  }
tec
execute0_lowered:
.L_overlay_start_1:
0x0: {  	(tag) =	ssettag $0x1  }
0x1: {  	s0 =	rddreg [dreg:$0x0]  }
0x2: {  	s2 =	rddreg [dreg:$0x1]  }
0x3: {  	s1 =	srdreg.scid;
	s3 =	rddreg [dreg:$0x2]  }
0x4: {  	s4 =	stileid.u32;
	s18 =	simm.s32 $0x40;
	s14 =	simm.s32 $0x1  }
0x5: {  	s15 =	simm.s32 $0x11C00;
	s16 =	simm.s32 $0x2;
	s21 =	simm.s32 $0x13C00  }
0x6: {  	s23 =	simm.s32 $0x3;
	s25 =	simm.s32 $0x4;
	s28 =	simm.s32 $0x5  }
0x7: {  	s30 =	simm.s32 $0x6;
	s13 =	simm.s32 $0x9;
	s19 =	simm.s32 $0x0  }
0x8: {  	s1 =	sand.u32 $0x1, s1;
	s5 =	sshll.u32 s4, $0x8;
	s4 =	simm.s32 $0x0  }
0x9: {  	s11 =	sadd.s32 $0x400, s3;
	s6 =	sshll.u32 s1, $0x7;
	s1 =	ssub.s32 $0x2, s1  }
0xa: {  	[smem:$0x7FF] =	sst s4;
	s5 =	sor.u32 s6, s5;
	s26 =	sshrl.u32 s1, $0x1  }
0xb: {  	_ =	strace $0x80000047;
	s6 =	simm.s32 $0xA;
	s7 =	sadd.s32 s0, s5  }
0xc: {  	s29 =	ssub.s32 s1, s26;
	s8 =	sor.u32 $0x1000, s5;
	s9 =	sor.u32 $0x2000, s5  }
0xd: {  	s10 =	sor.u32 $0x3000, s5;
	[dreg:$0x4] =	wrdreg s7;
	s31 =	sadd.s32 $0x6000, s7  }
0xe: {  	s12 =	sshll.u32 s5, $0x4;
	s0 =	smax.u32 s29, $0x1;
	[dreg:$0x5] =	wrdreg s31  }
0xf: {  	s7 =	simm.s32 $0x8;
	[dreg:$0x6] =	wrdreg s0;
	s0 =	simm.s32 $0x7  }
.LBB2_1:
0x10: {  	[dreg:$0x7] =	wrdreg s19  }
0x11: {  	s1 =	rddreg [dreg:$0x4];
	s17 =	simm.s32 $0x400;
	s26 =	simm.s32 $0x8000  }
0x12: {  	[tilespmem:s4], [sflag:$0x15] =	stream.strided.gather [hbm4b:s1+s17], $0x1800, s26, s17, $0x38;
	[tilespmem:$0x15C00] =	vst v63  }
0x13: {  	s29 =	rddreg [dreg:$0x5];
	s31 =	simm.s32 $0x1800;
	s19 =	simm.s32 $0x15  }
0x14: {  	[tilespmem:s31], [sflag:$0x15] =	stream.linear.gather [hbm4b:s29+s4], $0x100, $0x38;
	[tilespmem:$0x15C00] =	vst v63  }
0x15: {  	_ =	swait.ge [sflag:s19], $0x1900  }
0x16: {  	[sflag:s19] =	ssyncset.done $0x0  }
0x17: {  	s20 =	simm.s32 $0x1C00;
	[sflag:s19] =	ssyncadd.s32 $0xFFFFE700  }
0x18: {  	[tilespmem:s20], [sflag:$0x1] =	stream.indirect.gather [hbm4b:s2+s18], $0x80, s4, s18, $0xb8;
	[tilespmem:$0x15C00] =	vst v63  }
0x19: {  	s22 =	simm.s32 $0x3C00  }
0x1a: {  	[tilespmem:s22], [sflag:$0x2] =	stream.indirect.gather [hbm4b:s2+s18], $0x80, s18, s18, $0xb8;
	[tilespmem:$0x15C00] =	vst v63  }
0x1b: {  	s24 =	simm.s32 $0x80;
	s26 =	simm.s32 $0x5C00  }
0x1c: {  	[tilespmem:s26], [sflag:$0x3] =	stream.indirect.gather [hbm4b:s2+s18], $0x80, s24, s18, $0xb8;
	[tilespmem:$0x15C00] =	vst v63  }
0x1d: {  	s29 =	simm.s32 $0xC0;
	s31 =	simm.s32 $0x7C00  }
0x1e: {  	[tilespmem:s31], [sflag:$0x4] =	stream.indirect.gather [hbm4b:s2+s18], $0x80, s29, s18, $0xb8;
	[tilespmem:$0x15C00] =	vst v63  }
0x1f: {  	s17 =	simm.s32 $0x100;
	s19 =	simm.s32 $0x9C00  }
0x20: {  	[tilespmem:s19], [sflag:$0x5] =	stream.indirect.gather [hbm4b:s2+s18], $0x80, s17, s18, $0xb8;
	[tilespmem:$0x15C00] =	vst v63  }
0x21: {  	s20 =	simm.s32 $0x140;
	s22 =	simm.s32 $0xBC00  }
0x22: {  	[tilespmem:s22], [sflag:$0x6] =	stream.indirect.gather [hbm4b:s2+s18], $0x80, s20, s18, $0xb8;
	[tilespmem:$0x15C00] =	vst v63  }
0x23: {  	s24 =	simm.s32 $0x180;
	s26 =	simm.s32 $0xDC00  }
0x24: {  	[tilespmem:s26], [sflag:$0x7] =	stream.indirect.gather [hbm4b:s2+s18], $0x80, s24, s18, $0xb8;
	[tilespmem:$0x15C00] =	vst v63  }
0x25: {  	s29 =	simm.s32 $0x1C0;
	s31 =	simm.s32 $0xFC00;
	s17 =	simm.s32 $0x0  }
0x26: {  	[tilespmem:s31], [sflag:$0x8] =	stream.indirect.gather [hbm4b:s2+s18], $0x80, s29, s18, $0xb8;
	[tilespmem:$0x15C00] =	vst v63  }
.LBB2_2:
0x27: {  	_ =	swait.ge [sflag:s14], $0x2000  }
0x28: {  	[sflag:s14] =	ssyncset.done $0x0  }
0x29: {  	s19 =	simm.s32 $0x1C80;
	[sflag:s14] =	ssyncadd.s32 $0xFFFFE000  }
0x2a: {  	v0 =	vld [tilespmem:s19+$0xFFFFFF80]  }
0x2b: {  	v1 =	vld [tilespmem:s19+$0xFFFFFF90]  }
0x2c: {  	v2 =	vld [tilespmem:s19+$0xFFFFFFA0]  }
0x2d: {  	v3 =	vld [tilespmem:s19+$0xFFFFFFB0]  }
0x2e: {  	v4 =	vld [tilespmem:s19+$0xFFFFFFC0]  }
0x2f: {  	v5 =	vld [tilespmem:s19+$0xFFFFFFD0];
	v0 =	vmul.f32 $1.131370830e+01, v0  }
0x30: {  	v6 =	vld [tilespmem:s19+$0xFFFFFFE0];
	v1 =	vmul.f32 $1.131370830e+01, v1  }
0x31: {  	[tilespmem:s19+$0xFFFFFF80] =	vst v0;
	v0 =	vmul.f32 $1.131370830e+01, v2;
	v2 =	vld [tilespmem:s19+$0x0]  }
0x32: {  	[tilespmem:s19+$0xFFFFFF90] =	vst v1;
	v1 =	vmul.f32 $1.131370830e+01, v3;
	v3 =	vld [tilespmem:s19+$0x10]  }
0x33: {  	[tilespmem:s19+$0xFFFFFFA0] =	vst v0;
	v0 =	vmul.f32 $1.131370830e+01, v4;
	v4 =	vld [tilespmem:s19+$0x20]  }
0x34: {  	v7 =	vld [tilespmem:s19+$0x30];
	[tilespmem:s19+$0xFFFFFFB0] =	vst v1;
	v1 =	vmul.f32 $1.131370830e+01, v5  }
0x35: {  	v5 =	vmul.f32 $1.131370830e+01, v6;
	[tilespmem:s19+$0xFFFFFFC0] =	vst v0;
	v0 =	vld [tilespmem:s19+$0x40]  }
0x36: {  	[tilespmem:s19+$0xFFFFFFD0] =	vst v1;
	v1 =	vld [tilespmem:s19+$0x50];
	v2 =	vmul.f32 $1.131370830e+01, v2  }
0x37: {  	[tilespmem:s19+$0xFFFFFFE0] =	vst v5;
	v6 =	vmul.f32 $1.131370830e+01, v3;
	v3 =	vld [tilespmem:s19+$0x60]  }
0x38: {  	[tilespmem:s19+$0x0] =	vst v2;
	v5 =	vmul.f32 $1.131370830e+01, v4;
	v4 =	vld [tilespmem:s19+$0x70]  }
0x39: {  	s20 =	simm.s32 $0x0;
	s22 =	simm.s32 $0x1D80;
	v2 =	vld [tilespmem:s19+$0xFFFFFFF0];
	[tilespmem:s19+$0x10] =	vst v6;
	v6 =	vmul.f32 $1.131370830e+01, v7  }
.LBB2_3:
0x3a: {  	v7 =	vld [tilespmem:s22+$0xFFFFFF80];
	[tilespmem:s19+$0x20] =	vst v5;
	v0 =	vmul.f32 $1.131370830e+01, v0  }
0x3b: {  	v5 =	vld [tilespmem:s22+$0xFFFFFF90];
	[tilespmem:s19+$0x30] =	vst v6;
	v1 =	vmul.f32 $1.131370830e+01, v1  }
0x3c: {  	v6 =	vld [tilespmem:s22+$0xFFFFFFA0];
	[tilespmem:s19+$0x40] =	vst v0;
	v0 =	vmul.f32 $1.131370830e+01, v3  }
0x3d: {  	v3 =	vld [tilespmem:s22+$0xFFFFFFB0];
	[tilespmem:s19+$0x50] =	vst v1;
	v1 =	vmul.f32 $1.131370830e+01, v4  }
0x3e: {  	v4 =	vld [tilespmem:s22+$0xFFFFFFC0];
	v2 =	vmul.f32 $1.131370830e+01, v2;
	[tilespmem:s19+$0x60] =	vst v0  }
0x3f: {  	v0 =	vmul.f32 $1.131370830e+01, v7;
	v7 =	vld [tilespmem:s22+$0xFFFFFFD0];
	[tilespmem:s19+$0x70] =	vst v1  }
0x40: {  	v1 =	vmul.f32 $1.131370830e+01, v5;
	v5 =	vld [tilespmem:s22+$0xFFFFFFE0];
	[tilespmem:s19+$0xFFFFFFF0] =	vst v2;
	s19 =	smov.u32 s22  }
0x41: {  	[tilespmem:s22+$0xFFFFFF80] =	vst v0;
	v0 =	vmul.f32 $1.131370830e+01, v6;
	v2 =	vld [tilespmem:s22+$0x0]  }
0x42: {  	[tilespmem:s22+$0xFFFFFF90] =	vst v1;
	v1 =	vmul.f32 $1.131370830e+01, v3;
	v3 =	vld [tilespmem:s22+$0x10]  }
0x43: {  	s20 =	sadd.s32 $0x2, s20;
	[tilespmem:s22+$0xFFFFFFA0] =	vst v0;
	v0 =	vmul.f32 $1.131370830e+01, v4;
	v4 =	vld [tilespmem:s22+$0x20]  }
0x44: {  	p0 =	slt.u32 s20, $0x3E;
	[tilespmem:s22+$0xFFFFFFB0] =	vst v1;
	v1 =	vmul.f32 $1.131370830e+01, v7;
	v6 =	vld [tilespmem:s22+$0x30]  }
.Ltmp0:
0x45: {  	[tilespmem:s22+$0xFFFFFFC0] =	vst v0;
	v5 =	vmul.f32 $1.131370830e+01, v5;
	v0 =	vld [tilespmem:s22+$0x40];
	(pc) =	sbr.rel @p0 .LBB2_3-.Ltmp0, $4  }
0x46: {  	[tilespmem:s22+$0xFFFFFFD0] =	vst v1;
	v2 =	vmul.f32 $1.131370830e+01, v2;
	v1 =	vld [tilespmem:s22+$0x50]  }
0x47: {  	[tilespmem:s22+$0xFFFFFFE0] =	vst v5;
	v7 =	vmul.f32 $1.131370830e+01, v3;
	v3 =	vld [tilespmem:s22+$0x60]  }
0x48: {  	[tilespmem:s22+$0x0] =	vst v2;
	v5 =	vmul.f32 $1.131370830e+01, v4;
	v4 =	vld [tilespmem:s22+$0x70]  }
0x49: {  	s22 =	sadd.s32 $0x100, s22;
	v2 =	vld [tilespmem:s19+$0xFFFFFFF0];
	[tilespmem:s19+$0x10] =	vst v7;
	v6 =	vmul.f32 $1.131370830e+01, v6  }
0x4a: {  	[tilespmem:s19+$0x20] =	vst v5;
	v0 =	vmul.f32 $1.131370830e+01, v0  }
0x4b: {  	[tilespmem:s19+$0x30] =	vst v6;
	v1 =	vmul.f32 $1.131370830e+01, v1  }
0x4c: {  	[tilespmem:s19+$0x40] =	vst v0;
	v0 =	vmul.f32 $1.131370830e+01, v3  }
0x4d: {  	[tilespmem:s19+$0x50] =	vst v1;
	v1 =	vmul.f32 $1.131370830e+01, v4  }
0x4e: {  	v2 =	vmul.f32 $1.131370830e+01, v2;
	[tilespmem:s19+$0x60] =	vst v0  }
0x4f: {  	s20 =	smul.u32 $0x5, s17;
	p0 =	seq.s32 s17, $0x0;
	[tilespmem:s19+$0x70] =	vst v1  }
0x50: {  	s1 =	simm.s32 @!p0 $0x13;
	[tilespmem:s19+$0xFFFFFFF0] =	vst v2  }
0x51: {  	s19 =	sadd.s32 $0x4, s20;
	_ =	swait.ge @!p0 [sflag:s1], $0x2000  }
0x52: {  	s22 =	sshll.u32 s19, $0x7;
	[sflag:s1] =	ssyncset.done @!p0 $0x0  }
0x53: {  	s24 =	sand.u32 $0x3FFFFF80, s22;
	s22 =	smul.u32 $0x5000, s17;
	[sflag:s1] =	ssyncadd.s32 @!p0 $0xFFFFE000  }
0x54: {  	[tilespmem:s15], [sflag:$0x9] =	stream.indirect.gather [hbm4b:s2+s18], $0x80, s24, s18, $0xb8;
	[tilespmem:$0x15C00] =	vst v63  }
0x55: {  	s26 =	sor.u32 s5, s22  }
0x56: {  	s26 =	sshll.u32 s26, $0x4  }
0x57: {  	s29 =	simm.s32 $0x1C00;
	s1 =	sadd.s32 s3, s26  }
0x58: {  	[hbm4b:s1+s4] =	stream.linear.scatter [tilespmem:s29], [sflag:$0xB], $0x2000, $0x38;
	[tilespmem:$0x15C00] =	vst v63  }
0x59: {  	_ =	swait.ge [sflag:s16], $0x2000  }
0x5a: {  	[sflag:s16] =	ssyncset.done $0x0  }
0x5b: {  	s29 =	simm.s32 $0x3CF0;
	[sflag:s16] =	ssyncadd.s32 $0xFFFFE000  }
0x5c: {  	v0 =	vld [tilespmem:s29+$0xFFFFFF10]  }
0x5d: {  	v1 =	vld [tilespmem:s29+$0xFFFFFF20]  }
0x5e: {  	v2 =	vld [tilespmem:s29+$0xFFFFFF30]  }
0x5f: {  	v3 =	vld [tilespmem:s29+$0xFFFFFF40]  }
0x60: {  	v4 =	vld [tilespmem:s29+$0xFFFFFF50]  }
0x61: {  	v5 =	vld [tilespmem:s29+$0xFFFFFF60];
	v0 =	vmul.f32 $1.131370830e+01, v0  }
0x62: {  	v6 =	vld [tilespmem:s29+$0xFFFFFF70];
	v1 =	vmul.f32 $1.131370830e+01, v1  }
0x63: {  	[tilespmem:s29+$0xFFFFFF10] =	vst v0;
	v0 =	vmul.f32 $1.131370830e+01, v2;
	v2 =	vld [tilespmem:s29+$0xFFFFFF80]  }
0x64: {  	[tilespmem:s29+$0xFFFFFF20] =	vst v1;
	v1 =	vmul.f32 $1.131370830e+01, v3;
	v3 =	vld [tilespmem:s29+$0xFFFFFF90]  }
0x65: {  	[tilespmem:s29+$0xFFFFFF30] =	vst v0;
	v0 =	vmul.f32 $1.131370830e+01, v4;
	v4 =	vld [tilespmem:s29+$0xFFFFFFA0]  }
0x66: {  	v7 =	vld [tilespmem:s29+$0xFFFFFFB0];
	[tilespmem:s29+$0xFFFFFF40] =	vst v1;
	v1 =	vmul.f32 $1.131370830e+01, v5  }
0x67: {  	v5 =	vmul.f32 $1.131370830e+01, v6;
	[tilespmem:s29+$0xFFFFFF50] =	vst v0;
	v0 =	vld [tilespmem:s29+$0xFFFFFFC0]  }
0x68: {  	[tilespmem:s29+$0xFFFFFF60] =	vst v1;
	v1 =	vld [tilespmem:s29+$0xFFFFFFD0];
	v6 =	vmul.f32 $1.131370830e+01, v2  }
0x69: {  	[tilespmem:s29+$0xFFFFFF70] =	vst v5;
	v8 =	vmul.f32 $1.131370830e+01, v3;
	v2 =	vld [tilespmem:s29+$0xFFFFFFE0]  }
0x6a: {  	v3 =	vld [tilespmem:s29+$0x0];
	[tilespmem:s29+$0xFFFFFF80] =	vst v6;
	v5 =	vmul.f32 $1.131370830e+01, v4  }
0x6b: {  	s31 =	simm.s32 $0x0;
	s1 =	simm.s32 $0x3DF0;
	[tilespmem:s29+$0xFFFFFF90] =	vst v8;
	v6 =	vmul.f32 $1.131370830e+01, v7;
	v4 =	vld [tilespmem:s29+$0xFFFFFFF0]  }
.LBB2_5:
0x6c: {  	v7 =	vld [tilespmem:s1+$0xFFFFFF10];
	[tilespmem:s29+$0xFFFFFFA0] =	vst v5;
	v0 =	vmul.f32 $1.131370830e+01, v0  }
0x6d: {  	v5 =	vld [tilespmem:s1+$0xFFFFFF20];
	[tilespmem:s29+$0xFFFFFFB0] =	vst v6;
	v1 =	vmul.f32 $1.131370830e+01, v1  }
0x6e: {  	v6 =	vld [tilespmem:s1+$0xFFFFFF30];
	[tilespmem:s29+$0xFFFFFFC0] =	vst v0;
	v0 =	vmul.f32 $1.131370830e+01, v2  }
0x6f: {  	v2 =	vld [tilespmem:s1+$0xFFFFFF40];
	[tilespmem:s29+$0xFFFFFFD0] =	vst v1;
	v1 =	vmul.f32 $1.131370830e+01, v3  }
0x70: {  	v3 =	vld [tilespmem:s1+$0xFFFFFF50];
	[tilespmem:s29+$0xFFFFFFE0] =	vst v0;
	v0 =	vmul.f32 $1.131370830e+01, v4  }
0x71: {  	v4 =	vmul.f32 $1.131370830e+01, v7;
	v7 =	vld [tilespmem:s1+$0xFFFFFF60];
	[tilespmem:s29+$0x0] =	vst v1  }
0x72: {  	v1 =	vmul.f32 $1.131370830e+01, v5;
	v5 =	vld [tilespmem:s1+$0xFFFFFF70];
	[tilespmem:s29+$0xFFFFFFF0] =	vst v0;
	s29 =	smov.u32 s1  }
0x73: {  	[tilespmem:s1+$0xFFFFFF10] =	vst v4;
	v0 =	vmul.f32 $1.131370830e+01, v6;
	v4 =	vld [tilespmem:s1+$0xFFFFFF80]  }
0x74: {  	[tilespmem:s1+$0xFFFFFF20] =	vst v1;
	v1 =	vmul.f32 $1.131370830e+01, v2;
	v2 =	vld [tilespmem:s1+$0xFFFFFF90]  }
0x75: {  	s31 =	sadd.s32 $0x2, s31;
	[tilespmem:s1+$0xFFFFFF30] =	vst v0;
	v0 =	vmul.f32 $1.131370830e+01, v3;
	v3 =	vld [tilespmem:s1+$0xFFFFFFA0]  }
0x76: {  	p1 =	slt.u32 s31, $0x3E;
	[tilespmem:s1+$0xFFFFFF40] =	vst v1;
	v1 =	vmul.f32 $1.131370830e+01, v7;
	v6 =	vld [tilespmem:s1+$0xFFFFFFB0]  }
.Ltmp1:
0x77: {  	[tilespmem:s1+$0xFFFFFF50] =	vst v0;
	v5 =	vmul.f32 $1.131370830e+01, v5;
	v0 =	vld [tilespmem:s1+$0xFFFFFFC0];
	(pc) =	sbr.rel @p1 .LBB2_5-.Ltmp1, $4  }
0x78: {  	[tilespmem:s1+$0xFFFFFF60] =	vst v1;
	v4 =	vmul.f32 $1.131370830e+01, v4;
	v1 =	vld [tilespmem:s1+$0xFFFFFFD0]  }
0x79: {  	[tilespmem:s1+$0xFFFFFF70] =	vst v5;
	v7 =	vmul.f32 $1.131370830e+01, v2;
	v2 =	vld [tilespmem:s1+$0xFFFFFFE0]  }
0x7a: {  	[tilespmem:s1+$0xFFFFFF80] =	vst v4;
	v5 =	vmul.f32 $1.131370830e+01, v3;
	v3 =	vld [tilespmem:s1+$0x0]  }
0x7b: {  	s1 =	sadd.s32 $0x100, s1;
	[tilespmem:s29+$0xFFFFFF90] =	vst v7;
	v6 =	vmul.f32 $1.131370830e+01, v6;
	v4 =	vld [tilespmem:s29+$0xFFFFFFF0]  }
0x7c: {  	[tilespmem:s29+$0xFFFFFFA0] =	vst v5;
	v0 =	vmul.f32 $1.131370830e+01, v0  }
0x7d: {  	[tilespmem:s29+$0xFFFFFFB0] =	vst v6;
	v1 =	vmul.f32 $1.131370830e+01, v1  }
0x7e: {  	[tilespmem:s29+$0xFFFFFFC0] =	vst v0;
	v0 =	vmul.f32 $1.131370830e+01, v2  }
0x7f: {  	[tilespmem:s29+$0xFFFFFFD0] =	vst v1;
	v1 =	vmul.f32 $1.131370830e+01, v3  }
0x80: {  	[tilespmem:s29+$0xFFFFFFE0] =	vst v0;
	v0 =	vmul.f32 $1.131370830e+01, v4  }
0x81: {  	[tilespmem:s29+$0x0] =	vst v1  }
0x82: {  	s1 =	simm.s32 @!p0 $0x14;
	[tilespmem:s29+$0xFFFFFFF0] =	vst v0  }
0x83: {  	_ =	swait.ge @!p0 [sflag:s1], $0x2000  }
0x84: {  	[sflag:s1] =	ssyncset.done @!p0 $0x0  }
0x85: {  	s24 =	sadd.s32 $0x40, s24;
	[sflag:s1] =	ssyncadd.s32 @!p0 $0xFFFFE000  }
0x86: {  	[tilespmem:s21], [sflag:$0xA] =	stream.indirect.gather [hbm4b:s2+s18], $0x80, s24, s18, $0xb8;
	[tilespmem:$0x15C00] =	vst v63  }
0x87: {  	s31 =	simm.s32 $0x3C00;
	s29 =	sadd.s32 s26, s11  }
0x88: {  	[hbm4b:s29+s4] =	stream.linear.scatter [tilespmem:s31], [sflag:$0xC], $0x2000, $0x38;
	[tilespmem:$0x15C00] =	vst v63  }
0x89: {  	_ =	swait.ge [sflag:s23], $0x2000  }
0x8a: {  	[sflag:s23] =	ssyncset.done $0x0  }
0x8b: {  	s24 =	simm.s32 $0x5C00;
	[sflag:s23] =	ssyncadd.s32 $0xFFFFE000  }
0x8c: {  	v1 =	vld [tilespmem:s24+$0xA0]  }
0x8d: {  	v2 =	vld [tilespmem:s24+$0x40]  }
0x8e: {  	v3 =	vld [tilespmem:s24+$0xE0]  }
0x8f: {  	v4 =	vld [tilespmem:s24+$0xD0]  }
0x90: {  	v5 =	vld [tilespmem:s24+$0x20]  }
0x91: {  	v0 =	vld [tilespmem:s24+$0x90]  }
0x92: {  	v8 =	vld [tilespmem:s24+$0xC0]  }
0x93: {  	v7 =	vld [tilespmem:s24+$0x10]  }
0x94: {  	v9 =	vld [tilespmem:s24+$0x0];
	v1 =	vmul.f32 $1.131370830e+01, v1  }
0x95: {  	v11 =	vld [tilespmem:s24+$0x50];
	v4 =	vmul.f32 $1.131370830e+01, v4  }
0x96: {  	v10 =	vld [tilespmem:s24+$0xB0];
	v12 =	vmul.f32 $1.131370830e+01, v5;
	[tilespmem:s24+$0xA0] =	vst v1  }
0x97: {  	v6 =	vld [tilespmem:s24+$0xF0];
	v13 =	vmul.f32 $1.131370830e+01, v8;
	[tilespmem:s24+$0xD0] =	vst v4  }
0x98: {  	v1 =	vmul.f32 $1.131370830e+01, v2;
	v2 =	vmul.f32 $1.131370830e+01, v3;
	v3 =	vld [tilespmem:s24+$0x80];
	[tilespmem:s24+$0x20] =	vst v12  }
0x99: {  	v4 =	vld [tilespmem:s24+$0x70];
	[tilespmem:s24+$0xC0] =	vst v13  }
0x9a: {  	v8 =	vmul.f32 $1.131370830e+01, v9;
	v5 =	vld [tilespmem:s24+$0x60];
	v9 =	vmul.f32 $1.131370830e+01, v11;
	[tilespmem:s24+$0x40] =	vst v1  }
0x9b: {  	s26 =	simm.s32 $0x0;
	s1 =	simm.s32 $0x5D00;
	[tilespmem:s24+$0xE0] =	vst v2;
	v1 =	vmul.f32 $1.131370830e+01, v7;
	v7 =	vld [tilespmem:s24+$0x30];
	v2 =	vmul.f32 $1.131370830e+01, v10  }
.LBB2_7:
0x9c: {  	v10 =	vld [tilespmem:s1+$0xA0];
	s26 =	sadd.s32 $0x2, s26;
	[tilespmem:s24+$0x0] =	vst v8;
	v0 =	vmul.f32 $1.131370830e+01, v0;
	v6 =	vmul.f32 $1.131370830e+01, v6  }
0x9d: {  	v8 =	vld [tilespmem:s1+$0x40];
	p0 =	slt.u32 s26, $0x3E;
	[tilespmem:s24+$0x50] =	vst v9;
	v3 =	vmul.f32 $1.131370830e+01, v3  }
0x9e: {  	v9 =	vld [tilespmem:s1+$0xE0];
	v4 =	vmul.f32 $1.131370830e+01, v4;
	[tilespmem:s24+$0xF0] =	vst v6  }
0x9f: {  	v11 =	vld [tilespmem:s1+$0x20];
	v5 =	vmul.f32 $1.131370830e+01, v5;
	[tilespmem:s24+$0x80] =	vst v3  }
0xa0: {  	v3 =	vld [tilespmem:s1+$0xD0];
	v6 =	vmul.f32 $1.131370830e+01, v7;
	[tilespmem:s24+$0x90] =	vst v0  }
0xa1: {  	v0 =	vld [tilespmem:s1+$0x90];
	v7 =	vmul.f32 $1.131370830e+01, v10;
	[tilespmem:s24+$0x10] =	vst v1  }
0xa2: {  	v1 =	vld [tilespmem:s1+$0x10];
	[tilespmem:s24+$0x30] =	vst v6  }
0xa3: {  	v10 =	vld [tilespmem:s1+$0xC0];
	v9 =	vmul.f32 $1.131370830e+01, v9;
	[tilespmem:s24+$0xB0] =	vst v2  }
0xa4: {  	v2 =	vld [tilespmem:s1+$0x0];
	[tilespmem:s24+$0x70] =	vst v4  }
0xa5: {  	v12 =	vld [tilespmem:s1+$0xB0];
	v3 =	vmul.f32 $1.131370830e+01, v3;
	[tilespmem:s24+$0x60] =	vst v5;
	s24 =	smov.u32 s1  }
0xa6: {  	v13 =	vld [tilespmem:s1+$0x50];
	[tilespmem:s1+$0xA0] =	vst v7  }
.Ltmp2:
0xa7: {  	v4 =	vmul.f32 $1.131370830e+01, v8;
	[tilespmem:s1+$0xD0] =	vst v3;
	v6 =	vld [tilespmem:s1+$0xF0];
	(pc) =	sbr.rel @p0 .LBB2_7-.Ltmp2, $4  }
0xa8: {  	v3 =	vld [tilespmem:s1+$0x80];
	v7 =	vmul.f32 $1.131370830e+01, v10;
	[tilespmem:s1+$0xE0] =	vst v9  }
0xa9: {  	v9 =	vmul.f32 $1.131370830e+01, v11;
	[tilespmem:s1+$0x40] =	vst v4;
	v4 =	vld [tilespmem:s1+$0x70]  }
0xaa: {  	v1 =	vmul.f32 $1.131370830e+01, v1;
	v8 =	vmul.f32 $1.131370830e+01, v2;
	v5 =	vld [tilespmem:s1+$0x60];
	[tilespmem:s1+$0xC0] =	vst v7  }
0xab: {  	v2 =	vmul.f32 $1.131370830e+01, v12;
	s1 =	sadd.s32 $0x100, s1;
	[tilespmem:s24+$0x20] =	vst v9;
	v7 =	vld [tilespmem:s24+$0x30];
	v9 =	vmul.f32 $1.131370830e+01, v13  }
0xac: {  	[tilespmem:s24+$0x0] =	vst v8  }
0xad: {  	[tilespmem:s24+$0x10] =	vst v1  }
0xae: {  	v6 =	vmul.f32 $1.131370830e+01, v6;
	[tilespmem:s24+$0x50] =	vst v9  }
0xaf: {  	v0 =	vmul.f32 $1.131370830e+01, v0;
	[tilespmem:s24+$0xB0] =	vst v2  }
0xb0: {  	v3 =	vmul.f32 $1.131370830e+01, v3;
	[tilespmem:s24+$0xF0] =	vst v6  }
0xb1: {  	[tilespmem:s24+$0x90] =	vst v0;
	v0 =	vmul.f32 $1.131370830e+01, v4  }
0xb2: {  	[tilespmem:s24+$0x80] =	vst v3;
	v1 =	vmul.f32 $1.131370830e+01, v5  }
0xb3: {  	v3 =	vmul.f32 $1.131370830e+01, v7;
	[tilespmem:s24+$0x70] =	vst v0  }
0xb4: {  	p0 =	seq.s32 s17, $0x9;
	[tilespmem:s24+$0x60] =	vst v1  }
0xb5: {  	s1 =	simm.s32 @!p0 $0xB;
	[tilespmem:s24+$0x30] =	vst v3  }
0xb6: {  	_ =	swait.ge @!p0 [sflag:s1], $0x2000  }
0xb7: {  	s24 =	sadd.s32 $0x5, s20;
	[sflag:s1] =	ssyncset.done @!p0 $0x0  }
0xb8: {  	[sflag:s1] =	ssyncadd.s32 @!p0 $0xFFFFE000;
	s1 =	sshll.u32 @!p0 s24, $0x7  }
0xb9: {  	s26 =	simm.s32 @!p0 $0x1C00;
	s24 =	sand.u32 @!p0 $0x3FFFFF80, s1;
	s1 =	simm.s32 @!p0 $0x40  }
0xba: {  	[tilespmem:s26], [sflag:$0x1] =	stream.indirect.gather @!p0 [hbm4b:s2+s1], $0x80, s24, s1, $0xb8;
	[tilespmem:$0x15C00] =	vst v63  }
0xbb: {  	s26 =	sadd.s32 s8, s22  }
0xbc: {  	s26 =	sshll.u32 s26, $0x4  }
0xbd: {  	s29 =	simm.s32 $0x5C00;
	s1 =	sadd.s32 s3, s26  }
0xbe: {  	[hbm4b:s1+s4] =	stream.linear.scatter [tilespmem:s29], [sflag:$0xD], $0x2000, $0x38;
	[tilespmem:$0x15C00] =	vst v63  }
0xbf: {  	_ =	swait.ge [sflag:s25], $0x2000  }
0xc0: {  	[sflag:s25] =	ssyncset.done $0x0  }
0xc1: {  	s29 =	simm.s32 $0x7C00;
	[sflag:s25] =	ssyncadd.s32 $0xFFFFE000  }
0xc2: {  	v1 =	vld [tilespmem:s29+$0xA0]  }
0xc3: {  	v2 =	vld [tilespmem:s29+$0x40]  }
0xc4: {  	v3 =	vld [tilespmem:s29+$0xE0]  }
0xc5: {  	v4 =	vld [tilespmem:s29+$0xD0]  }
0xc6: {  	v5 =	vld [tilespmem:s29+$0x20]  }
0xc7: {  	v0 =	vld [tilespmem:s29+$0x90]  }
0xc8: {  	v8 =	vld [tilespmem:s29+$0xC0]  }
0xc9: {  	v7 =	vld [tilespmem:s29+$0x10]  }
0xca: {  	v9 =	vld [tilespmem:s29+$0x0];
	v1 =	vmul.f32 $1.131370830e+01, v1  }
0xcb: {  	v11 =	vld [tilespmem:s29+$0x50];
	v4 =	vmul.f32 $1.131370830e+01, v4  }
0xcc: {  	v10 =	vld [tilespmem:s29+$0xB0];
	v12 =	vmul.f32 $1.131370830e+01, v5;
	[tilespmem:s29+$0xA0] =	vst v1  }
0xcd: {  	v6 =	vld [tilespmem:s29+$0xF0];
	v13 =	vmul.f32 $1.131370830e+01, v8;
	[tilespmem:s29+$0xD0] =	vst v4  }
0xce: {  	v1 =	vmul.f32 $1.131370830e+01, v2;
	v2 =	vmul.f32 $1.131370830e+01, v3;
	v3 =	vld [tilespmem:s29+$0x80];
	[tilespmem:s29+$0x20] =	vst v12  }
0xcf: {  	v4 =	vld [tilespmem:s29+$0x70];
	[tilespmem:s29+$0xC0] =	vst v13  }
0xd0: {  	v8 =	vmul.f32 $1.131370830e+01, v9;
	v5 =	vld [tilespmem:s29+$0x60];
	v9 =	vmul.f32 $1.131370830e+01, v11;
	[tilespmem:s29+$0x40] =	vst v1  }
0xd1: {  	s31 =	simm.s32 $0x0;
	s1 =	simm.s32 $0x7D00;
	[tilespmem:s29+$0xE0] =	vst v2;
	v1 =	vmul.f32 $1.131370830e+01, v7;
	v7 =	vld [tilespmem:s29+$0x30];
	v2 =	vmul.f32 $1.131370830e+01, v10  }
.LBB2_9:
0xd2: {  	v10 =	vld [tilespmem:s1+$0xA0];
	s31 =	sadd.s32 $0x2, s31;
	[tilespmem:s29+$0x0] =	vst v8;
	v0 =	vmul.f32 $1.131370830e+01, v0;
	v6 =	vmul.f32 $1.131370830e+01, v6  }
0xd3: {  	v8 =	vld [tilespmem:s1+$0x40];
	p1 =	slt.u32 s31, $0x3E;
	[tilespmem:s29+$0x50] =	vst v9;
	v3 =	vmul.f32 $1.131370830e+01, v3  }
0xd4: {  	v9 =	vld [tilespmem:s1+$0xE0];
	v4 =	vmul.f32 $1.131370830e+01, v4;
	[tilespmem:s29+$0xF0] =	vst v6  }
0xd5: {  	v11 =	vld [tilespmem:s1+$0x20];
	v5 =	vmul.f32 $1.131370830e+01, v5;
	[tilespmem:s29+$0x80] =	vst v3  }
0xd6: {  	v3 =	vld [tilespmem:s1+$0xD0];
	v6 =	vmul.f32 $1.131370830e+01, v7;
	[tilespmem:s29+$0x90] =	vst v0  }
0xd7: {  	v0 =	vld [tilespmem:s1+$0x90];
	v7 =	vmul.f32 $1.131370830e+01, v10;
	[tilespmem:s29+$0x10] =	vst v1  }
0xd8: {  	v1 =	vld [tilespmem:s1+$0x10];
	[tilespmem:s29+$0x30] =	vst v6  }
0xd9: {  	v10 =	vld [tilespmem:s1+$0xC0];
	v9 =	vmul.f32 $1.131370830e+01, v9;
	[tilespmem:s29+$0xB0] =	vst v2  }
0xda: {  	v2 =	vld [tilespmem:s1+$0x0];
	[tilespmem:s29+$0x70] =	vst v4  }
0xdb: {  	v12 =	vld [tilespmem:s1+$0xB0];
	v3 =	vmul.f32 $1.131370830e+01, v3;
	[tilespmem:s29+$0x60] =	vst v5;
	s29 =	smov.u32 s1  }
0xdc: {  	v13 =	vld [tilespmem:s1+$0x50];
	[tilespmem:s1+$0xA0] =	vst v7  }
.Ltmp3:
0xdd: {  	v4 =	vmul.f32 $1.131370830e+01, v8;
	[tilespmem:s1+$0xD0] =	vst v3;
	v6 =	vld [tilespmem:s1+$0xF0];
	(pc) =	sbr.rel @p1 .LBB2_9-.Ltmp3, $4  }
0xde: {  	v3 =	vld [tilespmem:s1+$0x80];
	v7 =	vmul.f32 $1.131370830e+01, v10;
	[tilespmem:s1+$0xE0] =	vst v9  }
0xdf: {  	v9 =	vmul.f32 $1.131370830e+01, v11;
	[tilespmem:s1+$0x40] =	vst v4;
	v4 =	vld [tilespmem:s1+$0x70]  }
0xe0: {  	v1 =	vmul.f32 $1.131370830e+01, v1;
	v8 =	vmul.f32 $1.131370830e+01, v2;
	v5 =	vld [tilespmem:s1+$0x60];
	[tilespmem:s1+$0xC0] =	vst v7  }
0xe1: {  	v2 =	vmul.f32 $1.131370830e+01, v12;
	s1 =	sadd.s32 $0x100, s1;
	[tilespmem:s29+$0x20] =	vst v9;
	v7 =	vld [tilespmem:s29+$0x30];
	v9 =	vmul.f32 $1.131370830e+01, v13  }
0xe2: {  	[tilespmem:s29+$0x0] =	vst v8  }
0xe3: {  	[tilespmem:s29+$0x10] =	vst v1  }
0xe4: {  	v6 =	vmul.f32 $1.131370830e+01, v6;
	[tilespmem:s29+$0x50] =	vst v9  }
0xe5: {  	v0 =	vmul.f32 $1.131370830e+01, v0;
	[tilespmem:s29+$0xB0] =	vst v2  }
0xe6: {  	v3 =	vmul.f32 $1.131370830e+01, v3;
	[tilespmem:s29+$0xF0] =	vst v6  }
0xe7: {  	[tilespmem:s29+$0x90] =	vst v0;
	v0 =	vmul.f32 $1.131370830e+01, v4  }
0xe8: {  	[tilespmem:s29+$0x80] =	vst v3;
	v1 =	vmul.f32 $1.131370830e+01, v5  }
0xe9: {  	v3 =	vmul.f32 $1.131370830e+01, v7;
	[tilespmem:s29+$0x70] =	vst v0  }
0xea: {  	[tilespmem:s29+$0x60] =	vst v1  }
0xeb: {  	s1 =	simm.s32 @!p0 $0xC;
	[tilespmem:s29+$0x30] =	vst v3  }
0xec: {  	_ =	swait.ge @!p0 [sflag:s1], $0x2000  }
0xed: {  	s29 =	simm.s32 @!p0 $0x3C00;
	[sflag:s1] =	ssyncset.done @!p0 $0x0  }
0xee: {  	[sflag:s1] =	ssyncadd.s32 @!p0 $0xFFFFE000;
	s1 =	sor.u32 @!p0 $0x40, s24;
	s24 =	simm.s32 @!p0 $0x40  }
0xef: {  	[tilespmem:s29], [sflag:$0x2] =	stream.indirect.gather @!p0 [hbm4b:s2+s24], $0x80, s1, s24, $0xb8;
	[tilespmem:$0x15C00] =	vst v63  }
0xf0: {  	s31 =	simm.s32 $0x7C00;
	s29 =	sadd.s32 s26, s11  }
0xf1: {  	[hbm4b:s29+s4] =	stream.linear.scatter [tilespmem:s31], [sflag:$0xE], $0x2000, $0x38;
	[tilespmem:$0x15C00] =	vst v63  }
0xf2: {  	_ =	swait.ge [sflag:s28], $0x2000  }
0xf3: {  	[sflag:s28] =	ssyncset.done $0x0  }
0xf4: {  	s24 =	simm.s32 $0x9C00;
	[sflag:s28] =	ssyncadd.s32 $0xFFFFE000  }
0xf5: {  	v1 =	vld [tilespmem:s24+$0xA0]  }
0xf6: {  	v2 =	vld [tilespmem:s24+$0x40]  }
0xf7: {  	v3 =	vld [tilespmem:s24+$0xE0]  }
0xf8: {  	v4 =	vld [tilespmem:s24+$0xD0]  }
0xf9: {  	v5 =	vld [tilespmem:s24+$0x20]  }
0xfa: {  	v0 =	vld [tilespmem:s24+$0x90]  }
0xfb: {  	v8 =	vld [tilespmem:s24+$0xC0]  }
0xfc: {  	v7 =	vld [tilespmem:s24+$0x10]  }
0xfd: {  	v9 =	vld [tilespmem:s24+$0x0];
	v1 =	vmul.f32 $1.131370830e+01, v1  }
0xfe: {  	v11 =	vld [tilespmem:s24+$0x50];
	v4 =	vmul.f32 $1.131370830e+01, v4  }
0xff: {  	v10 =	vld [tilespmem:s24+$0xB0];
	v12 =	vmul.f32 $1.131370830e+01, v5;
	[tilespmem:s24+$0xA0] =	vst v1  }
0x100: {  	v6 =	vld [tilespmem:s24+$0xF0];
	v13 =	vmul.f32 $1.131370830e+01, v8;
	[tilespmem:s24+$0xD0] =	vst v4  }
0x101: {  	v1 =	vmul.f32 $1.131370830e+01, v2;
	v2 =	vmul.f32 $1.131370830e+01, v3;
	v3 =	vld [tilespmem:s24+$0x80];
	[tilespmem:s24+$0x20] =	vst v12  }
0x102: {  	v4 =	vld [tilespmem:s24+$0x70];
	[tilespmem:s24+$0xC0] =	vst v13  }
0x103: {  	v8 =	vmul.f32 $1.131370830e+01, v9;
	v5 =	vld [tilespmem:s24+$0x60];
	v9 =	vmul.f32 $1.131370830e+01, v11;
	[tilespmem:s24+$0x40] =	vst v1  }
0x104: {  	s26 =	simm.s32 $0x0;
	s1 =	simm.s32 $0x9D00;
	[tilespmem:s24+$0xE0] =	vst v2;
	v1 =	vmul.f32 $1.131370830e+01, v7;
	v7 =	vld [tilespmem:s24+$0x30];
	v2 =	vmul.f32 $1.131370830e+01, v10  }
.LBB2_11:
0x105: {  	v10 =	vld [tilespmem:s1+$0xA0];
	s26 =	sadd.s32 $0x2, s26;
	[tilespmem:s24+$0x0] =	vst v8;
	v0 =	vmul.f32 $1.131370830e+01, v0;
	v6 =	vmul.f32 $1.131370830e+01, v6  }
0x106: {  	v8 =	vld [tilespmem:s1+$0x40];
	p1 =	slt.u32 s26, $0x3E;
	[tilespmem:s24+$0x50] =	vst v9;
	v3 =	vmul.f32 $1.131370830e+01, v3  }
0x107: {  	v9 =	vld [tilespmem:s1+$0xE0];
	v4 =	vmul.f32 $1.131370830e+01, v4;
	[tilespmem:s24+$0xF0] =	vst v6  }
0x108: {  	v11 =	vld [tilespmem:s1+$0x20];
	v5 =	vmul.f32 $1.131370830e+01, v5;
	[tilespmem:s24+$0x80] =	vst v3  }
0x109: {  	v3 =	vld [tilespmem:s1+$0xD0];
	v6 =	vmul.f32 $1.131370830e+01, v7;
	[tilespmem:s24+$0x90] =	vst v0  }
0x10a: {  	v0 =	vld [tilespmem:s1+$0x90];
	v7 =	vmul.f32 $1.131370830e+01, v10;
	[tilespmem:s24+$0x10] =	vst v1  }
0x10b: {  	v1 =	vld [tilespmem:s1+$0x10];
	[tilespmem:s24+$0x30] =	vst v6  }
0x10c: {  	v10 =	vld [tilespmem:s1+$0xC0];
	v9 =	vmul.f32 $1.131370830e+01, v9;
	[tilespmem:s24+$0xB0] =	vst v2  }
0x10d: {  	v2 =	vld [tilespmem:s1+$0x0];
	[tilespmem:s24+$0x70] =	vst v4  }
0x10e: {  	v12 =	vld [tilespmem:s1+$0xB0];
	v3 =	vmul.f32 $1.131370830e+01, v3;
	[tilespmem:s24+$0x60] =	vst v5;
	s24 =	smov.u32 s1  }
0x10f: {  	v13 =	vld [tilespmem:s1+$0x50];
	[tilespmem:s1+$0xA0] =	vst v7  }
.Ltmp4:
0x110: {  	v4 =	vmul.f32 $1.131370830e+01, v8;
	[tilespmem:s1+$0xD0] =	vst v3;
	v6 =	vld [tilespmem:s1+$0xF0];
	(pc) =	sbr.rel @p1 .LBB2_11-.Ltmp4, $4  }
0x111: {  	v3 =	vld [tilespmem:s1+$0x80];
	v7 =	vmul.f32 $1.131370830e+01, v10;
	[tilespmem:s1+$0xE0] =	vst v9  }
0x112: {  	v9 =	vmul.f32 $1.131370830e+01, v11;
	[tilespmem:s1+$0x40] =	vst v4;
	v4 =	vld [tilespmem:s1+$0x70]  }
0x113: {  	v1 =	vmul.f32 $1.131370830e+01, v1;
	v8 =	vmul.f32 $1.131370830e+01, v2;
	v5 =	vld [tilespmem:s1+$0x60];
	[tilespmem:s1+$0xC0] =	vst v7  }
0x114: {  	v2 =	vmul.f32 $1.131370830e+01, v12;
	s1 =	sadd.s32 $0x100, s1;
	[tilespmem:s24+$0x20] =	vst v9;
	v7 =	vld [tilespmem:s24+$0x30];
	v9 =	vmul.f32 $1.131370830e+01, v13  }
0x115: {  	[tilespmem:s24+$0x0] =	vst v8  }
0x116: {  	[tilespmem:s24+$0x10] =	vst v1  }
0x117: {  	v6 =	vmul.f32 $1.131370830e+01, v6;
	[tilespmem:s24+$0x50] =	vst v9  }
0x118: {  	v0 =	vmul.f32 $1.131370830e+01, v0;
	[tilespmem:s24+$0xB0] =	vst v2  }
0x119: {  	v3 =	vmul.f32 $1.131370830e+01, v3;
	[tilespmem:s24+$0xF0] =	vst v6  }
0x11a: {  	[tilespmem:s24+$0x90] =	vst v0;
	v0 =	vmul.f32 $1.131370830e+01, v4  }
0x11b: {  	[tilespmem:s24+$0x80] =	vst v3;
	v1 =	vmul.f32 $1.131370830e+01, v5  }
0x11c: {  	v3 =	vmul.f32 $1.131370830e+01, v7;
	[tilespmem:s24+$0x70] =	vst v0  }
0x11d: {  	[tilespmem:s24+$0x60] =	vst v1  }
0x11e: {  	s1 =	simm.s32 @!p0 $0xD;
	[tilespmem:s24+$0x30] =	vst v3  }
0x11f: {  	_ =	swait.ge @!p0 [sflag:s1], $0x2000  }
0x120: {  	s24 =	sadd.s32 $0x6, s20;
	[sflag:s1] =	ssyncset.done @!p0 $0x0  }
0x121: {  	[sflag:s1] =	ssyncadd.s32 @!p0 $0xFFFFE000;
	s1 =	sshll.u32 @!p0 s24, $0x7  }
0x122: {  	s26 =	simm.s32 @!p0 $0x5C00;
	s24 =	sand.u32 @!p0 $0x3FFFFF80, s1;
	s1 =	simm.s32 @!p0 $0x40  }
0x123: {  	[tilespmem:s26], [sflag:$0x3] =	stream.indirect.gather @!p0 [hbm4b:s2+s1], $0x80, s24, s1, $0xb8;
	[tilespmem:$0x15C00] =	vst v63  }
0x124: {  	s26 =	sadd.s32 s9, s22  }
0x125: {  	s26 =	sshll.u32 s26, $0x4  }
0x126: {  	s29 =	simm.s32 $0x9C00;
	s1 =	sadd.s32 s3, s26  }
0x127: {  	[hbm4b:s1+s4] =	stream.linear.scatter [tilespmem:s29], [sflag:$0xF], $0x2000, $0x38;
	[tilespmem:$0x15C00] =	vst v63  }
0x128: {  	_ =	swait.ge [sflag:s30], $0x2000  }
0x129: {  	[sflag:s30] =	ssyncset.done $0x0  }
0x12a: {  	s29 =	simm.s32 $0xBC00;
	[sflag:s30] =	ssyncadd.s32 $0xFFFFE000  }
0x12b: {  	v1 =	vld [tilespmem:s29+$0xA0]  }
0x12c: {  	v2 =	vld [tilespmem:s29+$0x40]  }
0x12d: {  	v3 =	vld [tilespmem:s29+$0xE0]  }
0x12e: {  	v4 =	vld [tilespmem:s29+$0xD0]  }
0x12f: {  	v5 =	vld [tilespmem:s29+$0x20]  }
0x130: {  	v0 =	vld [tilespmem:s29+$0x90]  }
0x131: {  	v8 =	vld [tilespmem:s29+$0xC0]  }
0x132: {  	v7 =	vld [tilespmem:s29+$0x10]  }
0x133: {  	v9 =	vld [tilespmem:s29+$0x0];
	v1 =	vmul.f32 $1.131370830e+01, v1  }
0x134: {  	v11 =	vld [tilespmem:s29+$0x50];
	v4 =	vmul.f32 $1.131370830e+01, v4  }
0x135: {  	v10 =	vld [tilespmem:s29+$0xB0];
	v12 =	vmul.f32 $1.131370830e+01, v5;
	[tilespmem:s29+$0xA0] =	vst v1  }
0x136: {  	v6 =	vld [tilespmem:s29+$0xF0];
	v13 =	vmul.f32 $1.131370830e+01, v8;
	[tilespmem:s29+$0xD0] =	vst v4  }
0x137: {  	v1 =	vmul.f32 $1.131370830e+01, v2;
	v2 =	vmul.f32 $1.131370830e+01, v3;
	v3 =	vld [tilespmem:s29+$0x80];
	[tilespmem:s29+$0x20] =	vst v12  }
0x138: {  	v4 =	vld [tilespmem:s29+$0x70];
	[tilespmem:s29+$0xC0] =	vst v13  }
0x139: {  	v8 =	vmul.f32 $1.131370830e+01, v9;
	v5 =	vld [tilespmem:s29+$0x60];
	v9 =	vmul.f32 $1.131370830e+01, v11;
	[tilespmem:s29+$0x40] =	vst v1  }
0x13a: {  	s31 =	simm.s32 $0x0;
	s1 =	simm.s32 $0xBD00;
	[tilespmem:s29+$0xE0] =	vst v2;
	v1 =	vmul.f32 $1.131370830e+01, v7;
	v7 =	vld [tilespmem:s29+$0x30];
	v2 =	vmul.f32 $1.131370830e+01, v10  }
.LBB2_13:
0x13b: {  	v10 =	vld [tilespmem:s1+$0xA0];
	s31 =	sadd.s32 $0x2, s31;
	[tilespmem:s29+$0x0] =	vst v8;
	v0 =	vmul.f32 $1.131370830e+01, v0;
	v6 =	vmul.f32 $1.131370830e+01, v6  }
0x13c: {  	v8 =	vld [tilespmem:s1+$0x40];
	p1 =	slt.u32 s31, $0x3E;
	[tilespmem:s29+$0x50] =	vst v9;
	v3 =	vmul.f32 $1.131370830e+01, v3  }
0x13d: {  	v9 =	vld [tilespmem:s1+$0xE0];
	v4 =	vmul.f32 $1.131370830e+01, v4;
	[tilespmem:s29+$0xF0] =	vst v6  }
0x13e: {  	v11 =	vld [tilespmem:s1+$0x20];
	v5 =	vmul.f32 $1.131370830e+01, v5;
	[tilespmem:s29+$0x80] =	vst v3  }
0x13f: {  	v3 =	vld [tilespmem:s1+$0xD0];
	v6 =	vmul.f32 $1.131370830e+01, v7;
	[tilespmem:s29+$0x90] =	vst v0  }
0x140: {  	v0 =	vld [tilespmem:s1+$0x90];
	v7 =	vmul.f32 $1.131370830e+01, v10;
	[tilespmem:s29+$0x10] =	vst v1  }
0x141: {  	v1 =	vld [tilespmem:s1+$0x10];
	[tilespmem:s29+$0x30] =	vst v6  }
0x142: {  	v10 =	vld [tilespmem:s1+$0xC0];
	v9 =	vmul.f32 $1.131370830e+01, v9;
	[tilespmem:s29+$0xB0] =	vst v2  }
0x143: {  	v2 =	vld [tilespmem:s1+$0x0];
	[tilespmem:s29+$0x70] =	vst v4  }
0x144: {  	v12 =	vld [tilespmem:s1+$0xB0];
	v3 =	vmul.f32 $1.131370830e+01, v3;
	[tilespmem:s29+$0x60] =	vst v5;
	s29 =	smov.u32 s1  }
0x145: {  	v13 =	vld [tilespmem:s1+$0x50];
	[tilespmem:s1+$0xA0] =	vst v7  }
.Ltmp5:
0x146: {  	v4 =	vmul.f32 $1.131370830e+01, v8;
	[tilespmem:s1+$0xD0] =	vst v3;
	v6 =	vld [tilespmem:s1+$0xF0];
	(pc) =	sbr.rel @p1 .LBB2_13-.Ltmp5, $4  }
0x147: {  	v3 =	vld [tilespmem:s1+$0x80];
	v7 =	vmul.f32 $1.131370830e+01, v10;
	[tilespmem:s1+$0xE0] =	vst v9  }
0x148: {  	v9 =	vmul.f32 $1.131370830e+01, v11;
	[tilespmem:s1+$0x40] =	vst v4;
	v4 =	vld [tilespmem:s1+$0x70]  }
0x149: {  	v1 =	vmul.f32 $1.131370830e+01, v1;
	v8 =	vmul.f32 $1.131370830e+01, v2;
	v5 =	vld [tilespmem:s1+$0x60];
	[tilespmem:s1+$0xC0] =	vst v7  }
0x14a: {  	v2 =	vmul.f32 $1.131370830e+01, v12;
	s1 =	sadd.s32 $0x100, s1;
	[tilespmem:s29+$0x20] =	vst v9;
	v7 =	vld [tilespmem:s29+$0x30];
	v9 =	vmul.f32 $1.131370830e+01, v13  }
0x14b: {  	[tilespmem:s29+$0x0] =	vst v8  }
0x14c: {  	[tilespmem:s29+$0x10] =	vst v1  }
0x14d: {  	v6 =	vmul.f32 $1.131370830e+01, v6;
	[tilespmem:s29+$0x50] =	vst v9  }
0x14e: {  	v0 =	vmul.f32 $1.131370830e+01, v0;
	[tilespmem:s29+$0xB0] =	vst v2  }
0x14f: {  	v3 =	vmul.f32 $1.131370830e+01, v3;
	[tilespmem:s29+$0xF0] =	vst v6  }
0x150: {  	[tilespmem:s29+$0x90] =	vst v0;
	v0 =	vmul.f32 $1.131370830e+01, v4  }
0x151: {  	[tilespmem:s29+$0x80] =	vst v3;
	v1 =	vmul.f32 $1.131370830e+01, v5  }
0x152: {  	v3 =	vmul.f32 $1.131370830e+01, v7;
	[tilespmem:s29+$0x70] =	vst v0  }
0x153: {  	[tilespmem:s29+$0x60] =	vst v1  }
0x154: {  	s1 =	simm.s32 @!p0 $0xE;
	[tilespmem:s29+$0x30] =	vst v3  }
0x155: {  	_ =	swait.ge @!p0 [sflag:s1], $0x2000  }
0x156: {  	s29 =	simm.s32 @!p0 $0x7C00;
	[sflag:s1] =	ssyncset.done @!p0 $0x0  }
0x157: {  	[sflag:s1] =	ssyncadd.s32 @!p0 $0xFFFFE000;
	s1 =	sor.u32 @!p0 $0x40, s24;
	s24 =	simm.s32 @!p0 $0x40  }
0x158: {  	[tilespmem:s29], [sflag:$0x4] =	stream.indirect.gather @!p0 [hbm4b:s2+s24], $0x80, s1, s24, $0xb8;
	[tilespmem:$0x15C00] =	vst v63  }
0x159: {  	s31 =	simm.s32 $0xBC00;
	s29 =	sadd.s32 s26, s11  }
0x15a: {  	[hbm4b:s29+s4] =	stream.linear.scatter [tilespmem:s31], [sflag:$0x10], $0x2000, $0x38;
	[tilespmem:$0x15C00] =	vst v63  }
0x15b: {  	_ =	swait.ge [sflag:s0], $0x2000  }
0x15c: {  	[sflag:s0] =	ssyncset.done $0x0  }
0x15d: {  	s24 =	simm.s32 $0xDC00;
	[sflag:s0] =	ssyncadd.s32 $0xFFFFE000  }
0x15e: {  	v1 =	vld [tilespmem:s24+$0xA0]  }
0x15f: {  	v2 =	vld [tilespmem:s24+$0x40]  }
0x160: {  	v3 =	vld [tilespmem:s24+$0xE0]  }
0x161: {  	v4 =	vld [tilespmem:s24+$0xD0]  }
0x162: {  	v5 =	vld [tilespmem:s24+$0x20]  }
0x163: {  	v0 =	vld [tilespmem:s24+$0x90]  }
0x164: {  	v8 =	vld [tilespmem:s24+$0xC0]  }
0x165: {  	v7 =	vld [tilespmem:s24+$0x10]  }
0x166: {  	v9 =	vld [tilespmem:s24+$0x0];
	v1 =	vmul.f32 $1.131370830e+01, v1  }
0x167: {  	v11 =	vld [tilespmem:s24+$0x50];
	v4 =	vmul.f32 $1.131370830e+01, v4  }
0x168: {  	v10 =	vld [tilespmem:s24+$0xB0];
	v12 =	vmul.f32 $1.131370830e+01, v5;
	[tilespmem:s24+$0xA0] =	vst v1  }
0x169: {  	v6 =	vld [tilespmem:s24+$0xF0];
	v13 =	vmul.f32 $1.131370830e+01, v8;
	[tilespmem:s24+$0xD0] =	vst v4  }
0x16a: {  	v1 =	vmul.f32 $1.131370830e+01, v2;
	v2 =	vmul.f32 $1.131370830e+01, v3;
	v3 =	vld [tilespmem:s24+$0x80];
	[tilespmem:s24+$0x20] =	vst v12  }
0x16b: {  	v4 =	vld [tilespmem:s24+$0x70];
	[tilespmem:s24+$0xC0] =	vst v13  }
0x16c: {  	v8 =	vmul.f32 $1.131370830e+01, v9;
	v5 =	vld [tilespmem:s24+$0x60];
	v9 =	vmul.f32 $1.131370830e+01, v11;
	[tilespmem:s24+$0x40] =	vst v1  }
0x16d: {  	s26 =	simm.s32 $0x0;
	s1 =	simm.s32 $0xDD00;
	[tilespmem:s24+$0xE0] =	vst v2;
	v1 =	vmul.f32 $1.131370830e+01, v7;
	v7 =	vld [tilespmem:s24+$0x30];
	v2 =	vmul.f32 $1.131370830e+01, v10  }
.LBB2_15:
0x16e: {  	v10 =	vld [tilespmem:s1+$0xA0];
	s26 =	sadd.s32 $0x2, s26;
	[tilespmem:s24+$0x0] =	vst v8;
	v0 =	vmul.f32 $1.131370830e+01, v0;
	v6 =	vmul.f32 $1.131370830e+01, v6  }
0x16f: {  	v8 =	vld [tilespmem:s1+$0x40];
	p1 =	slt.u32 s26, $0x3E;
	[tilespmem:s24+$0x50] =	vst v9;
	v3 =	vmul.f32 $1.131370830e+01, v3  }
0x170: {  	v9 =	vld [tilespmem:s1+$0xE0];
	v4 =	vmul.f32 $1.131370830e+01, v4;
	[tilespmem:s24+$0xF0] =	vst v6  }
0x171: {  	v11 =	vld [tilespmem:s1+$0x20];
	v5 =	vmul.f32 $1.131370830e+01, v5;
	[tilespmem:s24+$0x80] =	vst v3  }
0x172: {  	v3 =	vld [tilespmem:s1+$0xD0];
	v6 =	vmul.f32 $1.131370830e+01, v7;
	[tilespmem:s24+$0x90] =	vst v0  }
0x173: {  	v0 =	vld [tilespmem:s1+$0x90];
	v7 =	vmul.f32 $1.131370830e+01, v10;
	[tilespmem:s24+$0x10] =	vst v1  }
0x174: {  	v1 =	vld [tilespmem:s1+$0x10];
	[tilespmem:s24+$0x30] =	vst v6  }
0x175: {  	v10 =	vld [tilespmem:s1+$0xC0];
	v9 =	vmul.f32 $1.131370830e+01, v9;
	[tilespmem:s24+$0xB0] =	vst v2  }
0x176: {  	v2 =	vld [tilespmem:s1+$0x0];
	[tilespmem:s24+$0x70] =	vst v4  }
0x177: {  	v12 =	vld [tilespmem:s1+$0xB0];
	v3 =	vmul.f32 $1.131370830e+01, v3;
	[tilespmem:s24+$0x60] =	vst v5;
	s24 =	smov.u32 s1  }
0x178: {  	v13 =	vld [tilespmem:s1+$0x50];
	[tilespmem:s1+$0xA0] =	vst v7  }
.Ltmp6:
0x179: {  	v4 =	vmul.f32 $1.131370830e+01, v8;
	[tilespmem:s1+$0xD0] =	vst v3;
	v6 =	vld [tilespmem:s1+$0xF0];
	(pc) =	sbr.rel @p1 .LBB2_15-.Ltmp6, $4  }
0x17a: {  	v3 =	vld [tilespmem:s1+$0x80];
	v7 =	vmul.f32 $1.131370830e+01, v10;
	[tilespmem:s1+$0xE0] =	vst v9  }
0x17b: {  	v9 =	vmul.f32 $1.131370830e+01, v11;
	[tilespmem:s1+$0x40] =	vst v4;
	v4 =	vld [tilespmem:s1+$0x70]  }
0x17c: {  	v1 =	vmul.f32 $1.131370830e+01, v1;
	v8 =	vmul.f32 $1.131370830e+01, v2;
	v5 =	vld [tilespmem:s1+$0x60];
	[tilespmem:s1+$0xC0] =	vst v7  }
0x17d: {  	v2 =	vmul.f32 $1.131370830e+01, v12;
	s1 =	sadd.s32 $0x100, s1;
	[tilespmem:s24+$0x20] =	vst v9;
	v7 =	vld [tilespmem:s24+$0x30];
	v9 =	vmul.f32 $1.131370830e+01, v13  }
0x17e: {  	[tilespmem:s24+$0x0] =	vst v8  }
0x17f: {  	[tilespmem:s24+$0x10] =	vst v1  }
0x180: {  	v6 =	vmul.f32 $1.131370830e+01, v6;
	[tilespmem:s24+$0x50] =	vst v9  }
0x181: {  	v0 =	vmul.f32 $1.131370830e+01, v0;
	[tilespmem:s24+$0xB0] =	vst v2  }
0x182: {  	v3 =	vmul.f32 $1.131370830e+01, v3;
	[tilespmem:s24+$0xF0] =	vst v6  }
0x183: {  	[tilespmem:s24+$0x90] =	vst v0;
	v0 =	vmul.f32 $1.131370830e+01, v4  }
0x184: {  	[tilespmem:s24+$0x80] =	vst v3;
	v1 =	vmul.f32 $1.131370830e+01, v5  }
0x185: {  	v3 =	vmul.f32 $1.131370830e+01, v7;
	[tilespmem:s24+$0x70] =	vst v0  }
0x186: {  	[tilespmem:s24+$0x60] =	vst v1  }
0x187: {  	s1 =	simm.s32 @!p0 $0xF;
	[tilespmem:s24+$0x30] =	vst v3  }
0x188: {  	_ =	swait.ge @!p0 [sflag:s1], $0x2000  }
0x189: {  	s24 =	sadd.s32 $0x7, s20;
	[sflag:s1] =	ssyncset.done @!p0 $0x0  }
0x18a: {  	[sflag:s1] =	ssyncadd.s32 @!p0 $0xFFFFE000;
	s1 =	sshll.u32 @!p0 s24, $0x7  }
0x18b: {  	s26 =	simm.s32 @!p0 $0x9C00;
	s24 =	sand.u32 @!p0 $0x3FFFFF80, s1;
	s1 =	simm.s32 @!p0 $0x40  }
0x18c: {  	[tilespmem:s26], [sflag:$0x5] =	stream.indirect.gather @!p0 [hbm4b:s2+s1], $0x80, s24, s1, $0xb8;
	[tilespmem:$0x15C00] =	vst v63  }
0x18d: {  	s26 =	sadd.s32 s10, s22  }
0x18e: {  	s22 =	sshll.u32 s26, $0x4  }
0x18f: {  	s31 =	simm.s32 $0xDC00;
	s1 =	sadd.s32 s3, s22  }
0x190: {  	[hbm4b:s1+s4] =	stream.linear.scatter [tilespmem:s31], [sflag:$0x11], $0x2000, $0x38;
	[tilespmem:$0x15C00] =	vst v63  }
0x191: {  	_ =	swait.ge [sflag:s7], $0x2000  }
0x192: {  	[sflag:s7] =	ssyncset.done $0x0  }
0x193: {  	s26 =	simm.s32 $0xFC00;
	[sflag:s7] =	ssyncadd.s32 $0xFFFFE000  }
0x194: {  	v1 =	vld [tilespmem:s26+$0xA0]  }
0x195: {  	v2 =	vld [tilespmem:s26+$0x40]  }
0x196: {  	v3 =	vld [tilespmem:s26+$0xE0]  }
0x197: {  	v4 =	vld [tilespmem:s26+$0xD0]  }
0x198: {  	v5 =	vld [tilespmem:s26+$0x20]  }
0x199: {  	v0 =	vld [tilespmem:s26+$0x90]  }
0x19a: {  	v8 =	vld [tilespmem:s26+$0xC0]  }
0x19b: {  	v7 =	vld [tilespmem:s26+$0x10]  }
0x19c: {  	v9 =	vld [tilespmem:s26+$0x0];
	v1 =	vmul.f32 $1.131370830e+01, v1  }
0x19d: {  	v11 =	vld [tilespmem:s26+$0x50];
	v4 =	vmul.f32 $1.131370830e+01, v4  }
0x19e: {  	v10 =	vld [tilespmem:s26+$0xB0];
	v12 =	vmul.f32 $1.131370830e+01, v5;
	[tilespmem:s26+$0xA0] =	vst v1  }
0x19f: {  	v6 =	vld [tilespmem:s26+$0xF0];
	v13 =	vmul.f32 $1.131370830e+01, v8;
	[tilespmem:s26+$0xD0] =	vst v4  }
0x1a0: {  	v1 =	vmul.f32 $1.131370830e+01, v2;
	v2 =	vmul.f32 $1.131370830e+01, v3;
	v3 =	vld [tilespmem:s26+$0x80];
	[tilespmem:s26+$0x20] =	vst v12  }
0x1a1: {  	v4 =	vld [tilespmem:s26+$0x70];
	[tilespmem:s26+$0xC0] =	vst v13  }
0x1a2: {  	v8 =	vmul.f32 $1.131370830e+01, v9;
	v5 =	vld [tilespmem:s26+$0x60];
	v9 =	vmul.f32 $1.131370830e+01, v11;
	[tilespmem:s26+$0x40] =	vst v1  }
0x1a3: {  	s29 =	simm.s32 $0x0;
	s1 =	simm.s32 $0xFD00;
	[tilespmem:s26+$0xE0] =	vst v2;
	v1 =	vmul.f32 $1.131370830e+01, v7;
	v7 =	vld [tilespmem:s26+$0x30];
	v2 =	vmul.f32 $1.131370830e+01, v10  }
.LBB2_17:
0x1a4: {  	v10 =	vld [tilespmem:s1+$0xA0];
	s29 =	sadd.s32 $0x2, s29;
	[tilespmem:s26+$0x0] =	vst v8;
	v0 =	vmul.f32 $1.131370830e+01, v0;
	v6 =	vmul.f32 $1.131370830e+01, v6  }
0x1a5: {  	v8 =	vld [tilespmem:s1+$0x40];
	p1 =	slt.u32 s29, $0x3E;
	[tilespmem:s26+$0x50] =	vst v9;
	v3 =	vmul.f32 $1.131370830e+01, v3  }
0x1a6: {  	v9 =	vld [tilespmem:s1+$0xE0];
	v4 =	vmul.f32 $1.131370830e+01, v4;
	[tilespmem:s26+$0xF0] =	vst v6  }
0x1a7: {  	v11 =	vld [tilespmem:s1+$0x20];
	v5 =	vmul.f32 $1.131370830e+01, v5;
	[tilespmem:s26+$0x80] =	vst v3  }
0x1a8: {  	v3 =	vld [tilespmem:s1+$0xD0];
	v6 =	vmul.f32 $1.131370830e+01, v7;
	[tilespmem:s26+$0x90] =	vst v0  }
0x1a9: {  	v0 =	vld [tilespmem:s1+$0x90];
	v7 =	vmul.f32 $1.131370830e+01, v10;
	[tilespmem:s26+$0x10] =	vst v1  }
0x1aa: {  	v1 =	vld [tilespmem:s1+$0x10];
	[tilespmem:s26+$0x30] =	vst v6  }
0x1ab: {  	v10 =	vld [tilespmem:s1+$0xC0];
	v9 =	vmul.f32 $1.131370830e+01, v9;
	[tilespmem:s26+$0xB0] =	vst v2  }
0x1ac: {  	v2 =	vld [tilespmem:s1+$0x0];
	[tilespmem:s26+$0x70] =	vst v4  }
0x1ad: {  	v12 =	vld [tilespmem:s1+$0xB0];
	v3 =	vmul.f32 $1.131370830e+01, v3;
	[tilespmem:s26+$0x60] =	vst v5;
	s26 =	smov.u32 s1  }
0x1ae: {  	v13 =	vld [tilespmem:s1+$0x50];
	[tilespmem:s1+$0xA0] =	vst v7  }
.Ltmp7:
0x1af: {  	v4 =	vmul.f32 $1.131370830e+01, v8;
	[tilespmem:s1+$0xD0] =	vst v3;
	v6 =	vld [tilespmem:s1+$0xF0];
	(pc) =	sbr.rel @p1 .LBB2_17-.Ltmp7, $4  }
0x1b0: {  	v3 =	vld [tilespmem:s1+$0x80];
	v7 =	vmul.f32 $1.131370830e+01, v10;
	[tilespmem:s1+$0xE0] =	vst v9  }
0x1b1: {  	v9 =	vmul.f32 $1.131370830e+01, v11;
	[tilespmem:s1+$0x40] =	vst v4;
	v4 =	vld [tilespmem:s1+$0x70]  }
0x1b2: {  	v1 =	vmul.f32 $1.131370830e+01, v1;
	v8 =	vmul.f32 $1.131370830e+01, v2;
	v5 =	vld [tilespmem:s1+$0x60];
	[tilespmem:s1+$0xC0] =	vst v7  }
0x1b3: {  	v2 =	vmul.f32 $1.131370830e+01, v12;
	s1 =	sadd.s32 $0x100, s1;
	[tilespmem:s26+$0x20] =	vst v9;
	v7 =	vld [tilespmem:s26+$0x30];
	v9 =	vmul.f32 $1.131370830e+01, v13  }
0x1b4: {  	[tilespmem:s26+$0x0] =	vst v8  }
0x1b5: {  	[tilespmem:s26+$0x10] =	vst v1  }
0x1b6: {  	v6 =	vmul.f32 $1.131370830e+01, v6;
	[tilespmem:s26+$0x50] =	vst v9  }
0x1b7: {  	v0 =	vmul.f32 $1.131370830e+01, v0;
	[tilespmem:s26+$0xB0] =	vst v2  }
0x1b8: {  	v3 =	vmul.f32 $1.131370830e+01, v3;
	[tilespmem:s26+$0xF0] =	vst v6  }
0x1b9: {  	[tilespmem:s26+$0x90] =	vst v0;
	v0 =	vmul.f32 $1.131370830e+01, v4  }
0x1ba: {  	[tilespmem:s26+$0x80] =	vst v3;
	v1 =	vmul.f32 $1.131370830e+01, v5  }
0x1bb: {  	v3 =	vmul.f32 $1.131370830e+01, v7;
	[tilespmem:s26+$0x70] =	vst v0  }
0x1bc: {  	[tilespmem:s26+$0x60] =	vst v1  }
0x1bd: {  	s1 =	simm.s32 @!p0 $0x10;
	[tilespmem:s26+$0x30] =	vst v3  }
0x1be: {  	_ =	swait.ge @!p0 [sflag:s1], $0x2000  }
0x1bf: {  	s26 =	simm.s32 @!p0 $0xBC00;
	[sflag:s1] =	ssyncset.done @!p0 $0x0  }
0x1c0: {  	[sflag:s1] =	ssyncadd.s32 @!p0 $0xFFFFE000;
	s1 =	sor.u32 @!p0 $0x40, s24;
	s24 =	simm.s32 @!p0 $0x40  }
0x1c1: {  	[tilespmem:s26], [sflag:$0x6] =	stream.indirect.gather @!p0 [hbm4b:s2+s24], $0x80, s1, s24, $0xb8;
	[tilespmem:$0x15C00] =	vst v63  }
0x1c2: {  	s29 =	sadd.s32 s22, s11;
	s31 =	simm.s32 $0xFC00  }
0x1c3: {  	[hbm4b:s29+s4] =	stream.linear.scatter [tilespmem:s31], [sflag:$0x12], $0x2000, $0x38;
	[tilespmem:$0x15C00] =	vst v63  }
0x1c4: {  	_ =	swait.ge [sflag:s13], $0x2000  }
0x1c5: {  	[sflag:s13] =	ssyncset.done $0x0  }
0x1c6: {  	s22 =	simm.s32 $0x11C00;
	[sflag:s13] =	ssyncadd.s32 $0xFFFFE000  }
0x1c7: {  	v1 =	vld [tilespmem:s22+$0xA0]  }
0x1c8: {  	v2 =	vld [tilespmem:s22+$0x40]  }
0x1c9: {  	v3 =	vld [tilespmem:s22+$0xE0]  }
0x1ca: {  	v4 =	vld [tilespmem:s22+$0xD0]  }
0x1cb: {  	v5 =	vld [tilespmem:s22+$0x20]  }
0x1cc: {  	v0 =	vld [tilespmem:s22+$0x90]  }
0x1cd: {  	v8 =	vld [tilespmem:s22+$0xC0]  }
0x1ce: {  	v7 =	vld [tilespmem:s22+$0x10]  }
0x1cf: {  	v9 =	vld [tilespmem:s22+$0x0];
	v1 =	vmul.f32 $1.131370830e+01, v1  }
0x1d0: {  	v11 =	vld [tilespmem:s22+$0x50];
	v4 =	vmul.f32 $1.131370830e+01, v4  }
0x1d1: {  	v10 =	vld [tilespmem:s22+$0xB0];
	v12 =	vmul.f32 $1.131370830e+01, v5;
	[tilespmem:s22+$0xA0] =	vst v1  }
0x1d2: {  	v6 =	vld [tilespmem:s22+$0xF0];
	v13 =	vmul.f32 $1.131370830e+01, v8;
	[tilespmem:s22+$0xD0] =	vst v4  }
0x1d3: {  	v1 =	vmul.f32 $1.131370830e+01, v2;
	v2 =	vmul.f32 $1.131370830e+01, v3;
	v3 =	vld [tilespmem:s22+$0x80];
	[tilespmem:s22+$0x20] =	vst v12  }
0x1d4: {  	v4 =	vld [tilespmem:s22+$0x70];
	[tilespmem:s22+$0xC0] =	vst v13  }
0x1d5: {  	v8 =	vmul.f32 $1.131370830e+01, v9;
	v5 =	vld [tilespmem:s22+$0x60];
	v9 =	vmul.f32 $1.131370830e+01, v11;
	[tilespmem:s22+$0x40] =	vst v1  }
0x1d6: {  	s24 =	simm.s32 $0x0;
	s1 =	simm.s32 $0x11D00;
	[tilespmem:s22+$0xE0] =	vst v2;
	v1 =	vmul.f32 $1.131370830e+01, v7;
	v7 =	vld [tilespmem:s22+$0x30];
	v2 =	vmul.f32 $1.131370830e+01, v10  }
.LBB2_19:
0x1d7: {  	v10 =	vld [tilespmem:s1+$0xA0];
	s24 =	sadd.s32 $0x2, s24;
	[tilespmem:s22+$0x0] =	vst v8;
	v0 =	vmul.f32 $1.131370830e+01, v0;
	v6 =	vmul.f32 $1.131370830e+01, v6  }
0x1d8: {  	v8 =	vld [tilespmem:s1+$0x40];
	p1 =	slt.u32 s24, $0x3E;
	[tilespmem:s22+$0x50] =	vst v9;
	v3 =	vmul.f32 $1.131370830e+01, v3  }
0x1d9: {  	v9 =	vld [tilespmem:s1+$0xE0];
	v4 =	vmul.f32 $1.131370830e+01, v4;
	[tilespmem:s22+$0xF0] =	vst v6  }
0x1da: {  	v11 =	vld [tilespmem:s1+$0x20];
	v5 =	vmul.f32 $1.131370830e+01, v5;
	[tilespmem:s22+$0x80] =	vst v3  }
0x1db: {  	v3 =	vld [tilespmem:s1+$0xD0];
	v6 =	vmul.f32 $1.131370830e+01, v7;
	[tilespmem:s22+$0x90] =	vst v0  }
0x1dc: {  	v0 =	vld [tilespmem:s1+$0x90];
	v7 =	vmul.f32 $1.131370830e+01, v10;
	[tilespmem:s22+$0x10] =	vst v1  }
0x1dd: {  	v1 =	vld [tilespmem:s1+$0x10];
	[tilespmem:s22+$0x30] =	vst v6  }
0x1de: {  	v10 =	vld [tilespmem:s1+$0xC0];
	v9 =	vmul.f32 $1.131370830e+01, v9;
	[tilespmem:s22+$0xB0] =	vst v2  }
0x1df: {  	v2 =	vld [tilespmem:s1+$0x0];
	[tilespmem:s22+$0x70] =	vst v4  }
0x1e0: {  	v12 =	vld [tilespmem:s1+$0xB0];
	v3 =	vmul.f32 $1.131370830e+01, v3;
	[tilespmem:s22+$0x60] =	vst v5;
	s22 =	smov.u32 s1  }
0x1e1: {  	v13 =	vld [tilespmem:s1+$0x50];
	[tilespmem:s1+$0xA0] =	vst v7  }
.Ltmp8:
0x1e2: {  	v4 =	vmul.f32 $1.131370830e+01, v8;
	[tilespmem:s1+$0xD0] =	vst v3;
	v6 =	vld [tilespmem:s1+$0xF0];
	(pc) =	sbr.rel @p1 .LBB2_19-.Ltmp8, $4  }
0x1e3: {  	v3 =	vld [tilespmem:s1+$0x80];
	v7 =	vmul.f32 $1.131370830e+01, v10;
	[tilespmem:s1+$0xE0] =	vst v9  }
0x1e4: {  	v9 =	vmul.f32 $1.131370830e+01, v11;
	[tilespmem:s1+$0x40] =	vst v4;
	v4 =	vld [tilespmem:s1+$0x70]  }
0x1e5: {  	v1 =	vmul.f32 $1.131370830e+01, v1;
	v8 =	vmul.f32 $1.131370830e+01, v2;
	v5 =	vld [tilespmem:s1+$0x60];
	[tilespmem:s1+$0xC0] =	vst v7  }
0x1e6: {  	v2 =	vmul.f32 $1.131370830e+01, v12;
	s1 =	sadd.s32 $0x100, s1;
	[tilespmem:s22+$0x20] =	vst v9;
	v7 =	vld [tilespmem:s22+$0x30];
	v9 =	vmul.f32 $1.131370830e+01, v13  }
0x1e7: {  	[tilespmem:s22+$0x0] =	vst v8  }
0x1e8: {  	[tilespmem:s22+$0x10] =	vst v1  }
0x1e9: {  	v6 =	vmul.f32 $1.131370830e+01, v6;
	[tilespmem:s22+$0x50] =	vst v9  }
0x1ea: {  	v0 =	vmul.f32 $1.131370830e+01, v0;
	[tilespmem:s22+$0xB0] =	vst v2  }
0x1eb: {  	v3 =	vmul.f32 $1.131370830e+01, v3;
	[tilespmem:s22+$0xF0] =	vst v6  }
0x1ec: {  	[tilespmem:s22+$0x90] =	vst v0;
	v0 =	vmul.f32 $1.131370830e+01, v4  }
0x1ed: {  	[tilespmem:s22+$0x80] =	vst v3;
	v1 =	vmul.f32 $1.131370830e+01, v5  }
0x1ee: {  	v3 =	vmul.f32 $1.131370830e+01, v7;
	[tilespmem:s22+$0x70] =	vst v0  }
0x1ef: {  	[tilespmem:s22+$0x60] =	vst v1  }
0x1f0: {  	s1 =	simm.s32 @!p0 $0x11;
	[tilespmem:s22+$0x30] =	vst v3  }
0x1f1: {  	_ =	swait.ge @!p0 [sflag:s1], $0x2000  }
0x1f2: {  	s20 =	sadd.s32 $0x8, s20;
	s31 =	sshll.u32 s19, $0x10;
	[sflag:s1] =	ssyncset.done @!p0 $0x0  }
0x1f3: {  	s19 =	sor.u32 s12, s31;
	[sflag:s1] =	ssyncadd.s32 @!p0 $0xFFFFE000;
	s1 =	sshll.u32 @!p0 s20, $0x7  }
0x1f4: {  	s22 =	simm.s32 @!p0 $0xDC00;
	s20 =	sand.u32 @!p0 $0x3FFFFF80, s1;
	s1 =	simm.s32 @!p0 $0x40  }
0x1f5: {  	[tilespmem:s22], [sflag:$0x7] =	stream.indirect.gather @!p0 [hbm4b:s2+s1], $0x80, s20, s1, $0xb8;
	[tilespmem:$0x15C00] =	vst v63  }
0x1f6: {  	s1 =	sadd.s32 s3, s19  }
0x1f7: {  	[hbm4b:s1+s4] =	stream.linear.scatter [tilespmem:s15], [sflag:$0x13], $0x2000, $0x38;
	[tilespmem:$0x15C00] =	vst v63  }
0x1f8: {  	_ =	swait.ge [sflag:s6], $0x2000  }
0x1f9: {  	[sflag:s6] =	ssyncset.done $0x0  }
0x1fa: {  	s22 =	simm.s32 $0x13C00;
	[sflag:s6] =	ssyncadd.s32 $0xFFFFE000  }
0x1fb: {  	v1 =	vld [tilespmem:s22+$0xA0]  }
0x1fc: {  	v2 =	vld [tilespmem:s22+$0x40]  }
0x1fd: {  	v3 =	vld [tilespmem:s22+$0xE0]  }
0x1fe: {  	v4 =	vld [tilespmem:s22+$0xD0]  }
0x1ff: {  	v5 =	vld [tilespmem:s22+$0x20]  }
0x200: {  	v0 =	vld [tilespmem:s22+$0x90]  }
0x201: {  	v8 =	vld [tilespmem:s22+$0xC0]  }
0x202: {  	v7 =	vld [tilespmem:s22+$0x10]  }
0x203: {  	v9 =	vld [tilespmem:s22+$0x0];
	v1 =	vmul.f32 $1.131370830e+01, v1  }
0x204: {  	v11 =	vld [tilespmem:s22+$0x50];
	v4 =	vmul.f32 $1.131370830e+01, v4  }
0x205: {  	v10 =	vld [tilespmem:s22+$0xB0];
	v12 =	vmul.f32 $1.131370830e+01, v5;
	[tilespmem:s22+$0xA0] =	vst v1  }
0x206: {  	v6 =	vld [tilespmem:s22+$0xF0];
	v13 =	vmul.f32 $1.131370830e+01, v8;
	[tilespmem:s22+$0xD0] =	vst v4  }
0x207: {  	v1 =	vmul.f32 $1.131370830e+01, v2;
	v2 =	vmul.f32 $1.131370830e+01, v3;
	v3 =	vld [tilespmem:s22+$0x80];
	[tilespmem:s22+$0x20] =	vst v12  }
0x208: {  	v4 =	vld [tilespmem:s22+$0x70];
	[tilespmem:s22+$0xC0] =	vst v13  }
0x209: {  	v8 =	vmul.f32 $1.131370830e+01, v9;
	v5 =	vld [tilespmem:s22+$0x60];
	v9 =	vmul.f32 $1.131370830e+01, v11;
	[tilespmem:s22+$0x40] =	vst v1  }
0x20a: {  	s24 =	simm.s32 $0x0;
	s1 =	simm.s32 $0x13D00;
	[tilespmem:s22+$0xE0] =	vst v2;
	v1 =	vmul.f32 $1.131370830e+01, v7;
	v7 =	vld [tilespmem:s22+$0x30];
	v2 =	vmul.f32 $1.131370830e+01, v10  }
.LBB2_21:
0x20b: {  	v10 =	vld [tilespmem:s1+$0xA0];
	s24 =	sadd.s32 $0x2, s24;
	[tilespmem:s22+$0x0] =	vst v8;
	v0 =	vmul.f32 $1.131370830e+01, v0;
	v6 =	vmul.f32 $1.131370830e+01, v6  }
0x20c: {  	v8 =	vld [tilespmem:s1+$0x40];
	p1 =	slt.u32 s24, $0x3E;
	[tilespmem:s22+$0x50] =	vst v9;
	v3 =	vmul.f32 $1.131370830e+01, v3  }
0x20d: {  	v9 =	vld [tilespmem:s1+$0xE0];
	v4 =	vmul.f32 $1.131370830e+01, v4;
	[tilespmem:s22+$0xF0] =	vst v6  }
0x20e: {  	v11 =	vld [tilespmem:s1+$0x20];
	v5 =	vmul.f32 $1.131370830e+01, v5;
	[tilespmem:s22+$0x80] =	vst v3  }
0x20f: {  	v3 =	vld [tilespmem:s1+$0xD0];
	v6 =	vmul.f32 $1.131370830e+01, v7;
	[tilespmem:s22+$0x90] =	vst v0  }
0x210: {  	v0 =	vld [tilespmem:s1+$0x90];
	v7 =	vmul.f32 $1.131370830e+01, v10;
	[tilespmem:s22+$0x10] =	vst v1  }
0x211: {  	v1 =	vld [tilespmem:s1+$0x10];
	[tilespmem:s22+$0x30] =	vst v6  }
0x212: {  	v10 =	vld [tilespmem:s1+$0xC0];
	v9 =	vmul.f32 $1.131370830e+01, v9;
	[tilespmem:s22+$0xB0] =	vst v2  }
0x213: {  	v2 =	vld [tilespmem:s1+$0x0];
	[tilespmem:s22+$0x70] =	vst v4  }
0x214: {  	v12 =	vld [tilespmem:s1+$0xB0];
	v3 =	vmul.f32 $1.131370830e+01, v3;
	[tilespmem:s22+$0x60] =	vst v5;
	s22 =	smov.u32 s1  }
0x215: {  	v13 =	vld [tilespmem:s1+$0x50];
	[tilespmem:s1+$0xA0] =	vst v7  }
.Ltmp9:
0x216: {  	v4 =	vmul.f32 $1.131370830e+01, v8;
	[tilespmem:s1+$0xD0] =	vst v3;
	v6 =	vld [tilespmem:s1+$0xF0];
	(pc) =	sbr.rel @p1 .LBB2_21-.Ltmp9, $4  }
0x217: {  	v3 =	vld [tilespmem:s1+$0x80];
	v7 =	vmul.f32 $1.131370830e+01, v10;
	[tilespmem:s1+$0xE0] =	vst v9  }
0x218: {  	v9 =	vmul.f32 $1.131370830e+01, v11;
	[tilespmem:s1+$0x40] =	vst v4;
	v4 =	vld [tilespmem:s1+$0x70]  }
0x219: {  	v1 =	vmul.f32 $1.131370830e+01, v1;
	v8 =	vmul.f32 $1.131370830e+01, v2;
	v5 =	vld [tilespmem:s1+$0x60];
	[tilespmem:s1+$0xC0] =	vst v7  }
0x21a: {  	v2 =	vmul.f32 $1.131370830e+01, v12;
	s1 =	sadd.s32 $0x100, s1;
	[tilespmem:s22+$0x20] =	vst v9;
	v7 =	vld [tilespmem:s22+$0x30];
	v9 =	vmul.f32 $1.131370830e+01, v13  }
0x21b: {  	[tilespmem:s22+$0x0] =	vst v8  }
0x21c: {  	[tilespmem:s22+$0x10] =	vst v1  }
0x21d: {  	v6 =	vmul.f32 $1.131370830e+01, v6;
	[tilespmem:s22+$0x50] =	vst v9  }
0x21e: {  	v0 =	vmul.f32 $1.131370830e+01, v0;
	[tilespmem:s22+$0xB0] =	vst v2  }
0x21f: {  	v3 =	vmul.f32 $1.131370830e+01, v3;
	[tilespmem:s22+$0xF0] =	vst v6  }
0x220: {  	[tilespmem:s22+$0x90] =	vst v0;
	v62 =	vmul.f32 $1.131370830e+01, v4  }
0x221: {  	[tilespmem:s22+$0x80] =	vst v3;
	v63 =	vmul.f32 $1.131370830e+01, v5  }
0x222: {  	v61 =	vmul.f32 $1.131370830e+01, v7;
	[tilespmem:s22+$0x70] =	vst v62  }
0x223: {  	[tilespmem:s22+$0x60] =	vst v63  }
0x224: {  	s1 =	simm.s32 @!p0 $0x12;
	[tilespmem:s22+$0x30] =	vst v61  }
0x225: {  	_ =	swait.ge @!p0 [sflag:s1], $0x2000  }
0x226: {  	s17 =	sadd.s32 $0x1, s17;
	s22 =	simm.s32 @!p0 $0xFC00;
	[sflag:s1] =	ssyncset.done @!p0 $0x0  }
0x227: {  	[sflag:s1] =	ssyncadd.s32 @!p0 $0xFFFFE000;
	s1 =	sor.u32 @!p0 $0x40, s20;
	s20 =	simm.s32 @!p0 $0x40  }
0x228: {  	[tilespmem:s22], [sflag:$0x8] =	stream.indirect.gather @!p0 [hbm4b:s2+s20], $0x80, s1, s20, $0xb8;
	[tilespmem:$0x15C00] =	vst v63  }
0x229: {  	p0 =	sne.s32 s17, $0xA  }
.Ltmp10:
0x22a: {  	_ = 	snop;
	(pc) =	sbr.rel @p0 .LBB2_2-.Ltmp10, $3  }
0x22b: {  	_ =	sdelay $0x1  }
0x22c: {  	s31 =	sadd.s32 s19, s11  }
0x22d: {  	[hbm4b:s31+s4] =	stream.linear.scatter [tilespmem:s21], [sflag:$0x14], $0x2000, $0x38;
	[tilespmem:$0x15C00] =	vst v63  }
0x22e: {  	s1 =	simm.s32 $0xB  }
0x22f: {  	_ =	swait.ge [sflag:s1], $0x2000  }
0x230: {  	[sflag:s1] =	ssyncset.done $0x0  }
0x231: {  	s31 =	simm.s32 $0xC;
	[sflag:s1] =	ssyncadd.s32 $0xFFFFE000  }
0x232: {  	_ =	swait.ge [sflag:s31], $0x2000  }
0x233: {  	[sflag:s31] =	ssyncset.done $0x0  }
0x234: {  	s17 =	simm.s32 $0xD;
	[sflag:s31] =	ssyncadd.s32 $0xFFFFE000  }
0x235: {  	_ =	swait.ge [sflag:s17], $0x2000  }
0x236: {  	[sflag:s17] =	ssyncset.done $0x0  }
0x237: {  	s19 =	simm.s32 $0xE;
	[sflag:s17] =	ssyncadd.s32 $0xFFFFE000  }
0x238: {  	_ =	swait.ge [sflag:s19], $0x2000  }
0x239: {  	[sflag:s19] =	ssyncset.done $0x0  }
0x23a: {  	s20 =	simm.s32 $0xF;
	[sflag:s19] =	ssyncadd.s32 $0xFFFFE000  }
0x23b: {  	_ =	swait.ge [sflag:s20], $0x2000  }
0x23c: {  	[sflag:s20] =	ssyncset.done $0x0  }
0x23d: {  	s22 =	simm.s32 $0x10;
	[sflag:s20] =	ssyncadd.s32 $0xFFFFE000  }
0x23e: {  	_ =	swait.ge [sflag:s22], $0x2000  }
0x23f: {  	[sflag:s22] =	ssyncset.done $0x0  }
0x240: {  	s24 =	simm.s32 $0x11;
	[sflag:s22] =	ssyncadd.s32 $0xFFFFE000  }
0x241: {  	_ =	swait.ge [sflag:s24], $0x2000  }
0x242: {  	[sflag:s24] =	ssyncset.done $0x0  }
0x243: {  	s26 =	simm.s32 $0x12;
	[sflag:s24] =	ssyncadd.s32 $0xFFFFE000  }
0x244: {  	_ =	swait.ge [sflag:s26], $0x2000  }
0x245: {  	[sflag:s26] =	ssyncset.done $0x0  }
0x246: {  	s29 =	simm.s32 $0x13;
	[sflag:s26] =	ssyncadd.s32 $0xFFFFE000  }
0x247: {  	_ =	swait.ge [sflag:s29], $0x2000  }
0x248: {  	[sflag:s29] =	ssyncset.done $0x0  }
0x249: {  	s17 =	simm.s32 $0x14;
	[sflag:s29] =	ssyncadd.s32 $0xFFFFE000  }
0x24a: {  	_ =	swait.ge [sflag:s17], $0x2000  }
0x24b: {  	s19 =	rddreg [dreg:$0x7]  }
0x24c: {  	s31 =	rddreg [dreg:$0x6];
	s19 =	sadd.s32 $0x1, s19  }
0x24d: {  	p0 =	sne.s32 s19, s31  }
.Ltmp11:
0x24e: {  	_ = 	snop;
	(pc) =	sbr.rel @p0 .LBB2_1-.Ltmp11, $3  }
0x24f: {  	_ =	sdelay $0x1  }
0x250: {  	[sflag:s17] =	ssyncset.done $0x0  }
0x251: {  	[sflag:s17] =	ssyncadd.s32 $0xFFFFE000  }
0x252: {  	_ =	sfence.sel $0x180000  }
0x253: {  	[bflag:$0x0] =	sbarrier.arrive $0xFFFF  }
0x254: {  	_ =	strace $0x90000047  }
0x255: {  	s0 =	stileid.u32;
	[bflag:$0x2] =	sbarrier.arrive $0xFFFF  }
0x256: {  	p0 =	sne.s32 s0, $0x0;
	s0 =	rddreg [dreg:$0x3]  }
0x257: {  	s0 =	sadd.s32 @!p0 $0x100000, s0  }
0x258: {  	[sflag:s0] =	ssyncadd.tile.s32 @!p0 $0x1;
	_ =	shalt  }
.Lfunc_end2:
_tile_overlayer_lowered:
.L_overlay_start_2:
0x259: {  	(tag) =	ssettag $0x2  }
0x25a: {  	s0 =	rddreg [dreg:$0x0];
	s2 =	stileid.u32  }
0x25b: {  	s1 =	rddreg [dreg:$0x1];
	p0 =	sne.s32 s2, $0x0  }
0x25c: {  	s3 =	rddreg [dreg:$0x2];
	[bflag:$0x3] =	sbarrier.arrive $0xFFFF;
	s2 =	simm.s32 @!p0 $0x1C15  }
0x25d: {  	[timem:s3], [sflag:s2] =	dma.local @!p0 [hbm:s0], s1  }
0x25e: {  	s0 =	simm.s32 @!p0 $0x15  }
0x25f: {  	_ =	swait.ge @!p0 [sflag:s0], s1  }
0x260: {  	s1 =	ssub.s32 @!p0 $0x0, s1;
	[sflag:s0] =	ssyncset.done @!p0 $0x0  }
0x261: {  	[sflag:s0] =	ssyncadd.s32 @!p0 s1  }
0x262: {  	[bflag:$0x3] =	sbarrier.arrive $0xFFFF  }
0x263: {  	_ =	shalt  }

</sc_bundles>
